<compile_context>
chip_gen: v7x
topology: tpu7x:2x2x1
jax: 0.10.2.dev20260603
libtpu: 0.0.44.dev20260713+nightly
codegen_flags: <defaults>
</compile_context>

<pallas_src>
import functools

import jax
import jax.numpy as jnp
from jax import lax
from jax.experimental import pallas as pl
from jax.experimental.pallas import tpu as pltpu
from jax.experimental.pallas import tpu_sc as plsc

B = 16384
L = 200
D = 64
NUM_POS = L + 1
EXT = 2 * L + 8
POS_PAD = 208

_LANES = 16


def _ext_body(tbl_ref, ext_ref):
    k = lax.broadcasted_iota(jnp.int32, (EXT, 1), 0)
    src = jnp.clip(L - k, 0, NUM_POS - 1)
    cols = lax.broadcasted_iota(jnp.int32, (EXT, POS_PAD), 1)
    onehot = (cols == src).astype(jnp.float32)
    ext_ref[...] = jnp.dot(onehot, tbl_ref[...],
                           preferred_element_type=jnp.float32,
                           precision=lax.Precision.HIGHEST)


def _build_ext(table_padded):
    return pl.pallas_call(
        _ext_body,
        out_shape=jax.ShapeDtypeStruct((EXT, D), jnp.float32),
    )(table_padded)


def _make_sc_kernel():
    info = plsc.get_sparse_core_info()
    nc, ns = info.num_cores, info.num_subcores
    nw = nc * ns
    bpw = B // nw
    ngrp = bpw // _LANES

    mesh = plsc.VectorSubcoreMesh(core_axis_name="c", subcore_axis_name="s")

    @functools.partial(
        pl.kernel,
        mesh=mesh,
        out_type=jax.ShapeDtypeStruct((L, D, B), jnp.float32),
        scratch_types=[
            pltpu.VMEM((EXT * D,), jnp.float32),
            pltpu.VMEM((8, bpw), jnp.int32),
            pltpu.VMEM((8, bpw), jnp.int32),
            pltpu.VMEM((bpw,), jnp.int32),
            pltpu.VMEM((D, bpw), jnp.float32),
            pltpu.VMEM((D, bpw), jnp.float32),
            pltpu.SemaphoreType.DMA,
            pltpu.SemaphoreType.DMA,
        ],
        compiler_params=pltpu.CompilerParams(use_tc_tiling_on_sc=True,
                                             needs_layout_passes=False),
    )
    def sc_kernel(ids_hbm, ext_hbm, out_hbm, ext_v, ids0, ids1, off_v,
                  stage0, stage1, sem, isem):
        wid = lax.axis_index("s") * nc + lax.axis_index("c")
        b0 = wid * bpw

        pltpu.sync_copy(ext_hbm, ext_v)

        zv = jnp.zeros((_LANES,), jnp.int32)
        ov = jnp.ones((_LANES,), jnp.int32)

        nlt = L // 8

        def zero_cnt(g):
            off_v[pl.ds(g * _LANES, _LANES)] = zv

        def count_chunk(buf):
            @plsc.parallel_loop(0, ngrp, 1, unroll=4)
            def g_body(g):
                gb = g * _LANES
                cnt = off_v[pl.ds(gb, _LANES)]
                for li in range(8):
                    x = buf[li, pl.ds(gb, _LANES)]
                    cnt = cnt + jnp.where(x != zv, ov, zv)
                off_v[pl.ds(gb, _LANES)] = cnt

        def ids_start(lt, buf):
            return pltpu.async_copy(
                ids_hbm.at[pl.ds(lt * 8, 8), pl.ds(b0, bpw)], buf, isem)

        def ids_drain(buf):
            pltpu.make_async_copy(
                ids_hbm.at[pl.ds(0, 8), pl.ds(0, bpw)], buf, isem).wait()

        @plsc.parallel_loop(0, ngrp, 1, unroll=4)
        def _(g):
            zero_cnt(g)

        ids_start(0, ids0)

        def p1_body(i, carry):
            ids_drain(ids0)
            ids_start(2 * i + 1, ids1)
            count_chunk(ids0)
            ids_drain(ids1)
            ids_start(2 * i + 2, ids0)
            count_chunk(ids1)
            return carry

        lax.fori_loop(0, (nlt - 1) // 2, p1_body, 0, unroll=False)
        ids_drain(ids0)
        count_chunk(ids0)

        lconst = L * ov
        dconst = D * ov

        @plsc.parallel_loop(0, ngrp, 1, unroll=4)
        def _(g):
            gb = g * _LANES
            off_v[pl.ds(gb, _LANES)] = (
                (lconst - off_v[pl.ds(gb, _LANES)]) * dconst)

        stages = (stage0, stage1)

        def build_and_send(stage, lvec):
            @plsc.parallel_loop(0, ngrp, 1, unroll=4)
            def g_body(g):
                gb = g * _LANES
                base = off_v[pl.ds(gb, _LANES)] + lvec
                for d in range(D):
                    vals = plsc.load_gather(ext_v, [base + d])
                    stage[d, pl.ds(gb, _LANES)] = vals

        def drain_one():
            pltpu.make_async_copy(
                out_hbm.at[0, :, pl.ds(0, bpw)], stage0, sem).wait()

        def l_body(i, lvec):
            for parity, stage in enumerate(stages):
                ll = 2 * i + parity

                @pl.when(i > 0)
                def _():
                    drain_one()

                build_and_send(stage, lvec)
                pltpu.async_copy(
                    stage, out_hbm.at[ll, :, pl.ds(b0, bpw)], sem)
                lvec = lvec + D
            return lvec

        lax.fori_loop(0, L // 2, l_body, jnp.zeros((_LANES,), jnp.int32),
                      unroll=False)
        drain_one()
        drain_one()

    return sc_kernel


_sc_kernel = None


def kernel(item_id_in_session, item_pos_emb):
    global _sc_kernel
    if _sc_kernel is None:
        _sc_kernel = _make_sc_kernel()
    table_padded = jnp.zeros((POS_PAD, D), jnp.float32).at[:NUM_POS].set(
        item_pos_emb)
    ext = _build_ext(table_padded).reshape(-1)
    ids_t = item_id_in_session.T
    out_ldb = _sc_kernel(ids_t, ext)
    return out_ldb.transpose(2, 0, 1)

# --- scband reference (transcript-rebuilt; emitter-appended) ---
"""Pipeline reference for scband-iuignn-36077725286629 (READ-ONLY COPY).

The authoritative reference and input builder live on the scoring server;
editing this copy changes nothing except your own understanding.
"""

import jax, jax.numpy as jnp
import numpy as np

B = 16384
L = 200
D = 64
NUM_POS = L + 1  # 201


def setup_inputs(seed: int = 0) -> dict:
    key = jax.random.key(seed)
    k1, k2 = jax.random.split(key)
    # item ids: 1..999 (nonzero => full sessions; zeros act as padding in the
    # original, which assumes trailing padding, so we use fully-valid sessions)
    item_id_in_session = jax.random.randint(k1, (B, L), 1, 1000, dtype=jnp.int32)
    # positional embedding table (plays the role of nn.Embedding item_pos_emb)
    item_pos_emb = jax.random.normal(k2, (NUM_POS, D), dtype=jnp.float32)
    return {"item_id_in_session": item_id_in_session, "item_pos_emb": item_pos_emb}


def reference(item_id_in_session, item_pos_emb):
    # session_masker = item_id_in_session.bool()
    mask = (item_id_in_session != 0).astype(jnp.int32)
    # get_reversed_item_pos_emb
    length = mask.sum(axis=1, keepdims=True)  # [B, 1]
    coo = jnp.arange(mask.shape[1], dtype=jnp.int32)[None, :]  # [1, L]
    coo = jnp.broadcast_to(coo, mask.shape) * mask  # [B, L]
    pos_index = (length - coo) * mask  # [B, L], values in [0, L]
    # embedding lookup: item_pos_emb(pos_index)
    out = jnp.take(item_pos_emb, pos_index, axis=0)  # [B, L, D]
    return out

if __name__ == "__main__":
    import jax
    _d = setup_inputs()
    print(jax.jit(kernel)(*tuple(_d.values())))

</pallas_src>

<mosaic_0001>
#map = affine_map<(d0, d1) -> (0, 0)>
#map1 = affine_map<(d0, d1) -> (0)>
#map2 = affine_map<(d0, d1) -> (0, 0, 0)>
module attributes {stable_mosaic.version = 14 : i64} {
  func.func @sc_kernel(%arg0: i32, %arg1: i32, %arg2: memref<200x16384xi32, #tpu.memory_space<hbm>>, %arg3: memref<26112xf32, #tpu.memory_space<hbm>>, %arg4: memref<200x64x16384xf32, #tpu.memory_space<hbm>>, %arg5: memref<26112xf32, #tpu.memory_space<vmem>>, %arg6: memref<8x512xi32, #tpu.memory_space<vmem>>, %arg7: memref<8x512xi32, #tpu.memory_space<vmem>>, %arg8: memref<512xi32, #tpu.memory_space<vmem>>, %arg9: memref<64x512xf32, #tpu.memory_space<vmem>>, %arg10: memref<64x512xf32, #tpu.memory_space<vmem>>, %arg11: memref<!tpu.dma_semaphore, #tpu.memory_space<semaphore_mem>>, %arg12: memref<!tpu.dma_semaphore, #tpu.memory_space<semaphore_mem>>) attributes {dimension_semantics = [#tpu.dimension_semantics<core_parallel>, #tpu.dimension_semantics<subcore_parallel>], iteration_bounds = array<i64: 2, 16>, scalar_prefetch = 0 : i64, scratch_operands = 8 : i64, tpu.core_type = #tpu.core_type<sc_vector_subcore>, window_params = [{transform_indices = #map}, {transform_indices = #map1}, {transform_indices = #map2}]} {
    %mul3A = arith.constant 2 : i32
    %mul3A_0 = arith.muli %arg1, %mul3A : i32
    %add3A = arith.addi %mul3A_0, %arg0 : i32
    %mul3A_1 = arith.constant 512 : i32
    %mul3A_2 = arith.muli %add3A, %mul3A_1 : i32
    "tpu.region"() ({
      %run_scoped3A = tpu.sem_alloc : memref<!tpu.dma_semaphore, #tpu.memory_space<semaphore_mem>>
      tpu.enqueue_dma source(%arg3 : memref<26112xf32, #tpu.memory_space<hbm>>) target(%arg5 : memref<26112xf32, #tpu.memory_space<vmem>>) target_semaphore(%run_scoped3A : memref<!tpu.dma_semaphore, #tpu.memory_space<semaphore_mem>>)
      tpu.wait_dma2 semaphore(%run_scoped3A : memref<!tpu.dma_semaphore, #tpu.memory_space<semaphore_mem>>) src(%arg3 : memref<26112xf32, #tpu.memory_space<hbm>>) dst(%arg5 : memref<26112xf32, #tpu.memory_space<vmem>>)
      tpu.yield
    }) : () -> ()
    %broadcast_in_dim3A = arith.constant 0 : i32
    %broadcast_in_dim3A_3 = vector.broadcast %broadcast_in_dim3A : i32 to vector<16xi32>
    %broadcast_in_dim3A_4 = arith.constant 1 : i32
    %broadcast_in_dim3A_5 = vector.broadcast %broadcast_in_dim3A_4 : i32 to vector<16xi32>
    %parallel_loop3A = arith.constant 0 : i32
    %parallel_loop3A_6 = arith.constant 32 : i32
    %parallel_loop3A_7 = arith.constant 1 : i32
    scf.for %parallel_loop3A_59 = %parallel_loop3A to %parallel_loop3A_6 step %parallel_loop3A_7  : i32 {
      %parallel_loop3A_60 = arith.constant 16 : i32
      %parallel_loop3A_61 = arith.muli %parallel_loop3A_59, %parallel_loop3A_60 : i32
      %parallel_loop3A_62 = arith.index_cast %parallel_loop3A_61 : i32 to index
      %parallel_loop3A_63 = tpu.vector_load %arg8[%parallel_loop3A_62] {strides = array<i32>} : memref<512xi32, #tpu.memory_space<vmem>>, vector<16xi32>,
      tpu.vector_store %arg8[%parallel_loop3A_62], %broadcast_in_dim3A_3 {strides = array<i32>} : memref<512xi32, #tpu.memory_space<vmem>>, vector<16xi32>,
    } {sc.loop_unroll_factor = 4 : i64, sc.parallel_access}
    %dma_start3A = arith.constant 0 : i32
    %dma_start3A_8 = tpu.memref_slice %arg2[%dma_start3A, %mul3A_2] : memref<200x16384xi32, #tpu.memory_space<hbm>> -> memref<8x512xi32, #tpu.memory_space<hbm>>
    %dma_start3A_9 = arith.constant 0 : i32
    %dma_start3A_10 = tpu.memref_slice %arg2[%dma_start3A_9, %mul3A_2] : memref<200x16384xi32, #tpu.memory_space<hbm>> -> memref<8x512xi32, #tpu.memory_space<hbm>>
    tpu.enqueue_dma source(%dma_start3A_10 : memref<8x512xi32, #tpu.memory_space<hbm>>) target(%arg6 : memref<8x512xi32, #tpu.memory_space<vmem>>) target_semaphore(%arg12 : memref<!tpu.dma_semaphore, #tpu.memory_space<semaphore_mem>>)
    %scan3A = arith.constant 0 : i32
    %scan3A_11 = arith.constant 0 : i32
    %scan3A_12 = arith.constant 12 : i32
    %scan3A_13 = arith.addi %scan3A_11, %scan3A_12 : i32
    %scan3A_14 = arith.constant 1 : i32
    scf.for %scan3A_59 = %scan3A_11 to %scan3A_13 step %scan3A_14  : i32 {
      %dma_wait3A_60 = arith.constant 0 : i32
      %dma_wait3A_61 = arith.constant 0 : i32
      %dma_wait3A_62 = tpu.memref_slice %arg2[%dma_wait3A_60, %dma_wait3A_61] : memref<200x16384xi32, #tpu.memory_space<hbm>> -> memref<8x512xi32, #tpu.memory_space<hbm>>
      %dma_wait3A_63 = arith.constant 0 : i32
      %dma_wait3A_64 = arith.constant 0 : i32
      %dma_wait3A_65 = tpu.memref_slice %arg2[%dma_wait3A_63, %dma_wait3A_64] : memref<200x16384xi32, #tpu.memory_space<hbm>> -> memref<8x512xi32, #tpu.memory_space<hbm>>
      tpu.wait_dma2 semaphore(%arg12 : memref<!tpu.dma_semaphore, #tpu.memory_space<semaphore_mem>>) src(%dma_wait3A_65 : memref<8x512xi32, #tpu.memory_space<hbm>>) dst(%arg6 : memref<8x512xi32, #tpu.memory_space<vmem>>)
      %mul3A_66 = arith.constant 2 : i32
      %mul3A_67 = arith.muli %mul3A_66, %scan3A_59 : i32
      %add3A_68 = arith.constant 1 : i32
      %add3A_69 = arith.addi %mul3A_67, %add3A_68 : i32
      %mul3A_70 = arith.constant 8 : i32
      %mul3A_71 = arith.muli %add3A_69, %mul3A_70 : i32
      %dma_start3A_72 = tpu.memref_slice %arg2[%mul3A_71, %mul3A_2] : memref<200x16384xi32, #tpu.memory_space<hbm>> -> memref<8x512xi32, #tpu.memory_space<hbm>>
      %dma_start3A_73 = tpu.memref_slice %arg2[%mul3A_71, %mul3A_2] : memref<200x16384xi32, #tpu.memory_space<hbm>> -> memref<8x512xi32, #tpu.memory_space<hbm>>
      tpu.enqueue_dma source(%dma_start3A_73 : memref<8x512xi32, #tpu.memory_space<hbm>>) target(%arg7 : memref<8x512xi32, #tpu.memory_space<vmem>>) target_semaphore(%arg12 : memref<!tpu.dma_semaphore, #tpu.memory_space<semaphore_mem>>)
      %parallel_loop3A_74 = arith.constant 0 : i32
      %parallel_loop3A_75 = arith.constant 32 : i32
      %parallel_loop3A_76 = arith.constant 1 : i32
      scf.for %parallel_loop3A_94 = %parallel_loop3A_74 to %parallel_loop3A_75 step %parallel_loop3A_76  : i32 {
        %parallel_loop3A_95 = arith.constant 16 : i32
        %parallel_loop3A_96 = arith.muli %parallel_loop3A_94, %parallel_loop3A_95 : i32
        %parallel_loop3A_97 = arith.index_cast %parallel_loop3A_96 : i32 to index
        %parallel_loop3A_98 = tpu.vector_load %arg8[%parallel_loop3A_97] {strides = array<i32>} : memref<512xi32, #tpu.memory_space<vmem>>, vector<16xi32>,
        %parallel_loop3A_99 = arith.constant 0 : i32
        %parallel_loop3A_100 = arith.index_cast %parallel_loop3A_99 : i32 to index
        %parallel_loop3A_101 = arith.index_cast %parallel_loop3A_96 : i32 to index
        %parallel_loop3A_102 = tpu.vector_load %arg6[%parallel_loop3A_100, %parallel_loop3A_101] {strides = array<i32>} : memref<8x512xi32, #tpu.memory_space<vmem>>, vector<16xi32>,
        %parallel_loop3A_103 = arith.cmpi ne, %parallel_loop3A_102, %broadcast_in_dim3A_3 : vector<16xi32>
        %parallel_loop3A_104 = arith.select %parallel_loop3A_103, %broadcast_in_dim3A_5, %broadcast_in_dim3A_3 : vector<16xi1>, vector<16xi32>
        %parallel_loop3A_105 = arith.addi %parallel_loop3A_98, %parallel_loop3A_104 : vector<16xi32>
        %parallel_loop3A_106 = arith.constant 1 : i32
        %parallel_loop3A_107 = arith.index_cast %parallel_loop3A_106 : i32 to index
        %parallel_loop3A_108 = arith.index_cast %parallel_loop3A_96 : i32 to index
        %parallel_loop3A_109 = tpu.vector_load %arg6[%parallel_loop3A_107, %parallel_loop3A_108] {strides = array<i32>} : memref<8x512xi32, #tpu.memory_space<vmem>>, vector<16xi32>,
        %parallel_loop3A_110 = arith.cmpi ne, %parallel_loop3A_109, %broadcast_in_dim3A_3 : vector<16xi32>
        %parallel_loop3A_111 = arith.select %parallel_loop3A_110, %broadcast_in_dim3A_5, %broadcast_in_dim3A_3 : vector<16xi1>, vector<16xi32>
        %parallel_loop3A_112 = arith.addi %parallel_loop3A_105, %parallel_loop3A_111 : vector<16xi32>
        %parallel_loop3A_113 = arith.constant 2 : i32
        %parallel_loop3A_114 = arith.index_cast %parallel_loop3A_113 : i32 to index
        %parallel_loop3A_115 = arith.index_cast %parallel_loop3A_96 : i32 to index
        %parallel_loop3A_116 = tpu.vector_load %arg6[%parallel_loop3A_114, %parallel_loop3A_115] {strides = array<i32>} : memref<8x512xi32, #tpu.memory_space<vmem>>, vector<16xi32>,
        %parallel_loop3A_117 = arith.cmpi ne, %parallel_loop3A_116, %broadcast_in_dim3A_3 : vector<16xi32>
        %parallel_loop3A_118 = arith.select %parallel_loop3A_117, %broadcast_in_dim3A_5, %broadcast_in_dim3A_3 : vector<16xi1>, vector<16xi32>
        %parallel_loop3A_119 = arith.addi %parallel_loop3A_112, %parallel_loop3A_118 : vector<16xi32>
        %parallel_loop3A_120 = arith.constant 3 : i32
        %parallel_loop3A_121 = arith.index_cast %parallel_loop3A_120 : i32 to index
        %parallel_loop3A_122 = arith.index_cast %parallel_loop3A_96 : i32 to index
        %parallel_loop3A_123 = tpu.vector_load %arg6[%parallel_loop3A_121, %parallel_loop3A_122] {strides = array<i32>} : memref<8x512xi32, #tpu.memory_space<vmem>>, vector<16xi32>,
        %parallel_loop3A_124 = arith.cmpi ne, %parallel_loop3A_123, %broadcast_in_dim3A_3 : vector<16xi32>
        %parallel_loop3A_125 = arith.select %parallel_loop3A_124, %broadcast_in_dim3A_5, %broadcast_in_dim3A_3 : vector<16xi1>, vector<16xi32>
        %parallel_loop3A_126 = arith.addi %parallel_loop3A_119, %parallel_loop3A_125 : vector<16xi32>
        %parallel_loop3A_127 = arith.constant 4 : i32
        %parallel_loop3A_128 = arith.index_cast %parallel_loop3A_127 : i32 to index
        %parallel_loop3A_129 = arith.index_cast %parallel_loop3A_96 : i32 to index
        %parallel_loop3A_130 = tpu.vector_load %arg6[%parallel_loop3A_128, %parallel_loop3A_129] {strides = array<i32>} : memref<8x512xi32, #tpu.memory_space<vmem>>, vector<16xi32>,
        %parallel_loop3A_131 = arith.cmpi ne, %parallel_loop3A_130, %broadcast_in_dim3A_3 : vector<16xi32>
        %parallel_loop3A_132 = arith.select %parallel_loop3A_131, %broadcast_in_dim3A_5, %broadcast_in_dim3A_3 : vector<16xi1>, vector<16xi32>
        %parallel_loop3A_133 = arith.addi %parallel_loop3A_126, %parallel_loop3A_132 : vector<16xi32>
        %parallel_loop3A_134 = arith.constant 5 : i32
        %parallel_loop3A_135 = arith.index_cast %parallel_loop3A_134 : i32 to index
        %parallel_loop3A_136 = arith.index_cast %parallel_loop3A_96 : i32 to index
        %parallel_loop3A_137 = tpu.vector_load %arg6[%parallel_loop3A_135, %parallel_loop3A_136] {strides = array<i32>} : memref<8x512xi32, #tpu.memory_space<vmem>>, vector<16xi32>,
        %parallel_loop3A_138 = arith.cmpi ne, %parallel_loop3A_137, %broadcast_in_dim3A_3 : vector<16xi32>
        %parallel_loop3A_139 = arith.select %parallel_loop3A_138, %broadcast_in_dim3A_5, %broadcast_in_dim3A_3 : vector<16xi1>, vector<16xi32>
        %parallel_loop3A_140 = arith.addi %parallel_loop3A_133, %parallel_loop3A_139 : vector<16xi32>
        %parallel_loop3A_141 = arith.constant 6 : i32
        %parallel_loop3A_142 = arith.index_cast %parallel_loop3A_141 : i32 to index
        %parallel_loop3A_143 = arith.index_cast %parallel_loop3A_96 : i32 to index
        %parallel_loop3A_144 = tpu.vector_load %arg6[%parallel_loop3A_142, %parallel_loop3A_143] {strides = array<i32>} : memref<8x512xi32, #tpu.memory_space<vmem>>, vector<16xi32>,
        %parallel_loop3A_145 = arith.cmpi ne, %parallel_loop3A_144, %broadcast_in_dim3A_3 : vector<16xi32>
        %parallel_loop3A_146 = arith.select %parallel_loop3A_145, %broadcast_in_dim3A_5, %broadcast_in_dim3A_3 : vector<16xi1>, vector<16xi32>
        %parallel_loop3A_147 = arith.addi %parallel_loop3A_140, %parallel_loop3A_146 : vector<16xi32>
        %parallel_loop3A_148 = arith.constant 7 : i32
        %parallel_loop3A_149 = arith.index_cast %parallel_loop3A_148 : i32 to index
        %parallel_loop3A_150 = arith.index_cast %parallel_loop3A_96 : i32 to index
        %parallel_loop3A_151 = tpu.vector_load %arg6[%parallel_loop3A_149, %parallel_loop3A_150] {strides = array<i32>} : memref<8x512xi32, #tpu.memory_space<vmem>>, vector<16xi32>,
        %parallel_loop3A_152 = arith.cmpi ne, %parallel_loop3A_151, %broadcast_in_dim3A_3 : vector<16xi32>
        %parallel_loop3A_153 = arith.select %parallel_loop3A_152, %broadcast_in_dim3A_5, %broadcast_in_dim3A_3 : vector<16xi1>, vector<16xi32>
        %parallel_loop3A_154 = arith.addi %parallel_loop3A_147, %parallel_loop3A_153 : vector<16xi32>
        %parallel_loop3A_155 = arith.index_cast %parallel_loop3A_96 : i32 to index
        %parallel_loop3A_156 = tpu.vector_load %arg8[%parallel_loop3A_155] {strides = array<i32>} : memref<512xi32, #tpu.memory_space<vmem>>, vector<16xi32>,
        tpu.vector_store %arg8[%parallel_loop3A_155], %parallel_loop3A_154 {strides = array<i32>} : memref<512xi32, #tpu.memory_space<vmem>>, vector<16xi32>,
      } {sc.loop_unroll_factor = 4 : i64, sc.parallel_access}
      %dma_wait3A_77 = arith.constant 0 : i32
      %dma_wait3A_78 = arith.constant 0 : i32
      %dma_wait3A_79 = tpu.memref_slice %arg2[%dma_wait3A_77, %dma_wait3A_78] : memref<200x16384xi32, #tpu.memory_space<hbm>> -> memref<8x512xi32, #tpu.memory_space<hbm>>
      %dma_wait3A_80 = arith.constant 0 : i32
      %dma_wait3A_81 = arith.constant 0 : i32
      %dma_wait3A_82 = tpu.memref_slice %arg2[%dma_wait3A_80, %dma_wait3A_81] : memref<200x16384xi32, #tpu.memory_space<hbm>> -> memref<8x512xi32, #tpu.memory_space<hbm>>
      tpu.wait_dma2 semaphore(%arg12 : memref<!tpu.dma_semaphore, #tpu.memory_space<semaphore_mem>>) src(%dma_wait3A_82 : memref<8x512xi32, #tpu.memory_space<hbm>>) dst(%arg7 : memref<8x512xi32, #tpu.memory_space<vmem>>)
      %mul3A_83 = arith.constant 2 : i32
      %mul3A_84 = arith.muli %mul3A_83, %scan3A_59 : i32
      %add3A_85 = arith.constant 2 : i32
      %add3A_86 = arith.addi %mul3A_84, %add3A_85 : i32
      %mul3A_87 = arith.constant 8 : i32
      %mul3A_88 = arith.muli %add3A_86, %mul3A_87 : i32
      %dma_start3A_89 = tpu.memref_slice %arg2[%mul3A_88, %mul3A_2] : memref<200x16384xi32, #tpu.memory_space<hbm>> -> memref<8x512xi32, #tpu.memory_space<hbm>>
      %dma_start3A_90 = tpu.memref_slice %arg2[%mul3A_88, %mul3A_2] : memref<200x16384xi32, #tpu.memory_space<hbm>> -> memref<8x512xi32, #tpu.memory_space<hbm>>
      tpu.enqueue_dma source(%dma_start3A_90 : memref<8x512xi32, #tpu.memory_space<hbm>>) target(%arg6 : memref<8x512xi32, #tpu.memory_space<vmem>>) target_semaphore(%arg12 : memref<!tpu.dma_semaphore, #tpu.memory_space<semaphore_mem>>)
      %parallel_loop3A_91 = arith.constant 0 : i32
      %parallel_loop3A_92 = arith.constant 32 : i32
      %parallel_loop3A_93 = arith.constant 1 : i32
      scf.for %parallel_loop3A_94 = %parallel_loop3A_91 to %parallel_loop3A_92 step %parallel_loop3A_93  : i32 {
        %parallel_loop3A_95 = arith.constant 16 : i32
        %parallel_loop3A_96 = arith.muli %parallel_loop3A_94, %parallel_loop3A_95 : i32
        %parallel_loop3A_97 = arith.index_cast %parallel_loop3A_96 : i32 to index
        %parallel_loop3A_98 = tpu.vector_load %arg8[%parallel_loop3A_97] {strides = array<i32>} : memref<512xi32, #tpu.memory_space<vmem>>, vector<16xi32>,
        %parallel_loop3A_99 = arith.constant 0 : i32
        %parallel_loop3A_100 = arith.index_cast %parallel_loop3A_99 : i32 to index
        %parallel_loop3A_101 = arith.index_cast %parallel_loop3A_96 : i32 to index
        %parallel_loop3A_102 = tpu.vector_load %arg7[%parallel_loop3A_100, %parallel_loop3A_101] {strides = array<i32>} : memref<8x512xi32, #tpu.memory_space<vmem>>, vector<16xi32>,
        %parallel_loop3A_103 = arith.cmpi ne, %parallel_loop3A_102, %broadcast_in_dim3A_3 : vector<16xi32>
        %parallel_loop3A_104 = arith.select %parallel_loop3A_103, %broadcast_in_dim3A_5, %broadcast_in_dim3A_3 : vector<16xi1>, vector<16xi32>
        %parallel_loop3A_105 = arith.addi %parallel_loop3A_98, %parallel_loop3A_104 : vector<16xi32>
        %parallel_loop3A_106 = arith.constant 1 : i32
        %parallel_loop3A_107 = arith.index_cast %parallel_loop3A_106 : i32 to index
        %parallel_loop3A_108 = arith.index_cast %parallel_loop3A_96 : i32 to index
        %parallel_loop3A_109 = tpu.vector_load %arg7[%parallel_loop3A_107, %parallel_loop3A_108] {strides = array<i32>} : memref<8x512xi32, #tpu.memory_space<vmem>>, vector<16xi32>,
        %parallel_loop3A_110 = arith.cmpi ne, %parallel_loop3A_109, %broadcast_in_dim3A_3 : vector<16xi32>
        %parallel_loop3A_111 = arith.select %parallel_loop3A_110, %broadcast_in_dim3A_5, %broadcast_in_dim3A_3 : vector<16xi1>, vector<16xi32>
        %parallel_loop3A_112 = arith.addi %parallel_loop3A_105, %parallel_loop3A_111 : vector<16xi32>
        %parallel_loop3A_113 = arith.constant 2 : i32
        %parallel_loop3A_114 = arith.index_cast %parallel_loop3A_113 : i32 to index
        %parallel_loop3A_115 = arith.index_cast %parallel_loop3A_96 : i32 to index
        %parallel_loop3A_116 = tpu.vector_load %arg7[%parallel_loop3A_114, %parallel_loop3A_115] {strides = array<i32>} : memref<8x512xi32, #tpu.memory_space<vmem>>, vector<16xi32>,
        %parallel_loop3A_117 = arith.cmpi ne, %parallel_loop3A_116, %broadcast_in_dim3A_3 : vector<16xi32>
        %parallel_loop3A_118 = arith.select %parallel_loop3A_117, %broadcast_in_dim3A_5, %broadcast_in_dim3A_3 : vector<16xi1>, vector<16xi32>
        %parallel_loop3A_119 = arith.addi %parallel_loop3A_112, %parallel_loop3A_118 : vector<16xi32>
        %parallel_loop3A_120 = arith.constant 3 : i32
        %parallel_loop3A_121 = arith.index_cast %parallel_loop3A_120 : i32 to index
        %parallel_loop3A_122 = arith.index_cast %parallel_loop3A_96 : i32 to index
        %parallel_loop3A_123 = tpu.vector_load %arg7[%parallel_loop3A_121, %parallel_loop3A_122] {strides = array<i32>} : memref<8x512xi32, #tpu.memory_space<vmem>>, vector<16xi32>,
        %parallel_loop3A_124 = arith.cmpi ne, %parallel_loop3A_123, %broadcast_in_dim3A_3 : vector<16xi32>
        %parallel_loop3A_125 = arith.select %parallel_loop3A_124, %broadcast_in_dim3A_5, %broadcast_in_dim3A_3 : vector<16xi1>, vector<16xi32>
        %parallel_loop3A_126 = arith.addi %parallel_loop3A_119, %parallel_loop3A_125 : vector<16xi32>
        %parallel_loop3A_127 = arith.constant 4 : i32
        %parallel_loop3A_128 = arith.index_cast %parallel_loop3A_127 : i32 to index
        %parallel_loop3A_129 = arith.index_cast %parallel_loop3A_96 : i32 to index
        %parallel_loop3A_130 = tpu.vector_load %arg7[%parallel_loop3A_128, %parallel_loop3A_129] {strides = array<i32>} : memref<8x512xi32, #tpu.memory_space<vmem>>, vector<16xi32>,
        %parallel_loop3A_131 = arith.cmpi ne, %parallel_loop3A_130, %broadcast_in_dim3A_3 : vector<16xi32>
        %parallel_loop3A_132 = arith.select %parallel_loop3A_131, %broadcast_in_dim3A_5, %broadcast_in_dim3A_3 : vector<16xi1>, vector<16xi32>
        %parallel_loop3A_133 = arith.addi %parallel_loop3A_126, %parallel_loop3A_132 : vector<16xi32>
        %parallel_loop3A_134 = arith.constant 5 : i32
        %parallel_loop3A_135 = arith.index_cast %parallel_loop3A_134 : i32 to index
        %parallel_loop3A_136 = arith.index_cast %parallel_loop3A_96 : i32 to index
        %parallel_loop3A_137 = tpu.vector_load %arg7[%parallel_loop3A_135, %parallel_loop3A_136] {strides = array<i32>} : memref<8x512xi32, #tpu.memory_space<vmem>>, vector<16xi32>,
        %parallel_loop3A_138 = arith.cmpi ne, %parallel_loop3A_137, %broadcast_in_dim3A_3 : vector<16xi32>
        %parallel_loop3A_139 = arith.select %parallel_loop3A_138, %broadcast_in_dim3A_5, %broadcast_in_dim3A_3 : vector<16xi1>, vector<16xi32>
        %parallel_loop3A_140 = arith.addi %parallel_loop3A_133, %parallel_loop3A_139 : vector<16xi32>
        %parallel_loop3A_141 = arith.constant 6 : i32
        %parallel_loop3A_142 = arith.index_cast %parallel_loop3A_141 : i32 to index
        %parallel_loop3A_143 = arith.index_cast %parallel_loop3A_96 : i32 to index
        %parallel_loop3A_144 = tpu.vector_load %arg7[%parallel_loop3A_142, %parallel_loop3A_143] {strides = array<i32>} : memref<8x512xi32, #tpu.memory_space<vmem>>, vector<16xi32>,
        %parallel_loop3A_145 = arith.cmpi ne, %parallel_loop3A_144, %broadcast_in_dim3A_3 : vector<16xi32>
        %parallel_loop3A_146 = arith.select %parallel_loop3A_145, %broadcast_in_dim3A_5, %broadcast_in_dim3A_3 : vector<16xi1>, vector<16xi32>
        %parallel_loop3A_147 = arith.addi %parallel_loop3A_140, %parallel_loop3A_146 : vector<16xi32>
        %parallel_loop3A_148 = arith.constant 7 : i32
        %parallel_loop3A_149 = arith.index_cast %parallel_loop3A_148 : i32 to index
        %parallel_loop3A_150 = arith.index_cast %parallel_loop3A_96 : i32 to index
        %parallel_loop3A_151 = tpu.vector_load %arg7[%parallel_loop3A_149, %parallel_loop3A_150] {strides = array<i32>} : memref<8x512xi32, #tpu.memory_space<vmem>>, vector<16xi32>,
        %parallel_loop3A_152 = arith.cmpi ne, %parallel_loop3A_151, %broadcast_in_dim3A_3 : vector<16xi32>
        %parallel_loop3A_153 = arith.select %parallel_loop3A_152, %broadcast_in_dim3A_5, %broadcast_in_dim3A_3 : vector<16xi1>, vector<16xi32>
        %parallel_loop3A_154 = arith.addi %parallel_loop3A_147, %parallel_loop3A_153 : vector<16xi32>
        %parallel_loop3A_155 = arith.index_cast %parallel_loop3A_96 : i32 to index
        %parallel_loop3A_156 = tpu.vector_load %arg8[%parallel_loop3A_155] {strides = array<i32>} : memref<512xi32, #tpu.memory_space<vmem>>, vector<16xi32>,
        tpu.vector_store %arg8[%parallel_loop3A_155], %parallel_loop3A_154 {strides = array<i32>} : memref<512xi32, #tpu.memory_space<vmem>>, vector<16xi32>,
      } {sc.loop_unroll_factor = 4 : i64, sc.parallel_access}
    }
    %scan3A_15 = arith.constant 12 : i32
    %dma_wait3A = arith.constant 0 : i32
    %dma_wait3A_16 = arith.constant 0 : i32
    %dma_wait3A_17 = tpu.memref_slice %arg2[%dma_wait3A, %dma_wait3A_16] : memref<200x16384xi32, #tpu.memory_space<hbm>> -> memref<8x512xi32, #tpu.memory_space<hbm>>
    %dma_wait3A_18 = arith.constant 0 : i32
    %dma_wait3A_19 = arith.constant 0 : i32
    %dma_wait3A_20 = tpu.memref_slice %arg2[%dma_wait3A_18, %dma_wait3A_19] : memref<200x16384xi32, #tpu.memory_space<hbm>> -> memref<8x512xi32, #tpu.memory_space<hbm>>
    tpu.wait_dma2 semaphore(%arg12 : memref<!tpu.dma_semaphore, #tpu.memory_space<semaphore_mem>>) src(%dma_wait3A_20 : memref<8x512xi32, #tpu.memory_space<hbm>>) dst(%arg6 : memref<8x512xi32, #tpu.memory_space<vmem>>)
    %parallel_loop3A_21 = arith.constant 0 : i32
    %parallel_loop3A_22 = arith.constant 32 : i32
    %parallel_loop3A_23 = arith.constant 1 : i32
    scf.for %parallel_loop3A_59 = %parallel_loop3A_21 to %parallel_loop3A_22 step %parallel_loop3A_23  : i32 {
      %parallel_loop3A_60 = arith.constant 16 : i32
      %parallel_loop3A_61 = arith.muli %parallel_loop3A_59, %parallel_loop3A_60 : i32
      %parallel_loop3A_62 = arith.index_cast %parallel_loop3A_61 : i32 to index
      %parallel_loop3A_63 = tpu.vector_load %arg8[%parallel_loop3A_62] {strides = array<i32>} : memref<512xi32, #tpu.memory_space<vmem>>, vector<16xi32>,
      %parallel_loop3A_64 = arith.constant 0 : i32
      %parallel_loop3A_65 = arith.index_cast %parallel_loop3A_64 : i32 to index
      %parallel_loop3A_66 = arith.index_cast %parallel_loop3A_61 : i32 to index
      %parallel_loop3A_67 = tpu.vector_load %arg6[%parallel_loop3A_65, %parallel_loop3A_66] {strides = array<i32>} : memref<8x512xi32, #tpu.memory_space<vmem>>, vector<16xi32>,
      %parallel_loop3A_68 = arith.cmpi ne, %parallel_loop3A_67, %broadcast_in_dim3A_3 : vector<16xi32>
      %parallel_loop3A_69 = arith.select %parallel_loop3A_68, %broadcast_in_dim3A_5, %broadcast_in_dim3A_3 : vector<16xi1>, vector<16xi32>
      %parallel_loop3A_70 = arith.addi %parallel_loop3A_63, %parallel_loop3A_69 : vector<16xi32>
      %parallel_loop3A_71 = arith.constant 1 : i32
      %parallel_loop3A_72 = arith.index_cast %parallel_loop3A_71 : i32 to index
      %parallel_loop3A_73 = arith.index_cast %parallel_loop3A_61 : i32 to index
      %parallel_loop3A_74 = tpu.vector_load %arg6[%parallel_loop3A_72, %parallel_loop3A_73] {strides = array<i32>} : memref<8x512xi32, #tpu.memory_space<vmem>>, vector<16xi32>,
      %parallel_loop3A_75 = arith.cmpi ne, %parallel_loop3A_74, %broadcast_in_dim3A_3 : vector<16xi32>
      %parallel_loop3A_76 = arith.select %parallel_loop3A_75, %broadcast_in_dim3A_5, %broadcast_in_dim3A_3 : vector<16xi1>, vector<16xi32>
      %parallel_loop3A_77 = arith.addi %parallel_loop3A_70, %parallel_loop3A_76 : vector<16xi32>
      %parallel_loop3A_78 = arith.constant 2 : i32
      %parallel_loop3A_79 = arith.index_cast %parallel_loop3A_78 : i32 to index
      %parallel_loop3A_80 = arith.index_cast %parallel_loop3A_61 : i32 to index
      %parallel_loop3A_81 = tpu.vector_load %arg6[%parallel_loop3A_79, %parallel_loop3A_80] {strides = array<i32>} : memref<8x512xi32, #tpu.memory_space<vmem>>, vector<16xi32>,
      %parallel_loop3A_82 = arith.cmpi ne, %parallel_loop3A_81, %broadcast_in_dim3A_3 : vector<16xi32>
      %parallel_loop3A_83 = arith.select %parallel_loop3A_82, %broadcast_in_dim3A_5, %broadcast_in_dim3A_3 : vector<16xi1>, vector<16xi32>
      %parallel_loop3A_84 = arith.addi %parallel_loop3A_77, %parallel_loop3A_83 : vector<16xi32>
      %parallel_loop3A_85 = arith.constant 3 : i32
      %parallel_loop3A_86 = arith.index_cast %parallel_loop3A_85 : i32 to index
      %parallel_loop3A_87 = arith.index_cast %parallel_loop3A_61 : i32 to index
      %parallel_loop3A_88 = tpu.vector_load %arg6[%parallel_loop3A_86, %parallel_loop3A_87] {strides = array<i32>} : memref<8x512xi32, #tpu.memory_space<vmem>>, vector<16xi32>,
      %parallel_loop3A_89 = arith.cmpi ne, %parallel_loop3A_88, %broadcast_in_dim3A_3 : vector<16xi32>
      %parallel_loop3A_90 = arith.select %parallel_loop3A_89, %broadcast_in_dim3A_5, %broadcast_in_dim3A_3 : vector<16xi1>, vector<16xi32>
      %parallel_loop3A_91 = arith.addi %parallel_loop3A_84, %parallel_loop3A_90 : vector<16xi32>
      %parallel_loop3A_92 = arith.constant 4 : i32
      %parallel_loop3A_93 = arith.index_cast %parallel_loop3A_92 : i32 to index
      %parallel_loop3A_94 = arith.index_cast %parallel_loop3A_61 : i32 to index
      %parallel_loop3A_95 = tpu.vector_load %arg6[%parallel_loop3A_93, %parallel_loop3A_94] {strides = array<i32>} : memref<8x512xi32, #tpu.memory_space<vmem>>, vector<16xi32>,
      %parallel_loop3A_96 = arith.cmpi ne, %parallel_loop3A_95, %broadcast_in_dim3A_3 : vector<16xi32>
      %parallel_loop3A_97 = arith.select %parallel_loop3A_96, %broadcast_in_dim3A_5, %broadcast_in_dim3A_3 : vector<16xi1>, vector<16xi32>
      %parallel_loop3A_98 = arith.addi %parallel_loop3A_91, %parallel_loop3A_97 : vector<16xi32>
      %parallel_loop3A_99 = arith.constant 5 : i32
      %parallel_loop3A_100 = arith.index_cast %parallel_loop3A_99 : i32 to index
      %parallel_loop3A_101 = arith.index_cast %parallel_loop3A_61 : i32 to index
      %parallel_loop3A_102 = tpu.vector_load %arg6[%parallel_loop3A_100, %parallel_loop3A_101] {strides = array<i32>} : memref<8x512xi32, #tpu.memory_space<vmem>>, vector<16xi32>,
      %parallel_loop3A_103 = arith.cmpi ne, %parallel_loop3A_102, %broadcast_in_dim3A_3 : vector<16xi32>
      %parallel_loop3A_104 = arith.select %parallel_loop3A_103, %broadcast_in_dim3A_5, %broadcast_in_dim3A_3 : vector<16xi1>, vector<16xi32>
      %parallel_loop3A_105 = arith.addi %parallel_loop3A_98, %parallel_loop3A_104 : vector<16xi32>
      %parallel_loop3A_106 = arith.constant 6 : i32
      %parallel_loop3A_107 = arith.index_cast %parallel_loop3A_106 : i32 to index
      %parallel_loop3A_108 = arith.index_cast %parallel_loop3A_61 : i32 to index
      %parallel_loop3A_109 = tpu.vector_load %arg6[%parallel_loop3A_107, %parallel_loop3A_108] {strides = array<i32>} : memref<8x512xi32, #tpu.memory_space<vmem>>, vector<16xi32>,
      %parallel_loop3A_110 = arith.cmpi ne, %parallel_loop3A_109, %broadcast_in_dim3A_3 : vector<16xi32>
      %parallel_loop3A_111 = arith.select %parallel_loop3A_110, %broadcast_in_dim3A_5, %broadcast_in_dim3A_3 : vector<16xi1>, vector<16xi32>
      %parallel_loop3A_112 = arith.addi %parallel_loop3A_105, %parallel_loop3A_111 : vector<16xi32>
      %parallel_loop3A_113 = arith.constant 7 : i32
      %parallel_loop3A_114 = arith.index_cast %parallel_loop3A_113 : i32 to index
      %parallel_loop3A_115 = arith.index_cast %parallel_loop3A_61 : i32 to index
      %parallel_loop3A_116 = tpu.vector_load %arg6[%parallel_loop3A_114, %parallel_loop3A_115] {strides = array<i32>} : memref<8x512xi32, #tpu.memory_space<vmem>>, vector<16xi32>,
      %parallel_loop3A_117 = arith.cmpi ne, %parallel_loop3A_116, %broadcast_in_dim3A_3 : vector<16xi32>
      %parallel_loop3A_118 = arith.select %parallel_loop3A_117, %broadcast_in_dim3A_5, %broadcast_in_dim3A_3 : vector<16xi1>, vector<16xi32>
      %parallel_loop3A_119 = arith.addi %parallel_loop3A_112, %parallel_loop3A_118 : vector<16xi32>
      %parallel_loop3A_120 = arith.index_cast %parallel_loop3A_61 : i32 to index
      %parallel_loop3A_121 = tpu.vector_load %arg8[%parallel_loop3A_120] {strides = array<i32>} : memref<512xi32, #tpu.memory_space<vmem>>, vector<16xi32>,
      tpu.vector_store %arg8[%parallel_loop3A_120], %parallel_loop3A_119 {strides = array<i32>} : memref<512xi32, #tpu.memory_space<vmem>>, vector<16xi32>,
    } {sc.loop_unroll_factor = 4 : i64, sc.parallel_access}
    %mul3A_24 = arith.constant 200 : i32
    %mul3A_25 = vector.broadcast %mul3A_24 : i32 to vector<16xi32>
    %mul3A_26 = arith.muli %mul3A_25, %broadcast_in_dim3A_5 : vector<16xi32>
    %mul3A_27 = arith.constant 64 : i32
    %mul3A_28 = vector.broadcast %mul3A_27 : i32 to vector<16xi32>
    %mul3A_29 = arith.muli %mul3A_28, %broadcast_in_dim3A_5 : vector<16xi32>
    %parallel_loop3A_30 = arith.constant 0 : i32
    %parallel_loop3A_31 = arith.constant 32 : i32
    %parallel_loop3A_32 = arith.constant 1 : i32
    scf.for %parallel_loop3A_59 = %parallel_loop3A_30 to %parallel_loop3A_31 step %parallel_loop3A_32  : i32 {
      %parallel_loop3A_60 = arith.constant 16 : i32
      %parallel_loop3A_61 = arith.muli %parallel_loop3A_59, %parallel_loop3A_60 : i32
      %parallel_loop3A_62 = arith.index_cast %parallel_loop3A_61 : i32 to index
      %parallel_loop3A_63 = tpu.vector_load %arg8[%parallel_loop3A_62] {strides = array<i32>} : memref<512xi32, #tpu.memory_space<vmem>>, vector<16xi32>,
      %parallel_loop3A_64 = arith.subi %mul3A_26, %parallel_loop3A_63 : vector<16xi32>
      %parallel_loop3A_65 = arith.muli %parallel_loop3A_64, %mul3A_29 : vector<16xi32>
      %parallel_loop3A_66 = arith.index_cast %parallel_loop3A_61 : i32 to index
      %parallel_loop3A_67 = tpu.vector_load %arg8[%parallel_loop3A_66] {strides = array<i32>} : memref<512xi32, #tpu.memory_space<vmem>>, vector<16xi32>,
      tpu.vector_store %arg8[%parallel_loop3A_66], %parallel_loop3A_65 {strides = array<i32>} : memref<512xi32, #tpu.memory_space<vmem>>, vector<16xi32>,
    } {sc.loop_unroll_factor = 4 : i64, sc.parallel_access}
    %broadcast_in_dim3A_33 = arith.constant 0 : i32
    %broadcast_in_dim3A_34 = vector.broadcast %broadcast_in_dim3A_33 : i32 to vector<16xi32>
    %scan3A_35 = arith.constant 0 : i32
    %scan3A_36 = arith.constant 100 : i32
    %scan3A_37 = arith.addi %scan3A_35, %scan3A_36 : i32
    %scan3A_38 = arith.constant 1 : i32
    %scan3A_39 = scf.for %scan3A_59 = %scan3A_35 to %scan3A_37 step %scan3A_38 iter_args(%scan3A_60 = %broadcast_in_dim3A_34) -> (vector<16xi32>)  : i32 {
      %mul3A_61 = arith.constant 2 : i32
      %mul3A_62 = arith.muli %mul3A_61, %scan3A_59 : i32
      %add3A_63 = arith.constant 0 : i32
      %add3A_64 = arith.addi %mul3A_62, %add3A_63 : i32
      %gt3A = arith.constant 0 : i32
      %gt3A_65 = arith.cmpi sgt, %scan3A_59, %gt3A : i32
      %convert_element_type3A = arith.extui %gt3A_65 : i1 to i32
      %cond3A = arith.constant 0 : i32
      %cond3A_66 = arith.cmpi ne, %convert_element_type3A, %cond3A : i32
      scf.if %cond3A_66 {
        %dma_wait3A_100 = arith.constant 0 : i32
        %dma_wait3A_101 = arith.constant 0 : i32
        %dma_wait3A_102 = arith.constant 0 : i32
        %dma_wait3A_103 = tpu.memref_slice %arg4[%dma_wait3A_100, %dma_wait3A_101, %dma_wait3A_102] : memref<200x64x16384xf32, #tpu.memory_space<hbm>> -> memref<1x64x512xf32, #tpu.memory_space<hbm>>
        %dma_wait3A_104 = tpu.memref_squeeze %dma_wait3A_103 : memref<1x64x512xf32, #tpu.memory_space<hbm>> -> memref<64x512xf32, #tpu.memory_space<hbm>>
        %dma_wait3A_105 = arith.constant 0 : i32
        %dma_wait3A_106 = arith.constant 0 : i32
        %dma_wait3A_107 = tpu.memref_slice %arg4[%dma_wait3A_100, %dma_wait3A_105, %dma_wait3A_106] : memref<200x64x16384xf32, #tpu.memory_space<hbm>> -> memref<1x64x512xf32, #tpu.memory_space<hbm>>
        %dma_wait3A_108 = tpu.memref_squeeze %dma_wait3A_107 : memref<1x64x512xf32, #tpu.memory_space<hbm>> -> memref<64x512xf32, #tpu.memory_space<hbm>>
        tpu.wait_dma2 semaphore(%arg11 : memref<!tpu.dma_semaphore, #tpu.memory_space<semaphore_mem>>) src(%dma_wait3A_108 : memref<64x512xf32, #tpu.memory_space<hbm>>) dst(%arg9 : memref<64x512xf32, #tpu.memory_space<vmem>>)
      } else {
      }
      %parallel_loop3A_67 = arith.constant 0 : i32
      %parallel_loop3A_68 = arith.constant 32 : i32
      %parallel_loop3A_69 = arith.constant 1 : i32
      scf.for %parallel_loop3A_100 = %parallel_loop3A_67 to %parallel_loop3A_68 step %parallel_loop3A_69  : i32 {
        %parallel_loop3A_101 = arith.constant 16 : i32
        %parallel_loop3A_102 = arith.muli %parallel_loop3A_100, %parallel_loop3A_101 : i32
        %parallel_loop3A_103 = arith.index_cast %parallel_loop3A_102 : i32 to index
        %parallel_loop3A_104 = tpu.vector_load %arg8[%parallel_loop3A_103] {strides = array<i32>} : memref<512xi32, #tpu.memory_space<vmem>>, vector<16xi32>,
        %parallel_loop3A_105 = arith.addi %parallel_loop3A_104, %scan3A_60 : vector<16xi32>
        %parallel_loop3A_106 = arith.constant 0 : i32
        %parallel_loop3A_107 = vector.broadcast %parallel_loop3A_106 : i32 to vector<16xi32>
        %parallel_loop3A_108 = arith.addi %parallel_loop3A_105, %parallel_loop3A_107 : vector<16xi32>
        %parallel_loop3A_109 = tpu.vector_load_idx %arg5[%parallel_loop3A_108] : memref<26112xf32, #tpu.memory_space<vmem>>[vector<16xi32>], vector<16xf32>,
        %parallel_loop3A_110 = arith.constant 0 : i32
        %parallel_loop3A_111 = arith.index_cast %parallel_loop3A_110 : i32 to index
        %parallel_loop3A_112 = arith.index_cast %parallel_loop3A_102 : i32 to index
        %parallel_loop3A_113 = tpu.vector_load %arg9[%parallel_loop3A_111, %parallel_loop3A_112] {strides = array<i32>} : memref<64x512xf32, #tpu.memory_space<vmem>>, vector<16xf32>,
        tpu.vector_store %arg9[%parallel_loop3A_111, %parallel_loop3A_112], %parallel_loop3A_109 {strides = array<i32>} : memref<64x512xf32, #tpu.memory_space<vmem>>, vector<16xf32>,
        %parallel_loop3A_114 = arith.constant 1 : i32
        %parallel_loop3A_115 = vector.broadcast %parallel_loop3A_114 : i32 to vector<16xi32>
        %parallel_loop3A_116 = arith.addi %parallel_loop3A_105, %parallel_loop3A_115 : vector<16xi32>
        %parallel_loop3A_117 = tpu.vector_load_idx %arg5[%parallel_loop3A_116] : memref<26112xf32, #tpu.memory_space<vmem>>[vector<16xi32>], vector<16xf32>,
        %parallel_loop3A_118 = arith.constant 1 : i32
        %parallel_loop3A_119 = arith.index_cast %parallel_loop3A_118 : i32 to index
        %parallel_loop3A_120 = arith.index_cast %parallel_loop3A_102 : i32 to index
        %parallel_loop3A_121 = tpu.vector_load %arg9[%parallel_loop3A_119, %parallel_loop3A_120] {strides = array<i32>} : memref<64x512xf32, #tpu.memory_space<vmem>>, vector<16xf32>,
        tpu.vector_store %arg9[%parallel_loop3A_119, %parallel_loop3A_120], %parallel_loop3A_117 {strides = array<i32>} : memref<64x512xf32, #tpu.memory_space<vmem>>, vector<16xf32>,
        %parallel_loop3A_122 = arith.constant 2 : i32
        %parallel_loop3A_123 = vector.broadcast %parallel_loop3A_122 : i32 to vector<16xi32>
        %parallel_loop3A_124 = arith.addi %parallel_loop3A_105, %parallel_loop3A_123 : vector<16xi32>
        %parallel_loop3A_125 = tpu.vector_load_idx %arg5[%parallel_loop3A_124] : memref<26112xf32, #tpu.memory_space<vmem>>[vector<16xi32>], vector<16xf32>,
        %parallel_loop3A_126 = arith.constant 2 : i32
        %parallel_loop3A_127 = arith.index_cast %parallel_loop3A_126 : i32 to index
        %parallel_loop3A_128 = arith.index_cast %parallel_loop3A_102 : i32 to index
        %parallel_loop3A_129 = tpu.vector_load %arg9[%parallel_loop3A_127, %parallel_loop3A_128] {strides = array<i32>} : memref<64x512xf32, #tpu.memory_space<vmem>>, vector<16xf32>,
        tpu.vector_store %arg9[%parallel_loop3A_127, %parallel_loop3A_128], %parallel_loop3A_125 {strides = array<i32>} : memref<64x512xf32, #tpu.memory_space<vmem>>, vector<16xf32>,
        %parallel_loop3A_130 = arith.constant 3 : i32
        %parallel_loop3A_131 = vector.broadcast %parallel_loop3A_130 : i32 to vector<16xi32>
        %parallel_loop3A_132 = arith.addi %parallel_loop3A_105, %parallel_loop3A_131 : vector<16xi32>
        %parallel_loop3A_133 = tpu.vector_load_idx %arg5[%parallel_loop3A_132] : memref<26112xf32, #tpu.memory_space<vmem>>[vector<16xi32>], vector<16xf32>,
        %parallel_loop3A_134 = arith.constant 3 : i32
        %parallel_loop3A_135 = arith.index_cast %parallel_loop3A_134 : i32 to index
        %parallel_loop3A_136 = arith.index_cast %parallel_loop3A_102 : i32 to index
        %parallel_loop3A_137 = tpu.vector_load %arg9[%parallel_loop3A_135, %parallel_loop3A_136] {strides = array<i32>} : memref<64x512xf32, #tpu.memory_space<vmem>>, vector<16xf32>,
        tpu.vector_store %arg9[%parallel_loop3A_135, %parallel_loop3A_136], %parallel_loop3A_133 {strides = array<i32>} : memref<64x512xf32, #tpu.memory_space<vmem>>, vector<16xf32>,
        %parallel_loop3A_138 = arith.constant 4 : i32
        %parallel_loop3A_139 = vector.broadcast %parallel_loop3A_138 : i32 to vector<16xi32>
        %parallel_loop3A_140 = arith.addi %parallel_loop3A_105, %parallel_loop3A_139 : vector<16xi32>
        %parallel_loop3A_141 = tpu.vector_load_idx %arg5[%parallel_loop3A_140] : memref<26112xf32, #tpu.memory_space<vmem>>[vector<16xi32>], vector<16xf32>,
        %parallel_loop3A_142 = arith.constant 4 : i32
        %parallel_loop3A_143 = arith.index_cast %parallel_loop3A_142 : i32 to index
        %parallel_loop3A_144 = arith.index_cast %parallel_loop3A_102 : i32 to index
        %parallel_loop3A_145 = tpu.vector_load %arg9[%parallel_loop3A_143, %parallel_loop3A_144] {strides = array<i32>} : memref<64x512xf32, #tpu.memory_space<vmem>>, vector<16xf32>,
        tpu.vector_store %arg9[%parallel_loop3A_143, %parallel_loop3A_144], %parallel_loop3A_141 {strides = array<i32>} : memref<64x512xf32, #tpu.memory_space<vmem>>, vector<16xf32>,
        %parallel_loop3A_146 = arith.constant 5 : i32
        %parallel_loop3A_147 = vector.broadcast %parallel_loop3A_146 : i32 to vector<16xi32>
        %parallel_loop3A_148 = arith.addi %parallel_loop3A_105, %parallel_loop3A_147 : vector<16xi32>
        %parallel_loop3A_149 = tpu.vector_load_idx %arg5[%parallel_loop3A_148] : memref<26112xf32, #tpu.memory_space<vmem>>[vector<16xi32>], vector<16xf32>,
        %parallel_loop3A_150 = arith.constant 5 : i32
        %parallel_loop3A_151 = arith.index_cast %parallel_loop3A_150 : i32 to index
        %parallel_loop3A_152 = arith.index_cast %parallel_loop3A_102 : i32 to index
        %parallel_loop3A_153 = tpu.vector_load %arg9[%parallel_loop3A_151, %parallel_loop3A_152] {strides = array<i32>} : memref<64x512xf32, #tpu.memory_space<vmem>>, vector<16xf32>,
        tpu.vector_store %arg9[%parallel_loop3A_151, %parallel_loop3A_152], %parallel_loop3A_149 {strides = array<i32>} : memref<64x512xf32, #tpu.memory_space<vmem>>, vector<16xf32>,
        %parallel_loop3A_154 = arith.constant 6 : i32
        %parallel_loop3A_155 = vector.broadcast %parallel_loop3A_154 : i32 to vector<16xi32>
        %parallel_loop3A_156 = arith.addi %parallel_loop3A_105, %parallel_loop3A_155 : vector<16xi32>
        %parallel_loop3A_157 = tpu.vector_load_idx %arg5[%parallel_loop3A_156] : memref<26112xf32, #tpu.memory_space<vmem>>[vector<16xi32>], vector<16xf32>,
        %parallel_loop3A_158 = arith.constant 6 : i32
        %parallel_loop3A_159 = arith.index_cast %parallel_loop3A_158 : i32 to index
        %parallel_loop3A_160 = arith.index_cast %parallel_loop3A_102 : i32 to index
        %parallel_loop3A_161 = tpu.vector_load %arg9[%parallel_loop3A_159, %parallel_loop3A_160] {strides = array<i32>} : memref<64x512xf32, #tpu.memory_space<vmem>>, vector<16xf32>,
        tpu.vector_store %arg9[%parallel_loop3A_159, %parallel_loop3A_160], %parallel_loop3A_157 {strides = array<i32>} : memref<64x512xf32, #tpu.memory_space<vmem>>, vector<16xf32>,
        %parallel_loop3A_162 = arith.constant 7 : i32
        %parallel_loop3A_163 = vector.broadcast %parallel_loop3A_162 : i32 to vector<16xi32>
        %parallel_loop3A_164 = arith.addi %parallel_loop3A_105, %parallel_loop3A_163 : vector<16xi32>
        %parallel_loop3A_165 = tpu.vector_load_idx %arg5[%parallel_loop3A_164] : memref<26112xf32, #tpu.memory_space<vmem>>[vector<16xi32>], vector<16xf32>,
        %parallel_loop3A_166 = arith.constant 7 : i32
        %parallel_loop3A_167 = arith.index_cast %parallel_loop3A_166 : i32 to index
        %parallel_loop3A_168 = arith.index_cast %parallel_loop3A_102 : i32 to index
        %parallel_loop3A_169 = tpu.vector_load %arg9[%parallel_loop3A_167, %parallel_loop3A_168] {strides = array<i32>} : memref<64x512xf32, #tpu.memory_space<vmem>>, vector<16xf32>,
        tpu.vector_store %arg9[%parallel_loop3A_167, %parallel_loop3A_168], %parallel_loop3A_165 {strides = array<i32>} : memref<64x512xf32, #tpu.memory_space<vmem>>, vector<16xf32>,
        %parallel_loop3A_170 = arith.constant 8 : i32
        %parallel_loop3A_171 = vector.broadcast %parallel_loop3A_170 : i32 to vector<16xi32>
        %parallel_loop3A_172 = arith.addi %parallel_loop3A_105, %parallel_loop3A_171 : vector<16xi32>
        %parallel_loop3A_173 = tpu.vector_load_idx %arg5[%parallel_loop3A_172] : memref<26112xf32, #tpu.memory_space<vmem>>[vector<16xi32>], vector<16xf32>,
        %parallel_loop3A_174 = arith.constant 8 : i32
        %parallel_loop3A_175 = arith.index_cast %parallel_loop3A_174 : i32 to index
        %parallel_loop3A_176 = arith.index_cast %parallel_loop3A_102 : i32 to index
        %parallel_loop3A_177 = tpu.vector_load %arg9[%parallel_loop3A_175, %parallel_loop3A_176] {strides = array<i32>} : memref<64x512xf32, #tpu.memory_space<vmem>>, vector<16xf32>,
        tpu.vector_store %arg9[%parallel_loop3A_175, %parallel_loop3A_176], %parallel_loop3A_173 {strides = array<i32>} : memref<64x512xf32, #tpu.memory_space<vmem>>, vector<16xf32>,
        %parallel_loop3A_178 = arith.constant 9 : i32
        %parallel_loop3A_179 = vector.broadcast %parallel_loop3A_178 : i32 to vector<16xi32>
        %parallel_loop3A_180 = arith.addi %parallel_loop3A_105, %parallel_loop3A_179 : vector<16xi32>
        %parallel_loop3A_181 = tpu.vector_load_idx %arg5[%parallel_loop3A_180] : memref<26112xf32, #tpu.memory_space<vmem>>[vector<16xi32>], vector<16xf32>,
        %parallel_loop3A_182 = arith.constant 9 : i32
        %parallel_loop3A_183 = arith.index_cast %parallel_loop3A_182 : i32 to index
        %parallel_loop3A_184 = arith.index_cast %parallel_loop3A_102 : i32 to index
        %parallel_loop3A_185 = tpu.vector_load %arg9[%parallel_loop3A_183, %parallel_loop3A_184] {strides = array<i32>} : memref<64x512xf32, #tpu.memory_space<vmem>>, vector<16xf32>,
        tpu.vector_store %arg9[%parallel_loop3A_183, %parallel_loop3A_184], %parallel_loop3A_181 {strides = array<i32>} : memref<64x512xf32, #tpu.memory_space<vmem>>, vector<16xf32>,
        %parallel_loop3A_186 = arith.constant 10 : i32
        %parallel_loop3A_187 = vector.broadcast %parallel_loop3A_186 : i32 to vector<16xi32>
        %parallel_loop3A_188 = arith.addi %parallel_loop3A_105, %parallel_loop3A_187 : vector<16xi32>
        %parallel_loop3A_189 = tpu.vector_load_idx %arg5[%parallel_loop3A_188] : memref<26112xf32, #tpu.memory_space<vmem>>[vector<16xi32>], vector<16xf32>,
        %parallel_loop3A_190 = arith.constant 10 : i32
        %parallel_loop3A_191 = arith.index_cast %parallel_loop3A_190 : i32 to index
        %parallel_loop3A_192 = arith.index_cast %parallel_loop3A_102 : i32 to index
        %parallel_loop3A_193 = tpu.vector_load %arg9[%parallel_loop3A_191, %parallel_loop3A_192] {strides = array<i32>} : memref<64x512xf32, #tpu.memory_space<vmem>>, vector<16xf32>,
        tpu.vector_store %arg9[%parallel_loop3A_191, %parallel_loop3A_192], %parallel_loop3A_189 {strides = array<i32>} : memref<64x512xf32, #tpu.memory_space<vmem>>, vector<16xf32>,
        %parallel_loop3A_194 = arith.constant 11 : i32
        %parallel_loop3A_195 = vector.broadcast %parallel_loop3A_194 : i32 to vector<16xi32>
        %parallel_loop3A_196 = arith.addi %parallel_loop3A_105, %parallel_loop3A_195 : vector<16xi32>
        %parallel_loop3A_197 = tpu.vector_load_idx %arg5[%parallel_loop3A_196] : memref<26112xf32, #tpu.memory_space<vmem>>[vector<16xi32>], vector<16xf32>,
        %parallel_loop3A_198 = arith.constant 11 : i32
        %parallel_loop3A_199 = arith.index_cast %parallel_loop3A_198 : i32 to index
        %parallel_loop3A_200 = arith.index_cast %parallel_loop3A_102 : i32 to index
        %parallel_loop3A_201 = tpu.vector_load %arg9[%parallel_loop3A_199, %parallel_loop3A_200] {strides = array<i32>} : memref<64x512xf32, #tpu.memory_space<vmem>>, vector<16xf32>,
        tpu.vector_store %arg9[%parallel_loop3A_199, %parallel_loop3A_200], %parallel_loop3A_197 {strides = array<i32>} : memref<64x512xf32, #tpu.memory_space<vmem>>, vector<16xf32>,
        %parallel_loop3A_202 = arith.constant 12 : i32
        %parallel_loop3A_203 = vector.broadcast %parallel_loop3A_202 : i32 to vector<16xi32>
        %parallel_loop3A_204 = arith.addi %parallel_loop3A_105, %parallel_loop3A_203 : vector<16xi32>
        %parallel_loop3A_205 = tpu.vector_load_idx %arg5[%parallel_loop3A_204] : memref<26112xf32, #tpu.memory_space<vmem>>[vector<16xi32>], vector<16xf32>,
        %parallel_loop3A_206 = arith.constant 12 : i32
        %parallel_loop3A_207 = arith.index_cast %parallel_loop3A_206 : i32 to index
        %parallel_loop3A_208 = arith.index_cast %parallel_loop3A_102 : i32 to index
        %parallel_loop3A_209 = tpu.vector_load %arg9[%parallel_loop3A_207, %parallel_loop3A_208] {strides = array<i32>} : memref<64x512xf32, #tpu.memory_space<vmem>>, vector<16xf32>,
        tpu.vector_store %arg9[%parallel_loop3A_207, %parallel_loop3A_208], %parallel_loop3A_205 {strides = array<i32>} : memref<64x512xf32, #tpu.memory_space<vmem>>, vector<16xf32>,
        %parallel_loop3A_210 = arith.constant 13 : i32
        %parallel_loop3A_211 = vector.broadcast %parallel_loop3A_210 : i32 to vector<16xi32>
        %parallel_loop3A_212 = arith.addi %parallel_loop3A_105, %parallel_loop3A_211 : vector<16xi32>
        %parallel_loop3A_213 = tpu.vector_load_idx %arg5[%parallel_loop3A_212] : memref<26112xf32, #tpu.memory_space<vmem>>[vector<16xi32>], vector<16xf32>,
        %parallel_loop3A_214 = arith.constant 13 : i32
        %parallel_loop3A_215 = arith.index_cast %parallel_loop3A_214 : i32 to index
        %parallel_loop3A_216 = arith.index_cast %parallel_loop3A_102 : i32 to index
        %parallel_loop3A_217 = tpu.vector_load %arg9[%parallel_loop3A_215, %parallel_loop3A_216] {strides = array<i32>} : memref<64x512xf32, #tpu.memory_space<vmem>>, vector<16xf32>,
        tpu.vector_store %arg9[%parallel_loop3A_215, %parallel_loop3A_216], %parallel_loop3A_213 {strides = array<i32>} : memref<64x512xf32, #tpu.memory_space<vmem>>, vector<16xf32>,
        %parallel_loop3A_218 = arith.constant 14 : i32
        %parallel_loop3A_219 = vector.broadcast %parallel_loop3A_218 : i32 to vector<16xi32>
        %parallel_loop3A_220 = arith.addi %parallel_loop3A_105, %parallel_loop3A_219 : vector<16xi32>
        %parallel_loop3A_221 = tpu.vector_load_idx %arg5[%parallel_loop3A_220] : memref<26112xf32, #tpu.memory_space<vmem>>[vector<16xi32>], vector<16xf32>,
        %parallel_loop3A_222 = arith.constant 14 : i32
        %parallel_loop3A_223 = arith.index_cast %parallel_loop3A_222 : i32 to index
        %parallel_loop3A_224 = arith.index_cast %parallel_loop3A_102 : i32 to index
        %parallel_loop3A_225 = tpu.vector_load %arg9[%parallel_loop3A_223, %parallel_loop3A_224] {strides = array<i32>} : memref<64x512xf32, #tpu.memory_space<vmem>>, vector<16xf32>,
        tpu.vector_store %arg9[%parallel_loop3A_223, %parallel_loop3A_224], %parallel_loop3A_221 {strides = array<i32>} : memref<64x512xf32, #tpu.memory_space<vmem>>, vector<16xf32>,
        %parallel_loop3A_226 = arith.constant 15 : i32
        %parallel_loop3A_227 = vector.broadcast %parallel_loop3A_226 : i32 to vector<16xi32>
        %parallel_loop3A_228 = arith.addi %parallel_loop3A_105, %parallel_loop3A_227 : vector<16xi32>
        %parallel_loop3A_229 = tpu.vector_load_idx %arg5[%parallel_loop3A_228] : memref<26112xf32, #tpu.memory_space<vmem>>[vector<16xi32>], vector<16xf32>,
        %parallel_loop3A_230 = arith.constant 15 : i32
        %parallel_loop3A_231 = arith.index_cast %parallel_loop3A_230 : i32 to index
        %parallel_loop3A_232 = arith.index_cast %parallel_loop3A_102 : i32 to index
        %parallel_loop3A_233 = tpu.vector_load %arg9[%parallel_loop3A_231, %parallel_loop3A_232] {strides = array<i32>} : memref<64x512xf32, #tpu.memory_space<vmem>>, vector<16xf32>,
        tpu.vector_store %arg9[%parallel_loop3A_231, %parallel_loop3A_232], %parallel_loop3A_229 {strides = array<i32>} : memref<64x512xf32, #tpu.memory_space<vmem>>, vector<16xf32>,
        %parallel_loop3A_234 = arith.constant 16 : i32
        %parallel_loop3A_235 = vector.broadcast %parallel_loop3A_234 : i32 to vector<16xi32>
        %parallel_loop3A_236 = arith.addi %parallel_loop3A_105, %parallel_loop3A_235 : vector<16xi32>
        %parallel_loop3A_237 = tpu.vector_load_idx %arg5[%parallel_loop3A_236] : memref<26112xf32, #tpu.memory_space<vmem>>[vector<16xi32>], vector<16xf32>,
        %parallel_loop3A_238 = arith.constant 16 : i32
        %parallel_loop3A_239 = arith.index_cast %parallel_loop3A_238 : i32 to index
        %parallel_loop3A_240 = arith.index_cast %parallel_loop3A_102 : i32 to index
        %parallel_loop3A_241 = tpu.vector_load %arg9[%parallel_loop3A_239, %parallel_loop3A_240] {strides = array<i32>} : memref<64x512xf32, #tpu.memory_space<vmem>>, vector<16xf32>,
        tpu.vector_store %arg9[%parallel_loop3A_239, %parallel_loop3A_240], %parallel_loop3A_237 {strides = array<i32>} : memref<64x512xf32, #tpu.memory_space<vmem>>, vector<16xf32>,
        %parallel_loop3A_242 = arith.constant 17 : i32
        %parallel_loop3A_243 = vector.broadcast %parallel_loop3A_242 : i32 to vector<16xi32>
        %parallel_loop3A_244 = arith.addi %parallel_loop3A_105, %parallel_loop3A_243 : vector<16xi32>
        %parallel_loop3A_245 = tpu.vector_load_idx %arg5[%parallel_loop3A_244] : memref<26112xf32, #tpu.memory_space<vmem>>[vector<16xi32>], vector<16xf32>,
        %parallel_loop3A_246 = arith.constant 17 : i32
        %parallel_loop3A_247 = arith.index_cast %parallel_loop3A_246 : i32 to index
        %parallel_loop3A_248 = arith.index_cast %parallel_loop3A_102 : i32 to index
        %parallel_loop3A_249 = tpu.vector_load %arg9[%parallel_loop3A_247, %parallel_loop3A_248] {strides = array<i32>} : memref<64x512xf32, #tpu.memory_space<vmem>>, vector<16xf32>,
        tpu.vector_store %arg9[%parallel_loop3A_247, %parallel_loop3A_248], %parallel_loop3A_245 {strides = array<i32>} : memref<64x512xf32, #tpu.memory_space<vmem>>, vector<16xf32>,
        %parallel_loop3A_250 = arith.constant 18 : i32
        %parallel_loop3A_251 = vector.broadcast %parallel_loop3A_250 : i32 to vector<16xi32>
        %parallel_loop3A_252 = arith.addi %parallel_loop3A_105, %parallel_loop3A_251 : vector<16xi32>
        %parallel_loop3A_253 = tpu.vector_load_idx %arg5[%parallel_loop3A_252] : memref<26112xf32, #tpu.memory_space<vmem>>[vector<16xi32>], vector<16xf32>,
        %parallel_loop3A_254 = arith.constant 18 : i32
        %parallel_loop3A_255 = arith.index_cast %parallel_loop3A_254 : i32 to index
        %parallel_loop3A_256 = arith.index_cast %parallel_loop3A_102 : i32 to index
        %parallel_loop3A_257 = tpu.vector_load %arg9[%parallel_loop3A_255, %parallel_loop3A_256] {strides = array<i32>} : memref<64x512xf32, #tpu.memory_space<vmem>>, vector<16xf32>,
        tpu.vector_store %arg9[%parallel_loop3A_255, %parallel_loop3A_256], %parallel_loop3A_253 {strides = array<i32>} : memref<64x512xf32, #tpu.memory_space<vmem>>, vector<16xf32>,
        %parallel_loop3A_258 = arith.constant 19 : i32
        %parallel_loop3A_259 = vector.broadcast %parallel_loop3A_258 : i32 to vector<16xi32>
        %parallel_loop3A_260 = arith.addi %parallel_loop3A_105, %parallel_loop3A_259 : vector<16xi32>
        %parallel_loop3A_261 = tpu.vector_load_idx %arg5[%parallel_loop3A_260] : memref<26112xf32, #tpu.memory_space<vmem>>[vector<16xi32>], vector<16xf32>,
        %parallel_loop3A_262 = arith.constant 19 : i32
        %parallel_loop3A_263 = arith.index_cast %parallel_loop3A_262 : i32 to index
        %parallel_loop3A_264 = arith.index_cast %parallel_loop3A_102 : i32 to index
        %parallel_loop3A_265 = tpu.vector_load %arg9[%parallel_loop3A_263, %parallel_loop3A_264] {strides = array<i32>} : memref<64x512xf32, #tpu.memory_space<vmem>>, vector<16xf32>,
        tpu.vector_store %arg9[%parallel_loop3A_263, %parallel_loop3A_264], %parallel_loop3A_261 {strides = array<i32>} : memref<64x512xf32, #tpu.memory_space<vmem>>, vector<16xf32>,
        %parallel_loop3A_266 = arith.constant 20 : i32
        %parallel_loop3A_267 = vector.broadcast %parallel_loop3A_266 : i32 to vector<16xi32>
        %parallel_loop3A_268 = arith.addi %parallel_loop3A_105, %parallel_loop3A_267 : vector<16xi32>
        %parallel_loop3A_269 = tpu.vector_load_idx %arg5[%parallel_loop3A_268] : memref<26112xf32, #tpu.memory_space<vmem>>[vector<16xi32>], vector<16xf32>,
        %parallel_loop3A_270 = arith.constant 20 : i32
        %parallel_loop3A_271 = arith.index_cast %parallel_loop3A_270 : i32 to index
        %parallel_loop3A_272 = arith.index_cast %parallel_loop3A_102 : i32 to index
        %parallel_loop3A_273 = tpu.vector_load %arg9[%parallel_loop3A_271, %parallel_loop3A_272] {strides = array<i32>} : memref<64x512xf32, #tpu.memory_space<vmem>>, vector<16xf32>,
        tpu.vector_store %arg9[%parallel_loop3A_271, %parallel_loop3A_272], %parallel_loop3A_269 {strides = array<i32>} : memref<64x512xf32, #tpu.memory_space<vmem>>, vector<16xf32>,
        %parallel_loop3A_274 = arith.constant 21 : i32
        %parallel_loop3A_275 = vector.broadcast %parallel_loop3A_274 : i32 to vector<16xi32>
        %parallel_loop3A_276 = arith.addi %parallel_loop3A_105, %parallel_loop3A_275 : vector<16xi32>
        %parallel_loop3A_277 = tpu.vector_load_idx %arg5[%parallel_loop3A_276] : memref<26112xf32, #tpu.memory_space<vmem>>[vector<16xi32>], vector<16xf32>,
        %parallel_loop3A_278 = arith.constant 21 : i32
        %parallel_loop3A_279 = arith.index_cast %parallel_loop3A_278 : i32 to index
        %parallel_loop3A_280 = arith.index_cast %parallel_loop3A_102 : i32 to index
        %parallel_loop3A_281 = tpu.vector_load %arg9[%parallel_loop3A_279, %parallel_loop3A_280] {strides = array<i32>} : memref<64x512xf32, #tpu.memory_space<vmem>>, vector<16xf32>,
        tpu.vector_store %arg9[%parallel_loop3A_279, %parallel_loop3A_280], %parallel_loop3A_277 {strides = array<i32>} : memref<64x512xf32, #tpu.memory_space<vmem>>, vector<16xf32>,
        %parallel_loop3A_282 = arith.constant 22 : i32
        %parallel_loop3A_283 = vector.broadcast %parallel_loop3A_282 : i32 to vector<16xi32>
        %parallel_loop3A_284 = arith.addi %parallel_loop3A_105, %parallel_loop3A_283 : vector<16xi32>
        %parallel_loop3A_285 = tpu.vector_load_idx %arg5[%parallel_loop3A_284] : memref<26112xf32, #tpu.memory_space<vmem>>[vector<16xi32>], vector<16xf32>,
        %parallel_loop3A_286 = arith.constant 22 : i32
        %parallel_loop3A_287 = arith.index_cast %parallel_loop3A_286 : i32 to index
        %parallel_loop3A_288 = arith.index_cast %parallel_loop3A_102 : i32 to index
        %parallel_loop3A_289 = tpu.vector_load %arg9[%parallel_loop3A_287, %parallel_loop3A_288] {strides = array<i32>} : memref<64x512xf32, #tpu.memory_space<vmem>>, vector<16xf32>,
        tpu.vector_store %arg9[%parallel_loop3A_287, %parallel_loop3A_288], %parallel_loop3A_285 {strides = array<i32>} : memref<64x512xf32, #tpu.memory_space<vmem>>, vector<16xf32>,
        %parallel_loop3A_290 = arith.constant 23 : i32
        %parallel_loop3A_291 = vector.broadcast %parallel_loop3A_290 : i32 to vector<16xi32>
        %parallel_loop3A_292 = arith.addi %parallel_loop3A_105, %parallel_loop3A_291 : vector<16xi32>
        %parallel_loop3A_293 = tpu.vector_load_idx %arg5[%parallel_loop3A_292] : memref<26112xf32, #tpu.memory_space<vmem>>[vector<16xi32>], vector<16xf32>,
        %parallel_loop3A_294 = arith.constant 23 : i32
        %parallel_loop3A_295 = arith.index_cast %parallel_loop3A_294 : i32 to index
        %parallel_loop3A_296 = arith.index_cast %parallel_loop3A_102 : i32 to index
        %parallel_loop3A_297 = tpu.vector_load %arg9[%parallel_loop3A_295, %parallel_loop3A_296] {strides = array<i32>} : memref<64x512xf32, #tpu.memory_space<vmem>>, vector<16xf32>,
        tpu.vector_store %arg9[%parallel_loop3A_295, %parallel_loop3A_296], %parallel_loop3A_293 {strides = array<i32>} : memref<64x512xf32, #tpu.memory_space<vmem>>, vector<16xf32>,
        %parallel_loop3A_298 = arith.constant 24 : i32
        %parallel_loop3A_299 = vector.broadcast %parallel_loop3A_298 : i32 to vector<16xi32>
        %parallel_loop3A_300 = arith.addi %parallel_loop3A_105, %parallel_loop3A_299 : vector<16xi32>
        %parallel_loop3A_301 = tpu.vector_load_idx %arg5[%parallel_loop3A_300] : memref<26112xf32, #tpu.memory_space<vmem>>[vector<16xi32>], vector<16xf32>,
        %parallel_loop3A_302 = arith.constant 24 : i32
        %parallel_loop3A_303 = arith.index_cast %parallel_loop3A_302 : i32 to index
        %parallel_loop3A_304 = arith.index_cast %parallel_loop3A_102 : i32 to index
        %parallel_loop3A_305 = tpu.vector_load %arg9[%parallel_loop3A_303, %parallel_loop3A_304] {strides = array<i32>} : memref<64x512xf32, #tpu.memory_space<vmem>>, vector<16xf32>,
        tpu.vector_store %arg9[%parallel_loop3A_303, %parallel_loop3A_304], %parallel_loop3A_301 {strides = array<i32>} : memref<64x512xf32, #tpu.memory_space<vmem>>, vector<16xf32>,
        %parallel_loop3A_306 = arith.constant 25 : i32
        %parallel_loop3A_307 = vector.broadcast %parallel_loop3A_306 : i32 to vector<16xi32>
        %parallel_loop3A_308 = arith.addi %parallel_loop3A_105, %parallel_loop3A_307 : vector<16xi32>
        %parallel_loop3A_309 = tpu.vector_load_idx %arg5[%parallel_loop3A_308] : memref<26112xf32, #tpu.memory_space<vmem>>[vector<16xi32>], vector<16xf32>,
        %parallel_loop3A_310 = arith.constant 25 : i32
        %parallel_loop3A_311 = arith.index_cast %parallel_loop3A_310 : i32 to index
        %parallel_loop3A_312 = arith.index_cast %parallel_loop3A_102 : i32 to index
        %parallel_loop3A_313 = tpu.vector_load %arg9[%parallel_loop3A_311, %parallel_loop3A_312] {strides = array<i32>} : memref<64x512xf32, #tpu.memory_space<vmem>>, vector<16xf32>,
        tpu.vector_store %arg9[%parallel_loop3A_311, %parallel_loop3A_312], %parallel_loop3A_309 {strides = array<i32>} : memref<64x512xf32, #tpu.memory_space<vmem>>, vector<16xf32>,
        %parallel_loop3A_314 = arith.constant 26 : i32
        %parallel_loop3A_315 = vector.broadcast %parallel_loop3A_314 : i32 to vector<16xi32>
        %parallel_loop3A_316 = arith.addi %parallel_loop3A_105, %parallel_loop3A_315 : vector<16xi32>
        %parallel_loop3A_317 = tpu.vector_load_idx %arg5[%parallel_loop3A_316] : memref<26112xf32, #tpu.memory_space<vmem>>[vector<16xi32>], vector<16xf32>,
        %parallel_loop3A_318 = arith.constant 26 : i32
        %parallel_loop3A_319 = arith.index_cast %parallel_loop3A_318 : i32 to index
        %parallel_loop3A_320 = arith.index_cast %parallel_loop3A_102 : i32 to index
        %parallel_loop3A_321 = tpu.vector_load %arg9[%parallel_loop3A_319, %parallel_loop3A_320] {strides = array<i32>} : memref<64x512xf32, #tpu.memory_space<vmem>>, vector<16xf32>,
        tpu.vector_store %arg9[%parallel_loop3A_319, %parallel_loop3A_320], %parallel_loop3A_317 {strides = array<i32>} : memref<64x512xf32, #tpu.memory_space<vmem>>, vector<16xf32>,
        %parallel_loop3A_322 = arith.constant 27 : i32
        %parallel_loop3A_323 = vector.broadcast %parallel_loop3A_322 : i32 to vector<16xi32>
        %parallel_loop3A_324 = arith.addi %parallel_loop3A_105, %parallel_loop3A_323 : vector<16xi32>
        %parallel_loop3A_325 = tpu.vector_load_idx %arg5[%parallel_loop3A_324] : memref<26112xf32, #tpu.memory_space<vmem>>[vector<16xi32>], vector<16xf32>,
        %parallel_loop3A_326 = arith.constant 27 : i32
        %parallel_loop3A_327 = arith.index_cast %parallel_loop3A_326 : i32 to index
        %parallel_loop3A_328 = arith.index_cast %parallel_loop3A_102 : i32 to index
        %parallel_loop3A_329 = tpu.vector_load %arg9[%parallel_loop3A_327, %parallel_loop3A_328] {strides = array<i32>} : memref<64x512xf32, #tpu.memory_space<vmem>>, vector<16xf32>,
        tpu.vector_store %arg9[%parallel_loop3A_327, %parallel_loop3A_328], %parallel_loop3A_325 {strides = array<i32>} : memref<64x512xf32, #tpu.memory_space<vmem>>, vector<16xf32>,
        %parallel_loop3A_330 = arith.constant 28 : i32
        %parallel_loop3A_331 = vector.broadcast %parallel_loop3A_330 : i32 to vector<16xi32>
        %parallel_loop3A_332 = arith.addi %parallel_loop3A_105, %parallel_loop3A_331 : vector<16xi32>
        %parallel_loop3A_333 = tpu.vector_load_idx %arg5[%parallel_loop3A_332] : memref<26112xf32, #tpu.memory_space<vmem>>[vector<16xi32>], vector<16xf32>,
        %parallel_loop3A_334 = arith.constant 28 : i32
        %parallel_loop3A_335 = arith.index_cast %parallel_loop3A_334 : i32 to index
        %parallel_loop3A_336 = arith.index_cast %parallel_loop3A_102 : i32 to index
        %parallel_loop3A_337 = tpu.vector_load %arg9[%parallel_loop3A_335, %parallel_loop3A_336] {strides = array<i32>} : memref<64x512xf32, #tpu.memory_space<vmem>>, vector<16xf32>,
        tpu.vector_store %arg9[%parallel_loop3A_335, %parallel_loop3A_336], %parallel_loop3A_333 {strides = array<i32>} : memref<64x512xf32, #tpu.memory_space<vmem>>, vector<16xf32>,
        %parallel_loop3A_338 = arith.constant 29 : i32
        %parallel_loop3A_339 = vector.broadcast %parallel_loop3A_338 : i32 to vector<16xi32>
        %parallel_loop3A_340 = arith.addi %parallel_loop3A_105, %parallel_loop3A_339 : vector<16xi32>
        %parallel_loop3A_341 = tpu.vector_load_idx %arg5[%parallel_loop3A_340] : memref<26112xf32, #tpu.memory_space<vmem>>[vector<16xi32>], vector<16xf32>,
        %parallel_loop3A_342 = arith.constant 29 : i32
        %parallel_loop3A_343 = arith.index_cast %parallel_loop3A_342 : i32 to index
        %parallel_loop3A_344 = arith.index_cast %parallel_loop3A_102 : i32 to index
        %parallel_loop3A_345 = tpu.vector_load %arg9[%parallel_loop3A_343, %parallel_loop3A_344] {strides = array<i32>} : memref<64x512xf32, #tpu.memory_space<vmem>>, vector<16xf32>,
        tpu.vector_store %arg9[%parallel_loop3A_343, %parallel_loop3A_344], %parallel_loop3A_341 {strides = array<i32>} : memref<64x512xf32, #tpu.memory_space<vmem>>, vector<16xf32>,
        %parallel_loop3A_346 = arith.constant 30 : i32
        %parallel_loop3A_347 = vector.broadcast %parallel_loop3A_346 : i32 to vector<16xi32>
        %parallel_loop3A_348 = arith.addi %parallel_loop3A_105, %parallel_loop3A_347 : vector<16xi32>
        %parallel_loop3A_349 = tpu.vector_load_idx %arg5[%parallel_loop3A_348] : memref<26112xf32, #tpu.memory_space<vmem>>[vector<16xi32>], vector<16xf32>,
        %parallel_loop3A_350 = arith.constant 30 : i32
        %parallel_loop3A_351 = arith.index_cast %parallel_loop3A_350 : i32 to index
        %parallel_loop3A_352 = arith.index_cast %parallel_loop3A_102 : i32 to index
        %parallel_loop3A_353 = tpu.vector_load %arg9[%parallel_loop3A_351, %parallel_loop3A_352] {strides = array<i32>} : memref<64x512xf32, #tpu.memory_space<vmem>>, vector<16xf32>,
        tpu.vector_store %arg9[%parallel_loop3A_351, %parallel_loop3A_352], %parallel_loop3A_349 {strides = array<i32>} : memref<64x512xf32, #tpu.memory_space<vmem>>, vector<16xf32>,
        %parallel_loop3A_354 = arith.constant 31 : i32
        %parallel_loop3A_355 = vector.broadcast %parallel_loop3A_354 : i32 to vector<16xi32>
        %parallel_loop3A_356 = arith.addi %parallel_loop3A_105, %parallel_loop3A_355 : vector<16xi32>
        %parallel_loop3A_357 = tpu.vector_load_idx %arg5[%parallel_loop3A_356] : memref<26112xf32, #tpu.memory_space<vmem>>[vector<16xi32>], vector<16xf32>,
        %parallel_loop3A_358 = arith.constant 31 : i32
        %parallel_loop3A_359 = arith.index_cast %parallel_loop3A_358 : i32 to index
        %parallel_loop3A_360 = arith.index_cast %parallel_loop3A_102 : i32 to index
        %parallel_loop3A_361 = tpu.vector_load %arg9[%parallel_loop3A_359, %parallel_loop3A_360] {strides = array<i32>} : memref<64x512xf32, #tpu.memory_space<vmem>>, vector<16xf32>,
        tpu.vector_store %arg9[%parallel_loop3A_359, %parallel_loop3A_360], %parallel_loop3A_357 {strides = array<i32>} : memref<64x512xf32, #tpu.memory_space<vmem>>, vector<16xf32>,
        %parallel_loop3A_362 = arith.constant 32 : i32
        %parallel_loop3A_363 = vector.broadcast %parallel_loop3A_362 : i32 to vector<16xi32>
        %parallel_loop3A_364 = arith.addi %parallel_loop3A_105, %parallel_loop3A_363 : vector<16xi32>
        %parallel_loop3A_365 = tpu.vector_load_idx %arg5[%parallel_loop3A_364] : memref<26112xf32, #tpu.memory_space<vmem>>[vector<16xi32>], vector<16xf32>,
        %parallel_loop3A_366 = arith.constant 32 : i32
        %parallel_loop3A_367 = arith.index_cast %parallel_loop3A_366 : i32 to index
        %parallel_loop3A_368 = arith.index_cast %parallel_loop3A_102 : i32 to index
        %parallel_loop3A_369 = tpu.vector_load %arg9[%parallel_loop3A_367, %parallel_loop3A_368] {strides = array<i32>} : memref<64x512xf32, #tpu.memory_space<vmem>>, vector<16xf32>,
        tpu.vector_store %arg9[%parallel_loop3A_367, %parallel_loop3A_368], %parallel_loop3A_365 {strides = array<i32>} : memref<64x512xf32, #tpu.memory_space<vmem>>, vector<16xf32>,
        %parallel_loop3A_370 = arith.constant 33 : i32
        %parallel_loop3A_371 = vector.broadcast %parallel_loop3A_370 : i32 to vector<16xi32>
        %parallel_loop3A_372 = arith.addi %parallel_loop3A_105, %parallel_loop3A_371 : vector<16xi32>
        %parallel_loop3A_373 = tpu.vector_load_idx %arg5[%parallel_loop3A_372] : memref<26112xf32, #tpu.memory_space<vmem>>[vector<16xi32>], vector<16xf32>,
        %parallel_loop3A_374 = arith.constant 33 : i32
        %parallel_loop3A_375 = arith.index_cast %parallel_loop3A_374 : i32 to index
        %parallel_loop3A_376 = arith.index_cast %parallel_loop3A_102 : i32 to index
        %parallel_loop3A_377 = tpu.vector_load %arg9[%parallel_loop3A_375, %parallel_loop3A_376] {strides = array<i32>} : memref<64x512xf32, #tpu.memory_space<vmem>>, vector<16xf32>,
        tpu.vector_store %arg9[%parallel_loop3A_375, %parallel_loop3A_376], %parallel_loop3A_373 {strides = array<i32>} : memref<64x512xf32, #tpu.memory_space<vmem>>, vector<16xf32>,
        %parallel_loop3A_378 = arith.constant 34 : i32
        %parallel_loop3A_379 = vector.broadcast %parallel_loop3A_378 : i32 to vector<16xi32>
        %parallel_loop3A_380 = arith.addi %parallel_loop3A_105, %parallel_loop3A_379 : vector<16xi32>
        %parallel_loop3A_381 = tpu.vector_load_idx %arg5[%parallel_loop3A_380] : memref<26112xf32, #tpu.memory_space<vmem>>[vector<16xi32>], vector<16xf32>,
        %parallel_loop3A_382 = arith.constant 34 : i32
        %parallel_loop3A_383 = arith.index_cast %parallel_loop3A_382 : i32 to index
        %parallel_loop3A_384 = arith.index_cast %parallel_loop3A_102 : i32 to index
        %parallel_loop3A_385 = tpu.vector_load %arg9[%parallel_loop3A_383, %parallel_loop3A_384] {strides = array<i32>} : memref<64x512xf32, #tpu.memory_space<vmem>>, vector<16xf32>,
        tpu.vector_store %arg9[%parallel_loop3A_383, %parallel_loop3A_384], %parallel_loop3A_381 {strides = array<i32>} : memref<64x512xf32, #tpu.memory_space<vmem>>, vector<16xf32>,
        %parallel_loop3A_386 = arith.constant 35 : i32
        %parallel_loop3A_387 = vector.broadcast %parallel_loop3A_386 : i32 to vector<16xi32>
        %parallel_loop3A_388 = arith.addi %parallel_loop3A_105, %parallel_loop3A_387 : vector<16xi32>
        %parallel_loop3A_389 = tpu.vector_load_idx %arg5[%parallel_loop3A_388] : memref<26112xf32, #tpu.memory_space<vmem>>[vector<16xi32>], vector<16xf32>,
        %parallel_loop3A_390 = arith.constant 35 : i32
        %parallel_loop3A_391 = arith.index_cast %parallel_loop3A_390 : i32 to index
        %parallel_loop3A_392 = arith.index_cast %parallel_loop3A_102 : i32 to index
        %parallel_loop3A_393 = tpu.vector_load %arg9[%parallel_loop3A_391, %parallel_loop3A_392] {strides = array<i32>} : memref<64x512xf32, #tpu.memory_space<vmem>>, vector<16xf32>,
        tpu.vector_store %arg9[%parallel_loop3A_391, %parallel_loop3A_392], %parallel_loop3A_389 {strides = array<i32>} : memref<64x512xf32, #tpu.memory_space<vmem>>, vector<16xf32>,
        %parallel_loop3A_394 = arith.constant 36 : i32
        %parallel_loop3A_395 = vector.broadcast %parallel_loop3A_394 : i32 to vector<16xi32>
        %parallel_loop3A_396 = arith.addi %parallel_loop3A_105, %parallel_loop3A_395 : vector<16xi32>
        %parallel_loop3A_397 = tpu.vector_load_idx %arg5[%parallel_loop3A_396] : memref<26112xf32, #tpu.memory_space<vmem>>[vector<16xi32>], vector<16xf32>,
        %parallel_loop3A_398 = arith.constant 36 : i32
        %parallel_loop3A_399 = arith.index_cast %parallel_loop3A_398 : i32 to index
        %parallel_loop3A_400 = arith.index_cast %parallel_loop3A_102 : i32 to index
        %parallel_loop3A_401 = tpu.vector_load %arg9[%parallel_loop3A_399, %parallel_loop3A_400] {strides = array<i32>} : memref<64x512xf32, #tpu.memory_space<vmem>>, vector<16xf32>,
        tpu.vector_store %arg9[%parallel_loop3A_399, %parallel_loop3A_400], %parallel_loop3A_397 {strides = array<i32>} : memref<64x512xf32, #tpu.memory_space<vmem>>, vector<16xf32>,
        %parallel_loop3A_402 = arith.constant 37 : i32
        %parallel_loop3A_403 = vector.broadcast %parallel_loop3A_402 : i32 to vector<16xi32>
        %parallel_loop3A_404 = arith.addi %parallel_loop3A_105, %parallel_loop3A_403 : vector<16xi32>
        %parallel_loop3A_405 = tpu.vector_load_idx %arg5[%parallel_loop3A_404] : memref<26112xf32, #tpu.memory_space<vmem>>[vector<16xi32>], vector<16xf32>,
        %parallel_loop3A_406 = arith.constant 37 : i32
        %parallel_loop3A_407 = arith.index_cast %parallel_loop3A_406 : i32 to index
        %parallel_loop3A_408 = arith.index_cast %parallel_loop3A_102 : i32 to index
        %parallel_loop3A_409 = tpu.vector_load %arg9[%parallel_loop3A_407, %parallel_loop3A_408] {strides = array<i32>} : memref<64x512xf32, #tpu.memory_space<vmem>>, vector<16xf32>,
        tpu.vector_store %arg9[%parallel_loop3A_407, %parallel_loop3A_408], %parallel_loop3A_405 {strides = array<i32>} : memref<64x512xf32, #tpu.memory_space<vmem>>, vector<16xf32>,
        %parallel_loop3A_410 = arith.constant 38 : i32
        %parallel_loop3A_411 = vector.broadcast %parallel_loop3A_410 : i32 to vector<16xi32>
        %parallel_loop3A_412 = arith.addi %parallel_loop3A_105, %parallel_loop3A_411 : vector<16xi32>
        %parallel_loop3A_413 = tpu.vector_load_idx %arg5[%parallel_loop3A_412] : memref<26112xf32, #tpu.memory_space<vmem>>[vector<16xi32>], vector<16xf32>,
        %parallel_loop3A_414 = arith.constant 38 : i32
        %parallel_loop3A_415 = arith.index_cast %parallel_loop3A_414 : i32 to index
        %parallel_loop3A_416 = arith.index_cast %parallel_loop3A_102 : i32 to index
        %parallel_loop3A_417 = tpu.vector_load %arg9[%parallel_loop3A_415, %parallel_loop3A_416] {strides = array<i32>} : memref<64x512xf32, #tpu.memory_space<vmem>>, vector<16xf32>,
        tpu.vector_store %arg9[%parallel_loop3A_415, %parallel_loop3A_416], %parallel_loop3A_413 {strides = array<i32>} : memref<64x512xf32, #tpu.memory_space<vmem>>, vector<16xf32>,
        %parallel_loop3A_418 = arith.constant 39 : i32
        %parallel_loop3A_419 = vector.broadcast %parallel_loop3A_418 : i32 to vector<16xi32>
        %parallel_loop3A_420 = arith.addi %parallel_loop3A_105, %parallel_loop3A_419 : vector<16xi32>
        %parallel_loop3A_421 = tpu.vector_load_idx %arg5[%parallel_loop3A_420] : memref<26112xf32, #tpu.memory_space<vmem>>[vector<16xi32>], vector<16xf32>,
        %parallel_loop3A_422 = arith.constant 39 : i32
        %parallel_loop3A_423 = arith.index_cast %parallel_loop3A_422 : i32 to index
        %parallel_loop3A_424 = arith.index_cast %parallel_loop3A_102 : i32 to index
        %parallel_loop3A_425 = tpu.vector_load %arg9[%parallel_loop3A_423, %parallel_loop3A_424] {strides = array<i32>} : memref<64x512xf32, #tpu.memory_space<vmem>>, vector<16xf32>,
        tpu.vector_store %arg9[%parallel_loop3A_423, %parallel_loop3A_424], %parallel_loop3A_421 {strides = array<i32>} : memref<64x512xf32, #tpu.memory_space<vmem>>, vector<16xf32>,
        %parallel_loop3A_426 = arith.constant 40 : i32
        %parallel_loop3A_427 = vector.broadcast %parallel_loop3A_426 : i32 to vector<16xi32>
        %parallel_loop3A_428 = arith.addi %parallel_loop3A_105, %parallel_loop3A_427 : vector<16xi32>
        %parallel_loop3A_429 = tpu.vector_load_idx %arg5[%parallel_loop3A_428] : memref<26112xf32, #tpu.memory_space<vmem>>[vector<16xi32>], vector<16xf32>,
        %parallel_loop3A_430 = arith.constant 40 : i32
        %parallel_loop3A_431 = arith.index_cast %parallel_loop3A_430 : i32 to index
        %parallel_loop3A_432 = arith.index_cast %parallel_loop3A_102 : i32 to index
        %parallel_loop3A_433 = tpu.vector_load %arg9[%parallel_loop3A_431, %parallel_loop3A_432] {strides = array<i32>} : memref<64x512xf32, #tpu.memory_space<vmem>>, vector<16xf32>,
        tpu.vector_store %arg9[%parallel_loop3A_431, %parallel_loop3A_432], %parallel_loop3A_429 {strides = array<i32>} : memref<64x512xf32, #tpu.memory_space<vmem>>, vector<16xf32>,
        %parallel_loop3A_434 = arith.constant 41 : i32
        %parallel_loop3A_435 = vector.broadcast %parallel_loop3A_434 : i32 to vector<16xi32>
        %parallel_loop3A_436 = arith.addi %parallel_loop3A_105, %parallel_loop3A_435 : vector<16xi32>
        %parallel_loop3A_437 = tpu.vector_load_idx %arg5[%parallel_loop3A_436] : memref<26112xf32, #tpu.memory_space<vmem>>[vector<16xi32>], vector<16xf32>,
        %parallel_loop3A_438 = arith.constant 41 : i32
        %parallel_loop3A_439 = arith.index_cast %parallel_loop3A_438 : i32 to index
        %parallel_loop3A_440 = arith.index_cast %parallel_loop3A_102 : i32 to index
        %parallel_loop3A_441 = tpu.vector_load %arg9[%parallel_loop3A_439, %parallel_loop3A_440] {strides = array<i32>} : memref<64x512xf32, #tpu.memory_space<vmem>>, vector<16xf32>,
        tpu.vector_store %arg9[%parallel_loop3A_439, %parallel_loop3A_440], %parallel_loop3A_437 {strides = array<i32>} : memref<64x512xf32, #tpu.memory_space<vmem>>, vector<16xf32>,
        %parallel_loop3A_442 = arith.constant 42 : i32
        %parallel_loop3A_443 = vector.broadcast %parallel_loop3A_442 : i32 to vector<16xi32>
        %parallel_loop3A_444 = arith.addi %parallel_loop3A_105, %parallel_loop3A_443 : vector<16xi32>
        %parallel_loop3A_445 = tpu.vector_load_idx %arg5[%parallel_loop3A_444] : memref<26112xf32, #tpu.memory_space<vmem>>[vector<16xi32>], vector<16xf32>,
        %parallel_loop3A_446 = arith.constant 42 : i32
        %parallel_loop3A_447 = arith.index_cast %parallel_loop3A_446 : i32 to index
        %parallel_loop3A_448 = arith.index_cast %parallel_loop3A_102 : i32 to index
        %parallel_loop3A_449 = tpu.vector_load %arg9[%parallel_loop3A_447, %parallel_loop3A_448] {strides = array<i32>} : memref<64x512xf32, #tpu.memory_space<vmem>>, vector<16xf32>,
        tpu.vector_store %arg9[%parallel_loop3A_447, %parallel_loop3A_448], %parallel_loop3A_445 {strides = array<i32>} : memref<64x512xf32, #tpu.memory_space<vmem>>, vector<16xf32>,
        %parallel_loop3A_450 = arith.constant 43 : i32
        %parallel_loop3A_451 = vector.broadcast %parallel_loop3A_450 : i32 to vector<16xi32>
        %parallel_loop3A_452 = arith.addi %parallel_loop3A_105, %parallel_loop3A_451 : vector<16xi32>
        %parallel_loop3A_453 = tpu.vector_load_idx %arg5[%parallel_loop3A_452] : memref<26112xf32, #tpu.memory_space<vmem>>[vector<16xi32>], vector<16xf32>,
        %parallel_loop3A_454 = arith.constant 43 : i32
        %parallel_loop3A_455 = arith.index_cast %parallel_loop3A_454 : i32 to index
        %parallel_loop3A_456 = arith.index_cast %parallel_loop3A_102 : i32 to index
        %parallel_loop3A_457 = tpu.vector_load %arg9[%parallel_loop3A_455, %parallel_loop3A_456] {strides = array<i32>} : memref<64x512xf32, #tpu.memory_space<vmem>>, vector<16xf32>,
        tpu.vector_store %arg9[%parallel_loop3A_455, %parallel_loop3A_456], %parallel_loop3A_453 {strides = array<i32>} : memref<64x512xf32, #tpu.memory_space<vmem>>, vector<16xf32>,
        %parallel_loop3A_458 = arith.constant 44 : i32
        %parallel_loop3A_459 = vector.broadcast %parallel_loop3A_458 : i32 to vector<16xi32>
        %parallel_loop3A_460 = arith.addi %parallel_loop3A_105, %parallel_loop3A_459 : vector<16xi32>
        %parallel_loop3A_461 = tpu.vector_load_idx %arg5[%parallel_loop3A_460] : memref<26112xf32, #tpu.memory_space<vmem>>[vector<16xi32>], vector<16xf32>,
        %parallel_loop3A_462 = arith.constant 44 : i32
        %parallel_loop3A_463 = arith.index_cast %parallel_loop3A_462 : i32 to index
        %parallel_loop3A_464 = arith.index_cast %parallel_loop3A_102 : i32 to index
        %parallel_loop3A_465 = tpu.vector_load %arg9[%parallel_loop3A_463, %parallel_loop3A_464] {strides = array<i32>} : memref<64x512xf32, #tpu.memory_space<vmem>>, vector<16xf32>,
        tpu.vector_store %arg9[%parallel_loop3A_463, %parallel_loop3A_464], %parallel_loop3A_461 {strides = array<i32>} : memref<64x512xf32, #tpu.memory_space<vmem>>, vector<16xf32>,
        %parallel_loop3A_466 = arith.constant 45 : i32
        %parallel_loop3A_467 = vector.broadcast %parallel_loop3A_466 : i32 to vector<16xi32>
        %parallel_loop3A_468 = arith.addi %parallel_loop3A_105, %parallel_loop3A_467 : vector<16xi32>
        %parallel_loop3A_469 = tpu.vector_load_idx %arg5[%parallel_loop3A_468] : memref<26112xf32, #tpu.memory_space<vmem>>[vector<16xi32>], vector<16xf32>,
        %parallel_loop3A_470 = arith.constant 45 : i32
        %parallel_loop3A_471 = arith.index_cast %parallel_loop3A_470 : i32 to index
        %parallel_loop3A_472 = arith.index_cast %parallel_loop3A_102 : i32 to index
        %parallel_loop3A_473 = tpu.vector_load %arg9[%parallel_loop3A_471, %parallel_loop3A_472] {strides = array<i32>} : memref<64x512xf32, #tpu.memory_space<vmem>>, vector<16xf32>,
        tpu.vector_store %arg9[%parallel_loop3A_471, %parallel_loop3A_472], %parallel_loop3A_469 {strides = array<i32>} : memref<64x512xf32, #tpu.memory_space<vmem>>, vector<16xf32>,
        %parallel_loop3A_474 = arith.constant 46 : i32
        %parallel_loop3A_475 = vector.broadcast %parallel_loop3A_474 : i32 to vector<16xi32>
        %parallel_loop3A_476 = arith.addi %parallel_loop3A_105, %parallel_loop3A_475 : vector<16xi32>
        %parallel_loop3A_477 = tpu.vector_load_idx %arg5[%parallel_loop3A_476] : memref<26112xf32, #tpu.memory_space<vmem>>[vector<16xi32>], vector<16xf32>,
        %parallel_loop3A_478 = arith.constant 46 : i32
        %parallel_loop3A_479 = arith.index_cast %parallel_loop3A_478 : i32 to index
        %parallel_loop3A_480 = arith.index_cast %parallel_loop3A_102 : i32 to index
        %parallel_loop3A_481 = tpu.vector_load %arg9[%parallel_loop3A_479, %parallel_loop3A_480] {strides = array<i32>} : memref<64x512xf32, #tpu.memory_space<vmem>>, vector<16xf32>,
        tpu.vector_store %arg9[%parallel_loop3A_479, %parallel_loop3A_480], %parallel_loop3A_477 {strides = array<i32>} : memref<64x512xf32, #tpu.memory_space<vmem>>, vector<16xf32>,
        %parallel_loop3A_482 = arith.constant 47 : i32
        %parallel_loop3A_483 = vector.broadcast %parallel_loop3A_482 : i32 to vector<16xi32>
        %parallel_loop3A_484 = arith.addi %parallel_loop3A_105, %parallel_loop3A_483 : vector<16xi32>
        %parallel_loop3A_485 = tpu.vector_load_idx %arg5[%parallel_loop3A_484] : memref<26112xf32, #tpu.memory_space<vmem>>[vector<16xi32>], vector<16xf32>,
        %parallel_loop3A_486 = arith.constant 47 : i32
        %parallel_loop3A_487 = arith.index_cast %parallel_loop3A_486 : i32 to index
        %parallel_loop3A_488 = arith.index_cast %parallel_loop3A_102 : i32 to index
        %parallel_loop3A_489 = tpu.vector_load %arg9[%parallel_loop3A_487, %parallel_loop3A_488] {strides = array<i32>} : memref<64x512xf32, #tpu.memory_space<vmem>>, vector<16xf32>,
        tpu.vector_store %arg9[%parallel_loop3A_487, %parallel_loop3A_488], %parallel_loop3A_485 {strides = array<i32>} : memref<64x512xf32, #tpu.memory_space<vmem>>, vector<16xf32>,
        %parallel_loop3A_490 = arith.constant 48 : i32
        %parallel_loop3A_491 = vector.broadcast %parallel_loop3A_490 : i32 to vector<16xi32>
        %parallel_loop3A_492 = arith.addi %parallel_loop3A_105, %parallel_loop3A_491 : vector<16xi32>
        %parallel_loop3A_493 = tpu.vector_load_idx %arg5[%parallel_loop3A_492] : memref<26112xf32, #tpu.memory_space<vmem>>[vector<16xi32>], vector<16xf32>,
        %parallel_loop3A_494 = arith.constant 48 : i32
        %parallel_loop3A_495 = arith.index_cast %parallel_loop3A_494 : i32 to index
        %parallel_loop3A_496 = arith.index_cast %parallel_loop3A_102 : i32 to index
        %parallel_loop3A_497 = tpu.vector_load %arg9[%parallel_loop3A_495, %parallel_loop3A_496] {strides = array<i32>} : memref<64x512xf32, #tpu.memory_space<vmem>>, vector<16xf32>,
        tpu.vector_store %arg9[%parallel_loop3A_495, %parallel_loop3A_496], %parallel_loop3A_493 {strides = array<i32>} : memref<64x512xf32, #tpu.memory_space<vmem>>, vector<16xf32>,
        %parallel_loop3A_498 = arith.constant 49 : i32
        %parallel_loop3A_499 = vector.broadcast %parallel_loop3A_498 : i32 to vector<16xi32>
        %parallel_loop3A_500 = arith.addi %parallel_loop3A_105, %parallel_loop3A_499 : vector<16xi32>
        %parallel_loop3A_501 = tpu.vector_load_idx %arg5[%parallel_loop3A_500] : memref<26112xf32, #tpu.memory_space<vmem>>[vector<16xi32>], vector<16xf32>,
        %parallel_loop3A_502 = arith.constant 49 : i32
        %parallel_loop3A_503 = arith.index_cast %parallel_loop3A_502 : i32 to index
        %parallel_loop3A_504 = arith.index_cast %parallel_loop3A_102 : i32 to index
        %parallel_loop3A_505 = tpu.vector_load %arg9[%parallel_loop3A_503, %parallel_loop3A_504] {strides = array<i32>} : memref<64x512xf32, #tpu.memory_space<vmem>>, vector<16xf32>,
        tpu.vector_store %arg9[%parallel_loop3A_503, %parallel_loop3A_504], %parallel_loop3A_501 {strides = array<i32>} : memref<64x512xf32, #tpu.memory_space<vmem>>, vector<16xf32>,
        %parallel_loop3A_506 = arith.constant 50 : i32
        %parallel_loop3A_507 = vector.broadcast %parallel_loop3A_506 : i32 to vector<16xi32>
        %parallel_loop3A_508 = arith.addi %parallel_loop3A_105, %parallel_loop3A_507 : vector<16xi32>
        %parallel_loop3A_509 = tpu.vector_load_idx %arg5[%parallel_loop3A_508] : memref<26112xf32, #tpu.memory_space<vmem>>[vector<16xi32>], vector<16xf32>,
        %parallel_loop3A_510 = arith.constant 50 : i32
        %parallel_loop3A_511 = arith.index_cast %parallel_loop3A_510 : i32 to index
        %parallel_loop3A_512 = arith.index_cast %parallel_loop3A_102 : i32 to index
        %parallel_loop3A_513 = tpu.vector_load %arg9[%parallel_loop3A_511, %parallel_loop3A_512] {strides = array<i32>} : memref<64x512xf32, #tpu.memory_space<vmem>>, vector<16xf32>,
        tpu.vector_store %arg9[%parallel_loop3A_511, %parallel_loop3A_512], %parallel_loop3A_509 {strides = array<i32>} : memref<64x512xf32, #tpu.memory_space<vmem>>, vector<16xf32>,
        %parallel_loop3A_514 = arith.constant 51 : i32
        %parallel_loop3A_515 = vector.broadcast %parallel_loop3A_514 : i32 to vector<16xi32>
        %parallel_loop3A_516 = arith.addi %parallel_loop3A_105, %parallel_loop3A_515 : vector<16xi32>
        %parallel_loop3A_517 = tpu.vector_load_idx %arg5[%parallel_loop3A_516] : memref<26112xf32, #tpu.memory_space<vmem>>[vector<16xi32>], vector<16xf32>,
        %parallel_loop3A_518 = arith.constant 51 : i32
        %parallel_loop3A_519 = arith.index_cast %parallel_loop3A_518 : i32 to index
        %parallel_loop3A_520 = arith.index_cast %parallel_loop3A_102 : i32 to index
        %parallel_loop3A_521 = tpu.vector_load %arg9[%parallel_loop3A_519, %parallel_loop3A_520] {strides = array<i32>} : memref<64x512xf32, #tpu.memory_space<vmem>>, vector<16xf32>,
        tpu.vector_store %arg9[%parallel_loop3A_519, %parallel_loop3A_520], %parallel_loop3A_517 {strides = array<i32>} : memref<64x512xf32, #tpu.memory_space<vmem>>, vector<16xf32>,
        %parallel_loop3A_522 = arith.constant 52 : i32
        %parallel_loop3A_523 = vector.broadcast %parallel_loop3A_522 : i32 to vector<16xi32>
        %parallel_loop3A_524 = arith.addi %parallel_loop3A_105, %parallel_loop3A_523 : vector<16xi32>
        %parallel_loop3A_525 = tpu.vector_load_idx %arg5[%parallel_loop3A_524] : memref<26112xf32, #tpu.memory_space<vmem>>[vector<16xi32>], vector<16xf32>,
        %parallel_loop3A_526 = arith.constant 52 : i32
        %parallel_loop3A_527 = arith.index_cast %parallel_loop3A_526 : i32 to index
        %parallel_loop3A_528 = arith.index_cast %parallel_loop3A_102 : i32 to index
        %parallel_loop3A_529 = tpu.vector_load %arg9[%parallel_loop3A_527, %parallel_loop3A_528] {strides = array<i32>} : memref<64x512xf32, #tpu.memory_space<vmem>>, vector<16xf32>,
        tpu.vector_store %arg9[%parallel_loop3A_527, %parallel_loop3A_528], %parallel_loop3A_525 {strides = array<i32>} : memref<64x512xf32, #tpu.memory_space<vmem>>, vector<16xf32>,
        %parallel_loop3A_530 = arith.constant 53 : i32
        %parallel_loop3A_531 = vector.broadcast %parallel_loop3A_530 : i32 to vector<16xi32>
        %parallel_loop3A_532 = arith.addi %parallel_loop3A_105, %parallel_loop3A_531 : vector<16xi32>
        %parallel_loop3A_533 = tpu.vector_load_idx %arg5[%parallel_loop3A_532] : memref<26112xf32, #tpu.memory_space<vmem>>[vector<16xi32>], vector<16xf32>,
        %parallel_loop3A_534 = arith.constant 53 : i32
        %parallel_loop3A_535 = arith.index_cast %parallel_loop3A_534 : i32 to index
        %parallel_loop3A_536 = arith.index_cast %parallel_loop3A_102 : i32 to index
        %parallel_loop3A_537 = tpu.vector_load %arg9[%parallel_loop3A_535, %parallel_loop3A_536] {strides = array<i32>} : memref<64x512xf32, #tpu.memory_space<vmem>>, vector<16xf32>,
        tpu.vector_store %arg9[%parallel_loop3A_535, %parallel_loop3A_536], %parallel_loop3A_533 {strides = array<i32>} : memref<64x512xf32, #tpu.memory_space<vmem>>, vector<16xf32>,
        %parallel_loop3A_538 = arith.constant 54 : i32
        %parallel_loop3A_539 = vector.broadcast %parallel_loop3A_538 : i32 to vector<16xi32>
        %parallel_loop3A_540 = arith.addi %parallel_loop3A_105, %parallel_loop3A_539 : vector<16xi32>
        %parallel_loop3A_541 = tpu.vector_load_idx %arg5[%parallel_loop3A_540] : memref<26112xf32, #tpu.memory_space<vmem>>[vector<16xi32>], vector<16xf32>,
        %parallel_loop3A_542 = arith.constant 54 : i32
        %parallel_loop3A_543 = arith.index_cast %parallel_loop3A_542 : i32 to index
        %parallel_loop3A_544 = arith.index_cast %parallel_loop3A_102 : i32 to index
        %parallel_loop3A_545 = tpu.vector_load %arg9[%parallel_loop3A_543, %parallel_loop3A_544] {strides = array<i32>} : memref<64x512xf32, #tpu.memory_space<vmem>>, vector<16xf32>,
        tpu.vector_store %arg9[%parallel_loop3A_543, %parallel_loop3A_544], %parallel_loop3A_541 {strides = array<i32>} : memref<64x512xf32, #tpu.memory_space<vmem>>, vector<16xf32>,
        %parallel_loop3A_546 = arith.constant 55 : i32
        %parallel_loop3A_547 = vector.broadcast %parallel_loop3A_546 : i32 to vector<16xi32>
        %parallel_loop3A_548 = arith.addi %parallel_loop3A_105, %parallel_loop3A_547 : vector<16xi32>
        %parallel_loop3A_549 = tpu.vector_load_idx %arg5[%parallel_loop3A_548] : memref<26112xf32, #tpu.memory_space<vmem>>[vector<16xi32>], vector<16xf32>,
        %parallel_loop3A_550 = arith.constant 55 : i32
        %parallel_loop3A_551 = arith.index_cast %parallel_loop3A_550 : i32 to index
        %parallel_loop3A_552 = arith.index_cast %parallel_loop3A_102 : i32 to index
        %parallel_loop3A_553 = tpu.vector_load %arg9[%parallel_loop3A_551, %parallel_loop3A_552] {strides = array<i32>} : memref<64x512xf32, #tpu.memory_space<vmem>>, vector<16xf32>,
        tpu.vector_store %arg9[%parallel_loop3A_551, %parallel_loop3A_552], %parallel_loop3A_549 {strides = array<i32>} : memref<64x512xf32, #tpu.memory_space<vmem>>, vector<16xf32>,
        %parallel_loop3A_554 = arith.constant 56 : i32
        %parallel_loop3A_555 = vector.broadcast %parallel_loop3A_554 : i32 to vector<16xi32>
        %parallel_loop3A_556 = arith.addi %parallel_loop3A_105, %parallel_loop3A_555 : vector<16xi32>
        %parallel_loop3A_557 = tpu.vector_load_idx %arg5[%parallel_loop3A_556] : memref<26112xf32, #tpu.memory_space<vmem>>[vector<16xi32>], vector<16xf32>,
        %parallel_loop3A_558 = arith.constant 56 : i32
        %parallel_loop3A_559 = arith.index_cast %parallel_loop3A_558 : i32 to index
        %parallel_loop3A_560 = arith.index_cast %parallel_loop3A_102 : i32 to index
        %parallel_loop3A_561 = tpu.vector_load %arg9[%parallel_loop3A_559, %parallel_loop3A_560] {strides = array<i32>} : memref<64x512xf32, #tpu.memory_space<vmem>>, vector<16xf32>,
        tpu.vector_store %arg9[%parallel_loop3A_559, %parallel_loop3A_560], %parallel_loop3A_557 {strides = array<i32>} : memref<64x512xf32, #tpu.memory_space<vmem>>, vector<16xf32>,
        %parallel_loop3A_562 = arith.constant 57 : i32
        %parallel_loop3A_563 = vector.broadcast %parallel_loop3A_562 : i32 to vector<16xi32>
        %parallel_loop3A_564 = arith.addi %parallel_loop3A_105, %parallel_loop3A_563 : vector<16xi32>
        %parallel_loop3A_565 = tpu.vector_load_idx %arg5[%parallel_loop3A_564] : memref<26112xf32, #tpu.memory_space<vmem>>[vector<16xi32>], vector<16xf32>,
        %parallel_loop3A_566 = arith.constant 57 : i32
        %parallel_loop3A_567 = arith.index_cast %parallel_loop3A_566 : i32 to index
        %parallel_loop3A_568 = arith.index_cast %parallel_loop3A_102 : i32 to index
        %parallel_loop3A_569 = tpu.vector_load %arg9[%parallel_loop3A_567, %parallel_loop3A_568] {strides = array<i32>} : memref<64x512xf32, #tpu.memory_space<vmem>>, vector<16xf32>,
        tpu.vector_store %arg9[%parallel_loop3A_567, %parallel_loop3A_568], %parallel_loop3A_565 {strides = array<i32>} : memref<64x512xf32, #tpu.memory_space<vmem>>, vector<16xf32>,
        %parallel_loop3A_570 = arith.constant 58 : i32
        %parallel_loop3A_571 = vector.broadcast %parallel_loop3A_570 : i32 to vector<16xi32>
        %parallel_loop3A_572 = arith.addi %parallel_loop3A_105, %parallel_loop3A_571 : vector<16xi32>
        %parallel_loop3A_573 = tpu.vector_load_idx %arg5[%parallel_loop3A_572] : memref<26112xf32, #tpu.memory_space<vmem>>[vector<16xi32>], vector<16xf32>,
        %parallel_loop3A_574 = arith.constant 58 : i32
        %parallel_loop3A_575 = arith.index_cast %parallel_loop3A_574 : i32 to index
        %parallel_loop3A_576 = arith.index_cast %parallel_loop3A_102 : i32 to index
        %parallel_loop3A_577 = tpu.vector_load %arg9[%parallel_loop3A_575, %parallel_loop3A_576] {strides = array<i32>} : memref<64x512xf32, #tpu.memory_space<vmem>>, vector<16xf32>,
        tpu.vector_store %arg9[%parallel_loop3A_575, %parallel_loop3A_576], %parallel_loop3A_573 {strides = array<i32>} : memref<64x512xf32, #tpu.memory_space<vmem>>, vector<16xf32>,
        %parallel_loop3A_578 = arith.constant 59 : i32
        %parallel_loop3A_579 = vector.broadcast %parallel_loop3A_578 : i32 to vector<16xi32>
        %parallel_loop3A_580 = arith.addi %parallel_loop3A_105, %parallel_loop3A_579 : vector<16xi32>
        %parallel_loop3A_581 = tpu.vector_load_idx %arg5[%parallel_loop3A_580] : memref<26112xf32, #tpu.memory_space<vmem>>[vector<16xi32>], vector<16xf32>,
        %parallel_loop3A_582 = arith.constant 59 : i32
        %parallel_loop3A_583 = arith.index_cast %parallel_loop3A_582 : i32 to index
        %parallel_loop3A_584 = arith.index_cast %parallel_loop3A_102 : i32 to index
        %parallel_loop3A_585 = tpu.vector_load %arg9[%parallel_loop3A_583, %parallel_loop3A_584] {strides = array<i32>} : memref<64x512xf32, #tpu.memory_space<vmem>>, vector<16xf32>,
        tpu.vector_store %arg9[%parallel_loop3A_583, %parallel_loop3A_584], %parallel_loop3A_581 {strides = array<i32>} : memref<64x512xf32, #tpu.memory_space<vmem>>, vector<16xf32>,
        %parallel_loop3A_586 = arith.constant 60 : i32
        %parallel_loop3A_587 = vector.broadcast %parallel_loop3A_586 : i32 to vector<16xi32>
        %parallel_loop3A_588 = arith.addi %parallel_loop3A_105, %parallel_loop3A_587 : vector<16xi32>
        %parallel_loop3A_589 = tpu.vector_load_idx %arg5[%parallel_loop3A_588] : memref<26112xf32, #tpu.memory_space<vmem>>[vector<16xi32>], vector<16xf32>,
        %parallel_loop3A_590 = arith.constant 60 : i32
        %parallel_loop3A_591 = arith.index_cast %parallel_loop3A_590 : i32 to index
        %parallel_loop3A_592 = arith.index_cast %parallel_loop3A_102 : i32 to index
        %parallel_loop3A_593 = tpu.vector_load %arg9[%parallel_loop3A_591, %parallel_loop3A_592] {strides = array<i32>} : memref<64x512xf32, #tpu.memory_space<vmem>>, vector<16xf32>,
        tpu.vector_store %arg9[%parallel_loop3A_591, %parallel_loop3A_592], %parallel_loop3A_589 {strides = array<i32>} : memref<64x512xf32, #tpu.memory_space<vmem>>, vector<16xf32>,
        %parallel_loop3A_594 = arith.constant 61 : i32
        %parallel_loop3A_595 = vector.broadcast %parallel_loop3A_594 : i32 to vector<16xi32>
        %parallel_loop3A_596 = arith.addi %parallel_loop3A_105, %parallel_loop3A_595 : vector<16xi32>
        %parallel_loop3A_597 = tpu.vector_load_idx %arg5[%parallel_loop3A_596] : memref<26112xf32, #tpu.memory_space<vmem>>[vector<16xi32>], vector<16xf32>,
        %parallel_loop3A_598 = arith.constant 61 : i32
        %parallel_loop3A_599 = arith.index_cast %parallel_loop3A_598 : i32 to index
        %parallel_loop3A_600 = arith.index_cast %parallel_loop3A_102 : i32 to index
        %parallel_loop3A_601 = tpu.vector_load %arg9[%parallel_loop3A_599, %parallel_loop3A_600] {strides = array<i32>} : memref<64x512xf32, #tpu.memory_space<vmem>>, vector<16xf32>,
        tpu.vector_store %arg9[%parallel_loop3A_599, %parallel_loop3A_600], %parallel_loop3A_597 {strides = array<i32>} : memref<64x512xf32, #tpu.memory_space<vmem>>, vector<16xf32>,
        %parallel_loop3A_602 = arith.constant 62 : i32
        %parallel_loop3A_603 = vector.broadcast %parallel_loop3A_602 : i32 to vector<16xi32>
        %parallel_loop3A_604 = arith.addi %parallel_loop3A_105, %parallel_loop3A_603 : vector<16xi32>
        %parallel_loop3A_605 = tpu.vector_load_idx %arg5[%parallel_loop3A_604] : memref<26112xf32, #tpu.memory_space<vmem>>[vector<16xi32>], vector<16xf32>,
        %parallel_loop3A_606 = arith.constant 62 : i32
        %parallel_loop3A_607 = arith.index_cast %parallel_loop3A_606 : i32 to index
        %parallel_loop3A_608 = arith.index_cast %parallel_loop3A_102 : i32 to index
        %parallel_loop3A_609 = tpu.vector_load %arg9[%parallel_loop3A_607, %parallel_loop3A_608] {strides = array<i32>} : memref<64x512xf32, #tpu.memory_space<vmem>>, vector<16xf32>,
        tpu.vector_store %arg9[%parallel_loop3A_607, %parallel_loop3A_608], %parallel_loop3A_605 {strides = array<i32>} : memref<64x512xf32, #tpu.memory_space<vmem>>, vector<16xf32>,
        %parallel_loop3A_610 = arith.constant 63 : i32
        %parallel_loop3A_611 = vector.broadcast %parallel_loop3A_610 : i32 to vector<16xi32>
        %parallel_loop3A_612 = arith.addi %parallel_loop3A_105, %parallel_loop3A_611 : vector<16xi32>
        %parallel_loop3A_613 = tpu.vector_load_idx %arg5[%parallel_loop3A_612] : memref<26112xf32, #tpu.memory_space<vmem>>[vector<16xi32>], vector<16xf32>,
        %parallel_loop3A_614 = arith.constant 63 : i32
        %parallel_loop3A_615 = arith.index_cast %parallel_loop3A_614 : i32 to index
        %parallel_loop3A_616 = arith.index_cast %parallel_loop3A_102 : i32 to index
        %parallel_loop3A_617 = tpu.vector_load %arg9[%parallel_loop3A_615, %parallel_loop3A_616] {strides = array<i32>} : memref<64x512xf32, #tpu.memory_space<vmem>>, vector<16xf32>,
        tpu.vector_store %arg9[%parallel_loop3A_615, %parallel_loop3A_616], %parallel_loop3A_613 {strides = array<i32>} : memref<64x512xf32, #tpu.memory_space<vmem>>, vector<16xf32>,
      } {sc.loop_unroll_factor = 4 : i64, sc.parallel_access}
      %dma_start3A_70 = arith.constant 0 : i32
      %dma_start3A_71 = tpu.memref_slice %arg4[%add3A_64, %dma_start3A_70, %mul3A_2] : memref<200x64x16384xf32, #tpu.memory_space<hbm>> -> memref<1x64x512xf32, #tpu.memory_space<hbm>>
      %dma_start3A_72 = tpu.memref_squeeze %dma_start3A_71 : memref<1x64x512xf32, #tpu.memory_space<hbm>> -> memref<64x512xf32, #tpu.memory_space<hbm>>
      %dma_start3A_73 = arith.constant 0 : i32
      %dma_start3A_74 = tpu.memref_slice %arg4[%add3A_64, %dma_start3A_73, %mul3A_2] : memref<200x64x16384xf32, #tpu.memory_space<hbm>> -> memref<1x64x512xf32, #tpu.memory_space<hbm>>
      %dma_start3A_75 = tpu.memref_squeeze %dma_start3A_74 : memref<1x64x512xf32, #tpu.memory_space<hbm>> -> memref<64x512xf32, #tpu.memory_space<hbm>>
      tpu.enqueue_dma source(%arg9 : memref<64x512xf32, #tpu.memory_space<vmem>>) target(%dma_start3A_75 : memref<64x512xf32, #tpu.memory_space<hbm>>) target_semaphore(%arg11 : memref<!tpu.dma_semaphore, #tpu.memory_space<semaphore_mem>>)
      %add3A_76 = arith.constant 64 : i32
      %add3A_77 = vector.broadcast %add3A_76 : i32 to vector<16xi32>
      %add3A_78 = arith.addi %scan3A_60, %add3A_77 : vector<16xi32>
      %mul3A_79 = arith.constant 2 : i32
      %mul3A_80 = arith.muli %mul3A_79, %scan3A_59 : i32
      %add3A_81 = arith.constant 1 : i32
      %add3A_82 = arith.addi %mul3A_80, %add3A_81 : i32
      %gt3A_83 = arith.constant 0 : i32
      %gt3A_84 = arith.cmpi sgt, %scan3A_59, %gt3A_83 : i32
      %convert_element_type3A_85 = arith.extui %gt3A_84 : i1 to i32
      %cond3A_86 = arith.constant 0 : i32
      %cond3A_87 = arith.cmpi ne, %convert_element_type3A_85, %cond3A_86 : i32
      scf.if %cond3A_87 {
        %dma_wait3A_100 = arith.constant 0 : i32
        %dma_wait3A_101 = arith.constant 0 : i32
        %dma_wait3A_102 = arith.constant 0 : i32
        %dma_wait3A_103 = tpu.memref_slice %arg4[%dma_wait3A_100, %dma_wait3A_101, %dma_wait3A_102] : memref<200x64x16384xf32, #tpu.memory_space<hbm>> -> memref<1x64x512xf32, #tpu.memory_space<hbm>>
        %dma_wait3A_104 = tpu.memref_squeeze %dma_wait3A_103 : memref<1x64x512xf32, #tpu.memory_space<hbm>> -> memref<64x512xf32, #tpu.memory_space<hbm>>
        %dma_wait3A_105 = arith.constant 0 : i32
        %dma_wait3A_106 = arith.constant 0 : i32
        %dma_wait3A_107 = tpu.memref_slice %arg4[%dma_wait3A_100, %dma_wait3A_105, %dma_wait3A_106] : memref<200x64x16384xf32, #tpu.memory_space<hbm>> -> memref<1x64x512xf32, #tpu.memory_space<hbm>>
        %dma_wait3A_108 = tpu.memref_squeeze %dma_wait3A_107 : memref<1x64x512xf32, #tpu.memory_space<hbm>> -> memref<64x512xf32, #tpu.memory_space<hbm>>
        tpu.wait_dma2 semaphore(%arg11 : memref<!tpu.dma_semaphore, #tpu.memory_space<semaphore_mem>>) src(%dma_wait3A_108 : memref<64x512xf32, #tpu.memory_space<hbm>>) dst(%arg9 : memref<64x512xf32, #tpu.memory_space<vmem>>)
      } else {
      }
      %parallel_loop3A_88 = arith.constant 0 : i32
      %parallel_loop3A_89 = arith.constant 32 : i32
      %parallel_loop3A_90 = arith.constant 1 : i32
      scf.for %parallel_loop3A_100 = %parallel_loop3A_88 to %parallel_loop3A_89 step %parallel_loop3A_90  : i32 {
        %parallel_loop3A_101 = arith.constant 16 : i32
        %parallel_loop3A_102 = arith.muli %parallel_loop3A_100, %parallel_loop3A_101 : i32
        %parallel_loop3A_103 = arith.index_cast %parallel_loop3A_102 : i32 to index
        %parallel_loop3A_104 = tpu.vector_load %arg8[%parallel_loop3A_103] {strides = array<i32>} : memref<512xi32, #tpu.memory_space<vmem>>, vector<16xi32>,
        %parallel_loop3A_105 = arith.addi %parallel_loop3A_104, %add3A_78 : vector<16xi32>
        %parallel_loop3A_106 = arith.constant 0 : i32
        %parallel_loop3A_107 = vector.broadcast %parallel_loop3A_106 : i32 to vector<16xi32>
        %parallel_loop3A_108 = arith.addi %parallel_loop3A_105, %parallel_loop3A_107 : vector<16xi32>
        %parallel_loop3A_109 = tpu.vector_load_idx %arg5[%parallel_loop3A_108] : memref<26112xf32, #tpu.memory_space<vmem>>[vector<16xi32>], vector<16xf32>,
        %parallel_loop3A_110 = arith.constant 0 : i32
        %parallel_loop3A_111 = arith.index_cast %parallel_loop3A_110 : i32 to index
        %parallel_loop3A_112 = arith.index_cast %parallel_loop3A_102 : i32 to index
        %parallel_loop3A_113 = tpu.vector_load %arg10[%parallel_loop3A_111, %parallel_loop3A_112] {strides = array<i32>} : memref<64x512xf32, #tpu.memory_space<vmem>>, vector<16xf32>,
        tpu.vector_store %arg10[%parallel_loop3A_111, %parallel_loop3A_112], %parallel_loop3A_109 {strides = array<i32>} : memref<64x512xf32, #tpu.memory_space<vmem>>, vector<16xf32>,
        %parallel_loop3A_114 = arith.constant 1 : i32
        %parallel_loop3A_115 = vector.broadcast %parallel_loop3A_114 : i32 to vector<16xi32>
        %parallel_loop3A_116 = arith.addi %parallel_loop3A_105, %parallel_loop3A_115 : vector<16xi32>
        %parallel_loop3A_117 = tpu.vector_load_idx %arg5[%parallel_loop3A_116] : memref<26112xf32, #tpu.memory_space<vmem>>[vector<16xi32>], vector<16xf32>,
        %parallel_loop3A_118 = arith.constant 1 : i32
        %parallel_loop3A_119 = arith.index_cast %parallel_loop3A_118 : i32 to index
        %parallel_loop3A_120 = arith.index_cast %parallel_loop3A_102 : i32 to index
        %parallel_loop3A_121 = tpu.vector_load %arg10[%parallel_loop3A_119, %parallel_loop3A_120] {strides = array<i32>} : memref<64x512xf32, #tpu.memory_space<vmem>>, vector<16xf32>,
        tpu.vector_store %arg10[%parallel_loop3A_119, %parallel_loop3A_120], %parallel_loop3A_117 {strides = array<i32>} : memref<64x512xf32, #tpu.memory_space<vmem>>, vector<16xf32>,
        %parallel_loop3A_122 = arith.constant 2 : i32
        %parallel_loop3A_123 = vector.broadcast %parallel_loop3A_122 : i32 to vector<16xi32>
        %parallel_loop3A_124 = arith.addi %parallel_loop3A_105, %parallel_loop3A_123 : vector<16xi32>
        %parallel_loop3A_125 = tpu.vector_load_idx %arg5[%parallel_loop3A_124] : memref<26112xf32, #tpu.memory_space<vmem>>[vector<16xi32>], vector<16xf32>,
        %parallel_loop3A_126 = arith.constant 2 : i32
        %parallel_loop3A_127 = arith.index_cast %parallel_loop3A_126 : i32 to index
        %parallel_loop3A_128 = arith.index_cast %parallel_loop3A_102 : i32 to index
        %parallel_loop3A_129 = tpu.vector_load %arg10[%parallel_loop3A_127, %parallel_loop3A_128] {strides = array<i32>} : memref<64x512xf32, #tpu.memory_space<vmem>>, vector<16xf32>,
        tpu.vector_store %arg10[%parallel_loop3A_127, %parallel_loop3A_128], %parallel_loop3A_125 {strides = array<i32>} : memref<64x512xf32, #tpu.memory_space<vmem>>, vector<16xf32>,
        %parallel_loop3A_130 = arith.constant 3 : i32
        %parallel_loop3A_131 = vector.broadcast %parallel_loop3A_130 : i32 to vector<16xi32>
        %parallel_loop3A_132 = arith.addi %parallel_loop3A_105, %parallel_loop3A_131 : vector<16xi32>
        %parallel_loop3A_133 = tpu.vector_load_idx %arg5[%parallel_loop3A_132] : memref<26112xf32, #tpu.memory_space<vmem>>[vector<16xi32>], vector<16xf32>,
        %parallel_loop3A_134 = arith.constant 3 : i32
        %parallel_loop3A_135 = arith.index_cast %parallel_loop3A_134 : i32 to index
        %parallel_loop3A_136 = arith.index_cast %parallel_loop3A_102 : i32 to index
        %parallel_loop3A_137 = tpu.vector_load %arg10[%parallel_loop3A_135, %parallel_loop3A_136] {strides = array<i32>} : memref<64x512xf32, #tpu.memory_space<vmem>>, vector<16xf32>,
        tpu.vector_store %arg10[%parallel_loop3A_135, %parallel_loop3A_136], %parallel_loop3A_133 {strides = array<i32>} : memref<64x512xf32, #tpu.memory_space<vmem>>, vector<16xf32>,
        %parallel_loop3A_138 = arith.constant 4 : i32
        %parallel_loop3A_139 = vector.broadcast %parallel_loop3A_138 : i32 to vector<16xi32>
        %parallel_loop3A_140 = arith.addi %parallel_loop3A_105, %parallel_loop3A_139 : vector<16xi32>
        %parallel_loop3A_141 = tpu.vector_load_idx %arg5[%parallel_loop3A_140] : memref<26112xf32, #tpu.memory_space<vmem>>[vector<16xi32>], vector<16xf32>,
        %parallel_loop3A_142 = arith.constant 4 : i32
        %parallel_loop3A_143 = arith.index_cast %parallel_loop3A_142 : i32 to index
        %parallel_loop3A_144 = arith.index_cast %parallel_loop3A_102 : i32 to index
        %parallel_loop3A_145 = tpu.vector_load %arg10[%parallel_loop3A_143, %parallel_loop3A_144] {strides = array<i32>} : memref<64x512xf32, #tpu.memory_space<vmem>>, vector<16xf32>,
        tpu.vector_store %arg10[%parallel_loop3A_143, %parallel_loop3A_144], %parallel_loop3A_141 {strides = array<i32>} : memref<64x512xf32, #tpu.memory_space<vmem>>, vector<16xf32>,
        %parallel_loop3A_146 = arith.constant 5 : i32
        %parallel_loop3A_147 = vector.broadcast %parallel_loop3A_146 : i32 to vector<16xi32>
        %parallel_loop3A_148 = arith.addi %parallel_loop3A_105, %parallel_loop3A_147 : vector<16xi32>
        %parallel_loop3A_149 = tpu.vector_load_idx %arg5[%parallel_loop3A_148] : memref<26112xf32, #tpu.memory_space<vmem>>[vector<16xi32>], vector<16xf32>,
        %parallel_loop3A_150 = arith.constant 5 : i32
        %parallel_loop3A_151 = arith.index_cast %parallel_loop3A_150 : i32 to index
        %parallel_loop3A_152 = arith.index_cast %parallel_loop3A_102 : i32 to index
        %parallel_loop3A_153 = tpu.vector_load %arg10[%parallel_loop3A_151, %parallel_loop3A_152] {strides = array<i32>} : memref<64x512xf32, #tpu.memory_space<vmem>>, vector<16xf32>,
        tpu.vector_store %arg10[%parallel_loop3A_151, %parallel_loop3A_152], %parallel_loop3A_149 {strides = array<i32>} : memref<64x512xf32, #tpu.memory_space<vmem>>, vector<16xf32>,
        %parallel_loop3A_154 = arith.constant 6 : i32
        %parallel_loop3A_155 = vector.broadcast %parallel_loop3A_154 : i32 to vector<16xi32>
        %parallel_loop3A_156 = arith.addi %parallel_loop3A_105, %parallel_loop3A_155 : vector<16xi32>
        %parallel_loop3A_157 = tpu.vector_load_idx %arg5[%parallel_loop3A_156] : memref<26112xf32, #tpu.memory_space<vmem>>[vector<16xi32>], vector<16xf32>,
        %parallel_loop3A_158 = arith.constant 6 : i32
        %parallel_loop3A_159 = arith.index_cast %parallel_loop3A_158 : i32 to index
        %parallel_loop3A_160 = arith.index_cast %parallel_loop3A_102 : i32 to index
        %parallel_loop3A_161 = tpu.vector_load %arg10[%parallel_loop3A_159, %parallel_loop3A_160] {strides = array<i32>} : memref<64x512xf32, #tpu.memory_space<vmem>>, vector<16xf32>,
        tpu.vector_store %arg10[%parallel_loop3A_159, %parallel_loop3A_160], %parallel_loop3A_157 {strides = array<i32>} : memref<64x512xf32, #tpu.memory_space<vmem>>, vector<16xf32>,
        %parallel_loop3A_162 = arith.constant 7 : i32
        %parallel_loop3A_163 = vector.broadcast %parallel_loop3A_162 : i32 to vector<16xi32>
        %parallel_loop3A_164 = arith.addi %parallel_loop3A_105, %parallel_loop3A_163 : vector<16xi32>
        %parallel_loop3A_165 = tpu.vector_load_idx %arg5[%parallel_loop3A_164] : memref<26112xf32, #tpu.memory_space<vmem>>[vector<16xi32>], vector<16xf32>,
        %parallel_loop3A_166 = arith.constant 7 : i32
        %parallel_loop3A_167 = arith.index_cast %parallel_loop3A_166 : i32 to index
        %parallel_loop3A_168 = arith.index_cast %parallel_loop3A_102 : i32 to index
        %parallel_loop3A_169 = tpu.vector_load %arg10[%parallel_loop3A_167, %parallel_loop3A_168] {strides = array<i32>} : memref<64x512xf32, #tpu.memory_space<vmem>>, vector<16xf32>,
        tpu.vector_store %arg10[%parallel_loop3A_167, %parallel_loop3A_168], %parallel_loop3A_165 {strides = array<i32>} : memref<64x512xf32, #tpu.memory_space<vmem>>, vector<16xf32>,
        %parallel_loop3A_170 = arith.constant 8 : i32
        %parallel_loop3A_171 = vector.broadcast %parallel_loop3A_170 : i32 to vector<16xi32>
        %parallel_loop3A_172 = arith.addi %parallel_loop3A_105, %parallel_loop3A_171 : vector<16xi32>
        %parallel_loop3A_173 = tpu.vector_load_idx %arg5[%parallel_loop3A_172] : memref<26112xf32, #tpu.memory_space<vmem>>[vector<16xi32>], vector<16xf32>,
        %parallel_loop3A_174 = arith.constant 8 : i32
        %parallel_loop3A_175 = arith.index_cast %parallel_loop3A_174 : i32 to index
        %parallel_loop3A_176 = arith.index_cast %parallel_loop3A_102 : i32 to index
        %parallel_loop3A_177 = tpu.vector_load %arg10[%parallel_loop3A_175, %parallel_loop3A_176] {strides = array<i32>} : memref<64x512xf32, #tpu.memory_space<vmem>>, vector<16xf32>,
        tpu.vector_store %arg10[%parallel_loop3A_175, %parallel_loop3A_176], %parallel_loop3A_173 {strides = array<i32>} : memref<64x512xf32, #tpu.memory_space<vmem>>, vector<16xf32>,
        %parallel_loop3A_178 = arith.constant 9 : i32
        %parallel_loop3A_179 = vector.broadcast %parallel_loop3A_178 : i32 to vector<16xi32>
        %parallel_loop3A_180 = arith.addi %parallel_loop3A_105, %parallel_loop3A_179 : vector<16xi32>
        %parallel_loop3A_181 = tpu.vector_load_idx %arg5[%parallel_loop3A_180] : memref<26112xf32, #tpu.memory_space<vmem>>[vector<16xi32>], vector<16xf32>,
        %parallel_loop3A_182 = arith.constant 9 : i32
        %parallel_loop3A_183 = arith.index_cast %parallel_loop3A_182 : i32 to index
        %parallel_loop3A_184 = arith.index_cast %parallel_loop3A_102 : i32 to index
        %parallel_loop3A_185 = tpu.vector_load %arg10[%parallel_loop3A_183, %parallel_loop3A_184] {strides = array<i32>} : memref<64x512xf32, #tpu.memory_space<vmem>>, vector<16xf32>,
        tpu.vector_store %arg10[%parallel_loop3A_183, %parallel_loop3A_184], %parallel_loop3A_181 {strides = array<i32>} : memref<64x512xf32, #tpu.memory_space<vmem>>, vector<16xf32>,
        %parallel_loop3A_186 = arith.constant 10 : i32
        %parallel_loop3A_187 = vector.broadcast %parallel_loop3A_186 : i32 to vector<16xi32>
        %parallel_loop3A_188 = arith.addi %parallel_loop3A_105, %parallel_loop3A_187 : vector<16xi32>
        %parallel_loop3A_189 = tpu.vector_load_idx %arg5[%parallel_loop3A_188] : memref<26112xf32, #tpu.memory_space<vmem>>[vector<16xi32>], vector<16xf32>,
        %parallel_loop3A_190 = arith.constant 10 : i32
        %parallel_loop3A_191 = arith.index_cast %parallel_loop3A_190 : i32 to index
        %parallel_loop3A_192 = arith.index_cast %parallel_loop3A_102 : i32 to index
        %parallel_loop3A_193 = tpu.vector_load %arg10[%parallel_loop3A_191, %parallel_loop3A_192] {strides = array<i32>} : memref<64x512xf32, #tpu.memory_space<vmem>>, vector<16xf32>,
        tpu.vector_store %arg10[%parallel_loop3A_191, %parallel_loop3A_192], %parallel_loop3A_189 {strides = array<i32>} : memref<64x512xf32, #tpu.memory_space<vmem>>, vector<16xf32>,
        %parallel_loop3A_194 = arith.constant 11 : i32
        %parallel_loop3A_195 = vector.broadcast %parallel_loop3A_194 : i32 to vector<16xi32>
        %parallel_loop3A_196 = arith.addi %parallel_loop3A_105, %parallel_loop3A_195 : vector<16xi32>
        %parallel_loop3A_197 = tpu.vector_load_idx %arg5[%parallel_loop3A_196] : memref<26112xf32, #tpu.memory_space<vmem>>[vector<16xi32>], vector<16xf32>,
        %parallel_loop3A_198 = arith.constant 11 : i32
        %parallel_loop3A_199 = arith.index_cast %parallel_loop3A_198 : i32 to index
        %parallel_loop3A_200 = arith.index_cast %parallel_loop3A_102 : i32 to index
        %parallel_loop3A_201 = tpu.vector_load %arg10[%parallel_loop3A_199, %parallel_loop3A_200] {strides = array<i32>} : memref<64x512xf32, #tpu.memory_space<vmem>>, vector<16xf32>,
        tpu.vector_store %arg10[%parallel_loop3A_199, %parallel_loop3A_200], %parallel_loop3A_197 {strides = array<i32>} : memref<64x512xf32, #tpu.memory_space<vmem>>, vector<16xf32>,
        %parallel_loop3A_202 = arith.constant 12 : i32
        %parallel_loop3A_203 = vector.broadcast %parallel_loop3A_202 : i32 to vector<16xi32>
        %parallel_loop3A_204 = arith.addi %parallel_loop3A_105, %parallel_loop3A_203 : vector<16xi32>
        %parallel_loop3A_205 = tpu.vector_load_idx %arg5[%parallel_loop3A_204] : memref<26112xf32, #tpu.memory_space<vmem>>[vector<16xi32>], vector<16xf32>,
        %parallel_loop3A_206 = arith.constant 12 : i32
        %parallel_loop3A_207 = arith.index_cast %parallel_loop3A_206 : i32 to index
        %parallel_loop3A_208 = arith.index_cast %parallel_loop3A_102 : i32 to index
        %parallel_loop3A_209 = tpu.vector_load %arg10[%parallel_loop3A_207, %parallel_loop3A_208] {strides = array<i32>} : memref<64x512xf32, #tpu.memory_space<vmem>>, vector<16xf32>,
        tpu.vector_store %arg10[%parallel_loop3A_207, %parallel_loop3A_208], %parallel_loop3A_205 {strides = array<i32>} : memref<64x512xf32, #tpu.memory_space<vmem>>, vector<16xf32>,
        %parallel_loop3A_210 = arith.constant 13 : i32
        %parallel_loop3A_211 = vector.broadcast %parallel_loop3A_210 : i32 to vector<16xi32>
        %parallel_loop3A_212 = arith.addi %parallel_loop3A_105, %parallel_loop3A_211 : vector<16xi32>
        %parallel_loop3A_213 = tpu.vector_load_idx %arg5[%parallel_loop3A_212] : memref<26112xf32, #tpu.memory_space<vmem>>[vector<16xi32>], vector<16xf32>,
        %parallel_loop3A_214 = arith.constant 13 : i32
        %parallel_loop3A_215 = arith.index_cast %parallel_loop3A_214 : i32 to index
        %parallel_loop3A_216 = arith.index_cast %parallel_loop3A_102 : i32 to index
        %parallel_loop3A_217 = tpu.vector_load %arg10[%parallel_loop3A_215, %parallel_loop3A_216] {strides = array<i32>} : memref<64x512xf32, #tpu.memory_space<vmem>>, vector<16xf32>,
        tpu.vector_store %arg10[%parallel_loop3A_215, %parallel_loop3A_216], %parallel_loop3A_213 {strides = array<i32>} : memref<64x512xf32, #tpu.memory_space<vmem>>, vector<16xf32>,
        %parallel_loop3A_218 = arith.constant 14 : i32
        %parallel_loop3A_219 = vector.broadcast %parallel_loop3A_218 : i32 to vector<16xi32>
        %parallel_loop3A_220 = arith.addi %parallel_loop3A_105, %parallel_loop3A_219 : vector<16xi32>
        %parallel_loop3A_221 = tpu.vector_load_idx %arg5[%parallel_loop3A_220] : memref<26112xf32, #tpu.memory_space<vmem>>[vector<16xi32>], vector<16xf32>,
        %parallel_loop3A_222 = arith.constant 14 : i32
        %parallel_loop3A_223 = arith.index_cast %parallel_loop3A_222 : i32 to index
        %parallel_loop3A_224 = arith.index_cast %parallel_loop3A_102 : i32 to index
        %parallel_loop3A_225 = tpu.vector_load %arg10[%parallel_loop3A_223, %parallel_loop3A_224] {strides = array<i32>} : memref<64x512xf32, #tpu.memory_space<vmem>>, vector<16xf32>,
        tpu.vector_store %arg10[%parallel_loop3A_223, %parallel_loop3A_224], %parallel_loop3A_221 {strides = array<i32>} : memref<64x512xf32, #tpu.memory_space<vmem>>, vector<16xf32>,
        %parallel_loop3A_226 = arith.constant 15 : i32
        %parallel_loop3A_227 = vector.broadcast %parallel_loop3A_226 : i32 to vector<16xi32>
        %parallel_loop3A_228 = arith.addi %parallel_loop3A_105, %parallel_loop3A_227 : vector<16xi32>
        %parallel_loop3A_229 = tpu.vector_load_idx %arg5[%parallel_loop3A_228] : memref<26112xf32, #tpu.memory_space<vmem>>[vector<16xi32>], vector<16xf32>,
        %parallel_loop3A_230 = arith.constant 15 : i32
        %parallel_loop3A_231 = arith.index_cast %parallel_loop3A_230 : i32 to index
        %parallel_loop3A_232 = arith.index_cast %parallel_loop3A_102 : i32 to index
        %parallel_loop3A_233 = tpu.vector_load %arg10[%parallel_loop3A_231, %parallel_loop3A_232] {strides = array<i32>} : memref<64x512xf32, #tpu.memory_space<vmem>>, vector<16xf32>,
        tpu.vector_store %arg10[%parallel_loop3A_231, %parallel_loop3A_232], %parallel_loop3A_229 {strides = array<i32>} : memref<64x512xf32, #tpu.memory_space<vmem>>, vector<16xf32>,
        %parallel_loop3A_234 = arith.constant 16 : i32
        %parallel_loop3A_235 = vector.broadcast %parallel_loop3A_234 : i32 to vector<16xi32>
        %parallel_loop3A_236 = arith.addi %parallel_loop3A_105, %parallel_loop3A_235 : vector<16xi32>
        %parallel_loop3A_237 = tpu.vector_load_idx %arg5[%parallel_loop3A_236] : memref<26112xf32, #tpu.memory_space<vmem>>[vector<16xi32>], vector<16xf32>,
        %parallel_loop3A_238 = arith.constant 16 : i32
        %parallel_loop3A_239 = arith.index_cast %parallel_loop3A_238 : i32 to index
        %parallel_loop3A_240 = arith.index_cast %parallel_loop3A_102 : i32 to index
        %parallel_loop3A_241 = tpu.vector_load %arg10[%parallel_loop3A_239, %parallel_loop3A_240] {strides = array<i32>} : memref<64x512xf32, #tpu.memory_space<vmem>>, vector<16xf32>,
        tpu.vector_store %arg10[%parallel_loop3A_239, %parallel_loop3A_240], %parallel_loop3A_237 {strides = array<i32>} : memref<64x512xf32, #tpu.memory_space<vmem>>, vector<16xf32>,
        %parallel_loop3A_242 = arith.constant 17 : i32
        %parallel_loop3A_243 = vector.broadcast %parallel_loop3A_242 : i32 to vector<16xi32>
        %parallel_loop3A_244 = arith.addi %parallel_loop3A_105, %parallel_loop3A_243 : vector<16xi32>
        %parallel_loop3A_245 = tpu.vector_load_idx %arg5[%parallel_loop3A_244] : memref<26112xf32, #tpu.memory_space<vmem>>[vector<16xi32>], vector<16xf32>,
        %parallel_loop3A_246 = arith.constant 17 : i32
        %parallel_loop3A_247 = arith.index_cast %parallel_loop3A_246 : i32 to index
        %parallel_loop3A_248 = arith.index_cast %parallel_loop3A_102 : i32 to index
        %parallel_loop3A_249 = tpu.vector_load %arg10[%parallel_loop3A_247, %parallel_loop3A_248] {strides = array<i32>} : memref<64x512xf32, #tpu.memory_space<vmem>>, vector<16xf32>,
        tpu.vector_store %arg10[%parallel_loop3A_247, %parallel_loop3A_248], %parallel_loop3A_245 {strides = array<i32>} : memref<64x512xf32, #tpu.memory_space<vmem>>, vector<16xf32>,
        %parallel_loop3A_250 = arith.constant 18 : i32
        %parallel_loop3A_251 = vector.broadcast %parallel_loop3A_250 : i32 to vector<16xi32>
        %parallel_loop3A_252 = arith.addi %parallel_loop3A_105, %parallel_loop3A_251 : vector<16xi32>
        %parallel_loop3A_253 = tpu.vector_load_idx %arg5[%parallel_loop3A_252] : memref<26112xf32, #tpu.memory_space<vmem>>[vector<16xi32>], vector<16xf32>,
        %parallel_loop3A_254 = arith.constant 18 : i32
        %parallel_loop3A_255 = arith.index_cast %parallel_loop3A_254 : i32 to index
        %parallel_loop3A_256 = arith.index_cast %parallel_loop3A_102 : i32 to index
        %parallel_loop3A_257 = tpu.vector_load %arg10[%parallel_loop3A_255, %parallel_loop3A_256] {strides = array<i32>} : memref<64x512xf32, #tpu.memory_space<vmem>>, vector<16xf32>,
        tpu.vector_store %arg10[%parallel_loop3A_255, %parallel_loop3A_256], %parallel_loop3A_253 {strides = array<i32>} : memref<64x512xf32, #tpu.memory_space<vmem>>, vector<16xf32>,
        %parallel_loop3A_258 = arith.constant 19 : i32
        %parallel_loop3A_259 = vector.broadcast %parallel_loop3A_258 : i32 to vector<16xi32>
        %parallel_loop3A_260 = arith.addi %parallel_loop3A_105, %parallel_loop3A_259 : vector<16xi32>
        %parallel_loop3A_261 = tpu.vector_load_idx %arg5[%parallel_loop3A_260] : memref<26112xf32, #tpu.memory_space<vmem>>[vector<16xi32>], vector<16xf32>,
        %parallel_loop3A_262 = arith.constant 19 : i32
        %parallel_loop3A_263 = arith.index_cast %parallel_loop3A_262 : i32 to index
        %parallel_loop3A_264 = arith.index_cast %parallel_loop3A_102 : i32 to index
        %parallel_loop3A_265 = tpu.vector_load %arg10[%parallel_loop3A_263, %parallel_loop3A_264] {strides = array<i32>} : memref<64x512xf32, #tpu.memory_space<vmem>>, vector<16xf32>,
        tpu.vector_store %arg10[%parallel_loop3A_263, %parallel_loop3A_264], %parallel_loop3A_261 {strides = array<i32>} : memref<64x512xf32, #tpu.memory_space<vmem>>, vector<16xf32>,
        %parallel_loop3A_266 = arith.constant 20 : i32
        %parallel_loop3A_267 = vector.broadcast %parallel_loop3A_266 : i32 to vector<16xi32>
        %parallel_loop3A_268 = arith.addi %parallel_loop3A_105, %parallel_loop3A_267 : vector<16xi32>
        %parallel_loop3A_269 = tpu.vector_load_idx %arg5[%parallel_loop3A_268] : memref<26112xf32, #tpu.memory_space<vmem>>[vector<16xi32>], vector<16xf32>,
        %parallel_loop3A_270 = arith.constant 20 : i32
        %parallel_loop3A_271 = arith.index_cast %parallel_loop3A_270 : i32 to index
        %parallel_loop3A_272 = arith.index_cast %parallel_loop3A_102 : i32 to index
        %parallel_loop3A_273 = tpu.vector_load %arg10[%parallel_loop3A_271, %parallel_loop3A_272] {strides = array<i32>} : memref<64x512xf32, #tpu.memory_space<vmem>>, vector<16xf32>,
        tpu.vector_store %arg10[%parallel_loop3A_271, %parallel_loop3A_272], %parallel_loop3A_269 {strides = array<i32>} : memref<64x512xf32, #tpu.memory_space<vmem>>, vector<16xf32>,
        %parallel_loop3A_274 = arith.constant 21 : i32
        %parallel_loop3A_275 = vector.broadcast %parallel_loop3A_274 : i32 to vector<16xi32>
        %parallel_loop3A_276 = arith.addi %parallel_loop3A_105, %parallel_loop3A_275 : vector<16xi32>
        %parallel_loop3A_277 = tpu.vector_load_idx %arg5[%parallel_loop3A_276] : memref<26112xf32, #tpu.memory_space<vmem>>[vector<16xi32>], vector<16xf32>,
        %parallel_loop3A_278 = arith.constant 21 : i32
        %parallel_loop3A_279 = arith.index_cast %parallel_loop3A_278 : i32 to index
        %parallel_loop3A_280 = arith.index_cast %parallel_loop3A_102 : i32 to index
        %parallel_loop3A_281 = tpu.vector_load %arg10[%parallel_loop3A_279, %parallel_loop3A_280] {strides = array<i32>} : memref<64x512xf32, #tpu.memory_space<vmem>>, vector<16xf32>,
        tpu.vector_store %arg10[%parallel_loop3A_279, %parallel_loop3A_280], %parallel_loop3A_277 {strides = array<i32>} : memref<64x512xf32, #tpu.memory_space<vmem>>, vector<16xf32>,
        %parallel_loop3A_282 = arith.constant 22 : i32
        %parallel_loop3A_283 = vector.broadcast %parallel_loop3A_282 : i32 to vector<16xi32>
        %parallel_loop3A_284 = arith.addi %parallel_loop3A_105, %parallel_loop3A_283 : vector<16xi32>
        %parallel_loop3A_285 = tpu.vector_load_idx %arg5[%parallel_loop3A_284] : memref<26112xf32, #tpu.memory_space<vmem>>[vector<16xi32>], vector<16xf32>,
        %parallel_loop3A_286 = arith.constant 22 : i32
        %parallel_loop3A_287 = arith.index_cast %parallel_loop3A_286 : i32 to index
        %parallel_loop3A_288 = arith.index_cast %parallel_loop3A_102 : i32 to index
        %parallel_loop3A_289 = tpu.vector_load %arg10[%parallel_loop3A_287, %parallel_loop3A_288] {strides = array<i32>} : memref<64x512xf32, #tpu.memory_space<vmem>>, vector<16xf32>,
        tpu.vector_store %arg10[%parallel_loop3A_287, %parallel_loop3A_288], %parallel_loop3A_285 {strides = array<i32>} : memref<64x512xf32, #tpu.memory_space<vmem>>, vector<16xf32>,
        %parallel_loop3A_290 = arith.constant 23 : i32
        %parallel_loop3A_291 = vector.broadcast %parallel_loop3A_290 : i32 to vector<16xi32>
        %parallel_loop3A_292 = arith.addi %parallel_loop3A_105, %parallel_loop3A_291 : vector<16xi32>
        %parallel_loop3A_293 = tpu.vector_load_idx %arg5[%parallel_loop3A_292] : memref<26112xf32, #tpu.memory_space<vmem>>[vector<16xi32>], vector<16xf32>,
        %parallel_loop3A_294 = arith.constant 23 : i32
        %parallel_loop3A_295 = arith.index_cast %parallel_loop3A_294 : i32 to index
        %parallel_loop3A_296 = arith.index_cast %parallel_loop3A_102 : i32 to index
        %parallel_loop3A_297 = tpu.vector_load %arg10[%parallel_loop3A_295, %parallel_loop3A_296] {strides = array<i32>} : memref<64x512xf32, #tpu.memory_space<vmem>>, vector<16xf32>,
        tpu.vector_store %arg10[%parallel_loop3A_295, %parallel_loop3A_296], %parallel_loop3A_293 {strides = array<i32>} : memref<64x512xf32, #tpu.memory_space<vmem>>, vector<16xf32>,
        %parallel_loop3A_298 = arith.constant 24 : i32
        %parallel_loop3A_299 = vector.broadcast %parallel_loop3A_298 : i32 to vector<16xi32>
        %parallel_loop3A_300 = arith.addi %parallel_loop3A_105, %parallel_loop3A_299 : vector<16xi32>
        %parallel_loop3A_301 = tpu.vector_load_idx %arg5[%parallel_loop3A_300] : memref<26112xf32, #tpu.memory_space<vmem>>[vector<16xi32>], vector<16xf32>,
        %parallel_loop3A_302 = arith.constant 24 : i32
        %parallel_loop3A_303 = arith.index_cast %parallel_loop3A_302 : i32 to index
        %parallel_loop3A_304 = arith.index_cast %parallel_loop3A_102 : i32 to index
        %parallel_loop3A_305 = tpu.vector_load %arg10[%parallel_loop3A_303, %parallel_loop3A_304] {strides = array<i32>} : memref<64x512xf32, #tpu.memory_space<vmem>>, vector<16xf32>,
        tpu.vector_store %arg10[%parallel_loop3A_303, %parallel_loop3A_304], %parallel_loop3A_301 {strides = array<i32>} : memref<64x512xf32, #tpu.memory_space<vmem>>, vector<16xf32>,
        %parallel_loop3A_306 = arith.constant 25 : i32
        %parallel_loop3A_307 = vector.broadcast %parallel_loop3A_306 : i32 to vector<16xi32>
        %parallel_loop3A_308 = arith.addi %parallel_loop3A_105, %parallel_loop3A_307 : vector<16xi32>
        %parallel_loop3A_309 = tpu.vector_load_idx %arg5[%parallel_loop3A_308] : memref<26112xf32, #tpu.memory_space<vmem>>[vector<16xi32>], vector<16xf32>,
        %parallel_loop3A_310 = arith.constant 25 : i32
        %parallel_loop3A_311 = arith.index_cast %parallel_loop3A_310 : i32 to index
        %parallel_loop3A_312 = arith.index_cast %parallel_loop3A_102 : i32 to index
        %parallel_loop3A_313 = tpu.vector_load %arg10[%parallel_loop3A_311, %parallel_loop3A_312] {strides = array<i32>} : memref<64x512xf32, #tpu.memory_space<vmem>>, vector<16xf32>,
        tpu.vector_store %arg10[%parallel_loop3A_311, %parallel_loop3A_312], %parallel_loop3A_309 {strides = array<i32>} : memref<64x512xf32, #tpu.memory_space<vmem>>, vector<16xf32>,
        %parallel_loop3A_314 = arith.constant 26 : i32
        %parallel_loop3A_315 = vector.broadcast %parallel_loop3A_314 : i32 to vector<16xi32>
        %parallel_loop3A_316 = arith.addi %parallel_loop3A_105, %parallel_loop3A_315 : vector<16xi32>
        %parallel_loop3A_317 = tpu.vector_load_idx %arg5[%parallel_loop3A_316] : memref<26112xf32, #tpu.memory_space<vmem>>[vector<16xi32>], vector<16xf32>,
        %parallel_loop3A_318 = arith.constant 26 : i32
        %parallel_loop3A_319 = arith.index_cast %parallel_loop3A_318 : i32 to index
        %parallel_loop3A_320 = arith.index_cast %parallel_loop3A_102 : i32 to index
        %parallel_loop3A_321 = tpu.vector_load %arg10[%parallel_loop3A_319, %parallel_loop3A_320] {strides = array<i32>} : memref<64x512xf32, #tpu.memory_space<vmem>>, vector<16xf32>,
        tpu.vector_store %arg10[%parallel_loop3A_319, %parallel_loop3A_320], %parallel_loop3A_317 {strides = array<i32>} : memref<64x512xf32, #tpu.memory_space<vmem>>, vector<16xf32>,
        %parallel_loop3A_322 = arith.constant 27 : i32
        %parallel_loop3A_323 = vector.broadcast %parallel_loop3A_322 : i32 to vector<16xi32>
        %parallel_loop3A_324 = arith.addi %parallel_loop3A_105, %parallel_loop3A_323 : vector<16xi32>
        %parallel_loop3A_325 = tpu.vector_load_idx %arg5[%parallel_loop3A_324] : memref<26112xf32, #tpu.memory_space<vmem>>[vector<16xi32>], vector<16xf32>,
        %parallel_loop3A_326 = arith.constant 27 : i32
        %parallel_loop3A_327 = arith.index_cast %parallel_loop3A_326 : i32 to index
        %parallel_loop3A_328 = arith.index_cast %parallel_loop3A_102 : i32 to index
        %parallel_loop3A_329 = tpu.vector_load %arg10[%parallel_loop3A_327, %parallel_loop3A_328] {strides = array<i32>} : memref<64x512xf32, #tpu.memory_space<vmem>>, vector<16xf32>,
        tpu.vector_store %arg10[%parallel_loop3A_327, %parallel_loop3A_328], %parallel_loop3A_325 {strides = array<i32>} : memref<64x512xf32, #tpu.memory_space<vmem>>, vector<16xf32>,
        %parallel_loop3A_330 = arith.constant 28 : i32
        %parallel_loop3A_331 = vector.broadcast %parallel_loop3A_330 : i32 to vector<16xi32>
        %parallel_loop3A_332 = arith.addi %parallel_loop3A_105, %parallel_loop3A_331 : vector<16xi32>
        %parallel_loop3A_333 = tpu.vector_load_idx %arg5[%parallel_loop3A_332] : memref<26112xf32, #tpu.memory_space<vmem>>[vector<16xi32>], vector<16xf32>,
        %parallel_loop3A_334 = arith.constant 28 : i32
        %parallel_loop3A_335 = arith.index_cast %parallel_loop3A_334 : i32 to index
        %parallel_loop3A_336 = arith.index_cast %parallel_loop3A_102 : i32 to index
        %parallel_loop3A_337 = tpu.vector_load %arg10[%parallel_loop3A_335, %parallel_loop3A_336] {strides = array<i32>} : memref<64x512xf32, #tpu.memory_space<vmem>>, vector<16xf32>,
        tpu.vector_store %arg10[%parallel_loop3A_335, %parallel_loop3A_336], %parallel_loop3A_333 {strides = array<i32>} : memref<64x512xf32, #tpu.memory_space<vmem>>, vector<16xf32>,
        %parallel_loop3A_338 = arith.constant 29 : i32
        %parallel_loop3A_339 = vector.broadcast %parallel_loop3A_338 : i32 to vector<16xi32>
        %parallel_loop3A_340 = arith.addi %parallel_loop3A_105, %parallel_loop3A_339 : vector<16xi32>
        %parallel_loop3A_341 = tpu.vector_load_idx %arg5[%parallel_loop3A_340] : memref<26112xf32, #tpu.memory_space<vmem>>[vector<16xi32>], vector<16xf32>,
        %parallel_loop3A_342 = arith.constant 29 : i32
        %parallel_loop3A_343 = arith.index_cast %parallel_loop3A_342 : i32 to index
        %parallel_loop3A_344 = arith.index_cast %parallel_loop3A_102 : i32 to index
        %parallel_loop3A_345 = tpu.vector_load %arg10[%parallel_loop3A_343, %parallel_loop3A_344] {strides = array<i32>} : memref<64x512xf32, #tpu.memory_space<vmem>>, vector<16xf32>,
        tpu.vector_store %arg10[%parallel_loop3A_343, %parallel_loop3A_344], %parallel_loop3A_341 {strides = array<i32>} : memref<64x512xf32, #tpu.memory_space<vmem>>, vector<16xf32>,
        %parallel_loop3A_346 = arith.constant 30 : i32
        %parallel_loop3A_347 = vector.broadcast %parallel_loop3A_346 : i32 to vector<16xi32>
        %parallel_loop3A_348 = arith.addi %parallel_loop3A_105, %parallel_loop3A_347 : vector<16xi32>
        %parallel_loop3A_349 = tpu.vector_load_idx %arg5[%parallel_loop3A_348] : memref<26112xf32, #tpu.memory_space<vmem>>[vector<16xi32>], vector<16xf32>,
        %parallel_loop3A_350 = arith.constant 30 : i32
        %parallel_loop3A_351 = arith.index_cast %parallel_loop3A_350 : i32 to index
        %parallel_loop3A_352 = arith.index_cast %parallel_loop3A_102 : i32 to index
        %parallel_loop3A_353 = tpu.vector_load %arg10[%parallel_loop3A_351, %parallel_loop3A_352] {strides = array<i32>} : memref<64x512xf32, #tpu.memory_space<vmem>>, vector<16xf32>,
        tpu.vector_store %arg10[%parallel_loop3A_351, %parallel_loop3A_352], %parallel_loop3A_349 {strides = array<i32>} : memref<64x512xf32, #tpu.memory_space<vmem>>, vector<16xf32>,
        %parallel_loop3A_354 = arith.constant 31 : i32
        %parallel_loop3A_355 = vector.broadcast %parallel_loop3A_354 : i32 to vector<16xi32>
        %parallel_loop3A_356 = arith.addi %parallel_loop3A_105, %parallel_loop3A_355 : vector<16xi32>
        %parallel_loop3A_357 = tpu.vector_load_idx %arg5[%parallel_loop3A_356] : memref<26112xf32, #tpu.memory_space<vmem>>[vector<16xi32>], vector<16xf32>,
        %parallel_loop3A_358 = arith.constant 31 : i32
        %parallel_loop3A_359 = arith.index_cast %parallel_loop3A_358 : i32 to index
        %parallel_loop3A_360 = arith.index_cast %parallel_loop3A_102 : i32 to index
        %parallel_loop3A_361 = tpu.vector_load %arg10[%parallel_loop3A_359, %parallel_loop3A_360] {strides = array<i32>} : memref<64x512xf32, #tpu.memory_space<vmem>>, vector<16xf32>,
        tpu.vector_store %arg10[%parallel_loop3A_359, %parallel_loop3A_360], %parallel_loop3A_357 {strides = array<i32>} : memref<64x512xf32, #tpu.memory_space<vmem>>, vector<16xf32>,
        %parallel_loop3A_362 = arith.constant 32 : i32
        %parallel_loop3A_363 = vector.broadcast %parallel_loop3A_362 : i32 to vector<16xi32>
        %parallel_loop3A_364 = arith.addi %parallel_loop3A_105, %parallel_loop3A_363 : vector<16xi32>
        %parallel_loop3A_365 = tpu.vector_load_idx %arg5[%parallel_loop3A_364] : memref<26112xf32, #tpu.memory_space<vmem>>[vector<16xi32>], vector<16xf32>,
        %parallel_loop3A_366 = arith.constant 32 : i32
        %parallel_loop3A_367 = arith.index_cast %parallel_loop3A_366 : i32 to index
        %parallel_loop3A_368 = arith.index_cast %parallel_loop3A_102 : i32 to index
        %parallel_loop3A_369 = tpu.vector_load %arg10[%parallel_loop3A_367, %parallel_loop3A_368] {strides = array<i32>} : memref<64x512xf32, #tpu.memory_space<vmem>>, vector<16xf32>,
        tpu.vector_store %arg10[%parallel_loop3A_367, %parallel_loop3A_368], %parallel_loop3A_365 {strides = array<i32>} : memref<64x512xf32, #tpu.memory_space<vmem>>, vector<16xf32>,
        %parallel_loop3A_370 = arith.constant 33 : i32
        %parallel_loop3A_371 = vector.broadcast %parallel_loop3A_370 : i32 to vector<16xi32>
        %parallel_loop3A_372 = arith.addi %parallel_loop3A_105, %parallel_loop3A_371 : vector<16xi32>
        %parallel_loop3A_373 = tpu.vector_load_idx %arg5[%parallel_loop3A_372] : memref<26112xf32, #tpu.memory_space<vmem>>[vector<16xi32>], vector<16xf32>,
        %parallel_loop3A_374 = arith.constant 33 : i32
        %parallel_loop3A_375 = arith.index_cast %parallel_loop3A_374 : i32 to index
        %parallel_loop3A_376 = arith.index_cast %parallel_loop3A_102 : i32 to index
        %parallel_loop3A_377 = tpu.vector_load %arg10[%parallel_loop3A_375, %parallel_loop3A_376] {strides = array<i32>} : memref<64x512xf32, #tpu.memory_space<vmem>>, vector<16xf32>,
        tpu.vector_store %arg10[%parallel_loop3A_375, %parallel_loop3A_376], %parallel_loop3A_373 {strides = array<i32>} : memref<64x512xf32, #tpu.memory_space<vmem>>, vector<16xf32>,
        %parallel_loop3A_378 = arith.constant 34 : i32
        %parallel_loop3A_379 = vector.broadcast %parallel_loop3A_378 : i32 to vector<16xi32>
        %parallel_loop3A_380 = arith.addi %parallel_loop3A_105, %parallel_loop3A_379 : vector<16xi32>
        %parallel_loop3A_381 = tpu.vector_load_idx %arg5[%parallel_loop3A_380] : memref<26112xf32, #tpu.memory_space<vmem>>[vector<16xi32>], vector<16xf32>,
        %parallel_loop3A_382 = arith.constant 34 : i32
        %parallel_loop3A_383 = arith.index_cast %parallel_loop3A_382 : i32 to index
        %parallel_loop3A_384 = arith.index_cast %parallel_loop3A_102 : i32 to index
        %parallel_loop3A_385 = tpu.vector_load %arg10[%parallel_loop3A_383, %parallel_loop3A_384] {strides = array<i32>} : memref<64x512xf32, #tpu.memory_space<vmem>>, vector<16xf32>,
        tpu.vector_store %arg10[%parallel_loop3A_383, %parallel_loop3A_384], %parallel_loop3A_381 {strides = array<i32>} : memref<64x512xf32, #tpu.memory_space<vmem>>, vector<16xf32>,
        %parallel_loop3A_386 = arith.constant 35 : i32
        %parallel_loop3A_387 = vector.broadcast %parallel_loop3A_386 : i32 to vector<16xi32>
        %parallel_loop3A_388 = arith.addi %parallel_loop3A_105, %parallel_loop3A_387 : vector<16xi32>
        %parallel_loop3A_389 = tpu.vector_load_idx %arg5[%parallel_loop3A_388] : memref<26112xf32, #tpu.memory_space<vmem>>[vector<16xi32>], vector<16xf32>,
        %parallel_loop3A_390 = arith.constant 35 : i32
        %parallel_loop3A_391 = arith.index_cast %parallel_loop3A_390 : i32 to index
        %parallel_loop3A_392 = arith.index_cast %parallel_loop3A_102 : i32 to index
        %parallel_loop3A_393 = tpu.vector_load %arg10[%parallel_loop3A_391, %parallel_loop3A_392] {strides = array<i32>} : memref<64x512xf32, #tpu.memory_space<vmem>>, vector<16xf32>,
        tpu.vector_store %arg10[%parallel_loop3A_391, %parallel_loop3A_392], %parallel_loop3A_389 {strides = array<i32>} : memref<64x512xf32, #tpu.memory_space<vmem>>, vector<16xf32>,
        %parallel_loop3A_394 = arith.constant 36 : i32
        %parallel_loop3A_395 = vector.broadcast %parallel_loop3A_394 : i32 to vector<16xi32>
        %parallel_loop3A_396 = arith.addi %parallel_loop3A_105, %parallel_loop3A_395 : vector<16xi32>
        %parallel_loop3A_397 = tpu.vector_load_idx %arg5[%parallel_loop3A_396] : memref<26112xf32, #tpu.memory_space<vmem>>[vector<16xi32>], vector<16xf32>,
        %parallel_loop3A_398 = arith.constant 36 : i32
        %parallel_loop3A_399 = arith.index_cast %parallel_loop3A_398 : i32 to index
        %parallel_loop3A_400 = arith.index_cast %parallel_loop3A_102 : i32 to index
        %parallel_loop3A_401 = tpu.vector_load %arg10[%parallel_loop3A_399, %parallel_loop3A_400] {strides = array<i32>} : memref<64x512xf32, #tpu.memory_space<vmem>>, vector<16xf32>,
        tpu.vector_store %arg10[%parallel_loop3A_399, %parallel_loop3A_400], %parallel_loop3A_397 {strides = array<i32>} : memref<64x512xf32, #tpu.memory_space<vmem>>, vector<16xf32>,
        %parallel_loop3A_402 = arith.constant 37 : i32
        %parallel_loop3A_403 = vector.broadcast %parallel_loop3A_402 : i32 to vector<16xi32>
        %parallel_loop3A_404 = arith.addi %parallel_loop3A_105, %parallel_loop3A_403 : vector<16xi32>
        %parallel_loop3A_405 = tpu.vector_load_idx %arg5[%parallel_loop3A_404] : memref<26112xf32, #tpu.memory_space<vmem>>[vector<16xi32>], vector<16xf32>,
        %parallel_loop3A_406 = arith.constant 37 : i32
        %parallel_loop3A_407 = arith.index_cast %parallel_loop3A_406 : i32 to index
        %parallel_loop3A_408 = arith.index_cast %parallel_loop3A_102 : i32 to index
        %parallel_loop3A_409 = tpu.vector_load %arg10[%parallel_loop3A_407, %parallel_loop3A_408] {strides = array<i32>} : memref<64x512xf32, #tpu.memory_space<vmem>>, vector<16xf32>,
        tpu.vector_store %arg10[%parallel_loop3A_407, %parallel_loop3A_408], %parallel_loop3A_405 {strides = array<i32>} : memref<64x512xf32, #tpu.memory_space<vmem>>, vector<16xf32>,
        %parallel_loop3A_410 = arith.constant 38 : i32
        %parallel_loop3A_411 = vector.broadcast %parallel_loop3A_410 : i32 to vector<16xi32>
        %parallel_loop3A_412 = arith.addi %parallel_loop3A_105, %parallel_loop3A_411 : vector<16xi32>
        %parallel_loop3A_413 = tpu.vector_load_idx %arg5[%parallel_loop3A_412] : memref<26112xf32, #tpu.memory_space<vmem>>[vector<16xi32>], vector<16xf32>,
        %parallel_loop3A_414 = arith.constant 38 : i32
        %parallel_loop3A_415 = arith.index_cast %parallel_loop3A_414 : i32 to index
        %parallel_loop3A_416 = arith.index_cast %parallel_loop3A_102 : i32 to index
        %parallel_loop3A_417 = tpu.vector_load %arg10[%parallel_loop3A_415, %parallel_loop3A_416] {strides = array<i32>} : memref<64x512xf32, #tpu.memory_space<vmem>>, vector<16xf32>,
        tpu.vector_store %arg10[%parallel_loop3A_415, %parallel_loop3A_416], %parallel_loop3A_413 {strides = array<i32>} : memref<64x512xf32, #tpu.memory_space<vmem>>, vector<16xf32>,
        %parallel_loop3A_418 = arith.constant 39 : i32
        %parallel_loop3A_419 = vector.broadcast %parallel_loop3A_418 : i32 to vector<16xi32>
        %parallel_loop3A_420 = arith.addi %parallel_loop3A_105, %parallel_loop3A_419 : vector<16xi32>
        %parallel_loop3A_421 = tpu.vector_load_idx %arg5[%parallel_loop3A_420] : memref<26112xf32, #tpu.memory_space<vmem>>[vector<16xi32>], vector<16xf32>,
        %parallel_loop3A_422 = arith.constant 39 : i32
        %parallel_loop3A_423 = arith.index_cast %parallel_loop3A_422 : i32 to index
        %parallel_loop3A_424 = arith.index_cast %parallel_loop3A_102 : i32 to index
        %parallel_loop3A_425 = tpu.vector_load %arg10[%parallel_loop3A_423, %parallel_loop3A_424] {strides = array<i32>} : memref<64x512xf32, #tpu.memory_space<vmem>>, vector<16xf32>,
        tpu.vector_store %arg10[%parallel_loop3A_423, %parallel_loop3A_424], %parallel_loop3A_421 {strides = array<i32>} : memref<64x512xf32, #tpu.memory_space<vmem>>, vector<16xf32>,
        %parallel_loop3A_426 = arith.constant 40 : i32
        %parallel_loop3A_427 = vector.broadcast %parallel_loop3A_426 : i32 to vector<16xi32>
        %parallel_loop3A_428 = arith.addi %parallel_loop3A_105, %parallel_loop3A_427 : vector<16xi32>
        %parallel_loop3A_429 = tpu.vector_load_idx %arg5[%parallel_loop3A_428] : memref<26112xf32, #tpu.memory_space<vmem>>[vector<16xi32>], vector<16xf32>,
        %parallel_loop3A_430 = arith.constant 40 : i32
        %parallel_loop3A_431 = arith.index_cast %parallel_loop3A_430 : i32 to index
        %parallel_loop3A_432 = arith.index_cast %parallel_loop3A_102 : i32 to index
        %parallel_loop3A_433 = tpu.vector_load %arg10[%parallel_loop3A_431, %parallel_loop3A_432] {strides = array<i32>} : memref<64x512xf32, #tpu.memory_space<vmem>>, vector<16xf32>,
        tpu.vector_store %arg10[%parallel_loop3A_431, %parallel_loop3A_432], %parallel_loop3A_429 {strides = array<i32>} : memref<64x512xf32, #tpu.memory_space<vmem>>, vector<16xf32>,
        %parallel_loop3A_434 = arith.constant 41 : i32
        %parallel_loop3A_435 = vector.broadcast %parallel_loop3A_434 : i32 to vector<16xi32>
        %parallel_loop3A_436 = arith.addi %parallel_loop3A_105, %parallel_loop3A_435 : vector<16xi32>
        %parallel_loop3A_437 = tpu.vector_load_idx %arg5[%parallel_loop3A_436] : memref<26112xf32, #tpu.memory_space<vmem>>[vector<16xi32>], vector<16xf32>,
        %parallel_loop3A_438 = arith.constant 41 : i32
        %parallel_loop3A_439 = arith.index_cast %parallel_loop3A_438 : i32 to index
        %parallel_loop3A_440 = arith.index_cast %parallel_loop3A_102 : i32 to index
        %parallel_loop3A_441 = tpu.vector_load %arg10[%parallel_loop3A_439, %parallel_loop3A_440] {strides = array<i32>} : memref<64x512xf32, #tpu.memory_space<vmem>>, vector<16xf32>,
        tpu.vector_store %arg10[%parallel_loop3A_439, %parallel_loop3A_440], %parallel_loop3A_437 {strides = array<i32>} : memref<64x512xf32, #tpu.memory_space<vmem>>, vector<16xf32>,
        %parallel_loop3A_442 = arith.constant 42 : i32
        %parallel_loop3A_443 = vector.broadcast %parallel_loop3A_442 : i32 to vector<16xi32>
        %parallel_loop3A_444 = arith.addi %parallel_loop3A_105, %parallel_loop3A_443 : vector<16xi32>
        %parallel_loop3A_445 = tpu.vector_load_idx %arg5[%parallel_loop3A_444] : memref<26112xf32, #tpu.memory_space<vmem>>[vector<16xi32>], vector<16xf32>,
        %parallel_loop3A_446 = arith.constant 42 : i32
        %parallel_loop3A_447 = arith.index_cast %parallel_loop3A_446 : i32 to index
        %parallel_loop3A_448 = arith.index_cast %parallel_loop3A_102 : i32 to index
        %parallel_loop3A_449 = tpu.vector_load %arg10[%parallel_loop3A_447, %parallel_loop3A_448] {strides = array<i32>} : memref<64x512xf32, #tpu.memory_space<vmem>>, vector<16xf32>,
        tpu.vector_store %arg10[%parallel_loop3A_447, %parallel_loop3A_448], %parallel_loop3A_445 {strides = array<i32>} : memref<64x512xf32, #tpu.memory_space<vmem>>, vector<16xf32>,
        %parallel_loop3A_450 = arith.constant 43 : i32
        %parallel_loop3A_451 = vector.broadcast %parallel_loop3A_450 : i32 to vector<16xi32>
        %parallel_loop3A_452 = arith.addi %parallel_loop3A_105, %parallel_loop3A_451 : vector<16xi32>
        %parallel_loop3A_453 = tpu.vector_load_idx %arg5[%parallel_loop3A_452] : memref<26112xf32, #tpu.memory_space<vmem>>[vector<16xi32>], vector<16xf32>,
        %parallel_loop3A_454 = arith.constant 43 : i32
        %parallel_loop3A_455 = arith.index_cast %parallel_loop3A_454 : i32 to index
        %parallel_loop3A_456 = arith.index_cast %parallel_loop3A_102 : i32 to index
        %parallel_loop3A_457 = tpu.vector_load %arg10[%parallel_loop3A_455, %parallel_loop3A_456] {strides = array<i32>} : memref<64x512xf32, #tpu.memory_space<vmem>>, vector<16xf32>,
        tpu.vector_store %arg10[%parallel_loop3A_455, %parallel_loop3A_456], %parallel_loop3A_453 {strides = array<i32>} : memref<64x512xf32, #tpu.memory_space<vmem>>, vector<16xf32>,
        %parallel_loop3A_458 = arith.constant 44 : i32
        %parallel_loop3A_459 = vector.broadcast %parallel_loop3A_458 : i32 to vector<16xi32>
        %parallel_loop3A_460 = arith.addi %parallel_loop3A_105, %parallel_loop3A_459 : vector<16xi32>
        %parallel_loop3A_461 = tpu.vector_load_idx %arg5[%parallel_loop3A_460] : memref<26112xf32, #tpu.memory_space<vmem>>[vector<16xi32>], vector<16xf32>,
        %parallel_loop3A_462 = arith.constant 44 : i32
        %parallel_loop3A_463 = arith.index_cast %parallel_loop3A_462 : i32 to index
        %parallel_loop3A_464 = arith.index_cast %parallel_loop3A_102 : i32 to index
        %parallel_loop3A_465 = tpu.vector_load %arg10[%parallel_loop3A_463, %parallel_loop3A_464] {strides = array<i32>} : memref<64x512xf32, #tpu.memory_space<vmem>>, vector<16xf32>,
        tpu.vector_store %arg10[%parallel_loop3A_463, %parallel_loop3A_464], %parallel_loop3A_461 {strides = array<i32>} : memref<64x512xf32, #tpu.memory_space<vmem>>, vector<16xf32>,
        %parallel_loop3A_466 = arith.constant 45 : i32
        %parallel_loop3A_467 = vector.broadcast %parallel_loop3A_466 : i32 to vector<16xi32>
        %parallel_loop3A_468 = arith.addi %parallel_loop3A_105, %parallel_loop3A_467 : vector<16xi32>
        %parallel_loop3A_469 = tpu.vector_load_idx %arg5[%parallel_loop3A_468] : memref<26112xf32, #tpu.memory_space<vmem>>[vector<16xi32>], vector<16xf32>,
        %parallel_loop3A_470 = arith.constant 45 : i32
        %parallel_loop3A_471 = arith.index_cast %parallel_loop3A_470 : i32 to index
        %parallel_loop3A_472 = arith.index_cast %parallel_loop3A_102 : i32 to index
        %parallel_loop3A_473 = tpu.vector_load %arg10[%parallel_loop3A_471, %parallel_loop3A_472] {strides = array<i32>} : memref<64x512xf32, #tpu.memory_space<vmem>>, vector<16xf32>,
        tpu.vector_store %arg10[%parallel_loop3A_471, %parallel_loop3A_472], %parallel_loop3A_469 {strides = array<i32>} : memref<64x512xf32, #tpu.memory_space<vmem>>, vector<16xf32>,
        %parallel_loop3A_474 = arith.constant 46 : i32
        %parallel_loop3A_475 = vector.broadcast %parallel_loop3A_474 : i32 to vector<16xi32>
        %parallel_loop3A_476 = arith.addi %parallel_loop3A_105, %parallel_loop3A_475 : vector<16xi32>
        %parallel_loop3A_477 = tpu.vector_load_idx %arg5[%parallel_loop3A_476] : memref<26112xf32, #tpu.memory_space<vmem>>[vector<16xi32>], vector<16xf32>,
        %parallel_loop3A_478 = arith.constant 46 : i32
        %parallel_loop3A_479 = arith.index_cast %parallel_loop3A_478 : i32 to index
        %parallel_loop3A_480 = arith.index_cast %parallel_loop3A_102 : i32 to index
        %parallel_loop3A_481 = tpu.vector_load %arg10[%parallel_loop3A_479, %parallel_loop3A_480] {strides = array<i32>} : memref<64x512xf32, #tpu.memory_space<vmem>>, vector<16xf32>,
        tpu.vector_store %arg10[%parallel_loop3A_479, %parallel_loop3A_480], %parallel_loop3A_477 {strides = array<i32>} : memref<64x512xf32, #tpu.memory_space<vmem>>, vector<16xf32>,
        %parallel_loop3A_482 = arith.constant 47 : i32
        %parallel_loop3A_483 = vector.broadcast %parallel_loop3A_482 : i32 to vector<16xi32>
        %parallel_loop3A_484 = arith.addi %parallel_loop3A_105, %parallel_loop3A_483 : vector<16xi32>
        %parallel_loop3A_485 = tpu.vector_load_idx %arg5[%parallel_loop3A_484] : memref<26112xf32, #tpu.memory_space<vmem>>[vector<16xi32>], vector<16xf32>,
        %parallel_loop3A_486 = arith.constant 47 : i32
        %parallel_loop3A_487 = arith.index_cast %parallel_loop3A_486 : i32 to index
        %parallel_loop3A_488 = arith.index_cast %parallel_loop3A_102 : i32 to index
        %parallel_loop3A_489 = tpu.vector_load %arg10[%parallel_loop3A_487, %parallel_loop3A_488] {strides = array<i32>} : memref<64x512xf32, #tpu.memory_space<vmem>>, vector<16xf32>,
        tpu.vector_store %arg10[%parallel_loop3A_487, %parallel_loop3A_488], %parallel_loop3A_485 {strides = array<i32>} : memref<64x512xf32, #tpu.memory_space<vmem>>, vector<16xf32>,
        %parallel_loop3A_490 = arith.constant 48 : i32
        %parallel_loop3A_491 = vector.broadcast %parallel_loop3A_490 : i32 to vector<16xi32>
        %parallel_loop3A_492 = arith.addi %parallel_loop3A_105, %parallel_loop3A_491 : vector<16xi32>
        %parallel_loop3A_493 = tpu.vector_load_idx %arg5[%parallel_loop3A_492] : memref<26112xf32, #tpu.memory_space<vmem>>[vector<16xi32>], vector<16xf32>,
        %parallel_loop3A_494 = arith.constant 48 : i32
        %parallel_loop3A_495 = arith.index_cast %parallel_loop3A_494 : i32 to index
        %parallel_loop3A_496 = arith.index_cast %parallel_loop3A_102 : i32 to index
        %parallel_loop3A_497 = tpu.vector_load %arg10[%parallel_loop3A_495, %parallel_loop3A_496] {strides = array<i32>} : memref<64x512xf32, #tpu.memory_space<vmem>>, vector<16xf32>,
        tpu.vector_store %arg10[%parallel_loop3A_495, %parallel_loop3A_496], %parallel_loop3A_493 {strides = array<i32>} : memref<64x512xf32, #tpu.memory_space<vmem>>, vector<16xf32>,
        %parallel_loop3A_498 = arith.constant 49 : i32
        %parallel_loop3A_499 = vector.broadcast %parallel_loop3A_498 : i32 to vector<16xi32>
        %parallel_loop3A_500 = arith.addi %parallel_loop3A_105, %parallel_loop3A_499 : vector<16xi32>
        %parallel_loop3A_501 = tpu.vector_load_idx %arg5[%parallel_loop3A_500] : memref<26112xf32, #tpu.memory_space<vmem>>[vector<16xi32>], vector<16xf32>,
        %parallel_loop3A_502 = arith.constant 49 : i32
        %parallel_loop3A_503 = arith.index_cast %parallel_loop3A_502 : i32 to index
        %parallel_loop3A_504 = arith.index_cast %parallel_loop3A_102 : i32 to index
        %parallel_loop3A_505 = tpu.vector_load %arg10[%parallel_loop3A_503, %parallel_loop3A_504] {strides = array<i32>} : memref<64x512xf32, #tpu.memory_space<vmem>>, vector<16xf32>,
        tpu.vector_store %arg10[%parallel_loop3A_503, %parallel_loop3A_504], %parallel_loop3A_501 {strides = array<i32>} : memref<64x512xf32, #tpu.memory_space<vmem>>, vector<16xf32>,
        %parallel_loop3A_506 = arith.constant 50 : i32
        %parallel_loop3A_507 = vector.broadcast %parallel_loop3A_506 : i32 to vector<16xi32>
        %parallel_loop3A_508 = arith.addi %parallel_loop3A_105, %parallel_loop3A_507 : vector<16xi32>
        %parallel_loop3A_509 = tpu.vector_load_idx %arg5[%parallel_loop3A_508] : memref<26112xf32, #tpu.memory_space<vmem>>[vector<16xi32>], vector<16xf32>,
        %parallel_loop3A_510 = arith.constant 50 : i32
        %parallel_loop3A_511 = arith.index_cast %parallel_loop3A_510 : i32 to index
        %parallel_loop3A_512 = arith.index_cast %parallel_loop3A_102 : i32 to index
        %parallel_loop3A_513 = tpu.vector_load %arg10[%parallel_loop3A_511, %parallel_loop3A_512] {strides = array<i32>} : memref<64x512xf32, #tpu.memory_space<vmem>>, vector<16xf32>,
        tpu.vector_store %arg10[%parallel_loop3A_511, %parallel_loop3A_512], %parallel_loop3A_509 {strides = array<i32>} : memref<64x512xf32, #tpu.memory_space<vmem>>, vector<16xf32>,
        %parallel_loop3A_514 = arith.constant 51 : i32
        %parallel_loop3A_515 = vector.broadcast %parallel_loop3A_514 : i32 to vector<16xi32>
        %parallel_loop3A_516 = arith.addi %parallel_loop3A_105, %parallel_loop3A_515 : vector<16xi32>
        %parallel_loop3A_517 = tpu.vector_load_idx %arg5[%parallel_loop3A_516] : memref<26112xf32, #tpu.memory_space<vmem>>[vector<16xi32>], vector<16xf32>,
        %parallel_loop3A_518 = arith.constant 51 : i32
        %parallel_loop3A_519 = arith.index_cast %parallel_loop3A_518 : i32 to index
        %parallel_loop3A_520 = arith.index_cast %parallel_loop3A_102 : i32 to index
        %parallel_loop3A_521 = tpu.vector_load %arg10[%parallel_loop3A_519, %parallel_loop3A_520] {strides = array<i32>} : memref<64x512xf32, #tpu.memory_space<vmem>>, vector<16xf32>,
        tpu.vector_store %arg10[%parallel_loop3A_519, %parallel_loop3A_520], %parallel_loop3A_517 {strides = array<i32>} : memref<64x512xf32, #tpu.memory_space<vmem>>, vector<16xf32>,
        %parallel_loop3A_522 = arith.constant 52 : i32
        %parallel_loop3A_523 = vector.broadcast %parallel_loop3A_522 : i32 to vector<16xi32>
        %parallel_loop3A_524 = arith.addi %parallel_loop3A_105, %parallel_loop3A_523 : vector<16xi32>
        %parallel_loop3A_525 = tpu.vector_load_idx %arg5[%parallel_loop3A_524] : memref<26112xf32, #tpu.memory_space<vmem>>[vector<16xi32>], vector<16xf32>,
        %parallel_loop3A_526 = arith.constant 52 : i32
        %parallel_loop3A_527 = arith.index_cast %parallel_loop3A_526 : i32 to index
        %parallel_loop3A_528 = arith.index_cast %parallel_loop3A_102 : i32 to index
        %parallel_loop3A_529 = tpu.vector_load %arg10[%parallel_loop3A_527, %parallel_loop3A_528] {strides = array<i32>} : memref<64x512xf32, #tpu.memory_space<vmem>>, vector<16xf32>,
        tpu.vector_store %arg10[%parallel_loop3A_527, %parallel_loop3A_528], %parallel_loop3A_525 {strides = array<i32>} : memref<64x512xf32, #tpu.memory_space<vmem>>, vector<16xf32>,
        %parallel_loop3A_530 = arith.constant 53 : i32
        %parallel_loop3A_531 = vector.broadcast %parallel_loop3A_530 : i32 to vector<16xi32>
        %parallel_loop3A_532 = arith.addi %parallel_loop3A_105, %parallel_loop3A_531 : vector<16xi32>
        %parallel_loop3A_533 = tpu.vector_load_idx %arg5[%parallel_loop3A_532] : memref<26112xf32, #tpu.memory_space<vmem>>[vector<16xi32>], vector<16xf32>,
        %parallel_loop3A_534 = arith.constant 53 : i32
        %parallel_loop3A_535 = arith.index_cast %parallel_loop3A_534 : i32 to index
        %parallel_loop3A_536 = arith.index_cast %parallel_loop3A_102 : i32 to index
        %parallel_loop3A_537 = tpu.vector_load %arg10[%parallel_loop3A_535, %parallel_loop3A_536] {strides = array<i32>} : memref<64x512xf32, #tpu.memory_space<vmem>>, vector<16xf32>,
        tpu.vector_store %arg10[%parallel_loop3A_535, %parallel_loop3A_536], %parallel_loop3A_533 {strides = array<i32>} : memref<64x512xf32, #tpu.memory_space<vmem>>, vector<16xf32>,
        %parallel_loop3A_538 = arith.constant 54 : i32
        %parallel_loop3A_539 = vector.broadcast %parallel_loop3A_538 : i32 to vector<16xi32>
        %parallel_loop3A_540 = arith.addi %parallel_loop3A_105, %parallel_loop3A_539 : vector<16xi32>
        %parallel_loop3A_541 = tpu.vector_load_idx %arg5[%parallel_loop3A_540] : memref<26112xf32, #tpu.memory_space<vmem>>[vector<16xi32>], vector<16xf32>,
        %parallel_loop3A_542 = arith.constant 54 : i32
        %parallel_loop3A_543 = arith.index_cast %parallel_loop3A_542 : i32 to index
        %parallel_loop3A_544 = arith.index_cast %parallel_loop3A_102 : i32 to index
        %parallel_loop3A_545 = tpu.vector_load %arg10[%parallel_loop3A_543, %parallel_loop3A_544] {strides = array<i32>} : memref<64x512xf32, #tpu.memory_space<vmem>>, vector<16xf32>,
        tpu.vector_store %arg10[%parallel_loop3A_543, %parallel_loop3A_544], %parallel_loop3A_541 {strides = array<i32>} : memref<64x512xf32, #tpu.memory_space<vmem>>, vector<16xf32>,
        %parallel_loop3A_546 = arith.constant 55 : i32
        %parallel_loop3A_547 = vector.broadcast %parallel_loop3A_546 : i32 to vector<16xi32>
        %parallel_loop3A_548 = arith.addi %parallel_loop3A_105, %parallel_loop3A_547 : vector<16xi32>
        %parallel_loop3A_549 = tpu.vector_load_idx %arg5[%parallel_loop3A_548] : memref<26112xf32, #tpu.memory_space<vmem>>[vector<16xi32>], vector<16xf32>,
        %parallel_loop3A_550 = arith.constant 55 : i32
        %parallel_loop3A_551 = arith.index_cast %parallel_loop3A_550 : i32 to index
        %parallel_loop3A_552 = arith.index_cast %parallel_loop3A_102 : i32 to index
        %parallel_loop3A_553 = tpu.vector_load %arg10[%parallel_loop3A_551, %parallel_loop3A_552] {strides = array<i32>} : memref<64x512xf32, #tpu.memory_space<vmem>>, vector<16xf32>,
        tpu.vector_store %arg10[%parallel_loop3A_551, %parallel_loop3A_552], %parallel_loop3A_549 {strides = array<i32>} : memref<64x512xf32, #tpu.memory_space<vmem>>, vector<16xf32>,
        %parallel_loop3A_554 = arith.constant 56 : i32
        %parallel_loop3A_555 = vector.broadcast %parallel_loop3A_554 : i32 to vector<16xi32>
        %parallel_loop3A_556 = arith.addi %parallel_loop3A_105, %parallel_loop3A_555 : vector<16xi32>
        %parallel_loop3A_557 = tpu.vector_load_idx %arg5[%parallel_loop3A_556] : memref<26112xf32, #tpu.memory_space<vmem>>[vector<16xi32>], vector<16xf32>,
        %parallel_loop3A_558 = arith.constant 56 : i32
        %parallel_loop3A_559 = arith.index_cast %parallel_loop3A_558 : i32 to index
        %parallel_loop3A_560 = arith.index_cast %parallel_loop3A_102 : i32 to index
        %parallel_loop3A_561 = tpu.vector_load %arg10[%parallel_loop3A_559, %parallel_loop3A_560] {strides = array<i32>} : memref<64x512xf32, #tpu.memory_space<vmem>>, vector<16xf32>,
        tpu.vector_store %arg10[%parallel_loop3A_559, %parallel_loop3A_560], %parallel_loop3A_557 {strides = array<i32>} : memref<64x512xf32, #tpu.memory_space<vmem>>, vector<16xf32>,
        %parallel_loop3A_562 = arith.constant 57 : i32
        %parallel_loop3A_563 = vector.broadcast %parallel_loop3A_562 : i32 to vector<16xi32>
        %parallel_loop3A_564 = arith.addi %parallel_loop3A_105, %parallel_loop3A_563 : vector<16xi32>
        %parallel_loop3A_565 = tpu.vector_load_idx %arg5[%parallel_loop3A_564] : memref<26112xf32, #tpu.memory_space<vmem>>[vector<16xi32>], vector<16xf32>,
        %parallel_loop3A_566 = arith.constant 57 : i32
        %parallel_loop3A_567 = arith.index_cast %parallel_loop3A_566 : i32 to index
        %parallel_loop3A_568 = arith.index_cast %parallel_loop3A_102 : i32 to index
        %parallel_loop3A_569 = tpu.vector_load %arg10[%parallel_loop3A_567, %parallel_loop3A_568] {strides = array<i32>} : memref<64x512xf32, #tpu.memory_space<vmem>>, vector<16xf32>,
        tpu.vector_store %arg10[%parallel_loop3A_567, %parallel_loop3A_568], %parallel_loop3A_565 {strides = array<i32>} : memref<64x512xf32, #tpu.memory_space<vmem>>, vector<16xf32>,
        %parallel_loop3A_570 = arith.constant 58 : i32
        %parallel_loop3A_571 = vector.broadcast %parallel_loop3A_570 : i32 to vector<16xi32>
        %parallel_loop3A_572 = arith.addi %parallel_loop3A_105, %parallel_loop3A_571 : vector<16xi32>
        %parallel_loop3A_573 = tpu.vector_load_idx %arg5[%parallel_loop3A_572] : memref<26112xf32, #tpu.memory_space<vmem>>[vector<16xi32>], vector<16xf32>,
        %parallel_loop3A_574 = arith.constant 58 : i32
        %parallel_loop3A_575 = arith.index_cast %parallel_loop3A_574 : i32 to index
        %parallel_loop3A_576 = arith.index_cast %parallel_loop3A_102 : i32 to index
        %parallel_loop3A_577 = tpu.vector_load %arg10[%parallel_loop3A_575, %parallel_loop3A_576] {strides = array<i32>} : memref<64x512xf32, #tpu.memory_space<vmem>>, vector<16xf32>,
        tpu.vector_store %arg10[%parallel_loop3A_575, %parallel_loop3A_576], %parallel_loop3A_573 {strides = array<i32>} : memref<64x512xf32, #tpu.memory_space<vmem>>, vector<16xf32>,
        %parallel_loop3A_578 = arith.constant 59 : i32
        %parallel_loop3A_579 = vector.broadcast %parallel_loop3A_578 : i32 to vector<16xi32>
        %parallel_loop3A_580 = arith.addi %parallel_loop3A_105, %parallel_loop3A_579 : vector<16xi32>
        %parallel_loop3A_581 = tpu.vector_load_idx %arg5[%parallel_loop3A_580] : memref<26112xf32, #tpu.memory_space<vmem>>[vector<16xi32>], vector<16xf32>,
        %parallel_loop3A_582 = arith.constant 59 : i32
        %parallel_loop3A_583 = arith.index_cast %parallel_loop3A_582 : i32 to index
        %parallel_loop3A_584 = arith.index_cast %parallel_loop3A_102 : i32 to index
        %parallel_loop3A_585 = tpu.vector_load %arg10[%parallel_loop3A_583, %parallel_loop3A_584] {strides = array<i32>} : memref<64x512xf32, #tpu.memory_space<vmem>>, vector<16xf32>,
        tpu.vector_store %arg10[%parallel_loop3A_583, %parallel_loop3A_584], %parallel_loop3A_581 {strides = array<i32>} : memref<64x512xf32, #tpu.memory_space<vmem>>, vector<16xf32>,
        %parallel_loop3A_586 = arith.constant 60 : i32
        %parallel_loop3A_587 = vector.broadcast %parallel_loop3A_586 : i32 to vector<16xi32>
        %parallel_loop3A_588 = arith.addi %parallel_loop3A_105, %parallel_loop3A_587 : vector<16xi32>
        %parallel_loop3A_589 = tpu.vector_load_idx %arg5[%parallel_loop3A_588] : memref<26112xf32, #tpu.memory_space<vmem>>[vector<16xi32>], vector<16xf32>,
        %parallel_loop3A_590 = arith.constant 60 : i32
        %parallel_loop3A_591 = arith.index_cast %parallel_loop3A_590 : i32 to index
        %parallel_loop3A_592 = arith.index_cast %parallel_loop3A_102 : i32 to index
        %parallel_loop3A_593 = tpu.vector_load %arg10[%parallel_loop3A_591, %parallel_loop3A_592] {strides = array<i32>} : memref<64x512xf32, #tpu.memory_space<vmem>>, vector<16xf32>,
        tpu.vector_store %arg10[%parallel_loop3A_591, %parallel_loop3A_592], %parallel_loop3A_589 {strides = array<i32>} : memref<64x512xf32, #tpu.memory_space<vmem>>, vector<16xf32>,
        %parallel_loop3A_594 = arith.constant 61 : i32
        %parallel_loop3A_595 = vector.broadcast %parallel_loop3A_594 : i32 to vector<16xi32>
        %parallel_loop3A_596 = arith.addi %parallel_loop3A_105, %parallel_loop3A_595 : vector<16xi32>
        %parallel_loop3A_597 = tpu.vector_load_idx %arg5[%parallel_loop3A_596] : memref<26112xf32, #tpu.memory_space<vmem>>[vector<16xi32>], vector<16xf32>,
        %parallel_loop3A_598 = arith.constant 61 : i32
        %parallel_loop3A_599 = arith.index_cast %parallel_loop3A_598 : i32 to index
        %parallel_loop3A_600 = arith.index_cast %parallel_loop3A_102 : i32 to index
        %parallel_loop3A_601 = tpu.vector_load %arg10[%parallel_loop3A_599, %parallel_loop3A_600] {strides = array<i32>} : memref<64x512xf32, #tpu.memory_space<vmem>>, vector<16xf32>,
        tpu.vector_store %arg10[%parallel_loop3A_599, %parallel_loop3A_600], %parallel_loop3A_597 {strides = array<i32>} : memref<64x512xf32, #tpu.memory_space<vmem>>, vector<16xf32>,
        %parallel_loop3A_602 = arith.constant 62 : i32
        %parallel_loop3A_603 = vector.broadcast %parallel_loop3A_602 : i32 to vector<16xi32>
        %parallel_loop3A_604 = arith.addi %parallel_loop3A_105, %parallel_loop3A_603 : vector<16xi32>
        %parallel_loop3A_605 = tpu.vector_load_idx %arg5[%parallel_loop3A_604] : memref<26112xf32, #tpu.memory_space<vmem>>[vector<16xi32>], vector<16xf32>,
        %parallel_loop3A_606 = arith.constant 62 : i32
        %parallel_loop3A_607 = arith.index_cast %parallel_loop3A_606 : i32 to index
        %parallel_loop3A_608 = arith.index_cast %parallel_loop3A_102 : i32 to index
        %parallel_loop3A_609 = tpu.vector_load %arg10[%parallel_loop3A_607, %parallel_loop3A_608] {strides = array<i32>} : memref<64x512xf32, #tpu.memory_space<vmem>>, vector<16xf32>,
        tpu.vector_store %arg10[%parallel_loop3A_607, %parallel_loop3A_608], %parallel_loop3A_605 {strides = array<i32>} : memref<64x512xf32, #tpu.memory_space<vmem>>, vector<16xf32>,
        %parallel_loop3A_610 = arith.constant 63 : i32
        %parallel_loop3A_611 = vector.broadcast %parallel_loop3A_610 : i32 to vector<16xi32>
        %parallel_loop3A_612 = arith.addi %parallel_loop3A_105, %parallel_loop3A_611 : vector<16xi32>
        %parallel_loop3A_613 = tpu.vector_load_idx %arg5[%parallel_loop3A_612] : memref<26112xf32, #tpu.memory_space<vmem>>[vector<16xi32>], vector<16xf32>,
        %parallel_loop3A_614 = arith.constant 63 : i32
        %parallel_loop3A_615 = arith.index_cast %parallel_loop3A_614 : i32 to index
        %parallel_loop3A_616 = arith.index_cast %parallel_loop3A_102 : i32 to index
        %parallel_loop3A_617 = tpu.vector_load %arg10[%parallel_loop3A_615, %parallel_loop3A_616] {strides = array<i32>} : memref<64x512xf32, #tpu.memory_space<vmem>>, vector<16xf32>,
        tpu.vector_store %arg10[%parallel_loop3A_615, %parallel_loop3A_616], %parallel_loop3A_613 {strides = array<i32>} : memref<64x512xf32, #tpu.memory_space<vmem>>, vector<16xf32>,
      } {sc.loop_unroll_factor = 4 : i64, sc.parallel_access}
      %dma_start3A_91 = arith.constant 0 : i32
      %dma_start3A_92 = tpu.memref_slice %arg4[%add3A_82, %dma_start3A_91, %mul3A_2] : memref<200x64x16384xf32, #tpu.memory_space<hbm>> -> memref<1x64x512xf32, #tpu.memory_space<hbm>>
      %dma_start3A_93 = tpu.memref_squeeze %dma_start3A_92 : memref<1x64x512xf32, #tpu.memory_space<hbm>> -> memref<64x512xf32, #tpu.memory_space<hbm>>
      %dma_start3A_94 = arith.constant 0 : i32
      %dma_start3A_95 = tpu.memref_slice %arg4[%add3A_82, %dma_start3A_94, %mul3A_2] : memref<200x64x16384xf32, #tpu.memory_space<hbm>> -> memref<1x64x512xf32, #tpu.memory_space<hbm>>
      %dma_start3A_96 = tpu.memref_squeeze %dma_start3A_95 : memref<1x64x512xf32, #tpu.memory_space<hbm>> -> memref<64x512xf32, #tpu.memory_space<hbm>>
      tpu.enqueue_dma source(%arg10 : memref<64x512xf32, #tpu.memory_space<vmem>>) target(%dma_start3A_96 : memref<64x512xf32, #tpu.memory_space<hbm>>) target_semaphore(%arg11 : memref<!tpu.dma_semaphore, #tpu.memory_space<semaphore_mem>>)
      %add3A_97 = arith.constant 64 : i32
      %add3A_98 = vector.broadcast %add3A_97 : i32 to vector<16xi32>
      %add3A_99 = arith.addi %add3A_78, %add3A_98 : vector<16xi32>
      scf.yield %add3A_99 : vector<16xi32>
    }
    %scan3A_40 = arith.constant 100 : i32
    %dma_wait3A_41 = arith.constant 0 : i32
    %dma_wait3A_42 = arith.constant 0 : i32
    %dma_wait3A_43 = arith.constant 0 : i32
    %dma_wait3A_44 = tpu.memref_slice %arg4[%dma_wait3A_41, %dma_wait3A_42, %dma_wait3A_43] : memref<200x64x16384xf32, #tpu.memory_space<hbm>> -> memref<1x64x512xf32, #tpu.memory_space<hbm>>
    %dma_wait3A_45 = tpu.memref_squeeze %dma_wait3A_44 : memref<1x64x512xf32, #tpu.memory_space<hbm>> -> memref<64x512xf32, #tpu.memory_space<hbm>>
    %dma_wait3A_46 = arith.constant 0 : i32
    %dma_wait3A_47 = arith.constant 0 : i32
    %dma_wait3A_48 = tpu.memref_slice %arg4[%dma_wait3A_41, %dma_wait3A_46, %dma_wait3A_47] : memref<200x64x16384xf32, #tpu.memory_space<hbm>> -> memref<1x64x512xf32, #tpu.memory_space<hbm>>
    %dma_wait3A_49 = tpu.memref_squeeze %dma_wait3A_48 : memref<1x64x512xf32, #tpu.memory_space<hbm>> -> memref<64x512xf32, #tpu.memory_space<hbm>>
    tpu.wait_dma2 semaphore(%arg11 : memref<!tpu.dma_semaphore, #tpu.memory_space<semaphore_mem>>) src(%dma_wait3A_49 : memref<64x512xf32, #tpu.memory_space<hbm>>) dst(%arg9 : memref<64x512xf32, #tpu.memory_space<vmem>>)
    %dma_wait3A_50 = arith.constant 0 : i32
    %dma_wait3A_51 = arith.constant 0 : i32
    %dma_wait3A_52 = arith.constant 0 : i32
    %dma_wait3A_53 = tpu.memref_slice %arg4[%dma_wait3A_50, %dma_wait3A_51, %dma_wait3A_52] : memref<200x64x16384xf32, #tpu.memory_space<hbm>> -> memref<1x64x512xf32, #tpu.memory_space<hbm>>
    %dma_wait3A_54 = tpu.memref_squeeze %dma_wait3A_53 : memref<1x64x512xf32, #tpu.memory_space<hbm>> -> memref<64x512xf32, #tpu.memory_space<hbm>>
    %dma_wait3A_55 = arith.constant 0 : i32
    %dma_wait3A_56 = arith.constant 0 : i32
    %dma_wait3A_57 = tpu.memref_slice %arg4[%dma_wait3A_50, %dma_wait3A_55, %dma_wait3A_56] : memref<200x64x16384xf32, #tpu.memory_space<hbm>> -> memref<1x64x512xf32, #tpu.memory_space<hbm>>
    %dma_wait3A_58 = tpu.memref_squeeze %dma_wait3A_57 : memref<1x64x512xf32, #tpu.memory_space<hbm>> -> memref<64x512xf32, #tpu.memory_space<hbm>>
    tpu.wait_dma2 semaphore(%arg11 : memref<!tpu.dma_semaphore, #tpu.memory_space<semaphore_mem>>) src(%dma_wait3A_58 : memref<64x512xf32, #tpu.memory_space<hbm>>) dst(%arg9 : memref<64x512xf32, #tpu.memory_space<vmem>>)
    return
  }
}

module attributes {stable_mosaic.version = 14 : i64} {
  func.func @_ext_body(%arg0: memref<208x64xf32, #tpu.memory_space<vmem>>, %arg1: memref<408x64xf32, #tpu.memory_space<vmem>>) attributes {dimension_semantics = [], scalar_prefetch = 0 : i64, scratch_operands = 0 : i64, tpu.core_type = #tpu.core_type<tc>} {
    %iota3A = tpu.iota {dimensions = array<i32: 0>} : vector<408x1xi32>
    %sub3A = arith.constant 200 : i32
    %sub3A_0 = vector.broadcast %sub3A : i32 to vector<408x1xi32>
    %sub3A_1 = arith.subi %sub3A_0, %iota3A : vector<408x1xi32>
    %jit3A = arith.constant 0 : i32
    %jit3A_2 = arith.constant 200 : i32
    %max3A = vector.broadcast %jit3A : i32 to vector<408x1xi32>
    %max3A_3 = arith.maxsi %max3A, %sub3A_1 : vector<408x1xi32>
    %min3A = vector.broadcast %jit3A_2 : i32 to vector<408x1xi32>
    %min3A_4 = arith.minsi %min3A, %max3A_3 : vector<408x1xi32>
    %iota3A_5 = tpu.iota {dimensions = array<i32: 1>} : vector<408x208xi32>
    %eq3A = vector.broadcast %min3A_4 : vector<408x1xi32> to vector<408x208xi32>
    %eq3A_6 = arith.cmpi eq, %iota3A_5, %eq3A : vector<408x208xi32>
    %convert_element_type3A = arith.extui %eq3A_6 : vector<408x208xi1> to vector<408x208xi32>
    %convert_element_type3A_7 = arith.sitofp %convert_element_type3A : vector<408x208xi32> to vector<408x208xf32>
    %get3A = arith.constant 0 : index
    %get3A_8 = arith.constant 0 : index
    %get3A_9 = vector.load %arg0[%get3A, %get3A_8] : memref<208x64xf32, #tpu.memory_space<vmem>>, vector<208x64xf32>
    %dot_general3A = arith.constant dense<0.000000e+00> : vector<408x64xf32>
    %dot_general3A_10 = tpu.matmul %convert_element_type3A_7, %get3A_9, %dot_general3A {dimension_numbers = #tpu.dot_dimension_numbers<[1], [0], [0], [1], [0, 0, 1, 1], [], []>, precision = #tpu.contract_precision<fp32>, transpose_lhs_hint = false} : vector<408x208xf32>, vector<208x64xf32>, vector<408x64xf32> -> vector<408x64xf32>
    %swap3A = arith.constant 0 : index
    %swap3A_11 = arith.constant 0 : index
    %swap3A_12 = vector.load %arg1[%swap3A, %swap3A_11] : memref<408x64xf32, #tpu.memory_space<vmem>>, vector<408x64xf32>
    tpu.vector_store %arg1[%swap3A, %swap3A_11], %dot_general3A_10 {strides = array<i32>} : memref<408x64xf32, #tpu.memory_space<vmem>>, vector<408x64xf32>,
    return
  }
}

</mosaic_0001>

<sc_bundles>
// kernel: kernel.4.cloned.1.call-start
scs
__scs_entry_jumppad:
0x0: {  	(pc) =	sbr.rel $0x88, $3  }
0x1: {  	(tag) =	ssettag $0x0;
	lr =	simm.s32 $0x1  }
0x2: {  	[smem:$0x3F9F] =	sst lr;
	_ =	strace $0xD0000000  }
0x3: {  	_ = 	snop  }
0x4: {  	_ = 	snop  }
0x5: {  	_ = 	snop  }
0x6: {  	_ = 	snop  }
0x7: {  	_ = 	snop  }
__scs_overlays_trampoline_lowered:
0x8: {  	[smem:$0x3FAE] =	sst s0  }
0x9: {  	[smem:$0x3FAF] =	sst s1  }
0xa: {  	[smem:$0x3FB0] =	sst s2  }
0xb: {  	[smem:$0x3FB1] =	sst s3  }
0xc: {  	[smem:$0x3FB2] =	sst s4  }
0xd: {  	[smem:$0x3FB3] =	sst s5  }
0xe: {  	[smem:$0x3FB4] =	sst s6  }
0xf: {  	[smem:$0x3FB5] =	sst s7  }
0x10: {  	[smem:$0x3FB6] =	sst s8  }
0x11: {  	[smem:$0x3FB7] =	sst s9;
	s0 =	simm.s32 @!p0 $0x0  }
0x12: {  	s1 =	sld [smem:$0x3F9D];
	s0 =	simm.s32 @p0 $0x1  }
0x13: {  	[smem:$0x3FB8] =	sst s0;
	s0 =	simm.s32 @!p1 $0x0  }
0x14: {  	s2 =	sld [smem:$0x3F9C];
	s0 =	simm.s32 @p1 $0x1  }
0x15: {  	[smem:$0x3FB9] =	sst s0;
	s0 =	simm.s32 @!p2 $0x0  }
0x16: {  	s3 =	sld [smem:$0x3FDB];
	s0 =	simm.s32 @p2 $0x1  }
0x17: {  	s4 =	simm.s32 $0x1BF5;
	[smem:$0x3FBB] =	sst s0  }
0x18: {  	s0 =	sld [smem:$0x3F9E];
	_ =	swait.ge [sflag:s4], $0x0  }
0x19: {  	s7 =	sld [smem:$0x3F9F]  }
0x1a: {  	s8 =	sadd.s32 $0xFFFFE003, lr  }
0x1b: {  	s9 =	sadd.s32 $0xFFFFFEF7, lr;
	s5 =	simm.s32 $0xFFFFFFFF;
	p2 =	slt.u32 s8, $0xFFFFF086  }
0x1c: {  	p1 =	slt.u32 s9, $0xF7A;
	s5 =	simm.s32 @!p2 $0x0  }
0x1d: {  	s5 =	simm.s32 @p1 $0x1;
	p0 =	seq.s32 s7, s2  }
0x1e: {  	s7 =	smul.u32 @!p0 $0xF7A, s2;
	p2 =	seq.s32 @!p0 s5, $0x0  }
0x1f: {  	s9 =	smul.u32 $0xF7A, s1;
	s8 =	simm.s32 @!p0 $0x1BF5;
	p2 =	por !p2, p0  }
0x20: {  	[sflag:s8] =	ssyncset.s32 @!p0 $0xFFFFF086;
	s6 =	sadd.s32 @!p0 s3, s7;
	s7 =	simm.s32 @!p0 $0x108  }
0x21: {  	s3 =	sadd.s32 s3, s9;
	s6 =	sadd.s32 @!p0 $0x88, s6;
	s7 =	simm.s32 @p2 $0x1082  }
0x22: {  	[simem:s7], [sflag:s8] =	dma.local @!p0 [hbm:s6], $0xF7A  }
0x23: {  	s9 =	sor.u32 $0xD0000000, s2;
	s6 =	simm.s32 $0x108;
	_ =	swait.ge @!p0 [sflag:s8], $0x0  }
0x24: {  	s3 =	sadd.s32 $0x88, s3;
	s6 =	simm.s32 @!p1 $0x1082;
	[sflag:s4] =	ssyncset.s32 $0xFFFFF086  }
0x25: {  	[simem:s6], [sflag:s4] =	dma.local [hbm:s3], $0xF7A  }
0x26: {  	[smem:$0x3F9F] =	sst s1;
	(tag) =	ssettag s2;
	_ =	strace s9  }
0x27: {  	s1 =	sld [smem:$0x3FAF]  }
0x28: {  	s2 =	sld [smem:$0x3FB0]  }
0x29: {  	s4 =	sld [smem:$0x3FB2]  }
0x2a: {  	p0 =	seq.s32 s5, $0x0;
	s5 =	sld [smem:$0x3FB3]  }
0x2b: {  	s6 =	sld [smem:$0x3FB4]  }
0x2c: {  	s7 =	sld [smem:$0x3FB5]  }
0x2d: {  	s3 =	simm.s32 $0x108;
	s8 =	sld [smem:$0x3FB6]  }
0x2e: {  	s3 =	simm.s32 @!p0 $0x1082;
	s9 =	sld [smem:$0x3FB7]  }
0x2f: {  	lr =	sadd.s32 s0, s3;
	s0 =	sld [smem:$0x3FAE]  }
0x30: {  	s3 =	sld [smem:$0x3FB1]  }
0x31: {  	[smem:$0x3FBA] =	sst s10  }
0x32: {  	s10 =	sld [smem:$0x3FB8];
	_ =	sdelay $0x3  }
0x33: {  	p0 =	seq.s32 s10, $0x1;
	s10 =	sld [smem:$0x3FBA];
	_ =	sdelay $0x3  }
0x34: {  	[smem:$0x3FBA] =	sst s10  }
0x35: {  	s10 =	sld [smem:$0x3FB9];
	_ =	sdelay $0x3  }
0x36: {  	p1 =	seq.s32 s10, $0x1;
	s10 =	sld [smem:$0x3FBA];
	_ =	sdelay $0x3  }
0x37: {  	[smem:$0x3FBA] =	sst s10  }
0x38: {  	s10 =	sld [smem:$0x3FBB]  }
0x39: {  	_ = 	snop;
	(pc) =	sbr.ind lr, $3  }
0x3a: {  	_ = 	snop  }
0x3b: {  	_ = 	snop  }
0x3c: {  	p2 =	seq.s32 s10, $0x1;
	s10 =	sld [smem:$0x3FBA]  }
0x3d: {  	_ =	shalt  }
0x3e: {  	_ =	shalt  }
0x3f: {  	_ =	shalt  }
0x40: {  	_ =	shalt  }
0x41: {  	_ =	shalt  }
0x42: {  	_ =	shalt  }
0x43: {  	_ =	shalt  }
0x44: {  	_ =	shalt  }
0x45: {  	_ =	shalt  }
0x46: {  	_ =	shalt  }
0x47: {  	_ =	shalt  }
0x48: {  	_ =	shalt  }
0x49: {  	_ =	shalt  }
0x4a: {  	_ =	shalt  }
0x4b: {  	_ =	shalt  }
0x4c: {  	_ =	shalt  }
0x4d: {  	_ =	shalt  }
0x4e: {  	_ =	shalt  }
0x4f: {  	_ =	shalt  }
0x50: {  	_ =	shalt  }
0x51: {  	_ =	shalt  }
0x52: {  	_ =	shalt  }
0x53: {  	_ =	shalt  }
0x54: {  	_ =	shalt  }
0x55: {  	_ =	shalt  }
0x56: {  	_ =	shalt  }
0x57: {  	_ =	shalt  }
0x58: {  	_ =	shalt  }
0x59: {  	_ =	shalt  }
0x5a: {  	_ =	shalt  }
0x5b: {  	_ =	shalt  }
0x5c: {  	_ =	shalt  }
0x5d: {  	_ =	shalt  }
0x5e: {  	_ =	shalt  }
0x5f: {  	_ =	shalt  }
0x60: {  	_ =	shalt  }
0x61: {  	_ =	shalt  }
0x62: {  	_ =	shalt  }
0x63: {  	_ =	shalt  }
0x64: {  	_ =	shalt  }
0x65: {  	_ =	shalt  }
0x66: {  	_ =	shalt  }
0x67: {  	_ =	shalt  }
0x68: {  	_ =	shalt  }
0x69: {  	_ =	shalt  }
0x6a: {  	_ =	shalt  }
0x6b: {  	_ =	shalt  }
0x6c: {  	_ =	shalt  }
0x6d: {  	_ =	shalt  }
0x6e: {  	_ =	shalt  }
0x6f: {  	_ =	shalt  }
0x70: {  	_ =	shalt  }
0x71: {  	_ =	shalt  }
0x72: {  	_ =	shalt  }
0x73: {  	_ =	shalt  }
0x74: {  	_ =	shalt  }
0x75: {  	_ =	shalt  }
0x76: {  	_ =	shalt  }
0x77: {  	_ =	shalt  }
0x78: {  	_ =	shalt  }
0x79: {  	_ =	shalt  }
0x7a: {  	_ =	shalt  }
0x7b: {  	_ =	shalt  }
0x7c: {  	_ =	shalt  }
0x7d: {  	_ =	shalt  }
0x7e: {  	_ =	shalt  }
0x7f: {  	_ =	shalt  }
0x80: {  	_ =	shalt  }
0x81: {  	_ =	shalt  }
0x82: {  	_ =	shalt  }
0x83: {  	_ =	shalt  }
0x84: {  	_ =	shalt  }
0x85: {  	_ =	shalt  }
0x86: {  	_ =	shalt  }
0x87: {  	_ =	shalt  }
.Lfunc_end0:
.L_simem_size_0:
called_computation_lowered:
.L_overlay_start_0:
0x88: {  	s2 =	sld [smem:$0x3FD9]  }
0x89: {  	s3 =	sld [smem:$0x3FFE];
	_ =	sdelay $0x1  }
0x8a: {  	s1 =	srdreg.scid  }
0x8b: {  	s0 =	sand.u32 $0x1, s1  }
0x8c: {  	s17 =	sshll.u32 s0, $0xA;
	s2 =	sadd.s32 s3, s2  }
0x8d: {  	s2 =	sadd.s32 s2, s17  }
0x8e: {  	[smem:$0x3FC6] =	sst s2  }
0x8f: {  	_ = 	snop  }
0x90: {  	s2 =	sld [smem:$0x3FC9]  }
0x91: {  	s18 =	sld [smem:$0x3FD0];
	(tm) =	ssettm $0x1  }
0x92: {  	s4 =	sld [smem:$0x3FFB];
	_ =	sdelay $0x3  }
0x93: {  	_ =	strace s4  }
0x94: {  	s4 =	sld [smem:$0x3FFC];
	_ =	sdelay $0x3  }
0x95: {  	_ =	strace s4  }
0x96: {  	s4 =	sld [smem:$0x3FFD];
	_ =	sdelay $0x3  }
0x97: {  	_ =	strace s4  }
0x98: {  	_ =	strace $0x8FFFFFFF  }
0x99: {  	s19 =	sld [smem:$0x3FDB];
	_ =	sdelay $0x1  }
0x9a: {  	s5 =	simm.s32 $_scs_section_size  }
0x9b: {  	s6 =	simm.s32 $_size__tile_overlayer_lowered;
	s7 =	simm.s32 $_tile_overlayer_lowered  }
0x9c: {  	s22 =	simm.s32 $0x1BFF;
	s21 =	sshll.u32 s7, $0x1;
	s4 =	sadd.s32 s5, s19  }
0x9d: {  	s8 =	simm.s32 $0x0;
	s20 =	sshll.u32 s6, $0x1;
	s6 =	sadd.s32 s21, s4  }
0x9e: {  	[timem:s8], [sflag:s22] =	dma.local [hbm:s6], s20  }
0x9f: {  	_ =	swait.ge [sflag:s22], s20  }
0xa0: {  	s5 =	ssub.s32 $0x0, s20;
	[sflag:s22] =	ssyncset.done $0x0  }
0xa1: {  	[sflag:s22] =	ssyncadd.s32 s5;
	_ =	sdelay $0x1  }
0xa2: {  	s23 =	simm.s32 $0x1B8B  }
0xa3: {  	_ =	swait.ge [sflag:s23], $0x1  }
0xa4: {  	[sflag:s23] =	ssyncset.done $0x0  }
0xa5: {  	s25 =	simm.s32 $0x1B8E;
	s24 =	sld [smem:$0x3FFE];
	[sflag:s23] =	ssyncadd.s32 $0xFFFFFFFF  }
0xa6: {  	s26 =	simm.s32 $execute0_lowered;
	[smem:$0x3FD2] =	sst s25  }
0xa7: {  	s6 =	sshll.u32 s26, $0x1;
	_ =	strace $0x80000046;
	[dreg:$0x1] =	wrdreg $0xFFFFFFFF  }
0xa8: {  	s28 =	simm.s32 $_size_execute0_lowered;
	s4 =	sadd.s32 s4, s6;
	[dreg:$0x0] =	wrdreg $0x0  }
0xa9: {  	s6 =	sshll.u32 s28, $0x1;
	[dreg:$0x2] =	wrdreg s4  }
0xaa: {  	[dreg:$0x3] =	wrdreg s6  }
0xab: {  	[dreg:$0x4] =	wrdreg $0xC0  }
0xac: {  	_ =	task [dreg:s8], $0x5FFFF  }
0xad: {  	[dreg:$0x1] =	wrdreg $0xFFFFFFFF  }
0xae: {  	[dreg:$0x0] =	wrdreg $0x60  }
0xaf: {  	[dreg:$0x2] =	wrdreg s2  }
0xb0: {  	[dreg:$0x3] =	wrdreg s24  }
0xb1: {  	[dreg:$0x4] =	wrdreg s18  }
0xb2: {  	[dreg:$0x5] =	wrdreg $0x9  }
0xb3: {  	_ =	task.clear_ibuf [dreg:s8], $0x6FFFF;
	_ =	strace $0x90000046  }
0xb4: {  	s29 =	simm.s32 $0x9;
	_ =	strace $0x80000048  }
0xb5: {  	_ =	swait.ge [sflag:s29], $0x1  }
0xb6: {  	[sflag:s29] =	ssyncadd.s32 $0xFFFFFFFF  }
0xb7: {  	_ =	strace $0x90000048  }
0xb8: {  	_ =	sfence  }
0xb9: {  	s30 =	sld [smem:$0x0];
	_ =	sdelay $0x2  }
0xba: {  	s31 =	sshll.u32 s1, $0xD;
	s1 =	sshrl.u32 s1, $0x2  }
0xbb: {  	s3 =	sand.u32 $0x4000, s31;
	s1 =	sadd.s32 s1, s30  }
0xbc: {  	s0 =	sor.u32 s3, s0;
	s1 =	sshll.u32 s1, $0x11  }
0xbd: {  	s0 =	sor.u32 s1, s0  }
0xbe: {  	s0 =	sadd.s32 $0x8F2B, s0  }
0xbf: {  	[sflag:s0] =	ssyncadd.remote.s32 $0x1  }
0xc0: {  	_ =	sfence.sel $0xFFFF  }
0xc1: {  	[dreg:$0x0] =	wrdreg $0xFFFFFFFF;
	(pc) =	sbr.abs _section_cstart, $3  }
0xc2: {  	[dreg:$0x1] =	wrdreg $0xFFFFFFFF  }
0xc3: {  	_ =	task.clear_ibuf [dreg:s8], $0x2FFFF;
	_ =	strace $0x9FFFFFFF  }
0xc4: {  	(tm) =	ssettm $0x7FFFFFFF  }
0xc5: {  	_ =	shalt  }
tec
execute0_lowered:
.L_overlay_start_1:
0x0: {  	(tag) =	ssettag $0x1  }
0x1: {  	s7 =	rddreg [dreg:$0x0]  }
0x2: {  	s0 =	rddreg [dreg:$0x1]  }
0x3: {  	s8 =	rddreg [dreg:$0x2];
	s4 =	simm.s32 $0x0;
	s1 =	srdreg.scid  }
0x4: {  	s3 =	stileid.u32;
	[smem:$0x7FF] =	sst s4;
	s1 =	sand.u32 $0x1, s1  }
0x5: {  	s3 =	sshll.u32 s3, $0xD;
	s0 =	sadd.s32 $0x400, s0;
	s31 =	sadd.s32 $0x4000, s7  }
0x6: {  	s9 =	sadd.s32 $0x20000, s8;
	_ =	strace $0x80000047;
	[dreg:$0x4] =	wrdreg s0  }
0x7: {  	s2 =	ssub.s32 $0x2, s1;
	s1 =	sshll.u32 s1, $0xC;
	[dreg:$0x7] =	wrdreg s31  }
0x8: {  	[dreg:$0x8] =	wrdreg s9;
	s5 =	sor.u32 s1, s3  }
0x9: {  	s6 =	sshrl.u32 s2, $0x1;
	s1 =	sshrl.u32 s5, $0x3;
	s30 =	sor.u32 $0x40000, s5  }
0xa: {  	s29 =	ssub.s32 s2, s6;
	s1 =	sadd.s32 s7, s1;
	[dreg:$0x6] =	wrdreg s30  }
0xb: {  	s0 =	smax.u32 s29, $0x1;
	[dreg:$0x5] =	wrdreg s1  }
0xc: {  	s14 =	simm.s32 $0x2;
	v0 =	vimm.s32 $0x0;
	s2 =	simm.s32 $0x0;
	[dreg:$0x9] =	wrdreg s0  }
.LBB2_1:
0xd: {  	[dreg:$0xa] =	wrdreg s2  }
0xe: {  	s0 =	rddreg [dreg:$0x4];
	s31 =	simm.s32 $0x3  }
0xf: {  	[tilespmem:s4], [sflag:$0x3] =	stream.linear.gather [hbm4b:s0+s4], $0x6600, $0x38;
	[tilespmem:$0x18800] =	vst v63  }
0x10: {  	_ =	swait.ge [sflag:s31], $0x6600  }
0x11: {  	[sflag:s31] =	ssyncset.done $0x0  }
0x12: {  	s0 =	simm.s32 $0x8620;
	[sflag:s31] =	ssyncadd.s32 $0xFFFF9A00  }
0x13: {  	[tilespmem:s0+$0xFFFFFFE0] =	vst v0  }
0x14: {  	[tilespmem:s0+$0x10] =	vst v0  }
0x15: {  	s1 =	simm.s32 $0x0;
	[tilespmem:s0+$0x0] =	vst v0  }
.LBB2_2:
0x16: {  	s1 =	sadd.s32 $0x4, s1  }
0x17: {  	[tilespmem:s0+$0xFFFFFFF0] =	vst v0;
	s0 =	sadd.s32 $0x40, s0;
	p0 =	slt.u32 s1, $0x1C  }
.Ltmp0:
0x18: {  	[tilespmem:s0+$0xFFFFFFE0] =	vst v0;
	(pc) =	sbr.rel @p0 .LBB2_2-.Ltmp0, $3  }
0x19: {  	_ =	sdelay $0x1  }
0x1a: {  	[tilespmem:s0+$0x10] =	vst v0  }
0x1b: {  	[tilespmem:s0+$0x0] =	vst v0  }
0x1c: {  	[tilespmem:s0+$0xFFFFFFF0] =	vst v0;
	s0 =	simm.s32 $0x0  }
0x1d: {  	s2 =	simm.s32 $0x6600;
	s3 =	simm.s32 $0x0;
	s1 =	rddreg [dreg:$0x5]  }
0x1e: {  	[tilespmem:s2], [sflag:$0x2] =	stream.linear.gather [hbm4b:s1+s0], $0x1000, $0x38;
	[tilespmem:$0x18800] =	vst v63  }
.LBB2_4:
0x1f: {  	s22 =	sshll.u32 s3, $0x12  }
0x20: {  	_ =	swait.ge [sflag:s14], $0x1000;
	s13 =	simm.s32 $0x7600;
	p0 =	por $0x0, $0x0  }
0x21: {  	s23 =	simm.s32 $0x8600;
	s15 =	sand.u32 $0x40, s0;
	s16 =	sand.u32 $0x180, s0  }
0x22: {  	s6 =	sand.u32 $0xC00, s0;
	s1 =	sor.u32 s5, s22;
	[sflag:s14] =	ssyncset.done $0x0  }
0x23: {  	s2 =	rddreg [dreg:$0x7];
	s7 =	sor.u32 $0x8600, s16;
	s1 =	sshrl.u32 s1, $0x3  }
0x24: {  	s17 =	sor.u32 $0x30, s15;
	[sflag:s14] =	ssyncadd.s32 $0xFFFFF000;
	s1 =	sadd.s32 s1, s2  }
0x25: {  	[tilespmem:s13], [sflag:$0x2] =	stream.linear.gather [hbm4b:s1+s0], $0x1000, $0x38;
	[tilespmem:$0x18800] =	vst v63  }
0x26: {  	s8 =	simm.s32 $0x1;
	s6 =	sadd.s32 $0x6600, s6;
	s29 =	sor.u32 s17, s7;
	v1 =	vld [tilespmem:s23+$0x0]  }
0x27: {  	s8 =	simm.s32 @!p0 $0x0;
	s9 =	sor.u32 s17, s6;
	v2 =	vld [tilespmem:s29+$0x0]  }
0x28: {  	s18 =	sshll.u32 s8, $0x6;
	v3 =	vld [tilespmem:s9+$0x0]  }
0x29: {  	s1 =	sadd.s32 $0x0, s18;
	v4 =	vld [tilespmem:s9+$0x80]  }
0x2a: {  	v5 =	vld [tilespmem:s9+$0x100];
	s19 =	sadd.s32 $0x30, s1  }
0x2b: {  	v6 =	vld [tilespmem:s9+$0x180];
	s20 =	sor.u32 $0x200, s19  }
0x2c: {  	s21 =	sor.u32 $0x280, s19;
	v7 =	vld [tilespmem:s20+$0x6600]  }
0x2d: {  	s24 =	sor.u32 $0x300, s19;
	v8 =	vld [tilespmem:s21+$0x6600]  }
0x2e: {  	s8 =	sor.u32 $0x380, s19;
	v9 =	vld [tilespmem:s24+$0x6600]  }
0x2f: {  	s25 =	sor.u32 $0x10, s15;
	s10 =	sor.u32 s15, s6;
	vm0 =	vne.s32 v3, $0x0;
	v3 =	vld [tilespmem:s8+$0x6600]  }
0x30: {  	s26 =	sor.u32 s25, s6;
	s2 =	sor.u32 $0x20, s15;
	v10 =	vsel vm0, $0x1, v0;
	vm0 =	vne.s32 v4, $0x0;
	v4 =	vld [tilespmem:s10+$0x0]  }
0x31: {  	s6 =	sor.u32 s2, s6;
	v2 =	vadd.s32 v10, v2;
	v10 =	vsel vm0, $0x1, v0;
	vm0 =	vne.s32 v5, $0x0;
	v5 =	vld [tilespmem:s26+$0x0]  }
0x32: {  	v2 =	vadd.s32 v10, v2;
	v10 =	vsel vm0, $0x1, v0;
	vm0 =	vne.s32 v6, $0x0;
	v6 =	vld [tilespmem:s6+$0x0]  }
0x33: {  	v2 =	vadd.s32 v10, v2;
	v10 =	vsel vm0, $0x1, v0;
	vm0 =	vne.s32 v7, $0x0;
	v7 =	vld [tilespmem:s10+$0x80]  }
0x34: {  	v2 =	vadd.s32 v10, v2;
	v10 =	vsel vm0, $0x1, v0;
	vm0 =	vne.s32 v8, $0x0;
	v8 =	vld [tilespmem:s26+$0x80]  }
0x35: {  	s24 =	sor.u32 s25, s7;
	v2 =	vadd.s32 v10, v2;
	v10 =	vsel vm0, $0x1, v0;
	vm0 =	vne.s32 v9, $0x0;
	v9 =	vld [tilespmem:s10+$0x100]  }
0x36: {  	v2 =	vadd.s32 v10, v2;
	v10 =	vsel vm0, $0x1, v0;
	vm0 =	vne.s32 v3, $0x0;
	v3 =	vld [tilespmem:s24+$0x0]  }
0x37: {  	vm1 =	vne.s32 v4, $0x0;
	v4 =	vld [tilespmem:s6+$0x80];
	v2 =	vadd.s32 v10, v2;
	v10 =	vsel vm0, $0x1, v0  }
0x38: {  	s25 =	sor.u32 s2, s7;
	v11 =	vsel vm1, $0x1, v0;
	vm1 =	vne.s32 v5, $0x0;
	v10 =	vadd.s32 v10, v2;
	v2 =	vld [tilespmem:s26+$0x100]  }
0x39: {  	v1 =	vadd.s32 v11, v1;
	v11 =	vsel vm1, $0x1, v0;
	vm0 =	vne.s32 v7, $0x0;
	v7 =	vld [tilespmem:s25+$0x0]  }
0x3a: {  	v5 =	vsel vm0, $0x1, v0;
	vm1 =	vne.s32 v8, $0x0;
	v8 =	vld [tilespmem:s10+$0x180];
	vm0 =	vne.s32 v9, $0x0  }
0x3b: {  	v1 =	vadd.s32 v5, v1;
	v5 =	vld [tilespmem:s6+$0x100];
	v3 =	vadd.s32 v11, v3;
	v9 =	vsel vm0, $0x1, v0  }
0x3c: {  	s10 =	sadd.s32 $0x10, s1;
	vm0 =	vne.s32 v6, $0x0;
	v6 =	vsel vm1, $0x1, v0;
	v1 =	vadd.s32 v9, v1;
	v9 =	vld [tilespmem:s26+$0x180]  }
0x3d: {  	s11 =	sadd.s32 $0x20, s1;
	s12 =	sor.u32 $0x200, s10;
	vm1 =	vne.s32 v4, $0x0;
	v11 =	vsel vm0, $0x1, v0;
	vm0 =	vne.s32 v2, $0x0;
	v2 =	vld [tilespmem:s6+$0x180]  }
0x3e: {  	s13 =	sor.u32 $0x200, s11;
	v3 =	vadd.s32 v6, v3;
	v6 =	vadd.s32 v11, v7;
	v7 =	vld [tilespmem:s12+$0x6600];
	v4 =	vsel vm0, $0x1, v0  }
0x3f: {  	s15 =	sor.u32 $0x200, s1;
	v11 =	vsel vm1, $0x1, v0;
	vm1 =	vne.s32 v8, $0x0;
	v3 =	vadd.s32 v4, v3;
	v4 =	vld [tilespmem:s13+$0x6600]  }
0x40: {  	s16 =	sor.u32 $0x280, s10;
	v8 =	vld [tilespmem:s15+$0x6600];
	vm0 =	vne.s32 v5, $0x0;
	v5 =	vadd.s32 v11, v6;
	v11 =	vsel vm1, $0x1, v0  }
0x41: {  	s17 =	sor.u32 $0x280, s11;
	v6 =	vsel vm0, $0x1, v0;
	v11 =	vadd.s32 v11, v1;
	vm0 =	vne.s32 v9, $0x0;
	v9 =	vld [tilespmem:s16+$0x6600]  }
0x42: {  	s18 =	sor.u32 $0x280, s1;
	v12 =	vld [tilespmem:s17+$0x6600];
	v6 =	vadd.s32 v6, v5;
	v1 =	vsel vm0, $0x1, v0;
	vm0 =	vne.s32 v2, $0x0  }
0x43: {  	s19 =	sor.u32 $0x300, s10;
	v5 =	vld [tilespmem:s18+$0x6600];
	vm1 =	vne.s32 v7, $0x0;
	v2 =	vadd.s32 v1, v3;
	v1 =	vsel vm0, $0x1, v0  }
0x44: {  	s28 =	simm.s32 $0x8640;
	s20 =	sor.u32 $0x300, s11;
	v3 =	vadd.s32 v1, v6;
	v1 =	vld [tilespmem:s19+$0x6600];
	v6 =	vsel vm1, $0x1, v0;
	vm0 =	vne.s32 v4, $0x0  }
0x45: {  	s30 =	simm.s32 $0x40;
	s21 =	sor.u32 s0, s0;
	s1 =	sor.u32 $0x300, s1;
	vm1 =	vne.s32 v8, $0x0;
	v6 =	vadd.s32 v6, v2;
	v2 =	vld [tilespmem:s20+$0x6600];
	v4 =	vsel vm0, $0x1, v0  }
0x46: {  	p0 =	por !p0, !p0;
	s31 =	sor.u32 $0x380, s21;
	s2 =	sor.u32 $0x380, s10;
	v8 =	vsel vm1, $0x1, v0;
	v7 =	vadd.s32 v4, v3;
	v3 =	vld [tilespmem:s1+$0x6600];
	vm0 =	vne.s32 v9, $0x0  }
0x47: {  	[tilespmem:s29+$0x0] =	vst v10;
	s29 =	simm.s32 $0x200;
	s26 =	simm.s32 $0x0;
	s6 =	sor.u32 $0x380, s11;
	v8 =	vadd.s32 v8, v11;
	v4 =	vld [tilespmem:s2+$0x6600];
	v9 =	vsel vm0, $0x1, v0;
	vm0 =	vne.s32 v12, $0x0  }
.LBB2_5:
0x48: {  	s1 =	sand.u32 $0x40, s30  }
0x49: {  	s2 =	sand.u32 $0xC00, s29;
	s7 =	sand.u32 $0x180, s30;
	vm1 =	vne.s32 v5, $0x0;
	v5 =	vadd.s32 v9, v6;
	v6 =	vsel vm0, $0x1, v0;
	v9 =	vld [tilespmem:s6+$0x6600];
	s26 =	sadd.s32 $0x4, s26  }
0x4a: {  	s8 =	simm.s32 $0x1;
	s6 =	sor.u32 $0x8600, s7;
	s7 =	sor.u32 $0x30, s1;
	v10 =	vsel vm1, $0x1, v0;
	v11 =	vld [tilespmem:s31+$0x6600];
	vm0 =	vne.s32 v1, $0x0;
	v1 =	vadd.s32 v6, v7  }
0x4b: {  	s2 =	sadd.s32 $0x6600, s2;
	p1 =	slt.u32 s26, $0x1C;
	v6 =	vld [tilespmem:s28+$0x0];
	s12 =	sor.u32 s7, s6;
	v7 =	vadd.s32 v10, v8;
	v8 =	vsel vm0, $0x1, v0;
	vm0 =	vne.s32 v2, $0x0  }
0x4c: {  	s8 =	simm.s32 @!p0 $0x0;
	s9 =	sor.u32 $0x10, s1;
	s10 =	sor.u32 s7, s2;
	v2 =	vld [tilespmem:s12+$0x0];
	vm1 =	vne.s32 v3, $0x0;
	v3 =	vadd.s32 v8, v5;
	v5 =	vsel vm0, $0x1, v0  }
0x4d: {  	s7 =	sshll.u32 s8, $0x6;
	s11 =	sor.u32 s1, s2;
	s1 =	sor.u32 $0x20, s1;
	v8 =	vld [tilespmem:s10+$0x0];
	v10 =	vsel vm1, $0x1, v0;
	vm0 =	vne.s32 v4, $0x0;
	v1 =	vadd.s32 v5, v1  }
0x4e: {  	s21 =	sor.u32 s9, s2;
	s16 =	sadd.s32 s7, s29;
	s7 =	sor.u32 s1, s2;
	v4 =	vld [tilespmem:s10+$0x80];
	v5 =	vadd.s32 v10, v7;
	v7 =	vsel vm0, $0x1, v0;
	vm0 =	vne.s32 v9, $0x0  }
0x4f: {  	s17 =	sor.u32 s9, s6;
	s18 =	sor.u32 s1, s6;
	s1 =	sadd.s32 $0x30, s16;
	v9 =	vld [tilespmem:s10+$0x100];
	vm1 =	vne.s32 v11, $0x0;
	v3 =	vadd.s32 v7, v3;
	v7 =	vsel vm0, $0x1, v0  }
0x50: {  	s2 =	sadd.s32 $0x10, s16;
	s6 =	sadd.s32 $0x20, s16;
	s8 =	sor.u32 $0x200, s1;
	v10 =	vld [tilespmem:s10+$0x180];
	v11 =	vsel vm1, $0x1, v0;
	[tilespmem:s24+$0x0] =	vst v3;
	v1 =	vadd.s32 v7, v1  }
0x51: {  	s13 =	sor.u32 $0x200, s6;
	s10 =	sor.u32 $0x200, s2;
	v3 =	vld [tilespmem:s8+$0x6600];
	s8 =	sor.u32 $0x280, s1;
	v5 =	vadd.s32 v11, v5;
	[tilespmem:s25+$0x0] =	vst v1  }
0x52: {  	s9 =	sor.u32 $0x200, s16;
	s19 =	sor.u32 $0x280, s2;
	s20 =	sor.u32 $0x300, s1;
	vm0 =	vne.s32 v8, $0x0;
	v1 =	vld [tilespmem:s8+$0x6600];
	[tilespmem:s23+$0x0] =	vst v5  }
0x53: {  	s15 =	sor.u32 $0x280, s16;
	s8 =	sor.u32 $0x280, s6;
	s23 =	sor.u32 $0x380, s1;
	v5 =	vsel vm0, $0x1, v0;
	vm0 =	vne.s32 v4, $0x0;
	v4 =	vld [tilespmem:s20+$0x6600]  }
0x54: {  	s16 =	sor.u32 $0x300, s16;
	s1 =	sor.u32 $0x300, s6;
	s20 =	sor.u32 $0x300, s2;
	v2 =	vadd.s32 v5, v2;
	v5 =	vsel vm0, $0x1, v0;
	vm0 =	vne.s32 v9, $0x0;
	v7 =	vld [tilespmem:s23+$0x6600]  }
0x55: {  	s6 =	sor.u32 $0x380, s6;
	s2 =	sor.u32 $0x380, s2;
	s23 =	sor.u32 s29, s30;
	v8 =	vld [tilespmem:s11+$0x0];
	v2 =	vadd.s32 v5, v2;
	v5 =	vsel vm0, $0x1, v0;
	vm0 =	vne.s32 v10, $0x0  }
0x56: {  	s24 =	smov.u32 s17;
	s25 =	smov.u32 s18;
	s31 =	sor.u32 $0x380, s23;
	v9 =	vld [tilespmem:s21+$0x0];
	v2 =	vadd.s32 v5, v2;
	v5 =	vsel vm0, $0x1, v0;
	vm0 =	vne.s32 v3, $0x0  }
0x57: {  	s23 =	smov.u32 s28;
	v3 =	vld [tilespmem:s7+$0x0];
	v2 =	vadd.s32 v5, v2;
	v5 =	vsel vm0, $0x1, v0;
	vm0 =	vne.s32 v1, $0x0  }
0x58: {  	v1 =	vld [tilespmem:s11+$0x80];
	v2 =	vadd.s32 v5, v2;
	v5 =	vsel vm0, $0x1, v0;
	vm0 =	vne.s32 v4, $0x0  }
0x59: {  	v4 =	vld [tilespmem:s21+$0x80];
	v2 =	vadd.s32 v5, v2;
	v5 =	vsel vm0, $0x1, v0;
	vm0 =	vne.s32 v7, $0x0  }
0x5a: {  	vm1 =	vne.s32 v8, $0x0;
	v7 =	vld [tilespmem:s7+$0x80];
	v2 =	vadd.s32 v5, v2;
	v5 =	vsel vm0, $0x1, v0  }
0x5b: {  	v8 =	vsel vm1, $0x1, v0;
	v10 =	vld [tilespmem:s11+$0x100];
	vm0 =	vne.s32 v9, $0x0;
	v2 =	vadd.s32 v5, v2  }
0x5c: {  	v5 =	vadd.s32 v8, v6;
	v6 =	vld [tilespmem:s24+$0x0];
	v8 =	vsel vm0, $0x1, v0;
	vm0 =	vne.s32 v3, $0x0;
	[tilespmem:s12+$0x0] =	vst v2  }
0x5d: {  	vm1 =	vne.s32 v1, $0x0;
	v1 =	vld [tilespmem:s21+$0x100];
	v2 =	vsel vm0, $0x1, v0  }
0x5e: {  	v3 =	vsel vm1, $0x1, v0;
	vm0 =	vne.s32 v4, $0x0;
	v4 =	vld [tilespmem:s25+$0x0]  }
0x5f: {  	v3 =	vadd.s32 v3, v5;
	v5 =	vsel vm0, $0x1, v0;
	vm0 =	vne.s32 v7, $0x0;
	v7 =	vld [tilespmem:s7+$0x100]  }
0x60: {  	vm1 =	vne.s32 v10, $0x0;
	v9 =	vld [tilespmem:s11+$0x180];
	v10 =	vsel vm0, $0x1, v0  }
0x61: {  	v11 =	vsel vm1, $0x1, v0;
	v6 =	vadd.s32 v8, v6;
	v8 =	vld [tilespmem:s21+$0x180]  }
0x62: {  	v3 =	vadd.s32 v11, v3;
	v5 =	vadd.s32 v5, v6;
	vm0 =	vne.s32 v1, $0x0;
	v1 =	vld [tilespmem:s7+$0x180]  }
0x63: {  	v6 =	vsel vm0, $0x1, v0;
	v11 =	vld [tilespmem:s10+$0x6600];
	v2 =	vadd.s32 v2, v4  }
0x64: {  	v4 =	vadd.s32 v6, v5;
	v2 =	vadd.s32 v10, v2;
	vm0 =	vne.s32 v7, $0x0;
	v6 =	vld [tilespmem:s13+$0x6600]  }
0x65: {  	vm1 =	vne.s32 v9, $0x0;
	v7 =	vld [tilespmem:s9+$0x6600];
	v5 =	vsel vm0, $0x1, v0  }
0x66: {  	v9 =	vsel vm1, $0x1, v0;
	vm0 =	vne.s32 v8, $0x0;
	v8 =	vld [tilespmem:s19+$0x6600];
	v2 =	vadd.s32 v5, v2  }
0x67: {  	v9 =	vadd.s32 v9, v3;
	v3 =	vsel vm0, $0x1, v0;
	vm0 =	vne.s32 v1, $0x0;
	v10 =	vld [tilespmem:s8+$0x6600]  }
.Ltmp1:
0x68: {  	v5 =	vld [tilespmem:s15+$0x6600];
	v3 =	vadd.s32 v3, v4;
	vm1 =	vne.s32 v11, $0x0;
	v4 =	vsel vm0, $0x1, v0;
	(pc) =	sbr.rel @p1 .LBB2_5-.Ltmp1, $4  }
0x69: {  	v11 =	vsel vm1, $0x1, v0;
	v1 =	vld [tilespmem:s20+$0x6600];
	v4 =	vadd.s32 v4, v2;
	vm0 =	vne.s32 v6, $0x0  }
0x6a: {  	vm1 =	vne.s32 v7, $0x0;
	v6 =	vadd.s32 v11, v3;
	v7 =	vsel vm0, $0x1, v0;
	v2 =	vld [tilespmem:s1+$0x6600]  }
0x6b: {  	s28 =	sadd.s32 $0x40, s28;
	v11 =	vsel vm1, $0x1, v0;
	v3 =	vld [tilespmem:s16+$0x6600];
	vm0 =	vne.s32 v8, $0x0;
	v7 =	vadd.s32 v7, v4  }
0x6c: {  	p0 =	por !p0, !p0;
	s29 =	sadd.s32 $0x200, s29;
	s30 =	sadd.s32 $0x40, s30;
	v8 =	vadd.s32 v11, v9;
	v9 =	vsel vm0, $0x1, v0;
	v4 =	vld [tilespmem:s2+$0x6600];
	vm0 =	vne.s32 v10, $0x0  }
0x6d: {  	vm1 =	vne.s32 v5, $0x0;
	v5 =	vadd.s32 v9, v6;
	v6 =	vld [tilespmem:s6+$0x6600]  }
0x6e: {  	v9 =	vsel vm0, $0x1, v0;
	v11 =	vld [tilespmem:s31+$0x6600];
	v10 =	vsel vm1, $0x1, v0;
	vm0 =	vne.s32 v1, $0x0  }
0x6f: {  	v1 =	vadd.s32 v9, v7;
	v7 =	vadd.s32 v10, v8;
	v8 =	vsel vm0, $0x1, v0  }
0x70: {  	vm0 =	vne.s32 v2, $0x0;
	vm1 =	vne.s32 v3, $0x0;
	v2 =	vadd.s32 v8, v5  }
0x71: {  	v3 =	vsel vm0, $0x1, v0;
	v5 =	vsel vm1, $0x1, v0;
	vm0 =	vne.s32 v4, $0x0  }
0x72: {  	v1 =	vadd.s32 v3, v1;
	v3 =	vsel vm0, $0x1, v0;
	vm0 =	vne.s32 v6, $0x0  }
0x73: {  	vm1 =	vne.s32 v11, $0x0;
	v2 =	vadd.s32 v3, v2;
	v3 =	vsel vm0, $0x1, v0  }
0x74: {  	v4 =	vadd.s32 v5, v7;
	v5 =	vsel vm1, $0x1, v0;
	[tilespmem:s24+$0x0] =	vst v2;
	v1 =	vadd.s32 v3, v1  }
0x75: {  	v2 =	vadd.s32 v5, v4;
	[tilespmem:s25+$0x0] =	vst v1  }
0x76: {  	s6 =	simm.s32 $0x0;
	s16 =	simm.s32 $0x6600;
	[tilespmem:s23+$0x0] =	vst v2  }
0x77: {  	p0 =	por $0x0, $0x0;
	s17 =	sand.u32 $0x40, s6;
	_ =	swait.ge [sflag:s14], $0x1000  }
0x78: {  	s18 =	sand.u32 $0x180, s6;
	s1 =	rddreg [dreg:$0x6];
	[sflag:s14] =	ssyncset.done $0x0  }
0x79: {  	s7 =	sand.u32 $0xC00, s6;
	s1 =	sadd.s32 s1, s22;
	[sflag:s14] =	ssyncadd.s32 $0xFFFFF000  }
0x7a: {  	s8 =	sor.u32 $0x8600, s18;
	s1 =	sshrl.u32 s1, $0x3;
	s2 =	rddreg [dreg:$0x0]  }
0x7b: {  	s19 =	sor.u32 $0x30, s17;
	s22 =	simm.s32 $0x8600;
	s1 =	sadd.s32 s2, s1  }
0x7c: {  	[tilespmem:s16], [sflag:$0x2] =	stream.linear.gather [hbm4b:s1+s6], $0x1000, $0x38;
	[tilespmem:$0x18800] =	vst v63  }
0x7d: {  	s9 =	simm.s32 $0x1;
	s7 =	sadd.s32 $0x7600, s7;
	s28 =	sor.u32 s19, s8;
	v1 =	vld [tilespmem:s22+$0x0]  }
0x7e: {  	s9 =	simm.s32 @!p0 $0x0;
	s10 =	sor.u32 s19, s7;
	v2 =	vld [tilespmem:s28+$0x0]  }
0x7f: {  	s20 =	sshll.u32 s9, $0x6;
	v3 =	vld [tilespmem:s10+$0x0]  }
0x80: {  	s1 =	sadd.s32 $0x0, s20;
	v4 =	vld [tilespmem:s10+$0x80]  }
0x81: {  	v5 =	vld [tilespmem:s10+$0x100];
	s21 =	sadd.s32 $0x30, s1  }
0x82: {  	v6 =	vld [tilespmem:s10+$0x180];
	s23 =	sor.u32 $0x200, s21  }
0x83: {  	s24 =	sor.u32 $0x280, s21;
	v7 =	vld [tilespmem:s23+$0x7600]  }
0x84: {  	s25 =	sor.u32 $0x300, s21;
	v8 =	vld [tilespmem:s24+$0x7600]  }
0x85: {  	s9 =	sor.u32 $0x380, s21;
	v9 =	vld [tilespmem:s25+$0x7600]  }
0x86: {  	s26 =	sor.u32 $0x10, s17;
	s11 =	sor.u32 s17, s7;
	vm0 =	vne.s32 v3, $0x0;
	v3 =	vld [tilespmem:s9+$0x7600]  }
0x87: {  	s31 =	sor.u32 s26, s7;
	s2 =	sor.u32 $0x20, s17;
	v10 =	vsel vm0, $0x1, v0;
	vm0 =	vne.s32 v4, $0x0;
	v4 =	vld [tilespmem:s11+$0x0]  }
0x88: {  	s7 =	sor.u32 s2, s7;
	v2 =	vadd.s32 v10, v2;
	v10 =	vsel vm0, $0x1, v0;
	vm0 =	vne.s32 v5, $0x0;
	v5 =	vld [tilespmem:s31+$0x0]  }
0x89: {  	v2 =	vadd.s32 v10, v2;
	v10 =	vsel vm0, $0x1, v0;
	vm0 =	vne.s32 v6, $0x0;
	v6 =	vld [tilespmem:s7+$0x0]  }
0x8a: {  	v2 =	vadd.s32 v10, v2;
	v10 =	vsel vm0, $0x1, v0;
	vm0 =	vne.s32 v7, $0x0;
	v7 =	vld [tilespmem:s11+$0x80]  }
0x8b: {  	v2 =	vadd.s32 v10, v2;
	v10 =	vsel vm0, $0x1, v0;
	vm0 =	vne.s32 v8, $0x0;
	v8 =	vld [tilespmem:s31+$0x80]  }
0x8c: {  	s23 =	sor.u32 s26, s8;
	v2 =	vadd.s32 v10, v2;
	v10 =	vsel vm0, $0x1, v0;
	vm0 =	vne.s32 v9, $0x0;
	v9 =	vld [tilespmem:s11+$0x100]  }
0x8d: {  	v2 =	vadd.s32 v10, v2;
	v10 =	vsel vm0, $0x1, v0;
	vm0 =	vne.s32 v3, $0x0;
	v3 =	vld [tilespmem:s23+$0x0]  }
0x8e: {  	vm1 =	vne.s32 v4, $0x0;
	v4 =	vld [tilespmem:s7+$0x80];
	v2 =	vadd.s32 v10, v2;
	v10 =	vsel vm0, $0x1, v0  }
0x8f: {  	s24 =	sor.u32 s2, s8;
	v11 =	vsel vm1, $0x1, v0;
	vm1 =	vne.s32 v5, $0x0;
	v10 =	vadd.s32 v10, v2;
	v2 =	vld [tilespmem:s31+$0x100]  }
0x90: {  	v1 =	vadd.s32 v11, v1;
	v11 =	vsel vm1, $0x1, v0;
	vm0 =	vne.s32 v7, $0x0;
	v7 =	vld [tilespmem:s24+$0x0]  }
0x91: {  	v5 =	vsel vm0, $0x1, v0;
	vm1 =	vne.s32 v8, $0x0;
	v8 =	vld [tilespmem:s11+$0x180];
	vm0 =	vne.s32 v9, $0x0  }
0x92: {  	v1 =	vadd.s32 v5, v1;
	v5 =	vld [tilespmem:s7+$0x100];
	v3 =	vadd.s32 v11, v3;
	v9 =	vsel vm0, $0x1, v0  }
0x93: {  	s12 =	sadd.s32 $0x10, s1;
	vm0 =	vne.s32 v6, $0x0;
	v6 =	vsel vm1, $0x1, v0;
	v1 =	vadd.s32 v9, v1;
	v9 =	vld [tilespmem:s31+$0x180]  }
0x94: {  	s13 =	sadd.s32 $0x20, s1;
	s15 =	sor.u32 $0x200, s12;
	vm1 =	vne.s32 v4, $0x0;
	v11 =	vsel vm0, $0x1, v0;
	vm0 =	vne.s32 v2, $0x0;
	v2 =	vld [tilespmem:s7+$0x180]  }
0x95: {  	s16 =	sor.u32 $0x200, s13;
	v3 =	vadd.s32 v6, v3;
	v6 =	vadd.s32 v11, v7;
	v7 =	vld [tilespmem:s15+$0x7600];
	v4 =	vsel vm0, $0x1, v0  }
0x96: {  	s17 =	sor.u32 $0x200, s1;
	v11 =	vsel vm1, $0x1, v0;
	vm1 =	vne.s32 v8, $0x0;
	v3 =	vadd.s32 v4, v3;
	v4 =	vld [tilespmem:s16+$0x7600]  }
0x97: {  	s18 =	sor.u32 $0x280, s12;
	vm0 =	vne.s32 v5, $0x0;
	v5 =	vadd.s32 v11, v6;
	v6 =	vld [tilespmem:s17+$0x7600];
	v11 =	vsel vm1, $0x1, v0  }
0x98: {  	s19 =	sor.u32 $0x280, s13;
	v8 =	vsel vm0, $0x1, v0;
	v11 =	vadd.s32 v11, v1;
	vm0 =	vne.s32 v9, $0x0;
	v9 =	vld [tilespmem:s18+$0x7600]  }
0x99: {  	s20 =	sor.u32 $0x280, s1;
	v12 =	vld [tilespmem:s19+$0x7600];
	v8 =	vadd.s32 v8, v5;
	v1 =	vsel vm0, $0x1, v0;
	vm0 =	vne.s32 v2, $0x0  }
0x9a: {  	s21 =	sor.u32 $0x300, s12;
	v5 =	vld [tilespmem:s20+$0x7600];
	vm1 =	vne.s32 v7, $0x0;
	v2 =	vadd.s32 v1, v3;
	v1 =	vsel vm0, $0x1, v0  }
0x9b: {  	s29 =	simm.s32 $0x40;
	s26 =	sor.u32 $0x300, s13;
	v3 =	vsel vm1, $0x1, v0;
	v7 =	vadd.s32 v1, v8;
	v1 =	vld [tilespmem:s21+$0x7600];
	vm0 =	vne.s32 v4, $0x0  }
0x9c: {  	p0 =	por !p0, !p0;
	s1 =	sor.u32 $0x300, s1;
	s25 =	simm.s32 $0x0;
	vm1 =	vne.s32 v6, $0x0;
	v8 =	vadd.s32 v3, v2;
	v2 =	vld [tilespmem:s26+$0x7600];
	v3 =	vsel vm0, $0x1, v0  }
0x9d: {  	s2 =	sor.u32 $0x380, s12;
	[tilespmem:s28+$0x0] =	vst v10;
	s28 =	simm.s32 $0x200;
	s31 =	sor.u32 s6, s6;
	v4 =	vsel vm1, $0x1, v0;
	v6 =	vadd.s32 v3, v7;
	v3 =	vld [tilespmem:s1+$0x7600];
	vm0 =	vne.s32 v9, $0x0  }
0x9e: {  	s6 =	sor.u32 $0x380, s13;
	s30 =	sor.u32 $0x380, s31;
	s26 =	simm.s32 $0x8640;
	v7 =	vadd.s32 v4, v11;
	v4 =	vld [tilespmem:s2+$0x7600];
	v9 =	vsel vm0, $0x1, v0;
	vm0 =	vne.s32 v12, $0x0  }
.LBB2_7:
0x9f: {  	s1 =	sand.u32 $0x40, s29  }
0xa0: {  	s2 =	sand.u32 $0xC00, s28;
	s7 =	sand.u32 $0x180, s29;
	vm1 =	vne.s32 v5, $0x0;
	v5 =	vadd.s32 v9, v8;
	v8 =	vsel vm0, $0x1, v0;
	v9 =	vld [tilespmem:s6+$0x7600];
	s25 =	sadd.s32 $0x4, s25  }
0xa1: {  	s8 =	simm.s32 $0x1;
	s6 =	sor.u32 $0x8600, s7;
	s7 =	sor.u32 $0x30, s1;
	v10 =	vsel vm1, $0x1, v0;
	v11 =	vld [tilespmem:s30+$0x7600];
	vm0 =	vne.s32 v1, $0x0;
	v1 =	vadd.s32 v8, v6  }
0xa2: {  	s2 =	sadd.s32 $0x7600, s2;
	p1 =	slt.u32 s25, $0x1C;
	v6 =	vld [tilespmem:s26+$0x0];
	s12 =	sor.u32 s7, s6;
	v7 =	vadd.s32 v10, v7;
	v8 =	vsel vm0, $0x1, v0;
	vm0 =	vne.s32 v2, $0x0  }
0xa3: {  	s8 =	simm.s32 @!p0 $0x0;
	s9 =	sor.u32 $0x10, s1;
	s10 =	sor.u32 s7, s2;
	v2 =	vld [tilespmem:s12+$0x0];
	vm1 =	vne.s32 v3, $0x0;
	v3 =	vadd.s32 v8, v5;
	v5 =	vsel vm0, $0x1, v0  }
0xa4: {  	s7 =	sshll.u32 s8, $0x6;
	s11 =	sor.u32 s1, s2;
	s1 =	sor.u32 $0x20, s1;
	v8 =	vld [tilespmem:s10+$0x0];
	v10 =	vsel vm1, $0x1, v0;
	vm0 =	vne.s32 v4, $0x0;
	v1 =	vadd.s32 v5, v1  }
0xa5: {  	s21 =	sor.u32 s9, s2;
	s16 =	sadd.s32 s7, s28;
	s7 =	sor.u32 s1, s2;
	v4 =	vld [tilespmem:s10+$0x80];
	v5 =	vadd.s32 v10, v7;
	v7 =	vsel vm0, $0x1, v0;
	vm0 =	vne.s32 v9, $0x0  }
0xa6: {  	s17 =	sor.u32 s9, s6;
	s18 =	sor.u32 s1, s6;
	s1 =	sadd.s32 $0x30, s16;
	v9 =	vld [tilespmem:s10+$0x100];
	vm1 =	vne.s32 v11, $0x0;
	v3 =	vadd.s32 v7, v3;
	v7 =	vsel vm0, $0x1, v0  }
0xa7: {  	s2 =	sadd.s32 $0x10, s16;
	s6 =	sadd.s32 $0x20, s16;
	s9 =	sor.u32 $0x200, s1;
	v10 =	vld [tilespmem:s10+$0x180];
	v11 =	vsel vm1, $0x1, v0;
	[tilespmem:s23+$0x0] =	vst v3;
	v1 =	vadd.s32 v7, v1  }
0xa8: {  	s8 =	sor.u32 $0x200, s6;
	s13 =	sor.u32 $0x280, s1;
	s10 =	sor.u32 $0x200, s2;
	v3 =	vld [tilespmem:s9+$0x7600];
	v5 =	vadd.s32 v11, v5;
	[tilespmem:s24+$0x0] =	vst v1  }
0xa9: {  	s19 =	sor.u32 $0x280, s2;
	s20 =	sor.u32 $0x300, s1;
	s9 =	sor.u32 $0x200, s16;
	vm0 =	vne.s32 v8, $0x0;
	v1 =	vld [tilespmem:s13+$0x7600];
	[tilespmem:s22+$0x0] =	vst v5  }
0xaa: {  	s15 =	sor.u32 $0x280, s16;
	s13 =	sor.u32 $0x280, s6;
	s22 =	sor.u32 $0x380, s1;
	v5 =	vsel vm0, $0x1, v0;
	vm0 =	vne.s32 v4, $0x0;
	v4 =	vld [tilespmem:s20+$0x7600]  }
0xab: {  	s16 =	sor.u32 $0x300, s16;
	s1 =	sor.u32 $0x300, s6;
	s20 =	sor.u32 $0x300, s2;
	v2 =	vadd.s32 v5, v2;
	v5 =	vsel vm0, $0x1, v0;
	vm0 =	vne.s32 v9, $0x0;
	v7 =	vld [tilespmem:s22+$0x7600]  }
0xac: {  	s6 =	sor.u32 $0x380, s6;
	s2 =	sor.u32 $0x380, s2;
	s22 =	sor.u32 s28, s29;
	v8 =	vld [tilespmem:s11+$0x0];
	v2 =	vadd.s32 v5, v2;
	v5 =	vsel vm0, $0x1, v0;
	vm0 =	vne.s32 v10, $0x0  }
0xad: {  	s23 =	smov.u32 s17;
	s24 =	smov.u32 s18;
	s30 =	sor.u32 $0x380, s22;
	v9 =	vld [tilespmem:s21+$0x0];
	v2 =	vadd.s32 v5, v2;
	v5 =	vsel vm0, $0x1, v0;
	vm0 =	vne.s32 v3, $0x0  }
0xae: {  	s22 =	smov.u32 s26;
	v3 =	vld [tilespmem:s7+$0x0];
	v2 =	vadd.s32 v5, v2;
	v5 =	vsel vm0, $0x1, v0;
	vm0 =	vne.s32 v1, $0x0  }
0xaf: {  	v1 =	vld [tilespmem:s11+$0x80];
	v2 =	vadd.s32 v5, v2;
	v5 =	vsel vm0, $0x1, v0;
	vm0 =	vne.s32 v4, $0x0  }
0xb0: {  	v4 =	vld [tilespmem:s21+$0x80];
	v2 =	vadd.s32 v5, v2;
	v5 =	vsel vm0, $0x1, v0;
	vm0 =	vne.s32 v7, $0x0  }
0xb1: {  	vm1 =	vne.s32 v8, $0x0;
	v7 =	vld [tilespmem:s7+$0x80];
	v2 =	vadd.s32 v5, v2;
	v5 =	vsel vm0, $0x1, v0  }
0xb2: {  	v8 =	vsel vm1, $0x1, v0;
	v10 =	vld [tilespmem:s11+$0x100];
	vm0 =	vne.s32 v9, $0x0;
	v2 =	vadd.s32 v5, v2  }
0xb3: {  	v5 =	vadd.s32 v8, v6;
	v6 =	vld [tilespmem:s23+$0x0];
	v8 =	vsel vm0, $0x1, v0;
	vm0 =	vne.s32 v3, $0x0;
	[tilespmem:s12+$0x0] =	vst v2  }
0xb4: {  	vm1 =	vne.s32 v1, $0x0;
	v1 =	vld [tilespmem:s21+$0x100];
	v2 =	vsel vm0, $0x1, v0  }
0xb5: {  	v3 =	vsel vm1, $0x1, v0;
	vm0 =	vne.s32 v4, $0x0;
	v4 =	vld [tilespmem:s24+$0x0]  }
0xb6: {  	v3 =	vadd.s32 v3, v5;
	v5 =	vsel vm0, $0x1, v0;
	vm0 =	vne.s32 v7, $0x0;
	v7 =	vld [tilespmem:s7+$0x100]  }
0xb7: {  	vm1 =	vne.s32 v10, $0x0;
	v9 =	vld [tilespmem:s11+$0x180];
	v10 =	vsel vm0, $0x1, v0  }
0xb8: {  	v11 =	vsel vm1, $0x1, v0;
	v6 =	vadd.s32 v8, v6;
	v8 =	vld [tilespmem:s21+$0x180]  }
0xb9: {  	v3 =	vadd.s32 v11, v3;
	v5 =	vadd.s32 v5, v6;
	vm0 =	vne.s32 v1, $0x0;
	v1 =	vld [tilespmem:s7+$0x180]  }
0xba: {  	v6 =	vsel vm0, $0x1, v0;
	v11 =	vld [tilespmem:s10+$0x7600];
	v2 =	vadd.s32 v2, v4  }
0xbb: {  	v4 =	vadd.s32 v6, v5;
	v2 =	vadd.s32 v10, v2;
	vm0 =	vne.s32 v7, $0x0;
	v6 =	vld [tilespmem:s8+$0x7600]  }
0xbc: {  	vm1 =	vne.s32 v9, $0x0;
	v7 =	vld [tilespmem:s9+$0x7600];
	v5 =	vsel vm0, $0x1, v0  }
0xbd: {  	v9 =	vsel vm1, $0x1, v0;
	vm0 =	vne.s32 v8, $0x0;
	v10 =	vld [tilespmem:s19+$0x7600];
	v2 =	vadd.s32 v5, v2  }
0xbe: {  	v9 =	vadd.s32 v9, v3;
	v3 =	vsel vm0, $0x1, v0;
	vm0 =	vne.s32 v1, $0x0;
	v12 =	vld [tilespmem:s13+$0x7600]  }
.Ltmp2:
0xbf: {  	v5 =	vld [tilespmem:s15+$0x7600];
	v3 =	vadd.s32 v3, v4;
	vm1 =	vne.s32 v11, $0x0;
	v4 =	vsel vm0, $0x1, v0;
	(pc) =	sbr.rel @p1 .LBB2_7-.Ltmp2, $4  }
0xc0: {  	v8 =	vsel vm1, $0x1, v0;
	v1 =	vld [tilespmem:s20+$0x7600];
	v4 =	vadd.s32 v4, v2;
	vm0 =	vne.s32 v6, $0x0  }
0xc1: {  	vm1 =	vne.s32 v7, $0x0;
	v8 =	vadd.s32 v8, v3;
	v6 =	vsel vm0, $0x1, v0;
	v2 =	vld [tilespmem:s1+$0x7600]  }
0xc2: {  	s26 =	sadd.s32 $0x40, s26;
	v7 =	vsel vm1, $0x1, v0;
	v3 =	vld [tilespmem:s16+$0x7600];
	vm0 =	vne.s32 v10, $0x0;
	v6 =	vadd.s32 v6, v4  }
0xc3: {  	p0 =	por !p0, !p0;
	s28 =	sadd.s32 $0x200, s28;
	s29 =	sadd.s32 $0x40, s29;
	v7 =	vadd.s32 v7, v9;
	v9 =	vsel vm0, $0x1, v0;
	v4 =	vld [tilespmem:s2+$0x7600];
	vm0 =	vne.s32 v12, $0x0  }
0xc4: {  	vm1 =	vne.s32 v5, $0x0;
	v56 =	vadd.s32 v9, v8;
	v57 =	vld [tilespmem:s6+$0x7600]  }
0xc5: {  	v58 =	vsel vm0, $0x1, v0;
	v11 =	vld [tilespmem:s30+$0x7600];
	v10 =	vsel vm1, $0x1, v0;
	vm10 =	vne.s32 v1, $0x0  }
0xc6: {  	v1 =	vadd.s32 v58, v6;
	v59 =	vadd.s32 v10, v7;
	v60 =	vsel vm10, $0x1, v0  }
0xc7: {  	s3 =	sadd.s32 $0x1, s3;
	vm11 =	vne.s32 v2, $0x0;
	vm12 =	vne.s32 v3, $0x0;
	v2 =	vadd.s32 v60, v56  }
0xc8: {  	p0 =	sne.s32 s3, $0xC;
	v3 =	vsel vm11, $0x1, v0;
	v61 =	vsel vm12, $0x1, v0;
	vm13 =	vne.s32 v4, $0x0  }
.Ltmp3:
0xc9: {  	v1 =	vadd.s32 v3, v1;
	v3 =	vsel vm13, $0x1, v0;
	vm14 =	vne.s32 v57, $0x0;
	(pc) =	sbr.rel @p0 .LBB2_4-.Ltmp3, $4  }
0xca: {  	vm15 =	vne.s32 v11, $0x0;
	v2 =	vadd.s32 v3, v2;
	v3 =	vsel vm14, $0x1, v0  }
0xcb: {  	v62 =	vadd.s32 v61, v59;
	v63 =	vsel vm15, $0x1, v0;
	[tilespmem:s23+$0x0] =	vst v2;
	v1 =	vadd.s32 v3, v1  }
0xcc: {  	v2 =	vadd.s32 v63, v62;
	[tilespmem:s24+$0x0] =	vst v1  }
0xcd: {  	[tilespmem:s22+$0x0] =	vst v2  }
0xce: {  	_ =	swait.ge [sflag:s14], $0x1000;
	p0 =	por $0x0, $0x0  }
0xcf: {  	s24 =	simm.s32 $0x0;
	s0 =	simm.s32 $0x8600;
	[sflag:s14] =	ssyncset.done $0x0  }
0xd0: {  	s2 =	sand.u32 $0x40, s24;
	s1 =	sand.u32 $0x180, s24;
	s3 =	sand.u32 $0xC00, s24  }
0xd1: {  	[sflag:s14] =	ssyncadd.s32 $0xFFFFF000;
	s7 =	sor.u32 $0x8600, s1;
	s26 =	sor.u32 $0x30, s2  }
0xd2: {  	s8 =	simm.s32 $0x1;
	s3 =	sadd.s32 $0x6600, s3;
	v1 =	vld [tilespmem:s0+$0x0];
	s6 =	sor.u32 s26, s7  }
0xd3: {  	s8 =	simm.s32 @!p0 $0x0;
	s9 =	sor.u32 s26, s3;
	v2 =	vld [tilespmem:s6+$0x0]  }
0xd4: {  	s28 =	sshll.u32 s8, $0x6;
	v3 =	vld [tilespmem:s9+$0x0]  }
0xd5: {  	s1 =	sadd.s32 $0x0, s28;
	v4 =	vld [tilespmem:s9+$0x80]  }
0xd6: {  	v5 =	vld [tilespmem:s9+$0x100];
	s31 =	sadd.s32 $0x30, s1  }
0xd7: {  	v6 =	vld [tilespmem:s9+$0x180];
	s10 =	sor.u32 $0x200, s31  }
0xd8: {  	s11 =	sor.u32 $0x280, s31;
	v7 =	vld [tilespmem:s10+$0x6600]  }
0xd9: {  	s12 =	sor.u32 $0x300, s31;
	v8 =	vld [tilespmem:s11+$0x6600]  }
0xda: {  	s8 =	sor.u32 $0x380, s31;
	v9 =	vld [tilespmem:s12+$0x6600]  }
0xdb: {  	s13 =	sor.u32 $0x10, s2;
	s10 =	sor.u32 s2, s3;
	vm0 =	vne.s32 v3, $0x0;
	v3 =	vld [tilespmem:s8+$0x6600]  }
0xdc: {  	s15 =	sor.u32 s13, s3;
	s2 =	sor.u32 $0x20, s2;
	v10 =	vsel vm0, $0x1, v0;
	vm0 =	vne.s32 v4, $0x0;
	v4 =	vld [tilespmem:s10+$0x0]  }
0xdd: {  	s11 =	sor.u32 s2, s3;
	v2 =	vadd.s32 v10, v2;
	v10 =	vsel vm0, $0x1, v0;
	vm0 =	vne.s32 v5, $0x0;
	v5 =	vld [tilespmem:s15+$0x0]  }
0xde: {  	v2 =	vadd.s32 v10, v2;
	v10 =	vsel vm0, $0x1, v0;
	vm0 =	vne.s32 v6, $0x0;
	v6 =	vld [tilespmem:s11+$0x0]  }
0xdf: {  	v2 =	vadd.s32 v10, v2;
	v10 =	vsel vm0, $0x1, v0;
	vm0 =	vne.s32 v7, $0x0;
	v7 =	vld [tilespmem:s10+$0x80]  }
0xe0: {  	v2 =	vadd.s32 v10, v2;
	v10 =	vsel vm0, $0x1, v0;
	vm0 =	vne.s32 v8, $0x0;
	v8 =	vld [tilespmem:s15+$0x80]  }
0xe1: {  	s3 =	sor.u32 s13, s7;
	v2 =	vadd.s32 v10, v2;
	v10 =	vsel vm0, $0x1, v0;
	vm0 =	vne.s32 v9, $0x0;
	v9 =	vld [tilespmem:s10+$0x100]  }
0xe2: {  	v2 =	vadd.s32 v10, v2;
	v10 =	vsel vm0, $0x1, v0;
	vm0 =	vne.s32 v3, $0x0;
	v3 =	vld [tilespmem:s3+$0x0]  }
0xe3: {  	vm1 =	vne.s32 v4, $0x0;
	v4 =	vld [tilespmem:s11+$0x80];
	v2 =	vadd.s32 v10, v2;
	v10 =	vsel vm0, $0x1, v0  }
0xe4: {  	s22 =	sor.u32 s2, s7;
	v11 =	vsel vm1, $0x1, v0;
	vm1 =	vne.s32 v5, $0x0;
	v10 =	vadd.s32 v10, v2;
	v2 =	vld [tilespmem:s15+$0x100]  }
0xe5: {  	v1 =	vadd.s32 v11, v1;
	v11 =	vsel vm1, $0x1, v0;
	vm0 =	vne.s32 v7, $0x0;
	v7 =	vld [tilespmem:s22+$0x0]  }
0xe6: {  	v5 =	vsel vm0, $0x1, v0;
	vm1 =	vne.s32 v8, $0x0;
	v8 =	vld [tilespmem:s10+$0x180];
	vm0 =	vne.s32 v9, $0x0  }
0xe7: {  	v1 =	vadd.s32 v5, v1;
	v5 =	vld [tilespmem:s11+$0x100];
	v3 =	vadd.s32 v11, v3;
	v9 =	vsel vm0, $0x1, v0  }
0xe8: {  	s16 =	sadd.s32 $0x10, s1;
	vm0 =	vne.s32 v6, $0x0;
	v6 =	vsel vm1, $0x1, v0;
	v1 =	vadd.s32 v9, v1;
	v9 =	vld [tilespmem:s15+$0x180]  }
0xe9: {  	s17 =	sadd.s32 $0x20, s1;
	s18 =	sor.u32 $0x200, s16;
	vm1 =	vne.s32 v4, $0x0;
	v11 =	vsel vm0, $0x1, v0;
	vm0 =	vne.s32 v2, $0x0;
	v2 =	vld [tilespmem:s11+$0x180]  }
0xea: {  	s19 =	sor.u32 $0x200, s17;
	v3 =	vadd.s32 v6, v3;
	v6 =	vadd.s32 v11, v7;
	v7 =	vld [tilespmem:s18+$0x6600];
	v4 =	vsel vm0, $0x1, v0  }
0xeb: {  	s20 =	sor.u32 $0x200, s1;
	v11 =	vsel vm1, $0x1, v0;
	vm1 =	vne.s32 v8, $0x0;
	v3 =	vadd.s32 v4, v3;
	v4 =	vld [tilespmem:s19+$0x6600]  }
0xec: {  	s21 =	sor.u32 $0x280, s16;
	vm0 =	vne.s32 v5, $0x0;
	v5 =	vadd.s32 v11, v6;
	v6 =	vld [tilespmem:s20+$0x6600];
	v11 =	vsel vm1, $0x1, v0  }
0xed: {  	s23 =	sor.u32 $0x280, s17;
	v8 =	vsel vm0, $0x1, v0;
	v11 =	vadd.s32 v11, v1;
	vm0 =	vne.s32 v9, $0x0;
	v9 =	vld [tilespmem:s21+$0x6600]  }
0xee: {  	s25 =	sor.u32 $0x280, s1;
	v12 =	vld [tilespmem:s23+$0x6600];
	v8 =	vadd.s32 v8, v5;
	v1 =	vsel vm0, $0x1, v0;
	vm0 =	vne.s32 v2, $0x0  }
0xef: {  	s26 =	sor.u32 $0x300, s16;
	v5 =	vld [tilespmem:s25+$0x6600];
	vm1 =	vne.s32 v7, $0x0;
	v2 =	vadd.s32 v1, v3;
	v1 =	vsel vm0, $0x1, v0  }
0xf0: {  	p0 =	por !p0, !p0;
	s28 =	sor.u32 $0x300, s17;
	v3 =	vsel vm1, $0x1, v0;
	v7 =	vadd.s32 v1, v8;
	v1 =	vld [tilespmem:s26+$0x6600];
	vm0 =	vne.s32 v4, $0x0  }
0xf1: {  	s1 =	sor.u32 $0x300, s1;
	s31 =	sor.u32 s24, s24;
	s30 =	sor.u32 $0x380, s17;
	vm1 =	vne.s32 v6, $0x0;
	v8 =	vadd.s32 v3, v2;
	v2 =	vld [tilespmem:s28+$0x6600];
	v3 =	vsel vm0, $0x1, v0  }
0xf2: {  	s24 =	simm.s32 $0x8640;
	s23 =	simm.s32 $0x0;
	s2 =	sor.u32 $0x380, s16;
	v4 =	vsel vm1, $0x1, v0;
	v6 =	vadd.s32 v3, v7;
	v3 =	vld [tilespmem:s1+$0x6600];
	vm0 =	vne.s32 v9, $0x0  }
0xf3: {  	s29 =	sor.u32 $0x380, s31;
	[tilespmem:s6+$0x0] =	vst v10;
	s25 =	simm.s32 $0x200;
	s26 =	simm.s32 $0x40;
	v7 =	vadd.s32 v4, v11;
	v4 =	vld [tilespmem:s2+$0x6600];
	v9 =	vsel vm0, $0x1, v0;
	vm0 =	vne.s32 v12, $0x0  }
.LBB2_10:
0xf4: {  	s1 =	sand.u32 $0x40, s26  }
0xf5: {  	s2 =	sand.u32 $0xC00, s25;
	s6 =	sand.u32 $0x180, s26;
	vm1 =	vne.s32 v5, $0x0;
	v5 =	vadd.s32 v9, v8;
	v8 =	vsel vm0, $0x1, v0;
	v9 =	vld [tilespmem:s30+$0x6600];
	s23 =	sadd.s32 $0x4, s23  }
0xf6: {  	s7 =	simm.s32 $0x1;
	s8 =	sor.u32 $0x8600, s6;
	s6 =	sor.u32 $0x30, s1;
	v10 =	vsel vm1, $0x1, v0;
	v11 =	vld [tilespmem:s29+$0x6600];
	vm0 =	vne.s32 v1, $0x0;
	v1 =	vadd.s32 v8, v6  }
0xf7: {  	s2 =	sadd.s32 $0x6600, s2;
	p1 =	slt.u32 s23, $0x1C;
	v6 =	vld [tilespmem:s24+$0x0];
	s12 =	sor.u32 s6, s8;
	v7 =	vadd.s32 v10, v7;
	v8 =	vsel vm0, $0x1, v0;
	vm0 =	vne.s32 v2, $0x0  }
0xf8: {  	s7 =	simm.s32 @!p0 $0x0;
	s9 =	sor.u32 $0x10, s1;
	s10 =	sor.u32 s6, s2;
	v2 =	vld [tilespmem:s12+$0x0];
	vm1 =	vne.s32 v3, $0x0;
	v3 =	vadd.s32 v8, v5;
	v5 =	vsel vm0, $0x1, v0  }
0xf9: {  	s6 =	sshll.u32 s7, $0x6;
	s7 =	sor.u32 s1, s2;
	s1 =	sor.u32 $0x20, s1;
	v8 =	vld [tilespmem:s10+$0x0];
	v10 =	vsel vm1, $0x1, v0;
	vm0 =	vne.s32 v4, $0x0;
	v1 =	vadd.s32 v5, v1  }
0xfa: {  	s16 =	sor.u32 s9, s2;
	s11 =	sadd.s32 s6, s25;
	s6 =	sor.u32 s1, s2;
	v4 =	vld [tilespmem:s10+$0x80];
	v5 =	vadd.s32 v10, v7;
	v7 =	vsel vm0, $0x1, v0;
	vm0 =	vne.s32 v9, $0x0  }
0xfb: {  	s13 =	sor.u32 s9, s8;
	s17 =	sor.u32 s1, s8;
	s2 =	sadd.s32 $0x30, s11;
	v9 =	vld [tilespmem:s10+$0x100];
	vm1 =	vne.s32 v11, $0x0;
	v3 =	vadd.s32 v7, v3;
	v7 =	vsel vm0, $0x1, v0  }
0xfc: {  	s18 =	sadd.s32 $0x10, s11;
	s28 =	sadd.s32 $0x20, s11;
	s1 =	sor.u32 $0x200, s2;
	v10 =	vld [tilespmem:s10+$0x180];
	v11 =	vsel vm1, $0x1, v0;
	[tilespmem:s3+$0x0] =	vst v3;
	v1 =	vadd.s32 v7, v1  }
0xfd: {  	s9 =	sor.u32 $0x200, s18;
	s19 =	sor.u32 $0x200, s28;
	v3 =	vld [tilespmem:s1+$0x6600];
	s1 =	sor.u32 $0x280, s2;
	v5 =	vadd.s32 v11, v5;
	[tilespmem:s22+$0x0] =	vst v1  }
0xfe: {  	s8 =	sor.u32 $0x200, s11;
	s15 =	sor.u32 $0x280, s18;
	s3 =	sor.u32 $0x300, s2;
	vm0 =	vne.s32 v8, $0x0;
	v1 =	vld [tilespmem:s1+$0x6600];
	[tilespmem:s0+$0x0] =	vst v5  }
0xff: {  	s20 =	sor.u32 $0x280, s28;
	s1 =	sor.u32 $0x280, s11;
	s0 =	sor.u32 $0x380, s2;
	v5 =	vsel vm0, $0x1, v0;
	vm0 =	vne.s32 v4, $0x0;
	v4 =	vld [tilespmem:s3+$0x6600]  }
0x100: {  	s31 =	sor.u32 $0x300, s18;
	s11 =	sor.u32 $0x300, s11;
	s2 =	sor.u32 $0x300, s28;
	v2 =	vadd.s32 v5, v2;
	v5 =	vsel vm0, $0x1, v0;
	vm0 =	vne.s32 v9, $0x0;
	v7 =	vld [tilespmem:s0+$0x6600]  }
0x101: {  	s21 =	sor.u32 $0x380, s18;
	s30 =	sor.u32 $0x380, s28;
	s0 =	sor.u32 s25, s26;
	v8 =	vld [tilespmem:s7+$0x0];
	v2 =	vadd.s32 v5, v2;
	v5 =	vsel vm0, $0x1, v0;
	vm0 =	vne.s32 v10, $0x0  }
0x102: {  	s22 =	smov.u32 s17;
	s3 =	smov.u32 s13;
	s29 =	sor.u32 $0x380, s0;
	v9 =	vld [tilespmem:s16+$0x0];
	v2 =	vadd.s32 v5, v2;
	v5 =	vsel vm0, $0x1, v0;
	vm0 =	vne.s32 v3, $0x0  }
0x103: {  	s0 =	smov.u32 s24;
	v3 =	vld [tilespmem:s6+$0x0];
	v2 =	vadd.s32 v5, v2;
	v5 =	vsel vm0, $0x1, v0;
	vm0 =	vne.s32 v1, $0x0  }
0x104: {  	v1 =	vld [tilespmem:s7+$0x80];
	v2 =	vadd.s32 v5, v2;
	v5 =	vsel vm0, $0x1, v0;
	vm0 =	vne.s32 v4, $0x0  }
0x105: {  	v4 =	vld [tilespmem:s16+$0x80];
	v2 =	vadd.s32 v5, v2;
	v5 =	vsel vm0, $0x1, v0;
	vm0 =	vne.s32 v7, $0x0  }
0x106: {  	vm1 =	vne.s32 v8, $0x0;
	v7 =	vld [tilespmem:s6+$0x80];
	v2 =	vadd.s32 v5, v2;
	v5 =	vsel vm0, $0x1, v0  }
0x107: {  	v8 =	vsel vm1, $0x1, v0;
	v10 =	vld [tilespmem:s7+$0x100];
	vm0 =	vne.s32 v9, $0x0;
	v2 =	vadd.s32 v5, v2  }
0x108: {  	s28 =	simm.s32 $0x8620;
	v5 =	vadd.s32 v8, v6;
	v6 =	vld [tilespmem:s3+$0x0];
	v8 =	vsel vm0, $0x1, v0;
	vm0 =	vne.s32 v3, $0x0;
	[tilespmem:s12+$0x0] =	vst v2  }
0x109: {  	vm1 =	vne.s32 v1, $0x0;
	v1 =	vld [tilespmem:s16+$0x100];
	v2 =	vsel vm0, $0x1, v0  }
0x10a: {  	v3 =	vsel vm1, $0x1, v0;
	vm0 =	vne.s32 v4, $0x0;
	v4 =	vld [tilespmem:s22+$0x0]  }
0x10b: {  	v3 =	vadd.s32 v3, v5;
	v5 =	vsel vm0, $0x1, v0;
	vm0 =	vne.s32 v7, $0x0;
	v7 =	vld [tilespmem:s6+$0x100]  }
0x10c: {  	vm1 =	vne.s32 v10, $0x0;
	v9 =	vld [tilespmem:s7+$0x180];
	v10 =	vsel vm0, $0x1, v0  }
0x10d: {  	v11 =	vsel vm1, $0x1, v0;
	v6 =	vadd.s32 v8, v6;
	v8 =	vld [tilespmem:s16+$0x180]  }
0x10e: {  	v3 =	vadd.s32 v11, v3;
	v5 =	vadd.s32 v5, v6;
	vm0 =	vne.s32 v1, $0x0;
	v1 =	vld [tilespmem:s6+$0x180]  }
0x10f: {  	v6 =	vsel vm0, $0x1, v0;
	v11 =	vld [tilespmem:s9+$0x6600];
	v2 =	vadd.s32 v2, v4  }
0x110: {  	v4 =	vadd.s32 v6, v5;
	v2 =	vadd.s32 v10, v2;
	vm0 =	vne.s32 v7, $0x0;
	v6 =	vld [tilespmem:s19+$0x6600]  }
0x111: {  	vm1 =	vne.s32 v9, $0x0;
	v7 =	vld [tilespmem:s8+$0x6600];
	v5 =	vsel vm0, $0x1, v0  }
0x112: {  	v9 =	vsel vm1, $0x1, v0;
	vm0 =	vne.s32 v8, $0x0;
	v10 =	vld [tilespmem:s15+$0x6600];
	v2 =	vadd.s32 v5, v2  }
0x113: {  	v9 =	vadd.s32 v9, v3;
	v3 =	vsel vm0, $0x1, v0;
	vm0 =	vne.s32 v1, $0x0;
	v12 =	vld [tilespmem:s20+$0x6600]  }
.Ltmp4:
0x114: {  	v5 =	vld [tilespmem:s1+$0x6600];
	v3 =	vadd.s32 v3, v4;
	vm1 =	vne.s32 v11, $0x0;
	v4 =	vsel vm0, $0x1, v0;
	(pc) =	sbr.rel @p1 .LBB2_10-.Ltmp4, $4  }
0x115: {  	v8 =	vsel vm1, $0x1, v0;
	v1 =	vld [tilespmem:s31+$0x6600];
	v4 =	vadd.s32 v4, v2;
	vm0 =	vne.s32 v6, $0x0  }
0x116: {  	vm1 =	vne.s32 v7, $0x0;
	v8 =	vadd.s32 v8, v3;
	v6 =	vsel vm0, $0x1, v0;
	v2 =	vld [tilespmem:s2+$0x6600]  }
0x117: {  	s24 =	sadd.s32 $0x40, s24;
	v7 =	vsel vm1, $0x1, v0;
	v3 =	vld [tilespmem:s11+$0x6600];
	vm0 =	vne.s32 v10, $0x0;
	v6 =	vadd.s32 v6, v4  }
0x118: {  	p0 =	por !p0, !p0;
	s25 =	sadd.s32 $0x200, s25;
	s26 =	sadd.s32 $0x40, s26;
	v7 =	vadd.s32 v7, v9;
	v9 =	vsel vm0, $0x1, v0;
	v4 =	vld [tilespmem:s21+$0x6600];
	vm0 =	vne.s32 v12, $0x0  }
0x119: {  	vm1 =	vne.s32 v5, $0x0;
	v5 =	vadd.s32 v9, v8;
	v62 =	vld [tilespmem:s30+$0x6600]  }
0x11a: {  	v63 =	vsel vm0, $0x1, v0;
	v11 =	vld [tilespmem:s29+$0x6600];
	v10 =	vsel vm1, $0x1, v0;
	vm10 =	vne.s32 v1, $0x0  }
0x11b: {  	v1 =	vadd.s32 v63, v6;
	v6 =	vadd.s32 v10, v7;
	v7 =	vsel vm10, $0x1, v0  }
0x11c: {  	vm11 =	vne.s32 v2, $0x0;
	vm12 =	vne.s32 v3, $0x0;
	v2 =	vadd.s32 v7, v5  }
0x11d: {  	v3 =	vsel vm11, $0x1, v0;
	v5 =	vsel vm12, $0x1, v0;
	vm13 =	vne.s32 v4, $0x0  }
0x11e: {  	v1 =	vadd.s32 v3, v1;
	v3 =	vsel vm13, $0x1, v0;
	vm14 =	vne.s32 v62, $0x0  }
0x11f: {  	vm15 =	vne.s32 v11, $0x0;
	v2 =	vadd.s32 v3, v2;
	v3 =	vsel vm14, $0x1, v0  }
0x120: {  	v4 =	vadd.s32 v5, v6;
	v5 =	vsel vm15, $0x1, v0;
	[tilespmem:s3+$0x0] =	vst v2;
	v1 =	vadd.s32 v3, v1  }
0x121: {  	v2 =	vadd.s32 v5, v4;
	[tilespmem:s22+$0x0] =	vst v1  }
0x122: {  	[tilespmem:s0+$0x0] =	vst v2  }
0x123: {  	v1 =	vld [tilespmem:s28+$0xFFFFFFE0]  }
0x124: {  	v4 =	vld [tilespmem:s28+$0x0]  }
0x125: {  	v3 =	vld [tilespmem:s28+$0x10]  }
0x126: {  	v5 =	vld [tilespmem:s28+$0xFFFFFFF0];
	_ =	sdelay $0x1  }
0x127: {  	s0 =	simm.s32 $0x8660;
	v1 =	vshll.u32 v1, $0x6  }
0x128: {  	v2 =	vld [tilespmem:s0+$0xFFFFFFE0];
	v4 =	vshll.u32 v4, $0x6;
	v6 =	vsub.s32 $0x3200, v1  }
0x129: {  	v3 =	vshll.u32 v3, $0x6;
	v1 =	vld [tilespmem:s0+$0x10];
	v7 =	vsub.s32 $0x3200, v4;
	[tilespmem:s28+$0xFFFFFFE0] =	vst v6  }
0x12a: {  	v5 =	vshll.u32 v5, $0x6;
	v4 =	vld [tilespmem:s0+$0xFFFFFFF0];
	v6 =	vsub.s32 $0x3200, v3;
	[tilespmem:s28+$0x0] =	vst v7  }
0x12b: {  	s1 =	simm.s32 $0x4;
	s8 =	rddreg [dreg:$0x2];
	v5 =	vsub.s32 $0x3200, v5;
	v3 =	vld [tilespmem:s0+$0x0];
	[tilespmem:s28+$0x10] =	vst v6  }
.LBB2_12:
0x12c: {  	s1 =	sadd.s32 $0x4, s1  }
0x12d: {  	[tilespmem:s28+$0xFFFFFFF0] =	vst v5;
	s28 =	smov.u32 s0;
	p0 =	slt.u32 s1, $0x1C  }
.Ltmp5:
0x12e: {  	s0 =	sadd.s32 $0x40, s0;
	v5 =	vshll.u32 v2, $0x6;
	(pc) =	sbr.rel @p0 .LBB2_12-.Ltmp5, $4  }
0x12f: {  	v2 =	vld [tilespmem:s0+$0xFFFFFFE0];
	v5 =	vsub.s32 $0x3200, v5;
	v6 =	vshll.u32 v1, $0x6  }
0x130: {  	v1 =	vld [tilespmem:s0+$0x10];
	[tilespmem:s28+$0xFFFFFFE0] =	vst v5;
	v5 =	vshll.u32 v3, $0x6;
	v6 =	vsub.s32 $0x3200, v6  }
0x131: {  	v3 =	vld [tilespmem:s0+$0x0];
	v7 =	vshll.u32 v4, $0x6;
	v8 =	vsub.s32 $0x3200, v5;
	[tilespmem:s28+$0x10] =	vst v6  }
0x132: {  	v4 =	vld [tilespmem:s0+$0xFFFFFFF0];
	v5 =	vsub.s32 $0x3200, v7;
	[tilespmem:s28+$0x0] =	vst v8  }
0x133: {  	_ = 	snop  }
0x134: {  	v2 =	vshll.u32 v2, $0x6  }
0x135: {  	[tilespmem:s28+$0xFFFFFFF0] =	vst v5;
	v2 =	vsub.s32 $0x3200, v2;
	v1 =	vshll.u32 v1, $0x6  }
0x136: {  	[tilespmem:s0+$0xFFFFFFE0] =	vst v2;
	v2 =	vshll.u32 v3, $0x6;
	v1 =	vsub.s32 $0x3200, v1  }
0x137: {  	v3 =	vshll.u32 v4, $0x6;
	v2 =	vsub.s32 $0x3200, v2;
	[tilespmem:s0+$0x10] =	vst v1  }
0x138: {  	v1 =	vsub.s32 $0x3200, v3;
	[tilespmem:s0+$0x0] =	vst v2  }
0x139: {  	s22 =	simm.s32 $0x0;
	s10 =	simm.s32 $0x1000;
	s11 =	simm.s32 $0x20000;
	[tilespmem:s0+$0xFFFFFFF0] =	vst v1  }
0x13a: {  	s12 =	simm.s32 $0x8800;
	s13 =	simm.s32 $0x10800;
	v1 =	vimm.s32 $0x0;
	s9 =	rddreg [dreg:$0x8]  }
.LBB2_14:
0x13b: {  	p0 =	seq.s32 s22, $0x0  }
0x13c: {  	s0 =	simm.s32 @!p0 $0x1  }
0x13d: {  	s23 =	sshll.u32 s22, $0x15;
	s24 =	simm.s32 $0xFFFFFFFC;
	_ =	swait.ge @!p0 [sflag:s0], $0x8000  }
0x13e: {  	p1 =	por $0x0, $0x0;
	s25 =	simm.s32 $0x8600;
	[sflag:s0] =	ssyncset.done @!p0 $0x0  }
0x13f: {  	s26 =	simm.s32 $0x0;
	s28 =	simm.s32 $0x0;
	[sflag:s0] =	ssyncadd.s32 @!p0 $0xFFFF8000  }
.LBB2_15:
0x140: {  	v2 =	vld [tilespmem:s25+$0x0];
	_ =	sdelay $0x4  }
0x141: {  	v2 =	vadd.s32 v1, v2;
	_ =	sdelay $0x4  }
0x142: {  	v3 =	vld.idx.msk [tilespmem:v2+s4+$0x0], $0xffff  }
0x143: {  	v4 =	vadd.s32 $0x1, v2  }
0x144: {  	s30 =	sand.u32 $0xC00, s28  }
0x145: {  	s29 =	sand.u32 $0x40, s26;
	s2 =	sadd.s32 $0x8800, s30  }
0x146: {  	s0 =	sor.u32 s29, s2  }
0x147: {  	[tilespmem:s0+$0x0] =	vst v3  }
0x148: {  	v3 =	vld.idx.msk [tilespmem:v4+s4+$0x0], $0xffff  }
0x149: {  	v9 =	vadd.s32 $0x2, v2;
	_ =	sdelay $0x3  }
0x14a: {  	[tilespmem:s0+$0x80] =	vst v3  }
0x14b: {  	v3 =	vld.idx.msk [tilespmem:v9+s4+$0x0], $0xffff  }
0x14c: {  	v10 =	vadd.s32 $0x3, v2;
	_ =	sdelay $0x3  }
0x14d: {  	[tilespmem:s0+$0x100] =	vst v3  }
0x14e: {  	v3 =	vld.idx.msk [tilespmem:v10+s4+$0x0], $0xffff  }
0x14f: {  	v11 =	vadd.s32 $0x4, v2;
	_ =	sdelay $0x3  }
0x150: {  	[tilespmem:s0+$0x180] =	vst v3  }
0x151: {  	s0 =	simm.s32 $0x1;
	v3 =	vld.idx.msk [tilespmem:v11+s4+$0x0], $0xffff  }
0x152: {  	v12 =	vadd.s32 $0x5, v2;
	s0 =	simm.s32 @!p1 $0x0  }
0x153: {  	s0 =	sshll.u32 s0, $0x6  }
0x154: {  	s1 =	sadd.s32 s0, s28  }
0x155: {  	s0 =	sor.u32 $0x200, s1  }
0x156: {  	[tilespmem:s0+$0x8800] =	vst v3  }
0x157: {  	v3 =	vld.idx.msk [tilespmem:v12+s4+$0x0], $0xffff  }
0x158: {  	v13 =	vadd.s32 $0x6, v2;
	_ =	sdelay $0x2  }
0x159: {  	s16 =	sor.u32 $0x280, s1  }
0x15a: {  	[tilespmem:s16+$0x8800] =	vst v3  }
0x15b: {  	v3 =	vld.idx.msk [tilespmem:v13+s4+$0x0], $0xffff  }
0x15c: {  	v14 =	vadd.s32 $0x7, v2;
	_ =	sdelay $0x2  }
0x15d: {  	s17 =	sor.u32 $0x300, s1  }
0x15e: {  	[tilespmem:s17+$0x8800] =	vst v3  }
0x15f: {  	v3 =	vld.idx.msk [tilespmem:v14+s4+$0x0], $0xffff;
	_ =	sdelay $0x2  }
0x160: {  	s18 =	sor.u32 s28, s26;
	s3 =	sand.u32 $0x180, s26  }
0x161: {  	s31 =	sor.u32 $0x10, s29;
	s6 =	sor.u32 $0x8600, s3;
	s0 =	sor.u32 $0x380, s18  }
0x162: {  	s3 =	sor.u32 s31, s6;
	[tilespmem:s0+$0x8800] =	vst v3;
	s0 =	sor.u32 $0x20, s29  }
0x163: {  	v3 =	vld [tilespmem:s3+$0x0];
	s7 =	sor.u32 s0, s6;
	s3 =	sor.u32 $0x30, s29  }
0x164: {  	v15 =	vld [tilespmem:s7+$0x0];
	s6 =	sor.u32 s3, s6  }
0x165: {  	v6 =	vld [tilespmem:s6+$0x0];
	_ =	sdelay $0x2  }
0x166: {  	v5 =	vadd.s32 v1, v3  }
0x167: {  	v4 =	vadd.s32 v1, v15  }
0x168: {  	v3 =	vadd.s32 v1, v6;
	_ =	sdelay $0x2  }
0x169: {  	v16 =	vld.idx.msk [tilespmem:v5+s4+$0x0], $0xffff  }
0x16a: {  	v7 =	vadd.s32 $0x1, v5;
	v8 =	vld.idx.msk [tilespmem:v4+s4+$0x0], $0xffff  }
0x16b: {  	v9 =	vadd.s32 $0x1, v4;
	v10 =	vld.idx.msk [tilespmem:v3+s4+$0x0], $0xffff  }
0x16c: {  	v11 =	vadd.s32 $0x1, v3  }
0x16d: {  	s19 =	sor.u32 s31, s2  }
0x16e: {  	s20 =	sor.u32 s0, s2;
	[tilespmem:s19+$0x0] =	vst v16  }
0x16f: {  	s2 =	sor.u32 s3, s2;
	v6 =	vld.idx.msk [tilespmem:v7+s4+$0x0], $0xffff;
	[tilespmem:s20+$0x0] =	vst v8  }
0x170: {  	v17 =	vadd.s32 $0x2, v5;
	v8 =	vld.idx.msk [tilespmem:v9+s4+$0x0], $0xffff;
	[tilespmem:s2+$0x0] =	vst v10  }
0x171: {  	v18 =	vadd.s32 $0x2, v4;
	v10 =	vld.idx.msk [tilespmem:v11+s4+$0x0], $0xffff  }
0x172: {  	v19 =	vadd.s32 $0x2, v3;
	_ =	sdelay $0x1  }
0x173: {  	[tilespmem:s19+$0x80] =	vst v6  }
0x174: {  	v6 =	vld.idx.msk [tilespmem:v17+s4+$0x0], $0xffff;
	[tilespmem:s20+$0x80] =	vst v8  }
0x175: {  	v20 =	vadd.s32 $0x3, v5;
	v8 =	vld.idx.msk [tilespmem:v18+s4+$0x0], $0xffff;
	[tilespmem:s2+$0x80] =	vst v10  }
0x176: {  	v21 =	vadd.s32 $0x3, v4;
	v10 =	vld.idx.msk [tilespmem:v19+s4+$0x0], $0xffff  }
0x177: {  	v22 =	vadd.s32 $0x3, v3;
	_ =	sdelay $0x1  }
0x178: {  	[tilespmem:s19+$0x100] =	vst v6  }
0x179: {  	v6 =	vld.idx.msk [tilespmem:v20+s4+$0x0], $0xffff;
	[tilespmem:s20+$0x100] =	vst v8  }
0x17a: {  	v23 =	vadd.s32 $0x4, v5;
	v8 =	vld.idx.msk [tilespmem:v21+s4+$0x0], $0xffff;
	[tilespmem:s2+$0x100] =	vst v10  }
0x17b: {  	v24 =	vadd.s32 $0x4, v4;
	v10 =	vld.idx.msk [tilespmem:v22+s4+$0x0], $0xffff  }
0x17c: {  	v25 =	vadd.s32 $0x4, v3;
	_ =	sdelay $0x1  }
0x17d: {  	[tilespmem:s19+$0x180] =	vst v6  }
0x17e: {  	v6 =	vld.idx.msk [tilespmem:v23+s4+$0x0], $0xffff;
	[tilespmem:s20+$0x180] =	vst v8  }
0x17f: {  	v26 =	vadd.s32 $0x5, v5;
	v8 =	vld.idx.msk [tilespmem:v24+s4+$0x0], $0xffff;
	[tilespmem:s2+$0x180] =	vst v10  }
0x180: {  	v27 =	vadd.s32 $0x5, v4;
	v10 =	vld.idx.msk [tilespmem:v25+s4+$0x0], $0xffff  }
0x181: {  	v28 =	vadd.s32 $0x5, v3;
	s2 =	sadd.s32 $0x10, s1  }
0x182: {  	s7 =	sadd.s32 $0x20, s1;
	s21 =	sor.u32 $0x200, s2  }
0x183: {  	s15 =	sor.u32 $0x200, s7;
	s1 =	sadd.s32 $0x30, s1;
	[tilespmem:s21+$0x8800] =	vst v6  }
0x184: {  	s16 =	sor.u32 $0x200, s1;
	v6 =	vld.idx.msk [tilespmem:v26+s4+$0x0], $0xffff;
	[tilespmem:s15+$0x8800] =	vst v8  }
0x185: {  	v29 =	vadd.s32 $0x6, v5;
	v8 =	vld.idx.msk [tilespmem:v27+s4+$0x0], $0xffff;
	[tilespmem:s16+$0x8800] =	vst v10  }
0x186: {  	v30 =	vadd.s32 $0x6, v4;
	v10 =	vld.idx.msk [tilespmem:v28+s4+$0x0], $0xffff  }
0x187: {  	v31 =	vadd.s32 $0x6, v3  }
0x188: {  	s17 =	sor.u32 $0x280, s2  }
0x189: {  	s18 =	sor.u32 $0x280, s7;
	[tilespmem:s17+$0x8800] =	vst v6  }
0x18a: {  	s19 =	sor.u32 $0x280, s1;
	v6 =	vld.idx.msk [tilespmem:v29+s4+$0x0], $0xffff;
	[tilespmem:s18+$0x8800] =	vst v8  }
0x18b: {  	v32 =	vadd.s32 $0x7, v5;
	v8 =	vld.idx.msk [tilespmem:v30+s4+$0x0], $0xffff;
	[tilespmem:s19+$0x8800] =	vst v10  }
0x18c: {  	v33 =	vadd.s32 $0x7, v4;
	v10 =	vld.idx.msk [tilespmem:v31+s4+$0x0], $0xffff  }
0x18d: {  	v34 =	vadd.s32 $0x7, v3  }
0x18e: {  	s20 =	sor.u32 $0x300, s2  }
0x18f: {  	s21 =	sor.u32 $0x300, s7;
	[tilespmem:s20+$0x8800] =	vst v6  }
0x190: {  	v35 =	vadd.s32 $0x8, v2;
	s15 =	sor.u32 $0x300, s1;
	v7 =	vld.idx.msk [tilespmem:v32+s4+$0x0], $0xffff;
	[tilespmem:s21+$0x8800] =	vst v8  }
0x191: {  	v36 =	vadd.s32 $0x8, v5;
	[tilespmem:s15+$0x8800] =	vst v10;
	v9 =	vld.idx.msk [tilespmem:v33+s4+$0x0], $0xffff  }
0x192: {  	v37 =	vadd.s32 $0x8, v4;
	v11 =	vld.idx.msk [tilespmem:v34+s4+$0x0], $0xffff  }
0x193: {  	v12 =	vadd.s32 $0x8, v3  }
0x194: {  	s2 =	sor.u32 $0x380, s2  }
0x195: {  	s16 =	sor.u32 $0x380, s7;
	v6 =	vld.idx.msk [tilespmem:v35+s4+$0x0], $0xffff;
	[tilespmem:s2+$0x8800] =	vst v7  }
0x196: {  	v38 =	vadd.s32 $0x9, v2;
	s1 =	sor.u32 $0x380, s1;
	v8 =	vld.idx.msk [tilespmem:v36+s4+$0x0], $0xffff;
	[tilespmem:s16+$0x8800] =	vst v9  }
0x197: {  	v39 =	vadd.s32 $0x9, v5;
	v10 =	vld.idx.msk [tilespmem:v37+s4+$0x0], $0xffff;
	[tilespmem:s1+$0x8800] =	vst v11  }
0x198: {  	v40 =	vadd.s32 $0x9, v4;
	s17 =	sadd.s32 $0x9800, s30;
	v12 =	vld.idx.msk [tilespmem:v12+s4+$0x0], $0xffff  }
0x199: {  	v13 =	vadd.s32 $0x9, v3;
	s18 =	sor.u32 s29, s17  }
0x19a: {  	s19 =	sor.u32 s31, s17;
	[tilespmem:s18+$0x0] =	vst v6  }
0x19b: {  	s20 =	sor.u32 s0, s17;
	v6 =	vld.idx.msk [tilespmem:v38+s4+$0x0], $0xffff;
	[tilespmem:s19+$0x0] =	vst v8  }
0x19c: {  	v41 =	vadd.s32 $0xA, v2;
	s1 =	sor.u32 s3, s17;
	v8 =	vld.idx.msk [tilespmem:v39+s4+$0x0], $0xffff;
	[tilespmem:s20+$0x0] =	vst v10  }
0x19d: {  	v42 =	vadd.s32 $0xA, v5;
	v10 =	vld.idx.msk [tilespmem:v40+s4+$0x0], $0xffff;
	[tilespmem:s1+$0x0] =	vst v12  }
0x19e: {  	v43 =	vadd.s32 $0xA, v4;
	s21 =	sadd.s32 $0x9880, s30;
	v12 =	vld.idx.msk [tilespmem:v13+s4+$0x0], $0xffff  }
0x19f: {  	v44 =	vadd.s32 $0xA, v3;
	s6 =	sor.u32 s29, s21  }
0x1a0: {  	s7 =	sor.u32 s31, s21;
	[tilespmem:s6+$0x0] =	vst v6  }
0x1a1: {  	s15 =	sor.u32 s0, s21;
	v6 =	vld.idx.msk [tilespmem:v41+s4+$0x0], $0xffff;
	[tilespmem:s7+$0x0] =	vst v8  }
0x1a2: {  	v45 =	vadd.s32 $0xB, v2;
	s1 =	sor.u32 s3, s21;
	v8 =	vld.idx.msk [tilespmem:v42+s4+$0x0], $0xffff;
	[tilespmem:s15+$0x0] =	vst v10  }
0x1a3: {  	v46 =	vadd.s32 $0xB, v5;
	v10 =	vld.idx.msk [tilespmem:v43+s4+$0x0], $0xffff;
	[tilespmem:s1+$0x0] =	vst v12  }
0x1a4: {  	v47 =	vadd.s32 $0xB, v4;
	s16 =	sadd.s32 $0x9900, s30;
	v12 =	vld.idx.msk [tilespmem:v44+s4+$0x0], $0xffff  }
0x1a5: {  	v48 =	vadd.s32 $0xB, v3;
	s17 =	sor.u32 s29, s16  }
0x1a6: {  	s18 =	sor.u32 s31, s16;
	[tilespmem:s17+$0x0] =	vst v6  }
0x1a7: {  	s19 =	sor.u32 s0, s16;
	v6 =	vld.idx.msk [tilespmem:v45+s4+$0x0], $0xffff;
	[tilespmem:s18+$0x0] =	vst v8  }
0x1a8: {  	v49 =	vadd.s32 $0xC, v2;
	s1 =	sor.u32 s3, s16;
	v8 =	vld.idx.msk [tilespmem:v46+s4+$0x0], $0xffff;
	[tilespmem:s19+$0x0] =	vst v10  }
0x1a9: {  	v50 =	vadd.s32 $0xC, v5;
	v10 =	vld.idx.msk [tilespmem:v47+s4+$0x0], $0xffff;
	[tilespmem:s1+$0x0] =	vst v12  }
0x1aa: {  	v51 =	vadd.s32 $0xC, v4;
	s20 =	sadd.s32 $0x9980, s30;
	v12 =	vld.idx.msk [tilespmem:v48+s4+$0x0], $0xffff  }
0x1ab: {  	v52 =	vadd.s32 $0xC, v3;
	s21 =	sor.u32 s29, s20  }
0x1ac: {  	s6 =	sor.u32 s31, s20;
	[tilespmem:s21+$0x0] =	vst v6  }
0x1ad: {  	s7 =	sor.u32 s0, s20;
	v6 =	vld.idx.msk [tilespmem:v49+s4+$0x0], $0xffff;
	[tilespmem:s6+$0x0] =	vst v8  }
0x1ae: {  	v53 =	vadd.s32 $0xD, v2;
	s1 =	sor.u32 s3, s20;
	v8 =	vld.idx.msk [tilespmem:v50+s4+$0x0], $0xffff;
	[tilespmem:s7+$0x0] =	vst v10  }
0x1af: {  	v54 =	vadd.s32 $0xD, v5;
	v10 =	vld.idx.msk [tilespmem:v51+s4+$0x0], $0xffff;
	[tilespmem:s1+$0x0] =	vst v12  }
0x1b0: {  	v55 =	vadd.s32 $0xD, v4;
	s15 =	sadd.s32 $0x9A00, s30;
	v12 =	vld.idx.msk [tilespmem:v52+s4+$0x0], $0xffff  }
0x1b1: {  	v56 =	vadd.s32 $0xD, v3;
	s16 =	sor.u32 s29, s15  }
0x1b2: {  	s17 =	sor.u32 s31, s15;
	[tilespmem:s16+$0x0] =	vst v6  }
0x1b3: {  	s18 =	sor.u32 s0, s15;
	v6 =	vld.idx.msk [tilespmem:v53+s4+$0x0], $0xffff;
	[tilespmem:s17+$0x0] =	vst v8  }
0x1b4: {  	v57 =	vadd.s32 $0xE, v2;
	s1 =	sor.u32 s3, s15;
	v8 =	vld.idx.msk [tilespmem:v54+s4+$0x0], $0xffff;
	[tilespmem:s18+$0x0] =	vst v10  }
0x1b5: {  	v58 =	vadd.s32 $0xE, v5;
	v10 =	vld.idx.msk [tilespmem:v55+s4+$0x0], $0xffff;
	[tilespmem:s1+$0x0] =	vst v12  }
0x1b6: {  	v59 =	vadd.s32 $0xE, v4;
	s19 =	sadd.s32 $0x9A80, s30;
	v12 =	vld.idx.msk [tilespmem:v56+s4+$0x0], $0xffff  }
0x1b7: {  	v60 =	vadd.s32 $0xE, v3;
	s20 =	sor.u32 s29, s19  }
0x1b8: {  	s21 =	sor.u32 s31, s19;
	[tilespmem:s20+$0x0] =	vst v6  }
0x1b9: {  	s6 =	sor.u32 s0, s19;
	v6 =	vld.idx.msk [tilespmem:v57+s4+$0x0], $0xffff;
	[tilespmem:s21+$0x0] =	vst v8  }
0x1ba: {  	v61 =	vadd.s32 $0xF, v2;
	s1 =	sor.u32 s3, s19;
	v8 =	vld.idx.msk [tilespmem:v58+s4+$0x0], $0xffff;
	[tilespmem:s6+$0x0] =	vst v10  }
0x1bb: {  	v62 =	vadd.s32 $0xF, v5;
	v10 =	vld.idx.msk [tilespmem:v59+s4+$0x0], $0xffff;
	[tilespmem:s1+$0x0] =	vst v12  }
0x1bc: {  	v63 =	vadd.s32 $0xF, v4;
	s7 =	sadd.s32 $0x9B00, s30;
	v12 =	vld.idx.msk [tilespmem:v60+s4+$0x0], $0xffff  }
0x1bd: {  	v16 =	vadd.s32 $0xF, v3;
	s15 =	sor.u32 s29, s7  }
0x1be: {  	s16 =	sor.u32 s31, s7;
	[tilespmem:s15+$0x0] =	vst v6  }
0x1bf: {  	s17 =	sor.u32 s0, s7;
	v6 =	vld.idx.msk [tilespmem:v61+s4+$0x0], $0xffff;
	[tilespmem:s16+$0x0] =	vst v8  }
0x1c0: {  	v17 =	vadd.s32 $0x10, v2;
	s1 =	sor.u32 s3, s7;
	v8 =	vld.idx.msk [tilespmem:v62+s4+$0x0], $0xffff;
	[tilespmem:s17+$0x0] =	vst v10  }
0x1c1: {  	v18 =	vadd.s32 $0x10, v5;
	v10 =	vld.idx.msk [tilespmem:v63+s4+$0x0], $0xffff;
	[tilespmem:s1+$0x0] =	vst v12  }
0x1c2: {  	v19 =	vadd.s32 $0x10, v4;
	s18 =	sadd.s32 $0x9B80, s30;
	v12 =	vld.idx.msk [tilespmem:v16+s4+$0x0], $0xffff  }
0x1c3: {  	v20 =	vadd.s32 $0x10, v3;
	s19 =	sor.u32 s29, s18  }
0x1c4: {  	s20 =	sor.u32 s31, s18;
	[tilespmem:s19+$0x0] =	vst v6  }
0x1c5: {  	s21 =	sor.u32 s0, s18;
	v6 =	vld.idx.msk [tilespmem:v17+s4+$0x0], $0xffff;
	[tilespmem:s20+$0x0] =	vst v8  }
0x1c6: {  	v21 =	vadd.s32 $0x11, v2;
	s1 =	sor.u32 s3, s18;
	v8 =	vld.idx.msk [tilespmem:v18+s4+$0x0], $0xffff;
	[tilespmem:s21+$0x0] =	vst v10  }
0x1c7: {  	v22 =	vadd.s32 $0x11, v5;
	v10 =	vld.idx.msk [tilespmem:v19+s4+$0x0], $0xffff;
	[tilespmem:s1+$0x0] =	vst v12  }
0x1c8: {  	v23 =	vadd.s32 $0x11, v4;
	s6 =	sadd.s32 $0xA800, s30;
	v12 =	vld.idx.msk [tilespmem:v20+s4+$0x0], $0xffff  }
0x1c9: {  	v24 =	vadd.s32 $0x11, v3;
	s7 =	sor.u32 s29, s6  }
0x1ca: {  	s15 =	sor.u32 s31, s6;
	[tilespmem:s7+$0x0] =	vst v6  }
0x1cb: {  	s16 =	sor.u32 s0, s6;
	v6 =	vld.idx.msk [tilespmem:v21+s4+$0x0], $0xffff;
	[tilespmem:s15+$0x0] =	vst v8  }
0x1cc: {  	v25 =	vadd.s32 $0x12, v2;
	s1 =	sor.u32 s3, s6;
	v8 =	vld.idx.msk [tilespmem:v22+s4+$0x0], $0xffff;
	[tilespmem:s16+$0x0] =	vst v10  }
0x1cd: {  	v26 =	vadd.s32 $0x12, v5;
	v10 =	vld.idx.msk [tilespmem:v23+s4+$0x0], $0xffff;
	[tilespmem:s1+$0x0] =	vst v12  }
0x1ce: {  	v27 =	vadd.s32 $0x12, v4;
	s17 =	sadd.s32 $0xA880, s30;
	v12 =	vld.idx.msk [tilespmem:v24+s4+$0x0], $0xffff  }
0x1cf: {  	v28 =	vadd.s32 $0x12, v3;
	s18 =	sor.u32 s29, s17  }
0x1d0: {  	s19 =	sor.u32 s31, s17;
	[tilespmem:s18+$0x0] =	vst v6  }
0x1d1: {  	s20 =	sor.u32 s0, s17;
	v6 =	vld.idx.msk [tilespmem:v25+s4+$0x0], $0xffff;
	[tilespmem:s19+$0x0] =	vst v8  }
0x1d2: {  	v29 =	vadd.s32 $0x13, v2;
	s1 =	sor.u32 s3, s17;
	v8 =	vld.idx.msk [tilespmem:v26+s4+$0x0], $0xffff;
	[tilespmem:s20+$0x0] =	vst v10  }
0x1d3: {  	v30 =	vadd.s32 $0x13, v5;
	v10 =	vld.idx.msk [tilespmem:v27+s4+$0x0], $0xffff;
	[tilespmem:s1+$0x0] =	vst v12  }
0x1d4: {  	v31 =	vadd.s32 $0x13, v4;
	s21 =	sadd.s32 $0xA900, s30;
	v12 =	vld.idx.msk [tilespmem:v28+s4+$0x0], $0xffff  }
0x1d5: {  	v32 =	vadd.s32 $0x13, v3;
	s6 =	sor.u32 s29, s21  }
0x1d6: {  	s7 =	sor.u32 s31, s21;
	[tilespmem:s6+$0x0] =	vst v6  }
0x1d7: {  	s15 =	sor.u32 s0, s21;
	v6 =	vld.idx.msk [tilespmem:v29+s4+$0x0], $0xffff;
	[tilespmem:s7+$0x0] =	vst v8  }
0x1d8: {  	v33 =	vadd.s32 $0x14, v2;
	s1 =	sor.u32 s3, s21;
	v8 =	vld.idx.msk [tilespmem:v30+s4+$0x0], $0xffff;
	[tilespmem:s15+$0x0] =	vst v10  }
0x1d9: {  	v34 =	vadd.s32 $0x14, v5;
	v10 =	vld.idx.msk [tilespmem:v31+s4+$0x0], $0xffff;
	[tilespmem:s1+$0x0] =	vst v12  }
0x1da: {  	v35 =	vadd.s32 $0x14, v4;
	s16 =	sadd.s32 $0xA980, s30;
	v12 =	vld.idx.msk [tilespmem:v32+s4+$0x0], $0xffff  }
0x1db: {  	v36 =	vadd.s32 $0x14, v3;
	s17 =	sor.u32 s29, s16  }
0x1dc: {  	s18 =	sor.u32 s31, s16;
	[tilespmem:s17+$0x0] =	vst v6  }
0x1dd: {  	s19 =	sor.u32 s0, s16;
	v6 =	vld.idx.msk [tilespmem:v33+s4+$0x0], $0xffff;
	[tilespmem:s18+$0x0] =	vst v8  }
0x1de: {  	v37 =	vadd.s32 $0x15, v2;
	s1 =	sor.u32 s3, s16;
	v8 =	vld.idx.msk [tilespmem:v34+s4+$0x0], $0xffff;
	[tilespmem:s19+$0x0] =	vst v10  }
0x1df: {  	v38 =	vadd.s32 $0x15, v5;
	v10 =	vld.idx.msk [tilespmem:v35+s4+$0x0], $0xffff;
	[tilespmem:s1+$0x0] =	vst v12  }
0x1e0: {  	v39 =	vadd.s32 $0x15, v4;
	s20 =	sadd.s32 $0xAA00, s30;
	v12 =	vld.idx.msk [tilespmem:v36+s4+$0x0], $0xffff  }
0x1e1: {  	v40 =	vadd.s32 $0x15, v3;
	s21 =	sor.u32 s29, s20  }
0x1e2: {  	s6 =	sor.u32 s31, s20;
	[tilespmem:s21+$0x0] =	vst v6  }
0x1e3: {  	s7 =	sor.u32 s0, s20;
	v6 =	vld.idx.msk [tilespmem:v37+s4+$0x0], $0xffff;
	[tilespmem:s6+$0x0] =	vst v8  }
0x1e4: {  	v41 =	vadd.s32 $0x16, v2;
	s1 =	sor.u32 s3, s20;
	v8 =	vld.idx.msk [tilespmem:v38+s4+$0x0], $0xffff;
	[tilespmem:s7+$0x0] =	vst v10  }
0x1e5: {  	v42 =	vadd.s32 $0x16, v5;
	v10 =	vld.idx.msk [tilespmem:v39+s4+$0x0], $0xffff;
	[tilespmem:s1+$0x0] =	vst v12  }
0x1e6: {  	v43 =	vadd.s32 $0x16, v4;
	s15 =	sadd.s32 $0xAA80, s30;
	v12 =	vld.idx.msk [tilespmem:v40+s4+$0x0], $0xffff  }
0x1e7: {  	v44 =	vadd.s32 $0x16, v3;
	s16 =	sor.u32 s29, s15  }
0x1e8: {  	s17 =	sor.u32 s31, s15;
	[tilespmem:s16+$0x0] =	vst v6  }
0x1e9: {  	s18 =	sor.u32 s0, s15;
	v6 =	vld.idx.msk [tilespmem:v41+s4+$0x0], $0xffff;
	[tilespmem:s17+$0x0] =	vst v8  }
0x1ea: {  	v45 =	vadd.s32 $0x17, v2;
	s1 =	sor.u32 s3, s15;
	v8 =	vld.idx.msk [tilespmem:v42+s4+$0x0], $0xffff;
	[tilespmem:s18+$0x0] =	vst v10  }
0x1eb: {  	v46 =	vadd.s32 $0x17, v5;
	v10 =	vld.idx.msk [tilespmem:v43+s4+$0x0], $0xffff;
	[tilespmem:s1+$0x0] =	vst v12  }
0x1ec: {  	v47 =	vadd.s32 $0x17, v4;
	s19 =	sadd.s32 $0xAB00, s30;
	v12 =	vld.idx.msk [tilespmem:v44+s4+$0x0], $0xffff  }
0x1ed: {  	v48 =	vadd.s32 $0x17, v3;
	s20 =	sor.u32 s29, s19  }
0x1ee: {  	s21 =	sor.u32 s31, s19;
	[tilespmem:s20+$0x0] =	vst v6  }
0x1ef: {  	s6 =	sor.u32 s0, s19;
	v6 =	vld.idx.msk [tilespmem:v45+s4+$0x0], $0xffff;
	[tilespmem:s21+$0x0] =	vst v8  }
0x1f0: {  	v49 =	vadd.s32 $0x18, v2;
	s1 =	sor.u32 s3, s19;
	v8 =	vld.idx.msk [tilespmem:v46+s4+$0x0], $0xffff;
	[tilespmem:s6+$0x0] =	vst v10  }
0x1f1: {  	v50 =	vadd.s32 $0x18, v5;
	v10 =	vld.idx.msk [tilespmem:v47+s4+$0x0], $0xffff;
	[tilespmem:s1+$0x0] =	vst v12  }
0x1f2: {  	v51 =	vadd.s32 $0x18, v4;
	s7 =	sadd.s32 $0xAB80, s30;
	v12 =	vld.idx.msk [tilespmem:v48+s4+$0x0], $0xffff  }
0x1f3: {  	v52 =	vadd.s32 $0x18, v3;
	s15 =	sor.u32 s29, s7  }
0x1f4: {  	s16 =	sor.u32 s31, s7;
	[tilespmem:s15+$0x0] =	vst v6  }
0x1f5: {  	s17 =	sor.u32 s0, s7;
	v6 =	vld.idx.msk [tilespmem:v49+s4+$0x0], $0xffff;
	[tilespmem:s16+$0x0] =	vst v8  }
0x1f6: {  	v53 =	vadd.s32 $0x19, v2;
	s1 =	sor.u32 s3, s7;
	v8 =	vld.idx.msk [tilespmem:v50+s4+$0x0], $0xffff;
	[tilespmem:s17+$0x0] =	vst v10  }
0x1f7: {  	v54 =	vadd.s32 $0x19, v5;
	v10 =	vld.idx.msk [tilespmem:v51+s4+$0x0], $0xffff;
	[tilespmem:s1+$0x0] =	vst v12  }
0x1f8: {  	v55 =	vadd.s32 $0x19, v4;
	s18 =	sadd.s32 $0xB800, s30;
	v12 =	vld.idx.msk [tilespmem:v52+s4+$0x0], $0xffff  }
0x1f9: {  	v56 =	vadd.s32 $0x19, v3;
	s19 =	sor.u32 s29, s18  }
0x1fa: {  	s20 =	sor.u32 s31, s18;
	[tilespmem:s19+$0x0] =	vst v6  }
0x1fb: {  	s21 =	sor.u32 s0, s18;
	v6 =	vld.idx.msk [tilespmem:v53+s4+$0x0], $0xffff;
	[tilespmem:s20+$0x0] =	vst v8  }
0x1fc: {  	v57 =	vadd.s32 $0x1A, v2;
	s1 =	sor.u32 s3, s18;
	v8 =	vld.idx.msk [tilespmem:v54+s4+$0x0], $0xffff;
	[tilespmem:s21+$0x0] =	vst v10  }
0x1fd: {  	v58 =	vadd.s32 $0x1A, v5;
	v10 =	vld.idx.msk [tilespmem:v55+s4+$0x0], $0xffff;
	[tilespmem:s1+$0x0] =	vst v12  }
0x1fe: {  	v59 =	vadd.s32 $0x1A, v4;
	s6 =	sadd.s32 $0xB880, s30;
	v12 =	vld.idx.msk [tilespmem:v56+s4+$0x0], $0xffff  }
0x1ff: {  	v60 =	vadd.s32 $0x1A, v3;
	s7 =	sor.u32 s29, s6  }
0x200: {  	s15 =	sor.u32 s31, s6;
	[tilespmem:s7+$0x0] =	vst v6  }
0x201: {  	s16 =	sor.u32 s0, s6;
	v6 =	vld.idx.msk [tilespmem:v57+s4+$0x0], $0xffff;
	[tilespmem:s15+$0x0] =	vst v8  }
0x202: {  	v61 =	vadd.s32 $0x1B, v2;
	s1 =	sor.u32 s3, s6;
	v8 =	vld.idx.msk [tilespmem:v58+s4+$0x0], $0xffff;
	[tilespmem:s16+$0x0] =	vst v10  }
0x203: {  	v62 =	vadd.s32 $0x1B, v5;
	v10 =	vld.idx.msk [tilespmem:v59+s4+$0x0], $0xffff;
	[tilespmem:s1+$0x0] =	vst v12  }
0x204: {  	v63 =	vadd.s32 $0x1B, v4;
	s17 =	sadd.s32 $0xB900, s30;
	v12 =	vld.idx.msk [tilespmem:v60+s4+$0x0], $0xffff  }
0x205: {  	v16 =	vadd.s32 $0x1B, v3;
	s18 =	sor.u32 s29, s17  }
0x206: {  	s19 =	sor.u32 s31, s17;
	[tilespmem:s18+$0x0] =	vst v6  }
0x207: {  	s20 =	sor.u32 s0, s17;
	v6 =	vld.idx.msk [tilespmem:v61+s4+$0x0], $0xffff;
	[tilespmem:s19+$0x0] =	vst v8  }
0x208: {  	v17 =	vadd.s32 $0x1C, v2;
	s1 =	sor.u32 s3, s17;
	v8 =	vld.idx.msk [tilespmem:v62+s4+$0x0], $0xffff;
	[tilespmem:s20+$0x0] =	vst v10  }
0x209: {  	v18 =	vadd.s32 $0x1C, v5;
	v10 =	vld.idx.msk [tilespmem:v63+s4+$0x0], $0xffff;
	[tilespmem:s1+$0x0] =	vst v12  }
0x20a: {  	v19 =	vadd.s32 $0x1C, v4;
	s21 =	sadd.s32 $0xB980, s30;
	v12 =	vld.idx.msk [tilespmem:v16+s4+$0x0], $0xffff  }
0x20b: {  	v20 =	vadd.s32 $0x1C, v3;
	s6 =	sor.u32 s29, s21  }
0x20c: {  	s7 =	sor.u32 s31, s21;
	[tilespmem:s6+$0x0] =	vst v6  }
0x20d: {  	s15 =	sor.u32 s0, s21;
	v6 =	vld.idx.msk [tilespmem:v17+s4+$0x0], $0xffff;
	[tilespmem:s7+$0x0] =	vst v8  }
0x20e: {  	v21 =	vadd.s32 $0x1D, v2;
	s1 =	sor.u32 s3, s21;
	v8 =	vld.idx.msk [tilespmem:v18+s4+$0x0], $0xffff;
	[tilespmem:s15+$0x0] =	vst v10  }
0x20f: {  	v22 =	vadd.s32 $0x1D, v5;
	v10 =	vld.idx.msk [tilespmem:v19+s4+$0x0], $0xffff;
	[tilespmem:s1+$0x0] =	vst v12  }
0x210: {  	v23 =	vadd.s32 $0x1D, v4;
	s16 =	sadd.s32 $0xBA00, s30;
	v12 =	vld.idx.msk [tilespmem:v20+s4+$0x0], $0xffff  }
0x211: {  	v24 =	vadd.s32 $0x1D, v3;
	s17 =	sor.u32 s29, s16  }
0x212: {  	s18 =	sor.u32 s31, s16;
	[tilespmem:s17+$0x0] =	vst v6  }
0x213: {  	s19 =	sor.u32 s0, s16;
	v6 =	vld.idx.msk [tilespmem:v21+s4+$0x0], $0xffff;
	[tilespmem:s18+$0x0] =	vst v8  }
0x214: {  	v25 =	vadd.s32 $0x1E, v2;
	s1 =	sor.u32 s3, s16;
	v8 =	vld.idx.msk [tilespmem:v22+s4+$0x0], $0xffff;
	[tilespmem:s19+$0x0] =	vst v10  }
0x215: {  	v26 =	vadd.s32 $0x1E, v5;
	v10 =	vld.idx.msk [tilespmem:v23+s4+$0x0], $0xffff;
	[tilespmem:s1+$0x0] =	vst v12  }
0x216: {  	v27 =	vadd.s32 $0x1E, v4;
	s20 =	sadd.s32 $0xBA80, s30;
	v12 =	vld.idx.msk [tilespmem:v24+s4+$0x0], $0xffff  }
0x217: {  	v28 =	vadd.s32 $0x1E, v3;
	s21 =	sor.u32 s29, s20  }
0x218: {  	s6 =	sor.u32 s31, s20;
	[tilespmem:s21+$0x0] =	vst v6  }
0x219: {  	s7 =	sor.u32 s0, s20;
	v6 =	vld.idx.msk [tilespmem:v25+s4+$0x0], $0xffff;
	[tilespmem:s6+$0x0] =	vst v8  }
0x21a: {  	v29 =	vadd.s32 $0x1F, v2;
	s1 =	sor.u32 s3, s20;
	v8 =	vld.idx.msk [tilespmem:v26+s4+$0x0], $0xffff;
	[tilespmem:s7+$0x0] =	vst v10  }
0x21b: {  	v30 =	vadd.s32 $0x1F, v5;
	v10 =	vld.idx.msk [tilespmem:v27+s4+$0x0], $0xffff;
	[tilespmem:s1+$0x0] =	vst v12  }
0x21c: {  	v31 =	vadd.s32 $0x1F, v4;
	s15 =	sadd.s32 $0xBB00, s30;
	v12 =	vld.idx.msk [tilespmem:v28+s4+$0x0], $0xffff  }
0x21d: {  	v32 =	vadd.s32 $0x1F, v3;
	s16 =	sor.u32 s29, s15  }
0x21e: {  	s17 =	sor.u32 s31, s15;
	[tilespmem:s16+$0x0] =	vst v6  }
0x21f: {  	s18 =	sor.u32 s0, s15;
	v6 =	vld.idx.msk [tilespmem:v29+s4+$0x0], $0xffff;
	[tilespmem:s17+$0x0] =	vst v8  }
0x220: {  	v33 =	vadd.s32 $0x20, v2;
	s1 =	sor.u32 s3, s15;
	v8 =	vld.idx.msk [tilespmem:v30+s4+$0x0], $0xffff;
	[tilespmem:s18+$0x0] =	vst v10  }
0x221: {  	v34 =	vadd.s32 $0x20, v5;
	v10 =	vld.idx.msk [tilespmem:v31+s4+$0x0], $0xffff;
	[tilespmem:s1+$0x0] =	vst v12  }
0x222: {  	v35 =	vadd.s32 $0x20, v4;
	s19 =	sadd.s32 $0xBB80, s30;
	v12 =	vld.idx.msk [tilespmem:v32+s4+$0x0], $0xffff  }
0x223: {  	v36 =	vadd.s32 $0x20, v3;
	s20 =	sor.u32 s29, s19  }
0x224: {  	s21 =	sor.u32 s31, s19;
	[tilespmem:s20+$0x0] =	vst v6  }
0x225: {  	s6 =	sor.u32 s0, s19;
	v6 =	vld.idx.msk [tilespmem:v33+s4+$0x0], $0xffff;
	[tilespmem:s21+$0x0] =	vst v8  }
0x226: {  	v37 =	vadd.s32 $0x21, v2;
	s1 =	sor.u32 s3, s19;
	v8 =	vld.idx.msk [tilespmem:v34+s4+$0x0], $0xffff;
	[tilespmem:s6+$0x0] =	vst v10  }
0x227: {  	v38 =	vadd.s32 $0x21, v5;
	v10 =	vld.idx.msk [tilespmem:v35+s4+$0x0], $0xffff;
	[tilespmem:s1+$0x0] =	vst v12  }
0x228: {  	v39 =	vadd.s32 $0x21, v4;
	s7 =	sadd.s32 $0xC800, s30;
	v12 =	vld.idx.msk [tilespmem:v36+s4+$0x0], $0xffff  }
0x229: {  	v40 =	vadd.s32 $0x21, v3;
	s15 =	sor.u32 s29, s7  }
0x22a: {  	s16 =	sor.u32 s31, s7;
	[tilespmem:s15+$0x0] =	vst v6  }
0x22b: {  	s17 =	sor.u32 s0, s7;
	v6 =	vld.idx.msk [tilespmem:v37+s4+$0x0], $0xffff;
	[tilespmem:s16+$0x0] =	vst v8  }
0x22c: {  	v41 =	vadd.s32 $0x22, v2;
	s1 =	sor.u32 s3, s7;
	v8 =	vld.idx.msk [tilespmem:v38+s4+$0x0], $0xffff;
	[tilespmem:s17+$0x0] =	vst v10  }
0x22d: {  	v42 =	vadd.s32 $0x22, v5;
	v10 =	vld.idx.msk [tilespmem:v39+s4+$0x0], $0xffff;
	[tilespmem:s1+$0x0] =	vst v12  }
0x22e: {  	v43 =	vadd.s32 $0x22, v4;
	s18 =	sadd.s32 $0xC880, s30;
	v12 =	vld.idx.msk [tilespmem:v40+s4+$0x0], $0xffff  }
0x22f: {  	v44 =	vadd.s32 $0x22, v3;
	s19 =	sor.u32 s29, s18  }
0x230: {  	s20 =	sor.u32 s31, s18;
	[tilespmem:s19+$0x0] =	vst v6  }
0x231: {  	s21 =	sor.u32 s0, s18;
	v6 =	vld.idx.msk [tilespmem:v41+s4+$0x0], $0xffff;
	[tilespmem:s20+$0x0] =	vst v8  }
0x232: {  	v45 =	vadd.s32 $0x23, v2;
	s1 =	sor.u32 s3, s18;
	v8 =	vld.idx.msk [tilespmem:v42+s4+$0x0], $0xffff;
	[tilespmem:s21+$0x0] =	vst v10  }
0x233: {  	v46 =	vadd.s32 $0x23, v5;
	v10 =	vld.idx.msk [tilespmem:v43+s4+$0x0], $0xffff;
	[tilespmem:s1+$0x0] =	vst v12  }
0x234: {  	v47 =	vadd.s32 $0x23, v4;
	s6 =	sadd.s32 $0xC900, s30;
	v12 =	vld.idx.msk [tilespmem:v44+s4+$0x0], $0xffff  }
0x235: {  	v48 =	vadd.s32 $0x23, v3;
	s7 =	sor.u32 s29, s6  }
0x236: {  	s15 =	sor.u32 s31, s6;
	[tilespmem:s7+$0x0] =	vst v6  }
0x237: {  	s16 =	sor.u32 s0, s6;
	v6 =	vld.idx.msk [tilespmem:v45+s4+$0x0], $0xffff;
	[tilespmem:s15+$0x0] =	vst v8  }
0x238: {  	v49 =	vadd.s32 $0x24, v2;
	s1 =	sor.u32 s3, s6;
	v8 =	vld.idx.msk [tilespmem:v46+s4+$0x0], $0xffff;
	[tilespmem:s16+$0x0] =	vst v10  }
0x239: {  	v50 =	vadd.s32 $0x24, v5;
	v10 =	vld.idx.msk [tilespmem:v47+s4+$0x0], $0xffff;
	[tilespmem:s1+$0x0] =	vst v12  }
0x23a: {  	v51 =	vadd.s32 $0x24, v4;
	s17 =	sadd.s32 $0xC980, s30;
	v12 =	vld.idx.msk [tilespmem:v48+s4+$0x0], $0xffff  }
0x23b: {  	v52 =	vadd.s32 $0x24, v3;
	s18 =	sor.u32 s29, s17  }
0x23c: {  	s19 =	sor.u32 s31, s17;
	[tilespmem:s18+$0x0] =	vst v6  }
0x23d: {  	s20 =	sor.u32 s0, s17;
	v6 =	vld.idx.msk [tilespmem:v49+s4+$0x0], $0xffff;
	[tilespmem:s19+$0x0] =	vst v8  }
0x23e: {  	v53 =	vadd.s32 $0x25, v2;
	s1 =	sor.u32 s3, s17;
	v8 =	vld.idx.msk [tilespmem:v50+s4+$0x0], $0xffff;
	[tilespmem:s20+$0x0] =	vst v10  }
0x23f: {  	v54 =	vadd.s32 $0x25, v5;
	v10 =	vld.idx.msk [tilespmem:v51+s4+$0x0], $0xffff;
	[tilespmem:s1+$0x0] =	vst v12  }
0x240: {  	v55 =	vadd.s32 $0x25, v4;
	s21 =	sadd.s32 $0xCA00, s30;
	v12 =	vld.idx.msk [tilespmem:v52+s4+$0x0], $0xffff  }
0x241: {  	v56 =	vadd.s32 $0x25, v3;
	s6 =	sor.u32 s29, s21  }
0x242: {  	s7 =	sor.u32 s31, s21;
	[tilespmem:s6+$0x0] =	vst v6  }
0x243: {  	s15 =	sor.u32 s0, s21;
	v6 =	vld.idx.msk [tilespmem:v53+s4+$0x0], $0xffff;
	[tilespmem:s7+$0x0] =	vst v8  }
0x244: {  	v57 =	vadd.s32 $0x26, v2;
	s1 =	sor.u32 s3, s21;
	v8 =	vld.idx.msk [tilespmem:v54+s4+$0x0], $0xffff;
	[tilespmem:s15+$0x0] =	vst v10  }
0x245: {  	v58 =	vadd.s32 $0x26, v5;
	v10 =	vld.idx.msk [tilespmem:v55+s4+$0x0], $0xffff;
	[tilespmem:s1+$0x0] =	vst v12  }
0x246: {  	v59 =	vadd.s32 $0x26, v4;
	s16 =	sadd.s32 $0xCA80, s30;
	v12 =	vld.idx.msk [tilespmem:v56+s4+$0x0], $0xffff  }
0x247: {  	v60 =	vadd.s32 $0x26, v3;
	s17 =	sor.u32 s29, s16  }
0x248: {  	s18 =	sor.u32 s31, s16;
	[tilespmem:s17+$0x0] =	vst v6  }
0x249: {  	s19 =	sor.u32 s0, s16;
	v6 =	vld.idx.msk [tilespmem:v57+s4+$0x0], $0xffff;
	[tilespmem:s18+$0x0] =	vst v8  }
0x24a: {  	v61 =	vadd.s32 $0x27, v2;
	s1 =	sor.u32 s3, s16;
	v8 =	vld.idx.msk [tilespmem:v58+s4+$0x0], $0xffff;
	[tilespmem:s19+$0x0] =	vst v10  }
0x24b: {  	v62 =	vadd.s32 $0x27, v5;
	v10 =	vld.idx.msk [tilespmem:v59+s4+$0x0], $0xffff;
	[tilespmem:s1+$0x0] =	vst v12  }
0x24c: {  	v63 =	vadd.s32 $0x27, v4;
	s20 =	sadd.s32 $0xCB00, s30;
	v12 =	vld.idx.msk [tilespmem:v60+s4+$0x0], $0xffff  }
0x24d: {  	v16 =	vadd.s32 $0x27, v3;
	s21 =	sor.u32 s29, s20  }
0x24e: {  	s6 =	sor.u32 s31, s20;
	[tilespmem:s21+$0x0] =	vst v6  }
0x24f: {  	s7 =	sor.u32 s0, s20;
	v6 =	vld.idx.msk [tilespmem:v61+s4+$0x0], $0xffff;
	[tilespmem:s6+$0x0] =	vst v8  }
0x250: {  	v17 =	vadd.s32 $0x28, v2;
	s1 =	sor.u32 s3, s20;
	v8 =	vld.idx.msk [tilespmem:v62+s4+$0x0], $0xffff;
	[tilespmem:s7+$0x0] =	vst v10  }
0x251: {  	v18 =	vadd.s32 $0x28, v5;
	v10 =	vld.idx.msk [tilespmem:v63+s4+$0x0], $0xffff;
	[tilespmem:s1+$0x0] =	vst v12  }
0x252: {  	v19 =	vadd.s32 $0x28, v4;
	s15 =	sadd.s32 $0xCB80, s30;
	v12 =	vld.idx.msk [tilespmem:v16+s4+$0x0], $0xffff  }
0x253: {  	v20 =	vadd.s32 $0x28, v3;
	s16 =	sor.u32 s29, s15  }
0x254: {  	s17 =	sor.u32 s31, s15;
	[tilespmem:s16+$0x0] =	vst v6  }
0x255: {  	s18 =	sor.u32 s0, s15;
	v6 =	vld.idx.msk [tilespmem:v17+s4+$0x0], $0xffff;
	[tilespmem:s17+$0x0] =	vst v8  }
0x256: {  	v21 =	vadd.s32 $0x29, v2;
	s1 =	sor.u32 s3, s15;
	v8 =	vld.idx.msk [tilespmem:v18+s4+$0x0], $0xffff;
	[tilespmem:s18+$0x0] =	vst v10  }
0x257: {  	v22 =	vadd.s32 $0x29, v5;
	v10 =	vld.idx.msk [tilespmem:v19+s4+$0x0], $0xffff;
	[tilespmem:s1+$0x0] =	vst v12  }
0x258: {  	v23 =	vadd.s32 $0x29, v4;
	s19 =	sadd.s32 $0xD800, s30;
	v12 =	vld.idx.msk [tilespmem:v20+s4+$0x0], $0xffff  }
0x259: {  	v24 =	vadd.s32 $0x29, v3;
	s20 =	sor.u32 s29, s19  }
0x25a: {  	s21 =	sor.u32 s31, s19;
	[tilespmem:s20+$0x0] =	vst v6  }
0x25b: {  	s6 =	sor.u32 s0, s19;
	v6 =	vld.idx.msk [tilespmem:v21+s4+$0x0], $0xffff;
	[tilespmem:s21+$0x0] =	vst v8  }
0x25c: {  	v25 =	vadd.s32 $0x2A, v2;
	s1 =	sor.u32 s3, s19;
	v8 =	vld.idx.msk [tilespmem:v22+s4+$0x0], $0xffff;
	[tilespmem:s6+$0x0] =	vst v10  }
0x25d: {  	v26 =	vadd.s32 $0x2A, v5;
	v10 =	vld.idx.msk [tilespmem:v23+s4+$0x0], $0xffff;
	[tilespmem:s1+$0x0] =	vst v12  }
0x25e: {  	v27 =	vadd.s32 $0x2A, v4;
	s7 =	sadd.s32 $0xD880, s30;
	v12 =	vld.idx.msk [tilespmem:v24+s4+$0x0], $0xffff  }
0x25f: {  	v28 =	vadd.s32 $0x2A, v3;
	s15 =	sor.u32 s29, s7  }
0x260: {  	s16 =	sor.u32 s31, s7;
	[tilespmem:s15+$0x0] =	vst v6  }
0x261: {  	s17 =	sor.u32 s0, s7;
	v6 =	vld.idx.msk [tilespmem:v25+s4+$0x0], $0xffff;
	[tilespmem:s16+$0x0] =	vst v8  }
0x262: {  	v29 =	vadd.s32 $0x2B, v2;
	s1 =	sor.u32 s3, s7;
	v8 =	vld.idx.msk [tilespmem:v26+s4+$0x0], $0xffff;
	[tilespmem:s17+$0x0] =	vst v10  }
0x263: {  	v30 =	vadd.s32 $0x2B, v5;
	v10 =	vld.idx.msk [tilespmem:v27+s4+$0x0], $0xffff;
	[tilespmem:s1+$0x0] =	vst v12  }
0x264: {  	v31 =	vadd.s32 $0x2B, v4;
	s18 =	sadd.s32 $0xD900, s30;
	v12 =	vld.idx.msk [tilespmem:v28+s4+$0x0], $0xffff  }
0x265: {  	v32 =	vadd.s32 $0x2B, v3;
	s19 =	sor.u32 s29, s18  }
0x266: {  	s20 =	sor.u32 s31, s18;
	[tilespmem:s19+$0x0] =	vst v6  }
0x267: {  	s21 =	sor.u32 s0, s18;
	v6 =	vld.idx.msk [tilespmem:v29+s4+$0x0], $0xffff;
	[tilespmem:s20+$0x0] =	vst v8  }
0x268: {  	v33 =	vadd.s32 $0x2C, v2;
	s1 =	sor.u32 s3, s18;
	v8 =	vld.idx.msk [tilespmem:v30+s4+$0x0], $0xffff;
	[tilespmem:s21+$0x0] =	vst v10  }
0x269: {  	v34 =	vadd.s32 $0x2C, v5;
	v10 =	vld.idx.msk [tilespmem:v31+s4+$0x0], $0xffff;
	[tilespmem:s1+$0x0] =	vst v12  }
0x26a: {  	v35 =	vadd.s32 $0x2C, v4;
	s6 =	sadd.s32 $0xD980, s30;
	v12 =	vld.idx.msk [tilespmem:v32+s4+$0x0], $0xffff  }
0x26b: {  	v36 =	vadd.s32 $0x2C, v3;
	s7 =	sor.u32 s29, s6  }
0x26c: {  	s15 =	sor.u32 s31, s6;
	[tilespmem:s7+$0x0] =	vst v6  }
0x26d: {  	s16 =	sor.u32 s0, s6;
	v6 =	vld.idx.msk [tilespmem:v33+s4+$0x0], $0xffff;
	[tilespmem:s15+$0x0] =	vst v8  }
0x26e: {  	v37 =	vadd.s32 $0x2D, v2;
	s1 =	sor.u32 s3, s6;
	v8 =	vld.idx.msk [tilespmem:v34+s4+$0x0], $0xffff;
	[tilespmem:s16+$0x0] =	vst v10  }
0x26f: {  	v38 =	vadd.s32 $0x2D, v5;
	v10 =	vld.idx.msk [tilespmem:v35+s4+$0x0], $0xffff;
	[tilespmem:s1+$0x0] =	vst v12  }
0x270: {  	v39 =	vadd.s32 $0x2D, v4;
	s17 =	sadd.s32 $0xDA00, s30;
	v12 =	vld.idx.msk [tilespmem:v36+s4+$0x0], $0xffff  }
0x271: {  	v40 =	vadd.s32 $0x2D, v3;
	s18 =	sor.u32 s29, s17  }
0x272: {  	s19 =	sor.u32 s31, s17;
	[tilespmem:s18+$0x0] =	vst v6  }
0x273: {  	s20 =	sor.u32 s0, s17;
	v6 =	vld.idx.msk [tilespmem:v37+s4+$0x0], $0xffff;
	[tilespmem:s19+$0x0] =	vst v8  }
0x274: {  	v41 =	vadd.s32 $0x2E, v2;
	s1 =	sor.u32 s3, s17;
	v8 =	vld.idx.msk [tilespmem:v38+s4+$0x0], $0xffff;
	[tilespmem:s20+$0x0] =	vst v10  }
0x275: {  	v42 =	vadd.s32 $0x2E, v5;
	v10 =	vld.idx.msk [tilespmem:v39+s4+$0x0], $0xffff;
	[tilespmem:s1+$0x0] =	vst v12  }
0x276: {  	v43 =	vadd.s32 $0x2E, v4;
	s21 =	sadd.s32 $0xDA80, s30;
	v12 =	vld.idx.msk [tilespmem:v40+s4+$0x0], $0xffff  }
0x277: {  	v44 =	vadd.s32 $0x2E, v3;
	s6 =	sor.u32 s29, s21  }
0x278: {  	s7 =	sor.u32 s31, s21;
	[tilespmem:s6+$0x0] =	vst v6  }
0x279: {  	s15 =	sor.u32 s0, s21;
	v6 =	vld.idx.msk [tilespmem:v41+s4+$0x0], $0xffff;
	[tilespmem:s7+$0x0] =	vst v8  }
0x27a: {  	v45 =	vadd.s32 $0x2F, v2;
	s1 =	sor.u32 s3, s21;
	v8 =	vld.idx.msk [tilespmem:v42+s4+$0x0], $0xffff;
	[tilespmem:s15+$0x0] =	vst v10  }
0x27b: {  	v46 =	vadd.s32 $0x2F, v5;
	v10 =	vld.idx.msk [tilespmem:v43+s4+$0x0], $0xffff;
	[tilespmem:s1+$0x0] =	vst v12  }
0x27c: {  	v47 =	vadd.s32 $0x2F, v4;
	s16 =	sadd.s32 $0xDB00, s30;
	v12 =	vld.idx.msk [tilespmem:v44+s4+$0x0], $0xffff  }
0x27d: {  	v48 =	vadd.s32 $0x2F, v3;
	s17 =	sor.u32 s29, s16  }
0x27e: {  	s18 =	sor.u32 s31, s16;
	[tilespmem:s17+$0x0] =	vst v6  }
0x27f: {  	s19 =	sor.u32 s0, s16;
	v6 =	vld.idx.msk [tilespmem:v45+s4+$0x0], $0xffff;
	[tilespmem:s18+$0x0] =	vst v8  }
0x280: {  	v49 =	vadd.s32 $0x30, v2;
	s1 =	sor.u32 s3, s16;
	v8 =	vld.idx.msk [tilespmem:v46+s4+$0x0], $0xffff;
	[tilespmem:s19+$0x0] =	vst v10  }
0x281: {  	v50 =	vadd.s32 $0x30, v5;
	v10 =	vld.idx.msk [tilespmem:v47+s4+$0x0], $0xffff;
	[tilespmem:s1+$0x0] =	vst v12  }
0x282: {  	v51 =	vadd.s32 $0x30, v4;
	s20 =	sadd.s32 $0xDB80, s30;
	v12 =	vld.idx.msk [tilespmem:v48+s4+$0x0], $0xffff  }
0x283: {  	v52 =	vadd.s32 $0x30, v3;
	s21 =	sor.u32 s29, s20  }
0x284: {  	s6 =	sor.u32 s31, s20;
	[tilespmem:s21+$0x0] =	vst v6  }
0x285: {  	s7 =	sor.u32 s0, s20;
	v6 =	vld.idx.msk [tilespmem:v49+s4+$0x0], $0xffff;
	[tilespmem:s6+$0x0] =	vst v8  }
0x286: {  	v53 =	vadd.s32 $0x31, v2;
	s1 =	sor.u32 s3, s20;
	v8 =	vld.idx.msk [tilespmem:v50+s4+$0x0], $0xffff;
	[tilespmem:s7+$0x0] =	vst v10  }
0x287: {  	v54 =	vadd.s32 $0x31, v5;
	v10 =	vld.idx.msk [tilespmem:v51+s4+$0x0], $0xffff;
	[tilespmem:s1+$0x0] =	vst v12  }
0x288: {  	v55 =	vadd.s32 $0x31, v4;
	s15 =	sadd.s32 $0xE800, s30;
	v12 =	vld.idx.msk [tilespmem:v52+s4+$0x0], $0xffff  }
0x289: {  	v56 =	vadd.s32 $0x31, v3;
	s16 =	sor.u32 s29, s15  }
0x28a: {  	s17 =	sor.u32 s31, s15;
	[tilespmem:s16+$0x0] =	vst v6  }
0x28b: {  	s18 =	sor.u32 s0, s15;
	v6 =	vld.idx.msk [tilespmem:v53+s4+$0x0], $0xffff;
	[tilespmem:s17+$0x0] =	vst v8  }
0x28c: {  	v57 =	vadd.s32 $0x32, v2;
	s1 =	sor.u32 s3, s15;
	v8 =	vld.idx.msk [tilespmem:v54+s4+$0x0], $0xffff;
	[tilespmem:s18+$0x0] =	vst v10  }
0x28d: {  	v58 =	vadd.s32 $0x32, v5;
	v10 =	vld.idx.msk [tilespmem:v55+s4+$0x0], $0xffff;
	[tilespmem:s1+$0x0] =	vst v12  }
0x28e: {  	v59 =	vadd.s32 $0x32, v4;
	s19 =	sadd.s32 $0xE880, s30;
	v12 =	vld.idx.msk [tilespmem:v56+s4+$0x0], $0xffff  }
0x28f: {  	v60 =	vadd.s32 $0x32, v3;
	s20 =	sor.u32 s29, s19  }
0x290: {  	s21 =	sor.u32 s31, s19;
	[tilespmem:s20+$0x0] =	vst v6  }
0x291: {  	s6 =	sor.u32 s0, s19;
	v6 =	vld.idx.msk [tilespmem:v57+s4+$0x0], $0xffff;
	[tilespmem:s21+$0x0] =	vst v8  }
0x292: {  	v61 =	vadd.s32 $0x33, v2;
	s1 =	sor.u32 s3, s19;
	v8 =	vld.idx.msk [tilespmem:v58+s4+$0x0], $0xffff;
	[tilespmem:s6+$0x0] =	vst v10  }
0x293: {  	v62 =	vadd.s32 $0x33, v5;
	v10 =	vld.idx.msk [tilespmem:v59+s4+$0x0], $0xffff;
	[tilespmem:s1+$0x0] =	vst v12  }
0x294: {  	v63 =	vadd.s32 $0x33, v4;
	s7 =	sadd.s32 $0xE900, s30;
	v12 =	vld.idx.msk [tilespmem:v60+s4+$0x0], $0xffff  }
0x295: {  	v16 =	vadd.s32 $0x33, v3;
	s15 =	sor.u32 s29, s7  }
0x296: {  	s16 =	sor.u32 s31, s7;
	[tilespmem:s15+$0x0] =	vst v6  }
0x297: {  	s17 =	sor.u32 s0, s7;
	v6 =	vld.idx.msk [tilespmem:v61+s4+$0x0], $0xffff;
	[tilespmem:s16+$0x0] =	vst v8  }
0x298: {  	v17 =	vadd.s32 $0x34, v2;
	s1 =	sor.u32 s3, s7;
	v8 =	vld.idx.msk [tilespmem:v62+s4+$0x0], $0xffff;
	[tilespmem:s17+$0x0] =	vst v10  }
0x299: {  	v18 =	vadd.s32 $0x34, v5;
	v10 =	vld.idx.msk [tilespmem:v63+s4+$0x0], $0xffff;
	[tilespmem:s1+$0x0] =	vst v12  }
0x29a: {  	v19 =	vadd.s32 $0x34, v4;
	s18 =	sadd.s32 $0xE980, s30;
	v12 =	vld.idx.msk [tilespmem:v16+s4+$0x0], $0xffff  }
0x29b: {  	v20 =	vadd.s32 $0x34, v3;
	s19 =	sor.u32 s29, s18  }
0x29c: {  	s20 =	sor.u32 s31, s18;
	[tilespmem:s19+$0x0] =	vst v6  }
0x29d: {  	s21 =	sor.u32 s0, s18;
	v6 =	vld.idx.msk [tilespmem:v17+s4+$0x0], $0xffff;
	[tilespmem:s20+$0x0] =	vst v8  }
0x29e: {  	v21 =	vadd.s32 $0x35, v2;
	s1 =	sor.u32 s3, s18;
	v8 =	vld.idx.msk [tilespmem:v18+s4+$0x0], $0xffff;
	[tilespmem:s21+$0x0] =	vst v10  }
0x29f: {  	v22 =	vadd.s32 $0x35, v5;
	v10 =	vld.idx.msk [tilespmem:v19+s4+$0x0], $0xffff;
	[tilespmem:s1+$0x0] =	vst v12  }
0x2a0: {  	v23 =	vadd.s32 $0x35, v4;
	s6 =	sadd.s32 $0xEA00, s30;
	v12 =	vld.idx.msk [tilespmem:v20+s4+$0x0], $0xffff  }
0x2a1: {  	v24 =	vadd.s32 $0x35, v3;
	s7 =	sor.u32 s29, s6  }
0x2a2: {  	s15 =	sor.u32 s31, s6;
	[tilespmem:s7+$0x0] =	vst v6  }
0x2a3: {  	s16 =	sor.u32 s0, s6;
	v6 =	vld.idx.msk [tilespmem:v21+s4+$0x0], $0xffff;
	[tilespmem:s15+$0x0] =	vst v8  }
0x2a4: {  	v25 =	vadd.s32 $0x36, v2;
	s1 =	sor.u32 s3, s6;
	v8 =	vld.idx.msk [tilespmem:v22+s4+$0x0], $0xffff;
	[tilespmem:s16+$0x0] =	vst v10  }
0x2a5: {  	v26 =	vadd.s32 $0x36, v5;
	v10 =	vld.idx.msk [tilespmem:v23+s4+$0x0], $0xffff;
	[tilespmem:s1+$0x0] =	vst v12  }
0x2a6: {  	v27 =	vadd.s32 $0x36, v4;
	s17 =	sadd.s32 $0xEA80, s30;
	v12 =	vld.idx.msk [tilespmem:v24+s4+$0x0], $0xffff  }
0x2a7: {  	v28 =	vadd.s32 $0x36, v3;
	s18 =	sor.u32 s29, s17  }
0x2a8: {  	s19 =	sor.u32 s31, s17;
	[tilespmem:s18+$0x0] =	vst v6  }
0x2a9: {  	s20 =	sor.u32 s0, s17;
	v6 =	vld.idx.msk [tilespmem:v25+s4+$0x0], $0xffff;
	[tilespmem:s19+$0x0] =	vst v8  }
0x2aa: {  	v29 =	vadd.s32 $0x37, v2;
	s1 =	sor.u32 s3, s17;
	v8 =	vld.idx.msk [tilespmem:v26+s4+$0x0], $0xffff;
	[tilespmem:s20+$0x0] =	vst v10  }
0x2ab: {  	v30 =	vadd.s32 $0x37, v5;
	v10 =	vld.idx.msk [tilespmem:v27+s4+$0x0], $0xffff;
	[tilespmem:s1+$0x0] =	vst v12  }
0x2ac: {  	v31 =	vadd.s32 $0x37, v4;
	s21 =	sadd.s32 $0xEB00, s30;
	v12 =	vld.idx.msk [tilespmem:v28+s4+$0x0], $0xffff  }
0x2ad: {  	v32 =	vadd.s32 $0x37, v3;
	s6 =	sor.u32 s29, s21  }
0x2ae: {  	s7 =	sor.u32 s31, s21;
	[tilespmem:s6+$0x0] =	vst v6  }
0x2af: {  	s15 =	sor.u32 s0, s21;
	v6 =	vld.idx.msk [tilespmem:v29+s4+$0x0], $0xffff;
	[tilespmem:s7+$0x0] =	vst v8  }
0x2b0: {  	v33 =	vadd.s32 $0x38, v2;
	s1 =	sor.u32 s3, s21;
	v8 =	vld.idx.msk [tilespmem:v30+s4+$0x0], $0xffff;
	[tilespmem:s15+$0x0] =	vst v10  }
0x2b1: {  	v34 =	vadd.s32 $0x38, v5;
	v10 =	vld.idx.msk [tilespmem:v31+s4+$0x0], $0xffff;
	[tilespmem:s1+$0x0] =	vst v12  }
0x2b2: {  	v35 =	vadd.s32 $0x38, v4;
	s16 =	sadd.s32 $0xEB80, s30;
	v12 =	vld.idx.msk [tilespmem:v32+s4+$0x0], $0xffff  }
0x2b3: {  	v36 =	vadd.s32 $0x38, v3;
	s17 =	sor.u32 s29, s16  }
0x2b4: {  	s18 =	sor.u32 s31, s16;
	[tilespmem:s17+$0x0] =	vst v6  }
0x2b5: {  	s19 =	sor.u32 s0, s16;
	v6 =	vld.idx.msk [tilespmem:v33+s4+$0x0], $0xffff;
	[tilespmem:s18+$0x0] =	vst v8  }
0x2b6: {  	v37 =	vadd.s32 $0x39, v2;
	s1 =	sor.u32 s3, s16;
	v8 =	vld.idx.msk [tilespmem:v34+s4+$0x0], $0xffff;
	[tilespmem:s19+$0x0] =	vst v10  }
0x2b7: {  	v38 =	vadd.s32 $0x39, v5;
	v10 =	vld.idx.msk [tilespmem:v35+s4+$0x0], $0xffff;
	[tilespmem:s1+$0x0] =	vst v12  }
0x2b8: {  	v39 =	vadd.s32 $0x39, v4;
	s20 =	sadd.s32 $0xF800, s30;
	v12 =	vld.idx.msk [tilespmem:v36+s4+$0x0], $0xffff  }
0x2b9: {  	v40 =	vadd.s32 $0x39, v3;
	s21 =	sor.u32 s29, s20  }
0x2ba: {  	s6 =	sor.u32 s31, s20;
	[tilespmem:s21+$0x0] =	vst v6  }
0x2bb: {  	s7 =	sor.u32 s0, s20;
	v6 =	vld.idx.msk [tilespmem:v37+s4+$0x0], $0xffff;
	[tilespmem:s6+$0x0] =	vst v8  }
0x2bc: {  	v41 =	vadd.s32 $0x3A, v2;
	s1 =	sor.u32 s3, s20;
	v8 =	vld.idx.msk [tilespmem:v38+s4+$0x0], $0xffff;
	[tilespmem:s7+$0x0] =	vst v10  }
0x2bd: {  	v42 =	vadd.s32 $0x3A, v5;
	v10 =	vld.idx.msk [tilespmem:v39+s4+$0x0], $0xffff;
	[tilespmem:s1+$0x0] =	vst v12  }
0x2be: {  	v43 =	vadd.s32 $0x3A, v4;
	s15 =	sadd.s32 $0xF880, s30;
	v12 =	vld.idx.msk [tilespmem:v40+s4+$0x0], $0xffff  }
0x2bf: {  	v44 =	vadd.s32 $0x3A, v3;
	s16 =	sor.u32 s29, s15  }
0x2c0: {  	s17 =	sor.u32 s31, s15;
	[tilespmem:s16+$0x0] =	vst v6  }
0x2c1: {  	s18 =	sor.u32 s0, s15;
	v6 =	vld.idx.msk [tilespmem:v41+s4+$0x0], $0xffff;
	[tilespmem:s17+$0x0] =	vst v8  }
0x2c2: {  	v45 =	vadd.s32 $0x3B, v2;
	s1 =	sor.u32 s3, s15;
	v8 =	vld.idx.msk [tilespmem:v42+s4+$0x0], $0xffff;
	[tilespmem:s18+$0x0] =	vst v10  }
0x2c3: {  	v46 =	vadd.s32 $0x3B, v5;
	v10 =	vld.idx.msk [tilespmem:v43+s4+$0x0], $0xffff;
	[tilespmem:s1+$0x0] =	vst v12  }
0x2c4: {  	v47 =	vadd.s32 $0x3B, v4;
	s19 =	sadd.s32 $0xF900, s30;
	v12 =	vld.idx.msk [tilespmem:v44+s4+$0x0], $0xffff  }
0x2c5: {  	v48 =	vadd.s32 $0x3B, v3;
	s20 =	sor.u32 s29, s19  }
0x2c6: {  	s21 =	sor.u32 s31, s19;
	[tilespmem:s20+$0x0] =	vst v6  }
0x2c7: {  	s6 =	sor.u32 s0, s19;
	v6 =	vld.idx.msk [tilespmem:v45+s4+$0x0], $0xffff;
	[tilespmem:s21+$0x0] =	vst v8  }
0x2c8: {  	v49 =	vadd.s32 $0x3C, v2;
	s1 =	sor.u32 s3, s19;
	v8 =	vld.idx.msk [tilespmem:v46+s4+$0x0], $0xffff;
	[tilespmem:s6+$0x0] =	vst v10  }
0x2c9: {  	v50 =	vadd.s32 $0x3C, v5;
	v10 =	vld.idx.msk [tilespmem:v47+s4+$0x0], $0xffff;
	[tilespmem:s1+$0x0] =	vst v12  }
0x2ca: {  	v51 =	vadd.s32 $0x3C, v4;
	s7 =	sadd.s32 $0xF980, s30;
	v12 =	vld.idx.msk [tilespmem:v48+s4+$0x0], $0xffff  }
0x2cb: {  	v52 =	vadd.s32 $0x3C, v3;
	s15 =	sor.u32 s29, s7  }
0x2cc: {  	s16 =	sor.u32 s31, s7;
	[tilespmem:s15+$0x0] =	vst v6  }
0x2cd: {  	s17 =	sor.u32 s0, s7;
	v6 =	vld.idx.msk [tilespmem:v49+s4+$0x0], $0xffff;
	[tilespmem:s16+$0x0] =	vst v8  }
0x2ce: {  	v53 =	vadd.s32 $0x3D, v2;
	s1 =	sor.u32 s3, s7;
	v8 =	vld.idx.msk [tilespmem:v50+s4+$0x0], $0xffff;
	[tilespmem:s17+$0x0] =	vst v10  }
0x2cf: {  	v54 =	vadd.s32 $0x3D, v5;
	v10 =	vld.idx.msk [tilespmem:v51+s4+$0x0], $0xffff;
	[tilespmem:s1+$0x0] =	vst v12  }
0x2d0: {  	v55 =	vadd.s32 $0x3D, v4;
	s18 =	sadd.s32 $0xFA00, s30;
	v12 =	vld.idx.msk [tilespmem:v52+s4+$0x0], $0xffff  }
0x2d1: {  	v56 =	vadd.s32 $0x3D, v3;
	s19 =	sor.u32 s29, s18  }
0x2d2: {  	s20 =	sor.u32 s31, s18;
	[tilespmem:s19+$0x0] =	vst v6  }
0x2d3: {  	s21 =	sor.u32 s0, s18;
	v6 =	vld.idx.msk [tilespmem:v53+s4+$0x0], $0xffff;
	[tilespmem:s20+$0x0] =	vst v8  }
0x2d4: {  	v57 =	vadd.s32 $0x3E, v2;
	s1 =	sor.u32 s3, s18;
	v8 =	vld.idx.msk [tilespmem:v54+s4+$0x0], $0xffff;
	[tilespmem:s21+$0x0] =	vst v10  }
0x2d5: {  	v58 =	vadd.s32 $0x3E, v5;
	v10 =	vld.idx.msk [tilespmem:v55+s4+$0x0], $0xffff;
	[tilespmem:s1+$0x0] =	vst v12  }
0x2d6: {  	v59 =	vadd.s32 $0x3E, v4;
	s6 =	sadd.s32 $0xFA80, s30;
	v12 =	vld.idx.msk [tilespmem:v56+s4+$0x0], $0xffff  }
0x2d7: {  	v60 =	vadd.s32 $0x3E, v3;
	s7 =	sor.u32 s29, s6  }
0x2d8: {  	s15 =	sor.u32 s31, s6;
	[tilespmem:s7+$0x0] =	vst v6  }
0x2d9: {  	s16 =	sor.u32 s0, s6;
	v6 =	vld.idx.msk [tilespmem:v57+s4+$0x0], $0xffff;
	[tilespmem:s15+$0x0] =	vst v8  }
0x2da: {  	v2 =	vadd.s32 $0x3F, v2;
	s1 =	sor.u32 s3, s6;
	[tilespmem:s16+$0x0] =	vst v10;
	v61 =	vld.idx.msk [tilespmem:v58+s4+$0x0], $0xffff  }
0x2db: {  	v5 =	vadd.s32 $0x3F, v5;
	[tilespmem:s1+$0x0] =	vst v12;
	v62 =	vld.idx.msk [tilespmem:v59+s4+$0x0], $0xffff  }
0x2dc: {  	v4 =	vadd.s32 $0x3F, v4;
	s17 =	sadd.s32 $0xFB00, s30;
	v63 =	vld.idx.msk [tilespmem:v60+s4+$0x0], $0xffff  }
0x2dd: {  	v3 =	vadd.s32 $0x3F, v3;
	s18 =	sor.u32 s29, s17  }
0x2de: {  	s19 =	sor.u32 s31, s17;
	[tilespmem:s18+$0x0] =	vst v6  }
0x2df: {  	s20 =	sor.u32 s0, s17;
	v2 =	vld.idx.msk [tilespmem:v2+s4+$0x0], $0xffff;
	[tilespmem:s19+$0x0] =	vst v61  }
0x2e0: {  	s1 =	sor.u32 s3, s17;
	[tilespmem:s20+$0x0] =	vst v62;
	v5 =	vld.idx.msk [tilespmem:v5+s4+$0x0], $0xffff  }
0x2e1: {  	s24 =	sadd.s32 $0x4, s24;
	[tilespmem:s1+$0x0] =	vst v63;
	v4 =	vld.idx.msk [tilespmem:v4+s4+$0x0], $0xffff  }
0x2e2: {  	p2 =	slt.u32 s24, $0x1C;
	s21 =	sadd.s32 $0xFB80, s30;
	v3 =	vld.idx.msk [tilespmem:v3+s4+$0x0], $0xffff  }
.Ltmp6:
0x2e3: {  	s29 =	sor.u32 s29, s21;
	(pc) =	sbr.rel @p2 .LBB2_15-.Ltmp6, $4  }
0x2e4: {  	s30 =	sor.u32 s31, s21;
	[tilespmem:s29+$0x0] =	vst v2  }
0x2e5: {  	s0 =	sor.u32 s0, s21;
	[tilespmem:s30+$0x0] =	vst v5  }
0x2e6: {  	s26 =	sadd.s32 $0x40, s26;
	s31 =	sor.u32 s3, s21;
	[tilespmem:s0+$0x0] =	vst v4  }
0x2e7: {  	s25 =	sadd.s32 $0x40, s25;
	p1 =	por !p1, !p1;
	s28 =	sadd.s32 $0x200, s28;
	[tilespmem:s31+$0x0] =	vst v3  }
0x2e8: {  	s0 =	sor.u32 s5, s23  }
0x2e9: {  	s23 =	sshrl.u32 s0, $0x3  }
0x2ea: {  	s0 =	sadd.s32 s8, s23  }
0x2eb: {  	[hbm4b:s0+s10] =	stream.strided.scatter [tilespmem:s12], [sflag:$0x1], $0x8000, s11, s10, $0x38;
	[tilespmem:$0x18800] =	vst v63  }
0x2ec: {  	s0 =	simm.s32 @!p0 $0x1  }
0x2ed: {  	s24 =	simm.s32 $0xFFFFFFFC;
	_ =	swait.ge @!p0 [sflag:s0], $0x8000  }
0x2ee: {  	s25 =	simm.s32 $0x0;
	s26 =	simm.s32 $0x8600;
	[sflag:s0] =	ssyncset.done @!p0 $0x0  }
0x2ef: {  	v2 =	vor.u32 $0x40, v1;
	s28 =	simm.s32 $0x0;
	[sflag:s0] =	ssyncadd.s32 @!p0 $0xFFFF8000;
	p0 =	por $0x0, $0x0  }
.LBB2_17:
0x2f0: {  	v3 =	vld [tilespmem:s26+$0x0];
	_ =	sdelay $0x4  }
0x2f1: {  	v3 =	vadd.s32 v2, v3;
	_ =	sdelay $0x4  }
0x2f2: {  	v4 =	vld.idx.msk [tilespmem:v3+s4+$0x0], $0xffff  }
0x2f3: {  	v5 =	vadd.s32 $0x1, v3  }
0x2f4: {  	s30 =	sand.u32 $0xC00, s28  }
0x2f5: {  	s29 =	sand.u32 $0x40, s25;
	s2 =	sadd.s32 $0x10800, s30  }
0x2f6: {  	s0 =	sor.u32 s29, s2  }
0x2f7: {  	[tilespmem:s0+$0x0] =	vst v4  }
0x2f8: {  	v4 =	vld.idx.msk [tilespmem:v5+s4+$0x0], $0xffff  }
0x2f9: {  	v9 =	vadd.s32 $0x2, v3;
	_ =	sdelay $0x3  }
0x2fa: {  	[tilespmem:s0+$0x80] =	vst v4  }
0x2fb: {  	v4 =	vld.idx.msk [tilespmem:v9+s4+$0x0], $0xffff  }
0x2fc: {  	v10 =	vadd.s32 $0x3, v3;
	_ =	sdelay $0x3  }
0x2fd: {  	[tilespmem:s0+$0x100] =	vst v4  }
0x2fe: {  	v4 =	vld.idx.msk [tilespmem:v10+s4+$0x0], $0xffff  }
0x2ff: {  	v11 =	vadd.s32 $0x4, v3;
	_ =	sdelay $0x3  }
0x300: {  	[tilespmem:s0+$0x180] =	vst v4  }
0x301: {  	s0 =	simm.s32 $0x1;
	v4 =	vld.idx.msk [tilespmem:v11+s4+$0x0], $0xffff  }
0x302: {  	v12 =	vadd.s32 $0x5, v3;
	s0 =	simm.s32 @!p0 $0x0  }
0x303: {  	s0 =	sshll.u32 s0, $0x6  }
0x304: {  	s1 =	sadd.s32 s0, s28  }
0x305: {  	s0 =	sor.u32 $0x200, s1  }
0x306: {  	[tilespmem:s0+$0x10800] =	vst v4  }
0x307: {  	v4 =	vld.idx.msk [tilespmem:v12+s4+$0x0], $0xffff  }
0x308: {  	v13 =	vadd.s32 $0x6, v3;
	_ =	sdelay $0x2  }
0x309: {  	s16 =	sor.u32 $0x280, s1  }
0x30a: {  	[tilespmem:s16+$0x10800] =	vst v4  }
0x30b: {  	v4 =	vld.idx.msk [tilespmem:v13+s4+$0x0], $0xffff  }
0x30c: {  	v14 =	vadd.s32 $0x7, v3;
	_ =	sdelay $0x2  }
0x30d: {  	s17 =	sor.u32 $0x300, s1  }
0x30e: {  	[tilespmem:s17+$0x10800] =	vst v4  }
0x30f: {  	v4 =	vld.idx.msk [tilespmem:v14+s4+$0x0], $0xffff;
	_ =	sdelay $0x2  }
0x310: {  	s18 =	sor.u32 s28, s25;
	s3 =	sand.u32 $0x180, s25  }
0x311: {  	s31 =	sor.u32 $0x10, s29;
	s6 =	sor.u32 $0x8600, s3;
	s0 =	sor.u32 $0x380, s18  }
0x312: {  	s3 =	sor.u32 s31, s6;
	[tilespmem:s0+$0x10800] =	vst v4;
	s0 =	sor.u32 $0x20, s29  }
0x313: {  	v4 =	vld [tilespmem:s3+$0x0];
	s7 =	sor.u32 s0, s6;
	s3 =	sor.u32 $0x30, s29  }
0x314: {  	v15 =	vld [tilespmem:s7+$0x0];
	s6 =	sor.u32 s3, s6  }
0x315: {  	v7 =	vld [tilespmem:s6+$0x0];
	_ =	sdelay $0x2  }
0x316: {  	v6 =	vadd.s32 v2, v4  }
0x317: {  	v5 =	vadd.s32 v2, v15  }
0x318: {  	v4 =	vadd.s32 v2, v7;
	_ =	sdelay $0x2  }
0x319: {  	v16 =	vld.idx.msk [tilespmem:v6+s4+$0x0], $0xffff  }
0x31a: {  	v8 =	vadd.s32 $0x1, v6;
	v9 =	vld.idx.msk [tilespmem:v5+s4+$0x0], $0xffff  }
0x31b: {  	v10 =	vadd.s32 $0x1, v5;
	v11 =	vld.idx.msk [tilespmem:v4+s4+$0x0], $0xffff  }
0x31c: {  	v12 =	vadd.s32 $0x1, v4  }
0x31d: {  	s19 =	sor.u32 s31, s2  }
0x31e: {  	s20 =	sor.u32 s0, s2;
	[tilespmem:s19+$0x0] =	vst v16  }
0x31f: {  	s2 =	sor.u32 s3, s2;
	v7 =	vld.idx.msk [tilespmem:v8+s4+$0x0], $0xffff;
	[tilespmem:s20+$0x0] =	vst v9  }
0x320: {  	v17 =	vadd.s32 $0x2, v6;
	v9 =	vld.idx.msk [tilespmem:v10+s4+$0x0], $0xffff;
	[tilespmem:s2+$0x0] =	vst v11  }
0x321: {  	v18 =	vadd.s32 $0x2, v5;
	v11 =	vld.idx.msk [tilespmem:v12+s4+$0x0], $0xffff  }
0x322: {  	v19 =	vadd.s32 $0x2, v4;
	_ =	sdelay $0x1  }
0x323: {  	[tilespmem:s19+$0x80] =	vst v7  }
0x324: {  	v7 =	vld.idx.msk [tilespmem:v17+s4+$0x0], $0xffff;
	[tilespmem:s20+$0x80] =	vst v9  }
0x325: {  	v20 =	vadd.s32 $0x3, v6;
	v9 =	vld.idx.msk [tilespmem:v18+s4+$0x0], $0xffff;
	[tilespmem:s2+$0x80] =	vst v11  }
0x326: {  	v21 =	vadd.s32 $0x3, v5;
	v11 =	vld.idx.msk [tilespmem:v19+s4+$0x0], $0xffff  }
0x327: {  	v22 =	vadd.s32 $0x3, v4;
	_ =	sdelay $0x1  }
0x328: {  	[tilespmem:s19+$0x100] =	vst v7  }
0x329: {  	v7 =	vld.idx.msk [tilespmem:v20+s4+$0x0], $0xffff;
	[tilespmem:s20+$0x100] =	vst v9  }
0x32a: {  	v23 =	vadd.s32 $0x4, v6;
	v9 =	vld.idx.msk [tilespmem:v21+s4+$0x0], $0xffff;
	[tilespmem:s2+$0x100] =	vst v11  }
0x32b: {  	v24 =	vadd.s32 $0x4, v5;
	v11 =	vld.idx.msk [tilespmem:v22+s4+$0x0], $0xffff  }
0x32c: {  	v25 =	vadd.s32 $0x4, v4;
	_ =	sdelay $0x1  }
0x32d: {  	[tilespmem:s19+$0x180] =	vst v7  }
0x32e: {  	v7 =	vld.idx.msk [tilespmem:v23+s4+$0x0], $0xffff;
	[tilespmem:s20+$0x180] =	vst v9  }
0x32f: {  	v26 =	vadd.s32 $0x5, v6;
	v9 =	vld.idx.msk [tilespmem:v24+s4+$0x0], $0xffff;
	[tilespmem:s2+$0x180] =	vst v11  }
0x330: {  	v27 =	vadd.s32 $0x5, v5;
	v11 =	vld.idx.msk [tilespmem:v25+s4+$0x0], $0xffff  }
0x331: {  	v28 =	vadd.s32 $0x5, v4;
	s2 =	sadd.s32 $0x10, s1  }
0x332: {  	s7 =	sadd.s32 $0x20, s1;
	s21 =	sor.u32 $0x200, s2  }
0x333: {  	s15 =	sor.u32 $0x200, s7;
	s1 =	sadd.s32 $0x30, s1;
	[tilespmem:s21+$0x10800] =	vst v7  }
0x334: {  	s16 =	sor.u32 $0x200, s1;
	v7 =	vld.idx.msk [tilespmem:v26+s4+$0x0], $0xffff;
	[tilespmem:s15+$0x10800] =	vst v9  }
0x335: {  	v29 =	vadd.s32 $0x6, v6;
	v9 =	vld.idx.msk [tilespmem:v27+s4+$0x0], $0xffff;
	[tilespmem:s16+$0x10800] =	vst v11  }
0x336: {  	v30 =	vadd.s32 $0x6, v5;
	v11 =	vld.idx.msk [tilespmem:v28+s4+$0x0], $0xffff  }
0x337: {  	v31 =	vadd.s32 $0x6, v4  }
0x338: {  	s17 =	sor.u32 $0x280, s2  }
0x339: {  	s18 =	sor.u32 $0x280, s7;
	[tilespmem:s17+$0x10800] =	vst v7  }
0x33a: {  	s19 =	sor.u32 $0x280, s1;
	v7 =	vld.idx.msk [tilespmem:v29+s4+$0x0], $0xffff;
	[tilespmem:s18+$0x10800] =	vst v9  }
0x33b: {  	v32 =	vadd.s32 $0x7, v6;
	v9 =	vld.idx.msk [tilespmem:v30+s4+$0x0], $0xffff;
	[tilespmem:s19+$0x10800] =	vst v11  }
0x33c: {  	v33 =	vadd.s32 $0x7, v5;
	v11 =	vld.idx.msk [tilespmem:v31+s4+$0x0], $0xffff  }
0x33d: {  	v34 =	vadd.s32 $0x7, v4  }
0x33e: {  	s20 =	sor.u32 $0x300, s2  }
0x33f: {  	s21 =	sor.u32 $0x300, s7;
	[tilespmem:s20+$0x10800] =	vst v7  }
0x340: {  	v35 =	vadd.s32 $0x8, v3;
	s15 =	sor.u32 $0x300, s1;
	v8 =	vld.idx.msk [tilespmem:v32+s4+$0x0], $0xffff;
	[tilespmem:s21+$0x10800] =	vst v9  }
0x341: {  	v36 =	vadd.s32 $0x8, v6;
	[tilespmem:s15+$0x10800] =	vst v11;
	v10 =	vld.idx.msk [tilespmem:v33+s4+$0x0], $0xffff  }
0x342: {  	v37 =	vadd.s32 $0x8, v5;
	v12 =	vld.idx.msk [tilespmem:v34+s4+$0x0], $0xffff  }
0x343: {  	v13 =	vadd.s32 $0x8, v4  }
0x344: {  	s2 =	sor.u32 $0x380, s2  }
0x345: {  	s16 =	sor.u32 $0x380, s7;
	v7 =	vld.idx.msk [tilespmem:v35+s4+$0x0], $0xffff;
	[tilespmem:s2+$0x10800] =	vst v8  }
0x346: {  	v38 =	vadd.s32 $0x9, v3;
	s1 =	sor.u32 $0x380, s1;
	v9 =	vld.idx.msk [tilespmem:v36+s4+$0x0], $0xffff;
	[tilespmem:s16+$0x10800] =	vst v10  }
0x347: {  	v39 =	vadd.s32 $0x9, v6;
	v11 =	vld.idx.msk [tilespmem:v37+s4+$0x0], $0xffff;
	[tilespmem:s1+$0x10800] =	vst v12  }
0x348: {  	v40 =	vadd.s32 $0x9, v5;
	s17 =	sadd.s32 $0x11800, s30;
	v13 =	vld.idx.msk [tilespmem:v13+s4+$0x0], $0xffff  }
0x349: {  	v14 =	vadd.s32 $0x9, v4;
	s18 =	sor.u32 s29, s17  }
0x34a: {  	s19 =	sor.u32 s31, s17;
	[tilespmem:s18+$0x0] =	vst v7  }
0x34b: {  	s20 =	sor.u32 s0, s17;
	v7 =	vld.idx.msk [tilespmem:v38+s4+$0x0], $0xffff;
	[tilespmem:s19+$0x0] =	vst v9  }
0x34c: {  	v41 =	vadd.s32 $0xA, v3;
	s1 =	sor.u32 s3, s17;
	v9 =	vld.idx.msk [tilespmem:v39+s4+$0x0], $0xffff;
	[tilespmem:s20+$0x0] =	vst v11  }
0x34d: {  	v42 =	vadd.s32 $0xA, v6;
	v11 =	vld.idx.msk [tilespmem:v40+s4+$0x0], $0xffff;
	[tilespmem:s1+$0x0] =	vst v13  }
0x34e: {  	v43 =	vadd.s32 $0xA, v5;
	s21 =	sadd.s32 $0x11880, s30;
	v13 =	vld.idx.msk [tilespmem:v14+s4+$0x0], $0xffff  }
0x34f: {  	v44 =	vadd.s32 $0xA, v4;
	s6 =	sor.u32 s29, s21  }
0x350: {  	s7 =	sor.u32 s31, s21;
	[tilespmem:s6+$0x0] =	vst v7  }
0x351: {  	s15 =	sor.u32 s0, s21;
	v7 =	vld.idx.msk [tilespmem:v41+s4+$0x0], $0xffff;
	[tilespmem:s7+$0x0] =	vst v9  }
0x352: {  	v45 =	vadd.s32 $0xB, v3;
	s1 =	sor.u32 s3, s21;
	v9 =	vld.idx.msk [tilespmem:v42+s4+$0x0], $0xffff;
	[tilespmem:s15+$0x0] =	vst v11  }
0x353: {  	v46 =	vadd.s32 $0xB, v6;
	v11 =	vld.idx.msk [tilespmem:v43+s4+$0x0], $0xffff;
	[tilespmem:s1+$0x0] =	vst v13  }
0x354: {  	v47 =	vadd.s32 $0xB, v5;
	s16 =	sadd.s32 $0x11900, s30;
	v13 =	vld.idx.msk [tilespmem:v44+s4+$0x0], $0xffff  }
0x355: {  	v48 =	vadd.s32 $0xB, v4;
	s17 =	sor.u32 s29, s16  }
0x356: {  	s18 =	sor.u32 s31, s16;
	[tilespmem:s17+$0x0] =	vst v7  }
0x357: {  	s19 =	sor.u32 s0, s16;
	v7 =	vld.idx.msk [tilespmem:v45+s4+$0x0], $0xffff;
	[tilespmem:s18+$0x0] =	vst v9  }
0x358: {  	v49 =	vadd.s32 $0xC, v3;
	s1 =	sor.u32 s3, s16;
	v9 =	vld.idx.msk [tilespmem:v46+s4+$0x0], $0xffff;
	[tilespmem:s19+$0x0] =	vst v11  }
0x359: {  	v50 =	vadd.s32 $0xC, v6;
	v11 =	vld.idx.msk [tilespmem:v47+s4+$0x0], $0xffff;
	[tilespmem:s1+$0x0] =	vst v13  }
0x35a: {  	v51 =	vadd.s32 $0xC, v5;
	s20 =	sadd.s32 $0x11980, s30;
	v13 =	vld.idx.msk [tilespmem:v48+s4+$0x0], $0xffff  }
0x35b: {  	v52 =	vadd.s32 $0xC, v4;
	s21 =	sor.u32 s29, s20  }
0x35c: {  	s6 =	sor.u32 s31, s20;
	[tilespmem:s21+$0x0] =	vst v7  }
0x35d: {  	s7 =	sor.u32 s0, s20;
	v7 =	vld.idx.msk [tilespmem:v49+s4+$0x0], $0xffff;
	[tilespmem:s6+$0x0] =	vst v9  }
0x35e: {  	v53 =	vadd.s32 $0xD, v3;
	s1 =	sor.u32 s3, s20;
	v9 =	vld.idx.msk [tilespmem:v50+s4+$0x0], $0xffff;
	[tilespmem:s7+$0x0] =	vst v11  }
0x35f: {  	v54 =	vadd.s32 $0xD, v6;
	v11 =	vld.idx.msk [tilespmem:v51+s4+$0x0], $0xffff;
	[tilespmem:s1+$0x0] =	vst v13  }
0x360: {  	v55 =	vadd.s32 $0xD, v5;
	s15 =	sadd.s32 $0x11A00, s30;
	v13 =	vld.idx.msk [tilespmem:v52+s4+$0x0], $0xffff  }
0x361: {  	v56 =	vadd.s32 $0xD, v4;
	s16 =	sor.u32 s29, s15  }
0x362: {  	s17 =	sor.u32 s31, s15;
	[tilespmem:s16+$0x0] =	vst v7  }
0x363: {  	s18 =	sor.u32 s0, s15;
	v7 =	vld.idx.msk [tilespmem:v53+s4+$0x0], $0xffff;
	[tilespmem:s17+$0x0] =	vst v9  }
0x364: {  	v57 =	vadd.s32 $0xE, v3;
	s1 =	sor.u32 s3, s15;
	v9 =	vld.idx.msk [tilespmem:v54+s4+$0x0], $0xffff;
	[tilespmem:s18+$0x0] =	vst v11  }
0x365: {  	v58 =	vadd.s32 $0xE, v6;
	v11 =	vld.idx.msk [tilespmem:v55+s4+$0x0], $0xffff;
	[tilespmem:s1+$0x0] =	vst v13  }
0x366: {  	v59 =	vadd.s32 $0xE, v5;
	s19 =	sadd.s32 $0x11A80, s30;
	v13 =	vld.idx.msk [tilespmem:v56+s4+$0x0], $0xffff  }
0x367: {  	v60 =	vadd.s32 $0xE, v4;
	s20 =	sor.u32 s29, s19  }
0x368: {  	s21 =	sor.u32 s31, s19;
	[tilespmem:s20+$0x0] =	vst v7  }
0x369: {  	s6 =	sor.u32 s0, s19;
	v7 =	vld.idx.msk [tilespmem:v57+s4+$0x0], $0xffff;
	[tilespmem:s21+$0x0] =	vst v9  }
0x36a: {  	v61 =	vadd.s32 $0xF, v3;
	s1 =	sor.u32 s3, s19;
	v9 =	vld.idx.msk [tilespmem:v58+s4+$0x0], $0xffff;
	[tilespmem:s6+$0x0] =	vst v11  }
0x36b: {  	v62 =	vadd.s32 $0xF, v6;
	v11 =	vld.idx.msk [tilespmem:v59+s4+$0x0], $0xffff;
	[tilespmem:s1+$0x0] =	vst v13  }
0x36c: {  	v63 =	vadd.s32 $0xF, v5;
	s7 =	sadd.s32 $0x11B00, s30;
	v13 =	vld.idx.msk [tilespmem:v60+s4+$0x0], $0xffff  }
0x36d: {  	v16 =	vadd.s32 $0xF, v4;
	s15 =	sor.u32 s29, s7  }
0x36e: {  	s16 =	sor.u32 s31, s7;
	[tilespmem:s15+$0x0] =	vst v7  }
0x36f: {  	s17 =	sor.u32 s0, s7;
	v7 =	vld.idx.msk [tilespmem:v61+s4+$0x0], $0xffff;
	[tilespmem:s16+$0x0] =	vst v9  }
0x370: {  	v17 =	vadd.s32 $0x10, v3;
	s1 =	sor.u32 s3, s7;
	v9 =	vld.idx.msk [tilespmem:v62+s4+$0x0], $0xffff;
	[tilespmem:s17+$0x0] =	vst v11  }
0x371: {  	v18 =	vadd.s32 $0x10, v6;
	v11 =	vld.idx.msk [tilespmem:v63+s4+$0x0], $0xffff;
	[tilespmem:s1+$0x0] =	vst v13  }
0x372: {  	v19 =	vadd.s32 $0x10, v5;
	s18 =	sadd.s32 $0x11B80, s30;
	v13 =	vld.idx.msk [tilespmem:v16+s4+$0x0], $0xffff  }
0x373: {  	v20 =	vadd.s32 $0x10, v4;
	s19 =	sor.u32 s29, s18  }
0x374: {  	s20 =	sor.u32 s31, s18;
	[tilespmem:s19+$0x0] =	vst v7  }
0x375: {  	s21 =	sor.u32 s0, s18;
	v7 =	vld.idx.msk [tilespmem:v17+s4+$0x0], $0xffff;
	[tilespmem:s20+$0x0] =	vst v9  }
0x376: {  	v21 =	vadd.s32 $0x11, v3;
	s1 =	sor.u32 s3, s18;
	v9 =	vld.idx.msk [tilespmem:v18+s4+$0x0], $0xffff;
	[tilespmem:s21+$0x0] =	vst v11  }
0x377: {  	v22 =	vadd.s32 $0x11, v6;
	v11 =	vld.idx.msk [tilespmem:v19+s4+$0x0], $0xffff;
	[tilespmem:s1+$0x0] =	vst v13  }
0x378: {  	v23 =	vadd.s32 $0x11, v5;
	s6 =	sadd.s32 $0x12800, s30;
	v13 =	vld.idx.msk [tilespmem:v20+s4+$0x0], $0xffff  }
0x379: {  	v24 =	vadd.s32 $0x11, v4;
	s7 =	sor.u32 s29, s6  }
0x37a: {  	s15 =	sor.u32 s31, s6;
	[tilespmem:s7+$0x0] =	vst v7  }
0x37b: {  	s16 =	sor.u32 s0, s6;
	v7 =	vld.idx.msk [tilespmem:v21+s4+$0x0], $0xffff;
	[tilespmem:s15+$0x0] =	vst v9  }
0x37c: {  	v25 =	vadd.s32 $0x12, v3;
	s1 =	sor.u32 s3, s6;
	v9 =	vld.idx.msk [tilespmem:v22+s4+$0x0], $0xffff;
	[tilespmem:s16+$0x0] =	vst v11  }
0x37d: {  	v26 =	vadd.s32 $0x12, v6;
	v11 =	vld.idx.msk [tilespmem:v23+s4+$0x0], $0xffff;
	[tilespmem:s1+$0x0] =	vst v13  }
0x37e: {  	v27 =	vadd.s32 $0x12, v5;
	s17 =	sadd.s32 $0x12880, s30;
	v13 =	vld.idx.msk [tilespmem:v24+s4+$0x0], $0xffff  }
0x37f: {  	v28 =	vadd.s32 $0x12, v4;
	s18 =	sor.u32 s29, s17  }
0x380: {  	s19 =	sor.u32 s31, s17;
	[tilespmem:s18+$0x0] =	vst v7  }
0x381: {  	s20 =	sor.u32 s0, s17;
	v7 =	vld.idx.msk [tilespmem:v25+s4+$0x0], $0xffff;
	[tilespmem:s19+$0x0] =	vst v9  }
0x382: {  	v29 =	vadd.s32 $0x13, v3;
	s1 =	sor.u32 s3, s17;
	v9 =	vld.idx.msk [tilespmem:v26+s4+$0x0], $0xffff;
	[tilespmem:s20+$0x0] =	vst v11  }
0x383: {  	v30 =	vadd.s32 $0x13, v6;
	v11 =	vld.idx.msk [tilespmem:v27+s4+$0x0], $0xffff;
	[tilespmem:s1+$0x0] =	vst v13  }
0x384: {  	v31 =	vadd.s32 $0x13, v5;
	s21 =	sadd.s32 $0x12900, s30;
	v13 =	vld.idx.msk [tilespmem:v28+s4+$0x0], $0xffff  }
0x385: {  	v32 =	vadd.s32 $0x13, v4;
	s6 =	sor.u32 s29, s21  }
0x386: {  	s7 =	sor.u32 s31, s21;
	[tilespmem:s6+$0x0] =	vst v7  }
0x387: {  	s15 =	sor.u32 s0, s21;
	v7 =	vld.idx.msk [tilespmem:v29+s4+$0x0], $0xffff;
	[tilespmem:s7+$0x0] =	vst v9  }
0x388: {  	v33 =	vadd.s32 $0x14, v3;
	s1 =	sor.u32 s3, s21;
	v9 =	vld.idx.msk [tilespmem:v30+s4+$0x0], $0xffff;
	[tilespmem:s15+$0x0] =	vst v11  }
0x389: {  	v34 =	vadd.s32 $0x14, v6;
	v11 =	vld.idx.msk [tilespmem:v31+s4+$0x0], $0xffff;
	[tilespmem:s1+$0x0] =	vst v13  }
0x38a: {  	v35 =	vadd.s32 $0x14, v5;
	s16 =	sadd.s32 $0x12980, s30;
	v13 =	vld.idx.msk [tilespmem:v32+s4+$0x0], $0xffff  }
0x38b: {  	v36 =	vadd.s32 $0x14, v4;
	s17 =	sor.u32 s29, s16  }
0x38c: {  	s18 =	sor.u32 s31, s16;
	[tilespmem:s17+$0x0] =	vst v7  }
0x38d: {  	s19 =	sor.u32 s0, s16;
	v7 =	vld.idx.msk [tilespmem:v33+s4+$0x0], $0xffff;
	[tilespmem:s18+$0x0] =	vst v9  }
0x38e: {  	v37 =	vadd.s32 $0x15, v3;
	s1 =	sor.u32 s3, s16;
	v9 =	vld.idx.msk [tilespmem:v34+s4+$0x0], $0xffff;
	[tilespmem:s19+$0x0] =	vst v11  }
0x38f: {  	v38 =	vadd.s32 $0x15, v6;
	v11 =	vld.idx.msk [tilespmem:v35+s4+$0x0], $0xffff;
	[tilespmem:s1+$0x0] =	vst v13  }
0x390: {  	v39 =	vadd.s32 $0x15, v5;
	s20 =	sadd.s32 $0x12A00, s30;
	v13 =	vld.idx.msk [tilespmem:v36+s4+$0x0], $0xffff  }
0x391: {  	v40 =	vadd.s32 $0x15, v4;
	s21 =	sor.u32 s29, s20  }
0x392: {  	s6 =	sor.u32 s31, s20;
	[tilespmem:s21+$0x0] =	vst v7  }
0x393: {  	s7 =	sor.u32 s0, s20;
	v7 =	vld.idx.msk [tilespmem:v37+s4+$0x0], $0xffff;
	[tilespmem:s6+$0x0] =	vst v9  }
0x394: {  	v41 =	vadd.s32 $0x16, v3;
	s1 =	sor.u32 s3, s20;
	v9 =	vld.idx.msk [tilespmem:v38+s4+$0x0], $0xffff;
	[tilespmem:s7+$0x0] =	vst v11  }
0x395: {  	v42 =	vadd.s32 $0x16, v6;
	v11 =	vld.idx.msk [tilespmem:v39+s4+$0x0], $0xffff;
	[tilespmem:s1+$0x0] =	vst v13  }
0x396: {  	v43 =	vadd.s32 $0x16, v5;
	s15 =	sadd.s32 $0x12A80, s30;
	v13 =	vld.idx.msk [tilespmem:v40+s4+$0x0], $0xffff  }
0x397: {  	v44 =	vadd.s32 $0x16, v4;
	s16 =	sor.u32 s29, s15  }
0x398: {  	s17 =	sor.u32 s31, s15;
	[tilespmem:s16+$0x0] =	vst v7  }
0x399: {  	s18 =	sor.u32 s0, s15;
	v7 =	vld.idx.msk [tilespmem:v41+s4+$0x0], $0xffff;
	[tilespmem:s17+$0x0] =	vst v9  }
0x39a: {  	v45 =	vadd.s32 $0x17, v3;
	s1 =	sor.u32 s3, s15;
	v9 =	vld.idx.msk [tilespmem:v42+s4+$0x0], $0xffff;
	[tilespmem:s18+$0x0] =	vst v11  }
0x39b: {  	v46 =	vadd.s32 $0x17, v6;
	v11 =	vld.idx.msk [tilespmem:v43+s4+$0x0], $0xffff;
	[tilespmem:s1+$0x0] =	vst v13  }
0x39c: {  	v47 =	vadd.s32 $0x17, v5;
	s19 =	sadd.s32 $0x12B00, s30;
	v13 =	vld.idx.msk [tilespmem:v44+s4+$0x0], $0xffff  }
0x39d: {  	v48 =	vadd.s32 $0x17, v4;
	s20 =	sor.u32 s29, s19  }
0x39e: {  	s21 =	sor.u32 s31, s19;
	[tilespmem:s20+$0x0] =	vst v7  }
0x39f: {  	s6 =	sor.u32 s0, s19;
	v7 =	vld.idx.msk [tilespmem:v45+s4+$0x0], $0xffff;
	[tilespmem:s21+$0x0] =	vst v9  }
0x3a0: {  	v49 =	vadd.s32 $0x18, v3;
	s1 =	sor.u32 s3, s19;
	v9 =	vld.idx.msk [tilespmem:v46+s4+$0x0], $0xffff;
	[tilespmem:s6+$0x0] =	vst v11  }
0x3a1: {  	v50 =	vadd.s32 $0x18, v6;
	v11 =	vld.idx.msk [tilespmem:v47+s4+$0x0], $0xffff;
	[tilespmem:s1+$0x0] =	vst v13  }
0x3a2: {  	v51 =	vadd.s32 $0x18, v5;
	s7 =	sadd.s32 $0x12B80, s30;
	v13 =	vld.idx.msk [tilespmem:v48+s4+$0x0], $0xffff  }
0x3a3: {  	v52 =	vadd.s32 $0x18, v4;
	s15 =	sor.u32 s29, s7  }
0x3a4: {  	s16 =	sor.u32 s31, s7;
	[tilespmem:s15+$0x0] =	vst v7  }
0x3a5: {  	s17 =	sor.u32 s0, s7;
	v7 =	vld.idx.msk [tilespmem:v49+s4+$0x0], $0xffff;
	[tilespmem:s16+$0x0] =	vst v9  }
0x3a6: {  	v53 =	vadd.s32 $0x19, v3;
	s1 =	sor.u32 s3, s7;
	v9 =	vld.idx.msk [tilespmem:v50+s4+$0x0], $0xffff;
	[tilespmem:s17+$0x0] =	vst v11  }
0x3a7: {  	v54 =	vadd.s32 $0x19, v6;
	v11 =	vld.idx.msk [tilespmem:v51+s4+$0x0], $0xffff;
	[tilespmem:s1+$0x0] =	vst v13  }
0x3a8: {  	v55 =	vadd.s32 $0x19, v5;
	s18 =	sadd.s32 $0x13800, s30;
	v13 =	vld.idx.msk [tilespmem:v52+s4+$0x0], $0xffff  }
0x3a9: {  	v56 =	vadd.s32 $0x19, v4;
	s19 =	sor.u32 s29, s18  }
0x3aa: {  	s20 =	sor.u32 s31, s18;
	[tilespmem:s19+$0x0] =	vst v7  }
0x3ab: {  	s21 =	sor.u32 s0, s18;
	v7 =	vld.idx.msk [tilespmem:v53+s4+$0x0], $0xffff;
	[tilespmem:s20+$0x0] =	vst v9  }
0x3ac: {  	v57 =	vadd.s32 $0x1A, v3;
	s1 =	sor.u32 s3, s18;
	v9 =	vld.idx.msk [tilespmem:v54+s4+$0x0], $0xffff;
	[tilespmem:s21+$0x0] =	vst v11  }
0x3ad: {  	v58 =	vadd.s32 $0x1A, v6;
	v11 =	vld.idx.msk [tilespmem:v55+s4+$0x0], $0xffff;
	[tilespmem:s1+$0x0] =	vst v13  }
0x3ae: {  	v59 =	vadd.s32 $0x1A, v5;
	s6 =	sadd.s32 $0x13880, s30;
	v13 =	vld.idx.msk [tilespmem:v56+s4+$0x0], $0xffff  }
0x3af: {  	v60 =	vadd.s32 $0x1A, v4;
	s7 =	sor.u32 s29, s6  }
0x3b0: {  	s15 =	sor.u32 s31, s6;
	[tilespmem:s7+$0x0] =	vst v7  }
0x3b1: {  	s16 =	sor.u32 s0, s6;
	v7 =	vld.idx.msk [tilespmem:v57+s4+$0x0], $0xffff;
	[tilespmem:s15+$0x0] =	vst v9  }
0x3b2: {  	v61 =	vadd.s32 $0x1B, v3;
	s1 =	sor.u32 s3, s6;
	v9 =	vld.idx.msk [tilespmem:v58+s4+$0x0], $0xffff;
	[tilespmem:s16+$0x0] =	vst v11  }
0x3b3: {  	v62 =	vadd.s32 $0x1B, v6;
	v11 =	vld.idx.msk [tilespmem:v59+s4+$0x0], $0xffff;
	[tilespmem:s1+$0x0] =	vst v13  }
0x3b4: {  	v63 =	vadd.s32 $0x1B, v5;
	s17 =	sadd.s32 $0x13900, s30;
	v13 =	vld.idx.msk [tilespmem:v60+s4+$0x0], $0xffff  }
0x3b5: {  	v16 =	vadd.s32 $0x1B, v4;
	s18 =	sor.u32 s29, s17  }
0x3b6: {  	s19 =	sor.u32 s31, s17;
	[tilespmem:s18+$0x0] =	vst v7  }
0x3b7: {  	s20 =	sor.u32 s0, s17;
	v7 =	vld.idx.msk [tilespmem:v61+s4+$0x0], $0xffff;
	[tilespmem:s19+$0x0] =	vst v9  }
0x3b8: {  	v17 =	vadd.s32 $0x1C, v3;
	s1 =	sor.u32 s3, s17;
	v9 =	vld.idx.msk [tilespmem:v62+s4+$0x0], $0xffff;
	[tilespmem:s20+$0x0] =	vst v11  }
0x3b9: {  	v18 =	vadd.s32 $0x1C, v6;
	v11 =	vld.idx.msk [tilespmem:v63+s4+$0x0], $0xffff;
	[tilespmem:s1+$0x0] =	vst v13  }
0x3ba: {  	v19 =	vadd.s32 $0x1C, v5;
	s21 =	sadd.s32 $0x13980, s30;
	v13 =	vld.idx.msk [tilespmem:v16+s4+$0x0], $0xffff  }
0x3bb: {  	v20 =	vadd.s32 $0x1C, v4;
	s6 =	sor.u32 s29, s21  }
0x3bc: {  	s7 =	sor.u32 s31, s21;
	[tilespmem:s6+$0x0] =	vst v7  }
0x3bd: {  	s15 =	sor.u32 s0, s21;
	v7 =	vld.idx.msk [tilespmem:v17+s4+$0x0], $0xffff;
	[tilespmem:s7+$0x0] =	vst v9  }
0x3be: {  	v21 =	vadd.s32 $0x1D, v3;
	s1 =	sor.u32 s3, s21;
	v9 =	vld.idx.msk [tilespmem:v18+s4+$0x0], $0xffff;
	[tilespmem:s15+$0x0] =	vst v11  }
0x3bf: {  	v22 =	vadd.s32 $0x1D, v6;
	v11 =	vld.idx.msk [tilespmem:v19+s4+$0x0], $0xffff;
	[tilespmem:s1+$0x0] =	vst v13  }
0x3c0: {  	v23 =	vadd.s32 $0x1D, v5;
	s16 =	sadd.s32 $0x13A00, s30;
	v13 =	vld.idx.msk [tilespmem:v20+s4+$0x0], $0xffff  }
0x3c1: {  	v24 =	vadd.s32 $0x1D, v4;
	s17 =	sor.u32 s29, s16  }
0x3c2: {  	s18 =	sor.u32 s31, s16;
	[tilespmem:s17+$0x0] =	vst v7  }
0x3c3: {  	s19 =	sor.u32 s0, s16;
	v7 =	vld.idx.msk [tilespmem:v21+s4+$0x0], $0xffff;
	[tilespmem:s18+$0x0] =	vst v9  }
0x3c4: {  	v25 =	vadd.s32 $0x1E, v3;
	s1 =	sor.u32 s3, s16;
	v9 =	vld.idx.msk [tilespmem:v22+s4+$0x0], $0xffff;
	[tilespmem:s19+$0x0] =	vst v11  }
0x3c5: {  	v26 =	vadd.s32 $0x1E, v6;
	v11 =	vld.idx.msk [tilespmem:v23+s4+$0x0], $0xffff;
	[tilespmem:s1+$0x0] =	vst v13  }
0x3c6: {  	v27 =	vadd.s32 $0x1E, v5;
	s20 =	sadd.s32 $0x13A80, s30;
	v13 =	vld.idx.msk [tilespmem:v24+s4+$0x0], $0xffff  }
0x3c7: {  	v28 =	vadd.s32 $0x1E, v4;
	s21 =	sor.u32 s29, s20  }
0x3c8: {  	s6 =	sor.u32 s31, s20;
	[tilespmem:s21+$0x0] =	vst v7  }
0x3c9: {  	s7 =	sor.u32 s0, s20;
	v7 =	vld.idx.msk [tilespmem:v25+s4+$0x0], $0xffff;
	[tilespmem:s6+$0x0] =	vst v9  }
0x3ca: {  	v29 =	vadd.s32 $0x1F, v3;
	s1 =	sor.u32 s3, s20;
	v9 =	vld.idx.msk [tilespmem:v26+s4+$0x0], $0xffff;
	[tilespmem:s7+$0x0] =	vst v11  }
0x3cb: {  	v30 =	vadd.s32 $0x1F, v6;
	v11 =	vld.idx.msk [tilespmem:v27+s4+$0x0], $0xffff;
	[tilespmem:s1+$0x0] =	vst v13  }
0x3cc: {  	v31 =	vadd.s32 $0x1F, v5;
	s15 =	sadd.s32 $0x13B00, s30;
	v13 =	vld.idx.msk [tilespmem:v28+s4+$0x0], $0xffff  }
0x3cd: {  	v32 =	vadd.s32 $0x1F, v4;
	s16 =	sor.u32 s29, s15  }
0x3ce: {  	s17 =	sor.u32 s31, s15;
	[tilespmem:s16+$0x0] =	vst v7  }
0x3cf: {  	s18 =	sor.u32 s0, s15;
	v7 =	vld.idx.msk [tilespmem:v29+s4+$0x0], $0xffff;
	[tilespmem:s17+$0x0] =	vst v9  }
0x3d0: {  	v33 =	vadd.s32 $0x20, v3;
	s1 =	sor.u32 s3, s15;
	v9 =	vld.idx.msk [tilespmem:v30+s4+$0x0], $0xffff;
	[tilespmem:s18+$0x0] =	vst v11  }
0x3d1: {  	v34 =	vadd.s32 $0x20, v6;
	v11 =	vld.idx.msk [tilespmem:v31+s4+$0x0], $0xffff;
	[tilespmem:s1+$0x0] =	vst v13  }
0x3d2: {  	v35 =	vadd.s32 $0x20, v5;
	s19 =	sadd.s32 $0x13B80, s30;
	v13 =	vld.idx.msk [tilespmem:v32+s4+$0x0], $0xffff  }
0x3d3: {  	v36 =	vadd.s32 $0x20, v4;
	s20 =	sor.u32 s29, s19  }
0x3d4: {  	s21 =	sor.u32 s31, s19;
	[tilespmem:s20+$0x0] =	vst v7  }
0x3d5: {  	s6 =	sor.u32 s0, s19;
	v7 =	vld.idx.msk [tilespmem:v33+s4+$0x0], $0xffff;
	[tilespmem:s21+$0x0] =	vst v9  }
0x3d6: {  	v37 =	vadd.s32 $0x21, v3;
	s1 =	sor.u32 s3, s19;
	v9 =	vld.idx.msk [tilespmem:v34+s4+$0x0], $0xffff;
	[tilespmem:s6+$0x0] =	vst v11  }
0x3d7: {  	v38 =	vadd.s32 $0x21, v6;
	v11 =	vld.idx.msk [tilespmem:v35+s4+$0x0], $0xffff;
	[tilespmem:s1+$0x0] =	vst v13  }
0x3d8: {  	v39 =	vadd.s32 $0x21, v5;
	s7 =	sadd.s32 $0x14800, s30;
	v13 =	vld.idx.msk [tilespmem:v36+s4+$0x0], $0xffff  }
0x3d9: {  	v40 =	vadd.s32 $0x21, v4;
	s15 =	sor.u32 s29, s7  }
0x3da: {  	s16 =	sor.u32 s31, s7;
	[tilespmem:s15+$0x0] =	vst v7  }
0x3db: {  	s17 =	sor.u32 s0, s7;
	v7 =	vld.idx.msk [tilespmem:v37+s4+$0x0], $0xffff;
	[tilespmem:s16+$0x0] =	vst v9  }
0x3dc: {  	v41 =	vadd.s32 $0x22, v3;
	s1 =	sor.u32 s3, s7;
	v9 =	vld.idx.msk [tilespmem:v38+s4+$0x0], $0xffff;
	[tilespmem:s17+$0x0] =	vst v11  }
0x3dd: {  	v42 =	vadd.s32 $0x22, v6;
	v11 =	vld.idx.msk [tilespmem:v39+s4+$0x0], $0xffff;
	[tilespmem:s1+$0x0] =	vst v13  }
0x3de: {  	v43 =	vadd.s32 $0x22, v5;
	s18 =	sadd.s32 $0x14880, s30;
	v13 =	vld.idx.msk [tilespmem:v40+s4+$0x0], $0xffff  }
0x3df: {  	v44 =	vadd.s32 $0x22, v4;
	s19 =	sor.u32 s29, s18  }
0x3e0: {  	s20 =	sor.u32 s31, s18;
	[tilespmem:s19+$0x0] =	vst v7  }
0x3e1: {  	s21 =	sor.u32 s0, s18;
	v7 =	vld.idx.msk [tilespmem:v41+s4+$0x0], $0xffff;
	[tilespmem:s20+$0x0] =	vst v9  }
0x3e2: {  	v45 =	vadd.s32 $0x23, v3;
	s1 =	sor.u32 s3, s18;
	v9 =	vld.idx.msk [tilespmem:v42+s4+$0x0], $0xffff;
	[tilespmem:s21+$0x0] =	vst v11  }
0x3e3: {  	v46 =	vadd.s32 $0x23, v6;
	v11 =	vld.idx.msk [tilespmem:v43+s4+$0x0], $0xffff;
	[tilespmem:s1+$0x0] =	vst v13  }
0x3e4: {  	v47 =	vadd.s32 $0x23, v5;
	s6 =	sadd.s32 $0x14900, s30;
	v13 =	vld.idx.msk [tilespmem:v44+s4+$0x0], $0xffff  }
0x3e5: {  	v48 =	vadd.s32 $0x23, v4;
	s7 =	sor.u32 s29, s6  }
0x3e6: {  	s15 =	sor.u32 s31, s6;
	[tilespmem:s7+$0x0] =	vst v7  }
0x3e7: {  	s16 =	sor.u32 s0, s6;
	v7 =	vld.idx.msk [tilespmem:v45+s4+$0x0], $0xffff;
	[tilespmem:s15+$0x0] =	vst v9  }
0x3e8: {  	v49 =	vadd.s32 $0x24, v3;
	s1 =	sor.u32 s3, s6;
	v9 =	vld.idx.msk [tilespmem:v46+s4+$0x0], $0xffff;
	[tilespmem:s16+$0x0] =	vst v11  }
0x3e9: {  	v50 =	vadd.s32 $0x24, v6;
	v11 =	vld.idx.msk [tilespmem:v47+s4+$0x0], $0xffff;
	[tilespmem:s1+$0x0] =	vst v13  }
0x3ea: {  	v51 =	vadd.s32 $0x24, v5;
	s17 =	sadd.s32 $0x14980, s30;
	v13 =	vld.idx.msk [tilespmem:v48+s4+$0x0], $0xffff  }
0x3eb: {  	v52 =	vadd.s32 $0x24, v4;
	s18 =	sor.u32 s29, s17  }
0x3ec: {  	s19 =	sor.u32 s31, s17;
	[tilespmem:s18+$0x0] =	vst v7  }
0x3ed: {  	s20 =	sor.u32 s0, s17;
	v7 =	vld.idx.msk [tilespmem:v49+s4+$0x0], $0xffff;
	[tilespmem:s19+$0x0] =	vst v9  }
0x3ee: {  	v53 =	vadd.s32 $0x25, v3;
	s1 =	sor.u32 s3, s17;
	v9 =	vld.idx.msk [tilespmem:v50+s4+$0x0], $0xffff;
	[tilespmem:s20+$0x0] =	vst v11  }
0x3ef: {  	v54 =	vadd.s32 $0x25, v6;
	v11 =	vld.idx.msk [tilespmem:v51+s4+$0x0], $0xffff;
	[tilespmem:s1+$0x0] =	vst v13  }
0x3f0: {  	v55 =	vadd.s32 $0x25, v5;
	s21 =	sadd.s32 $0x14A00, s30;
	v13 =	vld.idx.msk [tilespmem:v52+s4+$0x0], $0xffff  }
0x3f1: {  	v56 =	vadd.s32 $0x25, v4;
	s6 =	sor.u32 s29, s21  }
0x3f2: {  	s7 =	sor.u32 s31, s21;
	[tilespmem:s6+$0x0] =	vst v7  }
0x3f3: {  	s15 =	sor.u32 s0, s21;
	v7 =	vld.idx.msk [tilespmem:v53+s4+$0x0], $0xffff;
	[tilespmem:s7+$0x0] =	vst v9  }
0x3f4: {  	v57 =	vadd.s32 $0x26, v3;
	s1 =	sor.u32 s3, s21;
	v9 =	vld.idx.msk [tilespmem:v54+s4+$0x0], $0xffff;
	[tilespmem:s15+$0x0] =	vst v11  }
0x3f5: {  	v58 =	vadd.s32 $0x26, v6;
	v11 =	vld.idx.msk [tilespmem:v55+s4+$0x0], $0xffff;
	[tilespmem:s1+$0x0] =	vst v13  }
0x3f6: {  	v59 =	vadd.s32 $0x26, v5;
	s16 =	sadd.s32 $0x14A80, s30;
	v13 =	vld.idx.msk [tilespmem:v56+s4+$0x0], $0xffff  }
0x3f7: {  	v60 =	vadd.s32 $0x26, v4;
	s17 =	sor.u32 s29, s16  }
0x3f8: {  	s18 =	sor.u32 s31, s16;
	[tilespmem:s17+$0x0] =	vst v7  }
0x3f9: {  	s19 =	sor.u32 s0, s16;
	v7 =	vld.idx.msk [tilespmem:v57+s4+$0x0], $0xffff;
	[tilespmem:s18+$0x0] =	vst v9  }
0x3fa: {  	v61 =	vadd.s32 $0x27, v3;
	s1 =	sor.u32 s3, s16;
	v9 =	vld.idx.msk [tilespmem:v58+s4+$0x0], $0xffff;
	[tilespmem:s19+$0x0] =	vst v11  }
0x3fb: {  	v62 =	vadd.s32 $0x27, v6;
	v11 =	vld.idx.msk [tilespmem:v59+s4+$0x0], $0xffff;
	[tilespmem:s1+$0x0] =	vst v13  }
0x3fc: {  	v63 =	vadd.s32 $0x27, v5;
	s20 =	sadd.s32 $0x14B00, s30;
	v13 =	vld.idx.msk [tilespmem:v60+s4+$0x0], $0xffff  }
0x3fd: {  	v16 =	vadd.s32 $0x27, v4;
	s21 =	sor.u32 s29, s20  }
0x3fe: {  	s6 =	sor.u32 s31, s20;
	[tilespmem:s21+$0x0] =	vst v7  }
0x3ff: {  	s7 =	sor.u32 s0, s20;
	v7 =	vld.idx.msk [tilespmem:v61+s4+$0x0], $0xffff;
	[tilespmem:s6+$0x0] =	vst v9  }
0x400: {  	v17 =	vadd.s32 $0x28, v3;
	s1 =	sor.u32 s3, s20;
	v9 =	vld.idx.msk [tilespmem:v62+s4+$0x0], $0xffff;
	[tilespmem:s7+$0x0] =	vst v11  }
0x401: {  	v18 =	vadd.s32 $0x28, v6;
	v11 =	vld.idx.msk [tilespmem:v63+s4+$0x0], $0xffff;
	[tilespmem:s1+$0x0] =	vst v13  }
0x402: {  	v19 =	vadd.s32 $0x28, v5;
	s15 =	sadd.s32 $0x14B80, s30;
	v13 =	vld.idx.msk [tilespmem:v16+s4+$0x0], $0xffff  }
0x403: {  	v20 =	vadd.s32 $0x28, v4;
	s16 =	sor.u32 s29, s15  }
0x404: {  	s17 =	sor.u32 s31, s15;
	[tilespmem:s16+$0x0] =	vst v7  }
0x405: {  	s18 =	sor.u32 s0, s15;
	v7 =	vld.idx.msk [tilespmem:v17+s4+$0x0], $0xffff;
	[tilespmem:s17+$0x0] =	vst v9  }
0x406: {  	v21 =	vadd.s32 $0x29, v3;
	s1 =	sor.u32 s3, s15;
	v9 =	vld.idx.msk [tilespmem:v18+s4+$0x0], $0xffff;
	[tilespmem:s18+$0x0] =	vst v11  }
0x407: {  	v22 =	vadd.s32 $0x29, v6;
	v11 =	vld.idx.msk [tilespmem:v19+s4+$0x0], $0xffff;
	[tilespmem:s1+$0x0] =	vst v13  }
0x408: {  	v23 =	vadd.s32 $0x29, v5;
	s19 =	sadd.s32 $0x15800, s30;
	v13 =	vld.idx.msk [tilespmem:v20+s4+$0x0], $0xffff  }
0x409: {  	v24 =	vadd.s32 $0x29, v4;
	s20 =	sor.u32 s29, s19  }
0x40a: {  	s21 =	sor.u32 s31, s19;
	[tilespmem:s20+$0x0] =	vst v7  }
0x40b: {  	s6 =	sor.u32 s0, s19;
	v7 =	vld.idx.msk [tilespmem:v21+s4+$0x0], $0xffff;
	[tilespmem:s21+$0x0] =	vst v9  }
0x40c: {  	v25 =	vadd.s32 $0x2A, v3;
	s1 =	sor.u32 s3, s19;
	v9 =	vld.idx.msk [tilespmem:v22+s4+$0x0], $0xffff;
	[tilespmem:s6+$0x0] =	vst v11  }
0x40d: {  	v26 =	vadd.s32 $0x2A, v6;
	v11 =	vld.idx.msk [tilespmem:v23+s4+$0x0], $0xffff;
	[tilespmem:s1+$0x0] =	vst v13  }
0x40e: {  	v27 =	vadd.s32 $0x2A, v5;
	s7 =	sadd.s32 $0x15880, s30;
	v13 =	vld.idx.msk [tilespmem:v24+s4+$0x0], $0xffff  }
0x40f: {  	v28 =	vadd.s32 $0x2A, v4;
	s15 =	sor.u32 s29, s7  }
0x410: {  	s16 =	sor.u32 s31, s7;
	[tilespmem:s15+$0x0] =	vst v7  }
0x411: {  	s17 =	sor.u32 s0, s7;
	v7 =	vld.idx.msk [tilespmem:v25+s4+$0x0], $0xffff;
	[tilespmem:s16+$0x0] =	vst v9  }
0x412: {  	v29 =	vadd.s32 $0x2B, v3;
	s1 =	sor.u32 s3, s7;
	v9 =	vld.idx.msk [tilespmem:v26+s4+$0x0], $0xffff;
	[tilespmem:s17+$0x0] =	vst v11  }
0x413: {  	v30 =	vadd.s32 $0x2B, v6;
	v11 =	vld.idx.msk [tilespmem:v27+s4+$0x0], $0xffff;
	[tilespmem:s1+$0x0] =	vst v13  }
0x414: {  	v31 =	vadd.s32 $0x2B, v5;
	s18 =	sadd.s32 $0x15900, s30;
	v13 =	vld.idx.msk [tilespmem:v28+s4+$0x0], $0xffff  }
0x415: {  	v32 =	vadd.s32 $0x2B, v4;
	s19 =	sor.u32 s29, s18  }
0x416: {  	s20 =	sor.u32 s31, s18;
	[tilespmem:s19+$0x0] =	vst v7  }
0x417: {  	s21 =	sor.u32 s0, s18;
	v7 =	vld.idx.msk [tilespmem:v29+s4+$0x0], $0xffff;
	[tilespmem:s20+$0x0] =	vst v9  }
0x418: {  	v33 =	vadd.s32 $0x2C, v3;
	s1 =	sor.u32 s3, s18;
	v9 =	vld.idx.msk [tilespmem:v30+s4+$0x0], $0xffff;
	[tilespmem:s21+$0x0] =	vst v11  }
0x419: {  	v34 =	vadd.s32 $0x2C, v6;
	v11 =	vld.idx.msk [tilespmem:v31+s4+$0x0], $0xffff;
	[tilespmem:s1+$0x0] =	vst v13  }
0x41a: {  	v35 =	vadd.s32 $0x2C, v5;
	s6 =	sadd.s32 $0x15980, s30;
	v13 =	vld.idx.msk [tilespmem:v32+s4+$0x0], $0xffff  }
0x41b: {  	v36 =	vadd.s32 $0x2C, v4;
	s7 =	sor.u32 s29, s6  }
0x41c: {  	s15 =	sor.u32 s31, s6;
	[tilespmem:s7+$0x0] =	vst v7  }
0x41d: {  	s16 =	sor.u32 s0, s6;
	v7 =	vld.idx.msk [tilespmem:v33+s4+$0x0], $0xffff;
	[tilespmem:s15+$0x0] =	vst v9  }
0x41e: {  	v37 =	vadd.s32 $0x2D, v3;
	s1 =	sor.u32 s3, s6;
	v9 =	vld.idx.msk [tilespmem:v34+s4+$0x0], $0xffff;
	[tilespmem:s16+$0x0] =	vst v11  }
0x41f: {  	v38 =	vadd.s32 $0x2D, v6;
	v11 =	vld.idx.msk [tilespmem:v35+s4+$0x0], $0xffff;
	[tilespmem:s1+$0x0] =	vst v13  }
0x420: {  	v39 =	vadd.s32 $0x2D, v5;
	s17 =	sadd.s32 $0x15A00, s30;
	v13 =	vld.idx.msk [tilespmem:v36+s4+$0x0], $0xffff  }
0x421: {  	v40 =	vadd.s32 $0x2D, v4;
	s18 =	sor.u32 s29, s17  }
0x422: {  	s19 =	sor.u32 s31, s17;
	[tilespmem:s18+$0x0] =	vst v7  }
0x423: {  	s20 =	sor.u32 s0, s17;
	v7 =	vld.idx.msk [tilespmem:v37+s4+$0x0], $0xffff;
	[tilespmem:s19+$0x0] =	vst v9  }
0x424: {  	v41 =	vadd.s32 $0x2E, v3;
	s1 =	sor.u32 s3, s17;
	v9 =	vld.idx.msk [tilespmem:v38+s4+$0x0], $0xffff;
	[tilespmem:s20+$0x0] =	vst v11  }
0x425: {  	v42 =	vadd.s32 $0x2E, v6;
	v11 =	vld.idx.msk [tilespmem:v39+s4+$0x0], $0xffff;
	[tilespmem:s1+$0x0] =	vst v13  }
0x426: {  	v43 =	vadd.s32 $0x2E, v5;
	s21 =	sadd.s32 $0x15A80, s30;
	v13 =	vld.idx.msk [tilespmem:v40+s4+$0x0], $0xffff  }
0x427: {  	v44 =	vadd.s32 $0x2E, v4;
	s6 =	sor.u32 s29, s21  }
0x428: {  	s7 =	sor.u32 s31, s21;
	[tilespmem:s6+$0x0] =	vst v7  }
0x429: {  	s15 =	sor.u32 s0, s21;
	v7 =	vld.idx.msk [tilespmem:v41+s4+$0x0], $0xffff;
	[tilespmem:s7+$0x0] =	vst v9  }
0x42a: {  	v45 =	vadd.s32 $0x2F, v3;
	s1 =	sor.u32 s3, s21;
	v9 =	vld.idx.msk [tilespmem:v42+s4+$0x0], $0xffff;
	[tilespmem:s15+$0x0] =	vst v11  }
0x42b: {  	v46 =	vadd.s32 $0x2F, v6;
	v11 =	vld.idx.msk [tilespmem:v43+s4+$0x0], $0xffff;
	[tilespmem:s1+$0x0] =	vst v13  }
0x42c: {  	v47 =	vadd.s32 $0x2F, v5;
	s16 =	sadd.s32 $0x15B00, s30;
	v13 =	vld.idx.msk [tilespmem:v44+s4+$0x0], $0xffff  }
0x42d: {  	v48 =	vadd.s32 $0x2F, v4;
	s17 =	sor.u32 s29, s16  }
0x42e: {  	s18 =	sor.u32 s31, s16;
	[tilespmem:s17+$0x0] =	vst v7  }
0x42f: {  	s19 =	sor.u32 s0, s16;
	v7 =	vld.idx.msk [tilespmem:v45+s4+$0x0], $0xffff;
	[tilespmem:s18+$0x0] =	vst v9  }
0x430: {  	v49 =	vadd.s32 $0x30, v3;
	s1 =	sor.u32 s3, s16;
	v9 =	vld.idx.msk [tilespmem:v46+s4+$0x0], $0xffff;
	[tilespmem:s19+$0x0] =	vst v11  }
0x431: {  	v50 =	vadd.s32 $0x30, v6;
	v11 =	vld.idx.msk [tilespmem:v47+s4+$0x0], $0xffff;
	[tilespmem:s1+$0x0] =	vst v13  }
0x432: {  	v51 =	vadd.s32 $0x30, v5;
	s20 =	sadd.s32 $0x15B80, s30;
	v13 =	vld.idx.msk [tilespmem:v48+s4+$0x0], $0xffff  }
0x433: {  	v52 =	vadd.s32 $0x30, v4;
	s21 =	sor.u32 s29, s20  }
0x434: {  	s6 =	sor.u32 s31, s20;
	[tilespmem:s21+$0x0] =	vst v7  }
0x435: {  	s7 =	sor.u32 s0, s20;
	v7 =	vld.idx.msk [tilespmem:v49+s4+$0x0], $0xffff;
	[tilespmem:s6+$0x0] =	vst v9  }
0x436: {  	v53 =	vadd.s32 $0x31, v3;
	s1 =	sor.u32 s3, s20;
	v9 =	vld.idx.msk [tilespmem:v50+s4+$0x0], $0xffff;
	[tilespmem:s7+$0x0] =	vst v11  }
0x437: {  	v54 =	vadd.s32 $0x31, v6;
	v11 =	vld.idx.msk [tilespmem:v51+s4+$0x0], $0xffff;
	[tilespmem:s1+$0x0] =	vst v13  }
0x438: {  	v55 =	vadd.s32 $0x31, v5;
	s15 =	sadd.s32 $0x16800, s30;
	v13 =	vld.idx.msk [tilespmem:v52+s4+$0x0], $0xffff  }
0x439: {  	v56 =	vadd.s32 $0x31, v4;
	s16 =	sor.u32 s29, s15  }
0x43a: {  	s17 =	sor.u32 s31, s15;
	[tilespmem:s16+$0x0] =	vst v7  }
0x43b: {  	s18 =	sor.u32 s0, s15;
	v7 =	vld.idx.msk [tilespmem:v53+s4+$0x0], $0xffff;
	[tilespmem:s17+$0x0] =	vst v9  }
0x43c: {  	v57 =	vadd.s32 $0x32, v3;
	s1 =	sor.u32 s3, s15;
	v9 =	vld.idx.msk [tilespmem:v54+s4+$0x0], $0xffff;
	[tilespmem:s18+$0x0] =	vst v11  }
0x43d: {  	v58 =	vadd.s32 $0x32, v6;
	v11 =	vld.idx.msk [tilespmem:v55+s4+$0x0], $0xffff;
	[tilespmem:s1+$0x0] =	vst v13  }
0x43e: {  	v59 =	vadd.s32 $0x32, v5;
	s19 =	sadd.s32 $0x16880, s30;
	v13 =	vld.idx.msk [tilespmem:v56+s4+$0x0], $0xffff  }
0x43f: {  	v60 =	vadd.s32 $0x32, v4;
	s20 =	sor.u32 s29, s19  }
0x440: {  	s21 =	sor.u32 s31, s19;
	[tilespmem:s20+$0x0] =	vst v7  }
0x441: {  	s6 =	sor.u32 s0, s19;
	v7 =	vld.idx.msk [tilespmem:v57+s4+$0x0], $0xffff;
	[tilespmem:s21+$0x0] =	vst v9  }
0x442: {  	v61 =	vadd.s32 $0x33, v3;
	s1 =	sor.u32 s3, s19;
	v9 =	vld.idx.msk [tilespmem:v58+s4+$0x0], $0xffff;
	[tilespmem:s6+$0x0] =	vst v11  }
0x443: {  	v62 =	vadd.s32 $0x33, v6;
	v11 =	vld.idx.msk [tilespmem:v59+s4+$0x0], $0xffff;
	[tilespmem:s1+$0x0] =	vst v13  }
0x444: {  	v63 =	vadd.s32 $0x33, v5;
	s7 =	sadd.s32 $0x16900, s30;
	v13 =	vld.idx.msk [tilespmem:v60+s4+$0x0], $0xffff  }
0x445: {  	v16 =	vadd.s32 $0x33, v4;
	s15 =	sor.u32 s29, s7  }
0x446: {  	s16 =	sor.u32 s31, s7;
	[tilespmem:s15+$0x0] =	vst v7  }
0x447: {  	s17 =	sor.u32 s0, s7;
	v7 =	vld.idx.msk [tilespmem:v61+s4+$0x0], $0xffff;
	[tilespmem:s16+$0x0] =	vst v9  }
0x448: {  	v17 =	vadd.s32 $0x34, v3;
	s1 =	sor.u32 s3, s7;
	v9 =	vld.idx.msk [tilespmem:v62+s4+$0x0], $0xffff;
	[tilespmem:s17+$0x0] =	vst v11  }
0x449: {  	v18 =	vadd.s32 $0x34, v6;
	v11 =	vld.idx.msk [tilespmem:v63+s4+$0x0], $0xffff;
	[tilespmem:s1+$0x0] =	vst v13  }
0x44a: {  	v19 =	vadd.s32 $0x34, v5;
	s18 =	sadd.s32 $0x16980, s30;
	v13 =	vld.idx.msk [tilespmem:v16+s4+$0x0], $0xffff  }
0x44b: {  	v20 =	vadd.s32 $0x34, v4;
	s19 =	sor.u32 s29, s18  }
0x44c: {  	s20 =	sor.u32 s31, s18;
	[tilespmem:s19+$0x0] =	vst v7  }
0x44d: {  	s21 =	sor.u32 s0, s18;
	v7 =	vld.idx.msk [tilespmem:v17+s4+$0x0], $0xffff;
	[tilespmem:s20+$0x0] =	vst v9  }
0x44e: {  	v21 =	vadd.s32 $0x35, v3;
	s1 =	sor.u32 s3, s18;
	v9 =	vld.idx.msk [tilespmem:v18+s4+$0x0], $0xffff;
	[tilespmem:s21+$0x0] =	vst v11  }
0x44f: {  	v22 =	vadd.s32 $0x35, v6;
	v11 =	vld.idx.msk [tilespmem:v19+s4+$0x0], $0xffff;
	[tilespmem:s1+$0x0] =	vst v13  }
0x450: {  	v23 =	vadd.s32 $0x35, v5;
	s6 =	sadd.s32 $0x16A00, s30;
	v13 =	vld.idx.msk [tilespmem:v20+s4+$0x0], $0xffff  }
0x451: {  	v24 =	vadd.s32 $0x35, v4;
	s7 =	sor.u32 s29, s6  }
0x452: {  	s15 =	sor.u32 s31, s6;
	[tilespmem:s7+$0x0] =	vst v7  }
0x453: {  	s16 =	sor.u32 s0, s6;
	v7 =	vld.idx.msk [tilespmem:v21+s4+$0x0], $0xffff;
	[tilespmem:s15+$0x0] =	vst v9  }
0x454: {  	v25 =	vadd.s32 $0x36, v3;
	s1 =	sor.u32 s3, s6;
	v9 =	vld.idx.msk [tilespmem:v22+s4+$0x0], $0xffff;
	[tilespmem:s16+$0x0] =	vst v11  }
0x455: {  	v26 =	vadd.s32 $0x36, v6;
	v11 =	vld.idx.msk [tilespmem:v23+s4+$0x0], $0xffff;
	[tilespmem:s1+$0x0] =	vst v13  }
0x456: {  	v27 =	vadd.s32 $0x36, v5;
	s17 =	sadd.s32 $0x16A80, s30;
	v13 =	vld.idx.msk [tilespmem:v24+s4+$0x0], $0xffff  }
0x457: {  	v28 =	vadd.s32 $0x36, v4;
	s18 =	sor.u32 s29, s17  }
0x458: {  	s19 =	sor.u32 s31, s17;
	[tilespmem:s18+$0x0] =	vst v7  }
0x459: {  	s20 =	sor.u32 s0, s17;
	v7 =	vld.idx.msk [tilespmem:v25+s4+$0x0], $0xffff;
	[tilespmem:s19+$0x0] =	vst v9  }
0x45a: {  	v29 =	vadd.s32 $0x37, v3;
	s1 =	sor.u32 s3, s17;
	v9 =	vld.idx.msk [tilespmem:v26+s4+$0x0], $0xffff;
	[tilespmem:s20+$0x0] =	vst v11  }
0x45b: {  	v30 =	vadd.s32 $0x37, v6;
	v11 =	vld.idx.msk [tilespmem:v27+s4+$0x0], $0xffff;
	[tilespmem:s1+$0x0] =	vst v13  }
0x45c: {  	v31 =	vadd.s32 $0x37, v5;
	s21 =	sadd.s32 $0x16B00, s30;
	v13 =	vld.idx.msk [tilespmem:v28+s4+$0x0], $0xffff  }
0x45d: {  	v32 =	vadd.s32 $0x37, v4;
	s6 =	sor.u32 s29, s21  }
0x45e: {  	s7 =	sor.u32 s31, s21;
	[tilespmem:s6+$0x0] =	vst v7  }
0x45f: {  	s15 =	sor.u32 s0, s21;
	v7 =	vld.idx.msk [tilespmem:v29+s4+$0x0], $0xffff;
	[tilespmem:s7+$0x0] =	vst v9  }
0x460: {  	v33 =	vadd.s32 $0x38, v3;
	s1 =	sor.u32 s3, s21;
	v9 =	vld.idx.msk [tilespmem:v30+s4+$0x0], $0xffff;
	[tilespmem:s15+$0x0] =	vst v11  }
0x461: {  	v34 =	vadd.s32 $0x38, v6;
	v11 =	vld.idx.msk [tilespmem:v31+s4+$0x0], $0xffff;
	[tilespmem:s1+$0x0] =	vst v13  }
0x462: {  	v35 =	vadd.s32 $0x38, v5;
	s16 =	sadd.s32 $0x16B80, s30;
	v13 =	vld.idx.msk [tilespmem:v32+s4+$0x0], $0xffff  }
0x463: {  	v36 =	vadd.s32 $0x38, v4;
	s17 =	sor.u32 s29, s16  }
0x464: {  	s18 =	sor.u32 s31, s16;
	[tilespmem:s17+$0x0] =	vst v7  }
0x465: {  	s19 =	sor.u32 s0, s16;
	v7 =	vld.idx.msk [tilespmem:v33+s4+$0x0], $0xffff;
	[tilespmem:s18+$0x0] =	vst v9  }
0x466: {  	v37 =	vadd.s32 $0x39, v3;
	s1 =	sor.u32 s3, s16;
	v9 =	vld.idx.msk [tilespmem:v34+s4+$0x0], $0xffff;
	[tilespmem:s19+$0x0] =	vst v11  }
0x467: {  	v38 =	vadd.s32 $0x39, v6;
	v11 =	vld.idx.msk [tilespmem:v35+s4+$0x0], $0xffff;
	[tilespmem:s1+$0x0] =	vst v13  }
0x468: {  	v39 =	vadd.s32 $0x39, v5;
	s20 =	sadd.s32 $0x17800, s30;
	v13 =	vld.idx.msk [tilespmem:v36+s4+$0x0], $0xffff  }
0x469: {  	v40 =	vadd.s32 $0x39, v4;
	s21 =	sor.u32 s29, s20  }
0x46a: {  	s6 =	sor.u32 s31, s20;
	[tilespmem:s21+$0x0] =	vst v7  }
0x46b: {  	s7 =	sor.u32 s0, s20;
	v7 =	vld.idx.msk [tilespmem:v37+s4+$0x0], $0xffff;
	[tilespmem:s6+$0x0] =	vst v9  }
0x46c: {  	v41 =	vadd.s32 $0x3A, v3;
	s1 =	sor.u32 s3, s20;
	v9 =	vld.idx.msk [tilespmem:v38+s4+$0x0], $0xffff;
	[tilespmem:s7+$0x0] =	vst v11  }
0x46d: {  	v42 =	vadd.s32 $0x3A, v6;
	v11 =	vld.idx.msk [tilespmem:v39+s4+$0x0], $0xffff;
	[tilespmem:s1+$0x0] =	vst v13  }
0x46e: {  	v43 =	vadd.s32 $0x3A, v5;
	s15 =	sadd.s32 $0x17880, s30;
	v13 =	vld.idx.msk [tilespmem:v40+s4+$0x0], $0xffff  }
0x46f: {  	v44 =	vadd.s32 $0x3A, v4;
	s16 =	sor.u32 s29, s15  }
0x470: {  	s17 =	sor.u32 s31, s15;
	[tilespmem:s16+$0x0] =	vst v7  }
0x471: {  	s18 =	sor.u32 s0, s15;
	v7 =	vld.idx.msk [tilespmem:v41+s4+$0x0], $0xffff;
	[tilespmem:s17+$0x0] =	vst v9  }
0x472: {  	v45 =	vadd.s32 $0x3B, v3;
	s1 =	sor.u32 s3, s15;
	v9 =	vld.idx.msk [tilespmem:v42+s4+$0x0], $0xffff;
	[tilespmem:s18+$0x0] =	vst v11  }
0x473: {  	v46 =	vadd.s32 $0x3B, v6;
	v11 =	vld.idx.msk [tilespmem:v43+s4+$0x0], $0xffff;
	[tilespmem:s1+$0x0] =	vst v13  }
0x474: {  	v47 =	vadd.s32 $0x3B, v5;
	s19 =	sadd.s32 $0x17900, s30;
	v13 =	vld.idx.msk [tilespmem:v44+s4+$0x0], $0xffff  }
0x475: {  	v48 =	vadd.s32 $0x3B, v4;
	s20 =	sor.u32 s29, s19  }
0x476: {  	s21 =	sor.u32 s31, s19;
	[tilespmem:s20+$0x0] =	vst v7  }
0x477: {  	s6 =	sor.u32 s0, s19;
	v7 =	vld.idx.msk [tilespmem:v45+s4+$0x0], $0xffff;
	[tilespmem:s21+$0x0] =	vst v9  }
0x478: {  	v49 =	vadd.s32 $0x3C, v3;
	s1 =	sor.u32 s3, s19;
	v9 =	vld.idx.msk [tilespmem:v46+s4+$0x0], $0xffff;
	[tilespmem:s6+$0x0] =	vst v11  }
0x479: {  	v50 =	vadd.s32 $0x3C, v6;
	v11 =	vld.idx.msk [tilespmem:v47+s4+$0x0], $0xffff;
	[tilespmem:s1+$0x0] =	vst v13  }
0x47a: {  	v51 =	vadd.s32 $0x3C, v5;
	s7 =	sadd.s32 $0x17980, s30;
	v13 =	vld.idx.msk [tilespmem:v48+s4+$0x0], $0xffff  }
0x47b: {  	v52 =	vadd.s32 $0x3C, v4;
	s15 =	sor.u32 s29, s7  }
0x47c: {  	s16 =	sor.u32 s31, s7;
	[tilespmem:s15+$0x0] =	vst v7  }
0x47d: {  	s17 =	sor.u32 s0, s7;
	v7 =	vld.idx.msk [tilespmem:v49+s4+$0x0], $0xffff;
	[tilespmem:s16+$0x0] =	vst v9  }
0x47e: {  	v53 =	vadd.s32 $0x3D, v3;
	s1 =	sor.u32 s3, s7;
	v9 =	vld.idx.msk [tilespmem:v50+s4+$0x0], $0xffff;
	[tilespmem:s17+$0x0] =	vst v11  }
0x47f: {  	v54 =	vadd.s32 $0x3D, v6;
	v11 =	vld.idx.msk [tilespmem:v51+s4+$0x0], $0xffff;
	[tilespmem:s1+$0x0] =	vst v13  }
0x480: {  	v55 =	vadd.s32 $0x3D, v5;
	s18 =	sadd.s32 $0x17A00, s30;
	v13 =	vld.idx.msk [tilespmem:v52+s4+$0x0], $0xffff  }
0x481: {  	v56 =	vadd.s32 $0x3D, v4;
	s19 =	sor.u32 s29, s18  }
0x482: {  	s20 =	sor.u32 s31, s18;
	[tilespmem:s19+$0x0] =	vst v7  }
0x483: {  	s21 =	sor.u32 s0, s18;
	v7 =	vld.idx.msk [tilespmem:v53+s4+$0x0], $0xffff;
	[tilespmem:s20+$0x0] =	vst v9  }
0x484: {  	v57 =	vadd.s32 $0x3E, v3;
	s1 =	sor.u32 s3, s18;
	v9 =	vld.idx.msk [tilespmem:v54+s4+$0x0], $0xffff;
	[tilespmem:s21+$0x0] =	vst v11  }
0x485: {  	v58 =	vadd.s32 $0x3E, v6;
	v11 =	vld.idx.msk [tilespmem:v55+s4+$0x0], $0xffff;
	[tilespmem:s1+$0x0] =	vst v13  }
0x486: {  	v59 =	vadd.s32 $0x3E, v5;
	s6 =	sadd.s32 $0x17A80, s30;
	v13 =	vld.idx.msk [tilespmem:v56+s4+$0x0], $0xffff  }
0x487: {  	v60 =	vadd.s32 $0x3E, v4;
	s7 =	sor.u32 s29, s6  }
0x488: {  	s15 =	sor.u32 s31, s6;
	[tilespmem:s7+$0x0] =	vst v7  }
0x489: {  	s16 =	sor.u32 s0, s6;
	v7 =	vld.idx.msk [tilespmem:v57+s4+$0x0], $0xffff;
	[tilespmem:s15+$0x0] =	vst v9  }
0x48a: {  	v3 =	vadd.s32 $0x3F, v3;
	s1 =	sor.u32 s3, s6;
	[tilespmem:s16+$0x0] =	vst v11;
	v61 =	vld.idx.msk [tilespmem:v58+s4+$0x0], $0xffff  }
0x48b: {  	v6 =	vadd.s32 $0x3F, v6;
	[tilespmem:s1+$0x0] =	vst v13;
	v62 =	vld.idx.msk [tilespmem:v59+s4+$0x0], $0xffff  }
0x48c: {  	v5 =	vadd.s32 $0x3F, v5;
	s17 =	sadd.s32 $0x17B00, s30;
	v63 =	vld.idx.msk [tilespmem:v60+s4+$0x0], $0xffff  }
0x48d: {  	v4 =	vadd.s32 $0x3F, v4;
	s18 =	sor.u32 s29, s17  }
0x48e: {  	s19 =	sor.u32 s31, s17;
	[tilespmem:s18+$0x0] =	vst v7  }
0x48f: {  	s20 =	sor.u32 s0, s17;
	v3 =	vld.idx.msk [tilespmem:v3+s4+$0x0], $0xffff;
	[tilespmem:s19+$0x0] =	vst v61  }
0x490: {  	s1 =	sor.u32 s3, s17;
	[tilespmem:s20+$0x0] =	vst v62;
	v6 =	vld.idx.msk [tilespmem:v6+s4+$0x0], $0xffff  }
0x491: {  	s24 =	sadd.s32 $0x4, s24;
	[tilespmem:s1+$0x0] =	vst v63;
	v5 =	vld.idx.msk [tilespmem:v5+s4+$0x0], $0xffff  }
0x492: {  	p1 =	slt.u32 s24, $0x1C;
	s21 =	sadd.s32 $0x17B80, s30;
	v4 =	vld.idx.msk [tilespmem:v4+s4+$0x0], $0xffff  }
.Ltmp7:
0x493: {  	s29 =	sor.u32 s29, s21;
	(pc) =	sbr.rel @p1 .LBB2_17-.Ltmp7, $4  }
0x494: {  	s30 =	sor.u32 s31, s21;
	[tilespmem:s29+$0x0] =	vst v3  }
0x495: {  	s0 =	sor.u32 s0, s21;
	[tilespmem:s30+$0x0] =	vst v6  }
0x496: {  	s25 =	sadd.s32 $0x40, s25;
	s31 =	sor.u32 s3, s21;
	[tilespmem:s0+$0x0] =	vst v5  }
0x497: {  	s26 =	sadd.s32 $0x40, s26;
	p0 =	por !p0, !p0;
	s28 =	sadd.s32 $0x200, s28;
	[tilespmem:s31+$0x0] =	vst v4  }
0x498: {  	s22 =	sadd.s32 $0x1, s22  }
0x499: {  	p0 =	sne.s32 s22, $0x64  }
.Ltmp8:
0x49a: {  	_ = 	snop;
	(pc) =	sbr.rel @p0 .LBB2_14-.Ltmp8, $3  }
0x49b: {  	_ =	sdelay $0x1  }
0x49c: {  	s0 =	sadd.s32 s23, s9  }
0x49d: {  	v1 =	vadd.s32 $0x80, v1;
	[hbm4b:s0+s10] =	stream.strided.scatter [tilespmem:s13], [sflag:$0x1], $0x8000, s11, s10, $0x38;
	[tilespmem:$0x18800] =	vst v63  }
0x49e: {  	s1 =	simm.s32 $0x1  }
0x49f: {  	_ =	swait.ge [sflag:s1], $0x8000  }
0x4a0: {  	[sflag:s1] =	ssyncset.done $0x0  }
0x4a1: {  	[sflag:s1] =	ssyncadd.s32 $0xFFFF8000  }
0x4a2: {  	_ =	swait.ge [sflag:s1], $0x8000  }
0x4a3: {  	s2 =	rddreg [dreg:$0xa]  }
0x4a4: {  	s0 =	rddreg [dreg:$0x9];
	s2 =	sadd.s32 $0x1, s2  }
0x4a5: {  	p0 =	sne.s32 s2, s0  }
.Ltmp9:
0x4a6: {  	_ = 	snop;
	(pc) =	sbr.rel @p0 .LBB2_1-.Ltmp9, $3  }
0x4a7: {  	_ =	sdelay $0x1  }
0x4a8: {  	[sflag:s1] =	ssyncset.done $0x0  }
0x4a9: {  	[sflag:s1] =	ssyncadd.s32 $0xFFFF8000  }
0x4aa: {  	_ =	sfence.sel $0x180000  }
0x4ab: {  	[bflag:$0x0] =	sbarrier.arrive $0xFFFF  }
0x4ac: {  	_ =	strace $0x90000047  }
0x4ad: {  	s0 =	stileid.u32;
	[bflag:$0x2] =	sbarrier.arrive $0xFFFF  }
0x4ae: {  	p0 =	sne.s32 s0, $0x0;
	s0 =	rddreg [dreg:$0x3]  }
0x4af: {  	s0 =	sadd.s32 @!p0 $0x100000, s0  }
0x4b0: {  	[sflag:s0] =	ssyncadd.tile.s32 @!p0 $0x1;
	_ =	shalt  }
.Lfunc_end2:
_tile_overlayer_lowered:
.L_overlay_start_2:
0x4b1: {  	(tag) =	ssettag $0x2  }
0x4b2: {  	s0 =	rddreg [dreg:$0x0];
	s2 =	stileid.u32  }
0x4b3: {  	s1 =	rddreg [dreg:$0x1];
	p0 =	sne.s32 s2, $0x0  }
0x4b4: {  	s3 =	rddreg [dreg:$0x2];
	[bflag:$0x3] =	sbarrier.arrive $0xFFFF;
	s2 =	simm.s32 @!p0 $0x1C03  }
0x4b5: {  	[timem:s3], [sflag:s2] =	dma.local @!p0 [hbm:s0], s1  }
0x4b6: {  	s0 =	simm.s32 @!p0 $0x3  }
0x4b7: {  	_ =	swait.ge @!p0 [sflag:s0], s1  }
0x4b8: {  	s1 =	ssub.s32 @!p0 $0x0, s1;
	[sflag:s0] =	ssyncset.done @!p0 $0x0  }
0x4b9: {  	[sflag:s0] =	ssyncadd.s32 @!p0 s1  }
0x4ba: {  	[bflag:$0x3] =	sbarrier.arrive $0xFFFF  }
0x4bb: {  	_ =	shalt  }

</sc_bundles>
